<compile_context>
chip_gen: v7x
topology: tpu7x:2x2x1
jax: 0.10.2.dev20260603
libtpu: 0.0.44.dev20260713+nightly
codegen_flags: <defaults>
</compile_context>

<pallas_src>
import functools

import jax
import jax.numpy as jnp
from jax import lax
from jax.experimental import pallas as pl
from jax.experimental.pallas import tpu as pltpu
from jax.experimental.pallas import tpu_sc as plsc

_PTS = 64
_IMP = 64
_EPS = 1e-5
_CH = 64
_L = 16


def _sc_call(n, opacities, depths, b1_f, b2_f):
    info = plsc.get_sparse_core_info()
    nc, ns = info.num_cores, info.num_subcores
    nw = nc * ns
    rpw = n // nw
    nch = rpw // _CH
    npair = nch // 2
    groups = _CH // _L
    cdfg = _PTS * _L
    histg = (_IMP + 2) * _L

    mesh = plsc.VectorSubcoreMesh(core_axis_name="c", subcore_axis_name="s")

    @functools.partial(
        pl.kernel,
        out_type=[jax.ShapeDtypeStruct((n, _PTS), jnp.float32),
                  jax.ShapeDtypeStruct((n, _PTS), jnp.float32),
                  jax.ShapeDtypeStruct((n, _PTS), jnp.float32),
                  jax.ShapeDtypeStruct((n, 4), jnp.float32)],
        mesh=mesh,
        scratch_types=[
            pltpu.VMEM((2 * _CH, _PTS), jnp.float32),
            pltpu.VMEM((2 * _CH, _PTS), jnp.float32),
            pltpu.VMEM((2 * _CH, 128), jnp.float32),
            pltpu.VMEM((2 * _CH, 128), jnp.float32),
            pltpu.VMEM((_CH, _PTS), jnp.float32),
            pltpu.VMEM((_CH, _PTS), jnp.float32),
            pltpu.VMEM((_CH, _PTS), jnp.float32),
            pltpu.VMEM((_CH, 4), jnp.float32),
            pltpu.VMEM((4 * cdfg,), jnp.float32),
            pltpu.VMEM((4 * histg,), jnp.int32),
            pltpu.SemaphoreType.DMA,
            pltpu.SemaphoreType.DMA,
            pltpu.SemaphoreType.DMA,
        ],
        compiler_params=pltpu.CompilerParams(needs_layout_passes=False),
    )
    def body(op_h, dep_h, b1_h, b2_h, yx_h, yy_h, yz_h, aq_h,
             op_vm, dep_vm, b1_vm, b2_vm, yx_vm, yy_vm, yz_vm, aq_vm,
             cdf_vm, hist_vm, si0, si1, so):
        wid = lax.axis_index("s") * nc + lax.axis_index("c")
        iota = lax.iota(jnp.int32, _L)
        zf = jnp.zeros((_L,), jnp.float32)
        onef = jnp.ones((_L,), jnp.float32)
        onei = jnp.ones((_L,), jnp.int32)
        zi = jnp.zeros((_L,), jnp.int32)
        si = (si0, si1)

        def in_copies(ch, slot):
            rows = pl.ds(wid * rpw + ch * _CH, _CH)
            v = pl.ds(slot * _CH, _CH)
            s = si[slot]
            return (
                pltpu.make_async_copy(op_h.at[rows], op_vm.at[v], s),
                pltpu.make_async_copy(dep_h.at[rows], dep_vm.at[v], s),
                pltpu.make_async_copy(b1_h.at[rows], b1_vm.at[v], s),
                pltpu.make_async_copy(b2_h.at[rows], b2_vm.at[v], s),
            )

        def out_copies(ch):
            rows = pl.ds(wid * rpw + ch * _CH, _CH)
            return (
                pltpu.make_async_copy(yx_vm, yx_h.at[rows], so),
                pltpu.make_async_copy(yy_vm, yy_h.at[rows], so),
                pltpu.make_async_copy(yz_vm, yz_h.at[rows], so),
                pltpu.make_async_copy(aq_vm, aq_h.at[rows], so),
            )

        def compute_group(g, slot):
            row = slot * _CH + g * _L + iota
            grow = g * _L + iota
            coff = g * cdfg
            hoff = g * histg

            @plsc.parallel_loop(0, _IMP + 2, unroll=8)
            def hzero(v):
                hist_vm[pl.ds(hoff + v * _L, _L)] = zi

            ob = zi + 64
            o0 = plsc.load_gather(b2_vm, [row, ob])
            o1 = plsc.load_gather(b2_vm, [row, ob + 1])
            o2 = plsc.load_gather(b2_vm, [row, ob + 2])
            e0 = plsc.load_gather(b2_vm, [row, ob + 3])
            e1 = plsc.load_gather(b2_vm, [row, ob + 4])
            e2 = plsc.load_gather(b2_vm, [row, ob + 5])

            @plsc.parallel_loop(0, _PTS, unroll=8,
                               carry=(onef, zf, zf, zf, zf))
            def march(k, carry):
                trans, cdf, a0, a1, a2 = carry
                opk = plsc.load_gather(op_vm, [row, zi + k])
                w = opk * trans
                trans = trans * (1.0 - opk)
                cdf = cdf + (w + _EPS)
                cdf_vm[pl.ds(coff + k * _L, _L)] = cdf
                kv = zi + k
                a0 = a0 + w * plsc.load_gather(b1_vm, [row, kv])
                a1 = a1 + w * plsc.load_gather(b1_vm, [row, kv + 64])
                a2 = a2 + w * plsc.load_gather(b2_vm, [row, kv])
                return trans, cdf, a0, a1, a2

            _, ctot, a0, a1, a2 = march
            acc_o = jnp.clip(ctot - _PTS * _EPS, 0.0, 1.0)
            plsc.store_scatter(aq_vm, [grow, zi], a0)
            plsc.store_scatter(aq_vm, [grow, zi + 1], a1)
            plsc.store_scatter(aq_vm, [grow, zi + 2], a2)
            plsc.store_scatter(aq_vm, [grow, zi + 3], acc_o)

            scale = jnp.float32(_IMP) / ctot

            @plsc.parallel_loop(0, _PTS, unroll=8)
            def bink(k):
                ck = cdf_vm[pl.ds(coff + k * _L, _L)]
                x = ck * scale
                xi = x.astype(jnp.int32)
                xi = xi + (xi.astype(jnp.float32) < x).astype(jnp.int32)
                m = jnp.minimum(xi, _IMP + 1)
                plsc.addupdate_scatter(hist_vm, [hoff + m * _L + iota], onei)

            c_first = cdf_vm[pl.ds(coff, _L)]
            d_first = plsc.load_gather(dep_vm, [row, zi])
            d_last = plsc.load_gather(dep_vm, [row, zi + (_PTS - 1)])

            @plsc.parallel_loop(1, _IMP + 1, unroll=8,
                               carry=(d_first, hist_vm[pl.ds(hoff, _L)]))
            def sample(j, carry):
                f_prev, cnt = carry
                cnt = cnt + hist_vm[pl.ds(hoff + j * _L, _L)]
                i = jnp.clip(cnt, 1, _PTS - 1)
                g0 = coff + (i - 1) * _L + iota
                c0 = plsc.load_gather(cdf_vm, [g0])
                c1 = plsc.load_gather(cdf_vm, [g0 + _L])
                d0 = plsc.load_gather(dep_vm, [row, i - 1])
                d1 = plsc.load_gather(dep_vm, [row, i])
                uj = lax.convert_element_type(j, jnp.float32) * (1.0 / _IMP)
                u = uj * ctot
                f = d0 + ((u - c0) / (c1 - c0)) * (d1 - d0)
                f = jnp.where(u < c_first, d_first, f)
                f = jnp.where(u >= ctot, d_last, f)
                mid = 0.5 * (f_prev + f)
                jm = zi + (j - 1)
                plsc.store_scatter(yx_vm, [grow, jm], o0 + mid * e0)
                plsc.store_scatter(yy_vm, [grow, jm], o1 + mid * e1)
                plsc.store_scatter(yz_vm, [grow, jm], o2 + mid * e2)
                return f, cnt

            del sample

        def compute_chunk(slot):
            @plsc.parallel_loop(0, groups, unroll=2)
            def grp(g):
                compute_group(g, slot)

        def half(ch, slot, has_prev_out):
            for cp in in_copies(ch, slot):
                cp.wait()
            @pl.when(has_prev_out)
            def _():
                for cp in out_copies(ch - 1):
                    cp.wait()

            compute_chunk(slot)
            for cp in out_copies(ch):
                cp.start()
            @pl.when(ch + 2 < nch)
            def _():
                for cp in in_copies(ch + 2, slot):
                    cp.start()

        def pair_body(p, _):
            ch0 = p * 2
            half(ch0, 0, p > 0)
            half(ch0 + 1, 1, ch0 + 1 > 0)
            return 0

        for cp in in_copies(0, 0):
            cp.start()
        for cp in in_copies(1, 1):
            cp.start()
        lax.fori_loop(0, npair, pair_body, 0)
        for cp in out_copies(nch - 1):
            cp.wait()

    return body(opacities, depths, b1_f, b2_f)


def kernel(opacities, values, depths, origins, dirs):
    n = opacities.shape[0]
    b1 = (jnp.pad(values[:, :, 0], ((0, 0), (0, 64)))
          + jnp.pad(values[:, :, 1], ((0, 0), (64, 0))))
    b2 = (jnp.pad(values[:, :, 2], ((0, 0), (0, 64)))
          + jnp.pad(origins, ((0, 0), (64, 61)))
          + jnp.pad(dirs, ((0, 0), (67, 58))))
    yx, yy, yz, accq = _sc_call(n, opacities, depths, b1, b2)
    coords = jnp.stack([yx, yy, yz], axis=-1)
    return jnp.concatenate(
        [accq[:, None, 0:3],
         jnp.broadcast_to(accq[:, 3:4, None], (n, 1, 3)),
         coords], axis=1)

# --- scband reference (transcript-rebuilt; emitter-appended) ---
"""Pipeline reference for scband-ne-rfcamera-51049981281458 (READ-ONLY COPY).

The authoritative reference and input builder live on the scoring server;
editing this copy changes nothing except your own understanding.
"""

import jax, jax.numpy as jnp
import numpy as np

N_RAYS = 131072  # batch=2 * 256*256 camera rays
PTS = 64         # pts_per_ray
IMP_PTS = 64     # imp_pts_per_ray


def setup_inputs(seed: int = 0) -> dict:
    key = jax.random.key(seed)
    k1, k2, k3, k4, k5 = jax.random.split(key, 5)
    opacities = jax.random.uniform(k1, (N_RAYS, PTS), dtype=jnp.float32)
    values = jax.random.uniform(k2, (N_RAYS, PTS, 3), dtype=jnp.float32)
    # depths along each ray must be sorted ascending (ray marching order)
    depths = jnp.sort(jax.random.uniform(k3, (N_RAYS, PTS), dtype=jnp.float32) * 4.0 + 0.1, axis=-1)
    origins = jax.random.normal(k4, (N_RAYS, 3), dtype=jnp.float32)
    dirs = jax.random.normal(k5, (N_RAYS, 3), dtype=jnp.float32)
    return {"opacities": opacities, "values": values, "depths": depths, "origins": origins, "dirs": dirs}


def _ray_marching(opacities, values):
    # nerfacc.exclusive_prod(1 - opacities)
    trans = jnp.cumprod(1.0 - opacities, axis=-1)
    absorption = jnp.concatenate([jnp.ones_like(trans[..., :1]), trans[..., :-1]], axis=-1)
    weights = opacities * absorption
    # nerfacc.accumulate_along_rays
    accum_values = jnp.sum(weights[..., None] * values, axis=-2)
    accum_opacities = jnp.clip(jnp.sum(weights, axis=-1), 0.0, 1.0)
    return accum_values, accum_opacities, weights


def _ray_importance_sampling(depths, weights, imp_pts):
    # _ray_importance_sampling: weights -> pdf -> cdf -> inverse-transform sampling
    w = weights + 1e-05
    pdfs = w / jnp.sum(w, axis=-1, keepdims=True)
    cdfs = jnp.cumsum(pdfs, axis=-1)
    # deterministic (stratified=False / noise=False) sample positions in [0, 1]
    u = jnp.linspace(0.0, 1.0, imp_pts + 1, dtype=depths.dtype)
    # per-ray inverse CDF via piecewise-linear interpolation (nerfacc.importance_sampling)
    bins = jax.vmap(lambda c, v: jnp.interp(u, c, v))(cdfs, depths)
    bins_start, bins_end = bins[..., :-1], bins[..., 1:]
    fine_depths = (bins_start + bins_end) * 0.5
    return fine_depths


def reference(opacities, values, depths, origins, dirs):
    accum_values, accum_opacities, weights = _ray_marching(opacities, values)
    fine_depths = _ray_importance_sampling(depths, weights, IMP_PTS)
    coords = origins[:, None, :] + fine_depths[..., None] * dirs[:, None, :]
    n = accum_opacities.shape[0]
    out = jnp.concatenate(
        [
            accum_values[:, None, :],
            jnp.broadcast_to(accum_opacities[:, None, None], (n, 1, 3)),
            coords,
        ],
        axis=1,
    )
    return out  # (N_RAYS, IMP_PTS + 2, 3)

if __name__ == "__main__":
    import jax
    _d = setup_inputs()
    print(jax.jit(kernel)(*tuple(_d.values())))

</pallas_src>

<mosaic_0001>
#map = affine_map<(d0, d1) -> (0, 0)>
module attributes {stable_mosaic.version = 14 : i64} {
  func.func @body(%arg0: i32, %arg1: i32, %arg2: memref<131072x64xf32, #tpu.memory_space<hbm>>, %arg3: memref<131072x64xf32, #tpu.memory_space<hbm>>, %arg4: memref<131072x128xf32, #tpu.memory_space<hbm>>, %arg5: memref<131072x128xf32, #tpu.memory_space<hbm>>, %arg6: memref<131072x64xf32, #tpu.memory_space<hbm>>, %arg7: memref<131072x64xf32, #tpu.memory_space<hbm>>, %arg8: memref<131072x64xf32, #tpu.memory_space<hbm>>, %arg9: memref<131072x4xf32, #tpu.memory_space<hbm>>, %arg10: memref<128x64xf32, #tpu.memory_space<vmem>>, %arg11: memref<128x64xf32, #tpu.memory_space<vmem>>, %arg12: memref<128x128xf32, #tpu.memory_space<vmem>>, %arg13: memref<128x128xf32, #tpu.memory_space<vmem>>, %arg14: memref<64x64xf32, #tpu.memory_space<vmem>>, %arg15: memref<64x64xf32, #tpu.memory_space<vmem>>, %arg16: memref<64x64xf32, #tpu.memory_space<vmem>>, %arg17: memref<64x4xf32, #tpu.memory_space<vmem>>, %arg18: memref<4096xf32, #tpu.memory_space<vmem>>, %arg19: memref<4224xi32, #tpu.memory_space<vmem>>, %arg20: memref<!tpu.dma_semaphore, #tpu.memory_space<semaphore_mem>>, %arg21: memref<!tpu.dma_semaphore, #tpu.memory_space<semaphore_mem>>, %arg22: memref<!tpu.dma_semaphore, #tpu.memory_space<semaphore_mem>>) attributes {dimension_semantics = [#tpu.dimension_semantics<core_parallel>, #tpu.dimension_semantics<subcore_parallel>], iteration_bounds = array<i64: 2, 16>, scalar_prefetch = 0 : i64, scratch_operands = 13 : i64, tpu.core_type = #tpu.core_type<sc_vector_subcore>, window_params = [{transform_indices = #map}, {transform_indices = #map}, {transform_indices = #map}, {transform_indices = #map}, {transform_indices = #map}, {transform_indices = #map}, {transform_indices = #map}, {transform_indices = #map}]} {
    %mul3A = arith.constant 2 : i32
    %mul3A_0 = arith.muli %arg1, %mul3A : i32
    %add3A = arith.addi %mul3A_0, %arg0 : i32
    %iota3A = tpu.iota {dimensions = array<i32: 0>} : vector<16xi32>
    %broadcast_in_dim3A = arith.constant 0.000000e+00 : f32
    %broadcast_in_dim3A_1 = vector.broadcast %broadcast_in_dim3A : f32 to vector<16xf32>
    %broadcast_in_dim3A_2 = arith.constant 1.000000e+00 : f32
    %broadcast_in_dim3A_3 = vector.broadcast %broadcast_in_dim3A_2 : f32 to vector<16xf32>
    %broadcast_in_dim3A_4 = arith.constant 1 : i32
    %broadcast_in_dim3A_5 = vector.broadcast %broadcast_in_dim3A_4 : i32 to vector<16xi32>
    %broadcast_in_dim3A_6 = arith.constant 0 : i32
    %broadcast_in_dim3A_7 = vector.broadcast %broadcast_in_dim3A_6 : i32 to vector<16xi32>
    %mul3A_8 = arith.constant 4096 : i32
    %mul3A_9 = arith.muli %add3A, %mul3A_8 : i32
    %add3A_10 = arith.constant 0 : i32
    %add3A_11 = arith.addi %mul3A_9, %add3A_10 : i32
    %dma_start3A = arith.constant 0 : i32
    %dma_start3A_12 = arith.constant 0 : i32
    %dma_start3A_13 = tpu.memref_slice %arg10[%dma_start3A, %dma_start3A_12] : memref<128x64xf32, #tpu.memory_space<vmem>> -> memref<64x64xf32, #tpu.memory_space<vmem>>
    %dma_start3A_14 = arith.constant 0 : i32
    %dma_start3A_15 = tpu.memref_slice %arg2[%add3A_11, %dma_start3A_14] : memref<131072x64xf32, #tpu.memory_space<hbm>> -> memref<64x64xf32, #tpu.memory_space<hbm>>
    %dma_start3A_16 = arith.constant 0 : i32
    %dma_start3A_17 = arith.constant 0 : i32
    %dma_start3A_18 = tpu.memref_slice %arg10[%dma_start3A_16, %dma_start3A_17] : memref<128x64xf32, #tpu.memory_space<vmem>> -> memref<64x64xf32, #tpu.memory_space<vmem>>
    %dma_start3A_19 = arith.constant 0 : i32
    %dma_start3A_20 = tpu.memref_slice %arg2[%add3A_11, %dma_start3A_19] : memref<131072x64xf32, #tpu.memory_space<hbm>> -> memref<64x64xf32, #tpu.memory_space<hbm>>
    tpu.enqueue_dma source(%dma_start3A_20 : memref<64x64xf32, #tpu.memory_space<hbm>>) target(%dma_start3A_18 : memref<64x64xf32, #tpu.memory_space<vmem>>) target_semaphore(%arg20 : memref<!tpu.dma_semaphore, #tpu.memory_space<semaphore_mem>>)
    %dma_start3A_21 = arith.constant 0 : i32
    %dma_start3A_22 = arith.constant 0 : i32
    %dma_start3A_23 = tpu.memref_slice %arg11[%dma_start3A_21, %dma_start3A_22] : memref<128x64xf32, #tpu.memory_space<vmem>> -> memref<64x64xf32, #tpu.memory_space<vmem>>
    %dma_start3A_24 = arith.constant 0 : i32
    %dma_start3A_25 = tpu.memref_slice %arg3[%add3A_11, %dma_start3A_24] : memref<131072x64xf32, #tpu.memory_space<hbm>> -> memref<64x64xf32, #tpu.memory_space<hbm>>
    %dma_start3A_26 = arith.constant 0 : i32
    %dma_start3A_27 = arith.constant 0 : i32
    %dma_start3A_28 = tpu.memref_slice %arg11[%dma_start3A_26, %dma_start3A_27] : memref<128x64xf32, #tpu.memory_space<vmem>> -> memref<64x64xf32, #tpu.memory_space<vmem>>
    %dma_start3A_29 = arith.constant 0 : i32
    %dma_start3A_30 = tpu.memref_slice %arg3[%add3A_11, %dma_start3A_29] : memref<131072x64xf32, #tpu.memory_space<hbm>> -> memref<64x64xf32, #tpu.memory_space<hbm>>
    tpu.enqueue_dma source(%dma_start3A_30 : memref<64x64xf32, #tpu.memory_space<hbm>>) target(%dma_start3A_28 : memref<64x64xf32, #tpu.memory_space<vmem>>) target_semaphore(%arg20 : memref<!tpu.dma_semaphore, #tpu.memory_space<semaphore_mem>>)
    %dma_start3A_31 = arith.constant 0 : i32
    %dma_start3A_32 = arith.constant 0 : i32
    %dma_start3A_33 = tpu.memref_slice %arg12[%dma_start3A_31, %dma_start3A_32] : memref<128x128xf32, #tpu.memory_space<vmem>> -> memref<64x128xf32, #tpu.memory_space<vmem>>
    %dma_start3A_34 = arith.constant 0 : i32
    %dma_start3A_35 = tpu.memref_slice %arg4[%add3A_11, %dma_start3A_34] : memref<131072x128xf32, #tpu.memory_space<hbm>> -> memref<64x128xf32, #tpu.memory_space<hbm>>
    %dma_start3A_36 = arith.constant 0 : i32
    %dma_start3A_37 = arith.constant 0 : i32
    %dma_start3A_38 = tpu.memref_slice %arg12[%dma_start3A_36, %dma_start3A_37] : memref<128x128xf32, #tpu.memory_space<vmem>> -> memref<64x128xf32, #tpu.memory_space<vmem>>
    %dma_start3A_39 = arith.constant 0 : i32
    %dma_start3A_40 = tpu.memref_slice %arg4[%add3A_11, %dma_start3A_39] : memref<131072x128xf32, #tpu.memory_space<hbm>> -> memref<64x128xf32, #tpu.memory_space<hbm>>
    tpu.enqueue_dma source(%dma_start3A_40 : memref<64x128xf32, #tpu.memory_space<hbm>>) target(%dma_start3A_38 : memref<64x128xf32, #tpu.memory_space<vmem>>) target_semaphore(%arg20 : memref<!tpu.dma_semaphore, #tpu.memory_space<semaphore_mem>>)
    %dma_start3A_41 = arith.constant 0 : i32
    %dma_start3A_42 = arith.constant 0 : i32
    %dma_start3A_43 = tpu.memref_slice %arg13[%dma_start3A_41, %dma_start3A_42] : memref<128x128xf32, #tpu.memory_space<vmem>> -> memref<64x128xf32, #tpu.memory_space<vmem>>
    %dma_start3A_44 = arith.constant 0 : i32
    %dma_start3A_45 = tpu.memref_slice %arg5[%add3A_11, %dma_start3A_44] : memref<131072x128xf32, #tpu.memory_space<hbm>> -> memref<64x128xf32, #tpu.memory_space<hbm>>
    %dma_start3A_46 = arith.constant 0 : i32
    %dma_start3A_47 = arith.constant 0 : i32
    %dma_start3A_48 = tpu.memref_slice %arg13[%dma_start3A_46, %dma_start3A_47] : memref<128x128xf32, #tpu.memory_space<vmem>> -> memref<64x128xf32, #tpu.memory_space<vmem>>
    %dma_start3A_49 = arith.constant 0 : i32
    %dma_start3A_50 = tpu.memref_slice %arg5[%add3A_11, %dma_start3A_49] : memref<131072x128xf32, #tpu.memory_space<hbm>> -> memref<64x128xf32, #tpu.memory_space<hbm>>
    tpu.enqueue_dma source(%dma_start3A_50 : memref<64x128xf32, #tpu.memory_space<hbm>>) target(%dma_start3A_48 : memref<64x128xf32, #tpu.memory_space<vmem>>) target_semaphore(%arg20 : memref<!tpu.dma_semaphore, #tpu.memory_space<semaphore_mem>>)
    %mul3A_51 = arith.constant 4096 : i32
    %mul3A_52 = arith.muli %add3A, %mul3A_51 : i32
    %add3A_53 = arith.constant 64 : i32
    %add3A_54 = arith.addi %mul3A_52, %add3A_53 : i32
    %dma_start3A_55 = arith.constant 64 : i32
    %dma_start3A_56 = arith.constant 0 : i32
    %dma_start3A_57 = tpu.memref_slice %arg10[%dma_start3A_55, %dma_start3A_56] : memref<128x64xf32, #tpu.memory_space<vmem>> -> memref<64x64xf32, #tpu.memory_space<vmem>>
    %dma_start3A_58 = arith.constant 0 : i32
    %dma_start3A_59 = tpu.memref_slice %arg2[%add3A_54, %dma_start3A_58] : memref<131072x64xf32, #tpu.memory_space<hbm>> -> memref<64x64xf32, #tpu.memory_space<hbm>>
    %dma_start3A_60 = arith.constant 64 : i32
    %dma_start3A_61 = arith.constant 0 : i32
    %dma_start3A_62 = tpu.memref_slice %arg10[%dma_start3A_60, %dma_start3A_61] : memref<128x64xf32, #tpu.memory_space<vmem>> -> memref<64x64xf32, #tpu.memory_space<vmem>>
    %dma_start3A_63 = arith.constant 0 : i32
    %dma_start3A_64 = tpu.memref_slice %arg2[%add3A_54, %dma_start3A_63] : memref<131072x64xf32, #tpu.memory_space<hbm>> -> memref<64x64xf32, #tpu.memory_space<hbm>>
    tpu.enqueue_dma source(%dma_start3A_64 : memref<64x64xf32, #tpu.memory_space<hbm>>) target(%dma_start3A_62 : memref<64x64xf32, #tpu.memory_space<vmem>>) target_semaphore(%arg21 : memref<!tpu.dma_semaphore, #tpu.memory_space<semaphore_mem>>)
    %dma_start3A_65 = arith.constant 64 : i32
    %dma_start3A_66 = arith.constant 0 : i32
    %dma_start3A_67 = tpu.memref_slice %arg11[%dma_start3A_65, %dma_start3A_66] : memref<128x64xf32, #tpu.memory_space<vmem>> -> memref<64x64xf32, #tpu.memory_space<vmem>>
    %dma_start3A_68 = arith.constant 0 : i32
    %dma_start3A_69 = tpu.memref_slice %arg3[%add3A_54, %dma_start3A_68] : memref<131072x64xf32, #tpu.memory_space<hbm>> -> memref<64x64xf32, #tpu.memory_space<hbm>>
    %dma_start3A_70 = arith.constant 64 : i32
    %dma_start3A_71 = arith.constant 0 : i32
    %dma_start3A_72 = tpu.memref_slice %arg11[%dma_start3A_70, %dma_start3A_71] : memref<128x64xf32, #tpu.memory_space<vmem>> -> memref<64x64xf32, #tpu.memory_space<vmem>>
    %dma_start3A_73 = arith.constant 0 : i32
    %dma_start3A_74 = tpu.memref_slice %arg3[%add3A_54, %dma_start3A_73] : memref<131072x64xf32, #tpu.memory_space<hbm>> -> memref<64x64xf32, #tpu.memory_space<hbm>>
    tpu.enqueue_dma source(%dma_start3A_74 : memref<64x64xf32, #tpu.memory_space<hbm>>) target(%dma_start3A_72 : memref<64x64xf32, #tpu.memory_space<vmem>>) target_semaphore(%arg21 : memref<!tpu.dma_semaphore, #tpu.memory_space<semaphore_mem>>)
    %dma_start3A_75 = arith.constant 64 : i32
    %dma_start3A_76 = arith.constant 0 : i32
    %dma_start3A_77 = tpu.memref_slice %arg12[%dma_start3A_75, %dma_start3A_76] : memref<128x128xf32, #tpu.memory_space<vmem>> -> memref<64x128xf32, #tpu.memory_space<vmem>>
    %dma_start3A_78 = arith.constant 0 : i32
    %dma_start3A_79 = tpu.memref_slice %arg4[%add3A_54, %dma_start3A_78] : memref<131072x128xf32, #tpu.memory_space<hbm>> -> memref<64x128xf32, #tpu.memory_space<hbm>>
    %dma_start3A_80 = arith.constant 64 : i32
    %dma_start3A_81 = arith.constant 0 : i32
    %dma_start3A_82 = tpu.memref_slice %arg12[%dma_start3A_80, %dma_start3A_81] : memref<128x128xf32, #tpu.memory_space<vmem>> -> memref<64x128xf32, #tpu.memory_space<vmem>>
    %dma_start3A_83 = arith.constant 0 : i32
    %dma_start3A_84 = tpu.memref_slice %arg4[%add3A_54, %dma_start3A_83] : memref<131072x128xf32, #tpu.memory_space<hbm>> -> memref<64x128xf32, #tpu.memory_space<hbm>>
    tpu.enqueue_dma source(%dma_start3A_84 : memref<64x128xf32, #tpu.memory_space<hbm>>) target(%dma_start3A_82 : memref<64x128xf32, #tpu.memory_space<vmem>>) target_semaphore(%arg21 : memref<!tpu.dma_semaphore, #tpu.memory_space<semaphore_mem>>)
    %dma_start3A_85 = arith.constant 64 : i32
    %dma_start3A_86 = arith.constant 0 : i32
    %dma_start3A_87 = tpu.memref_slice %arg13[%dma_start3A_85, %dma_start3A_86] : memref<128x128xf32, #tpu.memory_space<vmem>> -> memref<64x128xf32, #tpu.memory_space<vmem>>
    %dma_start3A_88 = arith.constant 0 : i32
    %dma_start3A_89 = tpu.memref_slice %arg5[%add3A_54, %dma_start3A_88] : memref<131072x128xf32, #tpu.memory_space<hbm>> -> memref<64x128xf32, #tpu.memory_space<hbm>>
    %dma_start3A_90 = arith.constant 64 : i32
    %dma_start3A_91 = arith.constant 0 : i32
    %dma_start3A_92 = tpu.memref_slice %arg13[%dma_start3A_90, %dma_start3A_91] : memref<128x128xf32, #tpu.memory_space<vmem>> -> memref<64x128xf32, #tpu.memory_space<vmem>>
    %dma_start3A_93 = arith.constant 0 : i32
    %dma_start3A_94 = tpu.memref_slice %arg5[%add3A_54, %dma_start3A_93] : memref<131072x128xf32, #tpu.memory_space<hbm>> -> memref<64x128xf32, #tpu.memory_space<hbm>>
    tpu.enqueue_dma source(%dma_start3A_94 : memref<64x128xf32, #tpu.memory_space<hbm>>) target(%dma_start3A_92 : memref<64x128xf32, #tpu.memory_space<vmem>>) target_semaphore(%arg21 : memref<!tpu.dma_semaphore, #tpu.memory_space<semaphore_mem>>)
    %scan3A = arith.constant 0 : i32
    %scan3A_95 = arith.constant 0 : i32
    %scan3A_96 = arith.constant 32 : i32
    %scan3A_97 = arith.addi %scan3A_95, %scan3A_96 : i32
    %scan3A_98 = arith.constant 1 : i32
    %scan3A_99 = scf.for %scan3A_120 = %scan3A_95 to %scan3A_97 step %scan3A_98 iter_args(%scan3A_121 = %scan3A) -> (i32)  : i32 {
      %mul3A_122 = arith.constant 2 : i32
      %mul3A_123 = arith.muli %scan3A_120, %mul3A_122 : i32
      %gt3A = arith.constant 0 : i32
      %gt3A_124 = arith.cmpi sgt, %scan3A_120, %gt3A : i32
      %mul3A_125 = arith.constant 4096 : i32
      %mul3A_126 = arith.muli %add3A, %mul3A_125 : i32
      %mul3A_127 = arith.constant 64 : i32
      %mul3A_128 = arith.muli %mul3A_123, %mul3A_127 : i32
      %add3A_129 = arith.addi %mul3A_126, %mul3A_128 : i32
      %dma_wait3A_130 = arith.constant 0 : i32
      %dma_wait3A_131 = arith.constant 0 : i32
      %dma_wait3A_132 = tpu.memref_slice %arg10[%dma_wait3A_130, %dma_wait3A_131] : memref<128x64xf32, #tpu.memory_space<vmem>> -> memref<64x64xf32, #tpu.memory_space<vmem>>
      %dma_wait3A_133 = arith.constant 0 : i32
      %dma_wait3A_134 = tpu.memref_slice %arg2[%add3A_129, %dma_wait3A_133] : memref<131072x64xf32, #tpu.memory_space<hbm>> -> memref<64x64xf32, #tpu.memory_space<hbm>>
      %dma_wait3A_135 = arith.constant 0 : i32
      %dma_wait3A_136 = arith.constant 0 : i32
      %dma_wait3A_137 = tpu.memref_slice %arg10[%dma_wait3A_135, %dma_wait3A_136] : memref<128x64xf32, #tpu.memory_space<vmem>> -> memref<64x64xf32, #tpu.memory_space<vmem>>
      %dma_wait3A_138 = arith.constant 0 : i32
      %dma_wait3A_139 = tpu.memref_slice %arg2[%add3A_129, %dma_wait3A_138] : memref<131072x64xf32, #tpu.memory_space<hbm>> -> memref<64x64xf32, #tpu.memory_space<hbm>>
      tpu.wait_dma2 semaphore(%arg20 : memref<!tpu.dma_semaphore, #tpu.memory_space<semaphore_mem>>) src(%dma_wait3A_139 : memref<64x64xf32, #tpu.memory_space<hbm>>) dst(%dma_wait3A_137 : memref<64x64xf32, #tpu.memory_space<vmem>>)
      %dma_wait3A_140 = arith.constant 0 : i32
      %dma_wait3A_141 = arith.constant 0 : i32
      %dma_wait3A_142 = tpu.memref_slice %arg11[%dma_wait3A_140, %dma_wait3A_141] : memref<128x64xf32, #tpu.memory_space<vmem>> -> memref<64x64xf32, #tpu.memory_space<vmem>>
      %dma_wait3A_143 = arith.constant 0 : i32
      %dma_wait3A_144 = tpu.memref_slice %arg3[%add3A_129, %dma_wait3A_143] : memref<131072x64xf32, #tpu.memory_space<hbm>> -> memref<64x64xf32, #tpu.memory_space<hbm>>
      %dma_wait3A_145 = arith.constant 0 : i32
      %dma_wait3A_146 = arith.constant 0 : i32
      %dma_wait3A_147 = tpu.memref_slice %arg11[%dma_wait3A_145, %dma_wait3A_146] : memref<128x64xf32, #tpu.memory_space<vmem>> -> memref<64x64xf32, #tpu.memory_space<vmem>>
      %dma_wait3A_148 = arith.constant 0 : i32
      %dma_wait3A_149 = tpu.memref_slice %arg3[%add3A_129, %dma_wait3A_148] : memref<131072x64xf32, #tpu.memory_space<hbm>> -> memref<64x64xf32, #tpu.memory_space<hbm>>
      tpu.wait_dma2 semaphore(%arg20 : memref<!tpu.dma_semaphore, #tpu.memory_space<semaphore_mem>>) src(%dma_wait3A_149 : memref<64x64xf32, #tpu.memory_space<hbm>>) dst(%dma_wait3A_147 : memref<64x64xf32, #tpu.memory_space<vmem>>)
      %dma_wait3A_150 = arith.constant 0 : i32
      %dma_wait3A_151 = arith.constant 0 : i32
      %dma_wait3A_152 = tpu.memref_slice %arg12[%dma_wait3A_150, %dma_wait3A_151] : memref<128x128xf32, #tpu.memory_space<vmem>> -> memref<64x128xf32, #tpu.memory_space<vmem>>
      %dma_wait3A_153 = arith.constant 0 : i32
      %dma_wait3A_154 = tpu.memref_slice %arg4[%add3A_129, %dma_wait3A_153] : memref<131072x128xf32, #tpu.memory_space<hbm>> -> memref<64x128xf32, #tpu.memory_space<hbm>>
      %dma_wait3A_155 = arith.constant 0 : i32
      %dma_wait3A_156 = arith.constant 0 : i32
      %dma_wait3A_157 = tpu.memref_slice %arg12[%dma_wait3A_155, %dma_wait3A_156] : memref<128x128xf32, #tpu.memory_space<vmem>> -> memref<64x128xf32, #tpu.memory_space<vmem>>
      %dma_wait3A_158 = arith.constant 0 : i32
      %dma_wait3A_159 = tpu.memref_slice %arg4[%add3A_129, %dma_wait3A_158] : memref<131072x128xf32, #tpu.memory_space<hbm>> -> memref<64x128xf32, #tpu.memory_space<hbm>>
      tpu.wait_dma2 semaphore(%arg20 : memref<!tpu.dma_semaphore, #tpu.memory_space<semaphore_mem>>) src(%dma_wait3A_159 : memref<64x128xf32, #tpu.memory_space<hbm>>) dst(%dma_wait3A_157 : memref<64x128xf32, #tpu.memory_space<vmem>>)
      %dma_wait3A_160 = arith.constant 0 : i32
      %dma_wait3A_161 = arith.constant 0 : i32
      %dma_wait3A_162 = tpu.memref_slice %arg13[%dma_wait3A_160, %dma_wait3A_161] : memref<128x128xf32, #tpu.memory_space<vmem>> -> memref<64x128xf32, #tpu.memory_space<vmem>>
      %dma_wait3A_163 = arith.constant 0 : i32
      %dma_wait3A_164 = tpu.memref_slice %arg5[%add3A_129, %dma_wait3A_163] : memref<131072x128xf32, #tpu.memory_space<hbm>> -> memref<64x128xf32, #tpu.memory_space<hbm>>
      %dma_wait3A_165 = arith.constant 0 : i32
      %dma_wait3A_166 = arith.constant 0 : i32
      %dma_wait3A_167 = tpu.memref_slice %arg13[%dma_wait3A_165, %dma_wait3A_166] : memref<128x128xf32, #tpu.memory_space<vmem>> -> memref<64x128xf32, #tpu.memory_space<vmem>>
      %dma_wait3A_168 = arith.constant 0 : i32
      %dma_wait3A_169 = tpu.memref_slice %arg5[%add3A_129, %dma_wait3A_168] : memref<131072x128xf32, #tpu.memory_space<hbm>> -> memref<64x128xf32, #tpu.memory_space<hbm>>
      tpu.wait_dma2 semaphore(%arg20 : memref<!tpu.dma_semaphore, #tpu.memory_space<semaphore_mem>>) src(%dma_wait3A_169 : memref<64x128xf32, #tpu.memory_space<hbm>>) dst(%dma_wait3A_167 : memref<64x128xf32, #tpu.memory_space<vmem>>)
      %convert_element_type3A = arith.extui %gt3A_124 : i1 to i32
      %cond3A = arith.constant 0 : i32
      %cond3A_170 = arith.cmpi ne, %convert_element_type3A, %cond3A : i32
      scf.if %cond3A_170 {
        %sub3A = arith.constant 1 : i32
        %sub3A_286 = arith.subi %mul3A_123, %sub3A : i32
        %mul3A_287 = arith.constant 4096 : i32
        %mul3A_288 = arith.muli %add3A, %mul3A_287 : i32
        %mul3A_289 = arith.constant 64 : i32
        %mul3A_290 = arith.muli %sub3A_286, %mul3A_289 : i32
        %add3A_291 = arith.addi %mul3A_288, %mul3A_290 : i32
        %dma_wait3A_292 = arith.constant 0 : i32
        %dma_wait3A_293 = tpu.memref_slice %arg6[%add3A_291, %dma_wait3A_292] : memref<131072x64xf32, #tpu.memory_space<hbm>> -> memref<64x64xf32, #tpu.memory_space<hbm>>
        %dma_wait3A_294 = arith.constant 0 : i32
        %dma_wait3A_295 = tpu.memref_slice %arg6[%add3A_291, %dma_wait3A_294] : memref<131072x64xf32, #tpu.memory_space<hbm>> -> memref<64x64xf32, #tpu.memory_space<hbm>>
        tpu.wait_dma2 semaphore(%arg22 : memref<!tpu.dma_semaphore, #tpu.memory_space<semaphore_mem>>) src(%arg14 : memref<64x64xf32, #tpu.memory_space<vmem>>) dst(%dma_wait3A_295 : memref<64x64xf32, #tpu.memory_space<hbm>>)
        %dma_wait3A_296 = arith.constant 0 : i32
        %dma_wait3A_297 = tpu.memref_slice %arg7[%add3A_291, %dma_wait3A_296] : memref<131072x64xf32, #tpu.memory_space<hbm>> -> memref<64x64xf32, #tpu.memory_space<hbm>>
        %dma_wait3A_298 = arith.constant 0 : i32
        %dma_wait3A_299 = tpu.memref_slice %arg7[%add3A_291, %dma_wait3A_298] : memref<131072x64xf32, #tpu.memory_space<hbm>> -> memref<64x64xf32, #tpu.memory_space<hbm>>
        tpu.wait_dma2 semaphore(%arg22 : memref<!tpu.dma_semaphore, #tpu.memory_space<semaphore_mem>>) src(%arg15 : memref<64x64xf32, #tpu.memory_space<vmem>>) dst(%dma_wait3A_299 : memref<64x64xf32, #tpu.memory_space<hbm>>)
        %dma_wait3A_300 = arith.constant 0 : i32
        %dma_wait3A_301 = tpu.memref_slice %arg8[%add3A_291, %dma_wait3A_300] : memref<131072x64xf32, #tpu.memory_space<hbm>> -> memref<64x64xf32, #tpu.memory_space<hbm>>
        %dma_wait3A_302 = arith.constant 0 : i32
        %dma_wait3A_303 = tpu.memref_slice %arg8[%add3A_291, %dma_wait3A_302] : memref<131072x64xf32, #tpu.memory_space<hbm>> -> memref<64x64xf32, #tpu.memory_space<hbm>>
        tpu.wait_dma2 semaphore(%arg22 : memref<!tpu.dma_semaphore, #tpu.memory_space<semaphore_mem>>) src(%arg16 : memref<64x64xf32, #tpu.memory_space<vmem>>) dst(%dma_wait3A_303 : memref<64x64xf32, #tpu.memory_space<hbm>>)
        %dma_wait3A_304 = arith.constant 0 : i32
        %dma_wait3A_305 = tpu.memref_slice %arg9[%add3A_291, %dma_wait3A_304] : memref<131072x4xf32, #tpu.memory_space<hbm>> -> memref<64x4xf32, #tpu.memory_space<hbm>>
        %dma_wait3A_306 = arith.constant 0 : i32
        %dma_wait3A_307 = tpu.memref_slice %arg9[%add3A_291, %dma_wait3A_306] : memref<131072x4xf32, #tpu.memory_space<hbm>> -> memref<64x4xf32, #tpu.memory_space<hbm>>
        tpu.wait_dma2 semaphore(%arg22 : memref<!tpu.dma_semaphore, #tpu.memory_space<semaphore_mem>>) src(%arg17 : memref<64x4xf32, #tpu.memory_space<vmem>>) dst(%dma_wait3A_307 : memref<64x4xf32, #tpu.memory_space<hbm>>)
      } else {
      }
      %parallel_loop3A = arith.constant 0 : i32
      %parallel_loop3A_171 = arith.constant 4 : i32
      %parallel_loop3A_172 = arith.constant 1 : i32
      scf.for %parallel_loop3A_286 = %parallel_loop3A to %parallel_loop3A_171 step %parallel_loop3A_172  : i32 {
        %parallel_loop3A_287 = arith.constant 16 : i32
        %parallel_loop3A_288 = arith.muli %parallel_loop3A_286, %parallel_loop3A_287 : i32
        %parallel_loop3A_289 = arith.constant 0 : i32
        %parallel_loop3A_290 = arith.addi %parallel_loop3A_289, %parallel_loop3A_288 : i32
        %parallel_loop3A_291 = vector.broadcast %parallel_loop3A_290 : i32 to vector<16xi32>
        %parallel_loop3A_292 = arith.addi %parallel_loop3A_291, %iota3A : vector<16xi32>
        %parallel_loop3A_293 = arith.constant 16 : i32
        %parallel_loop3A_294 = arith.muli %parallel_loop3A_286, %parallel_loop3A_293 : i32
        %parallel_loop3A_295 = vector.broadcast %parallel_loop3A_294 : i32 to vector<16xi32>
        %parallel_loop3A_296 = arith.addi %parallel_loop3A_295, %iota3A : vector<16xi32>
        %parallel_loop3A_297 = arith.constant 1024 : i32
        %parallel_loop3A_298 = arith.muli %parallel_loop3A_286, %parallel_loop3A_297 : i32
        %parallel_loop3A_299 = arith.constant 1056 : i32
        %parallel_loop3A_300 = arith.muli %parallel_loop3A_286, %parallel_loop3A_299 : i32
        %parallel_loop3A_301 = arith.constant 0 : i32
        %parallel_loop3A_302 = arith.constant 66 : i32
        %parallel_loop3A_303 = arith.constant 1 : i32
        scf.for %parallel_loop3A_369 = %parallel_loop3A_301 to %parallel_loop3A_302 step %parallel_loop3A_303  : i32 {
          %parallel_loop3A_370 = arith.constant 16 : i32
          %parallel_loop3A_371 = arith.muli %parallel_loop3A_369, %parallel_loop3A_370 : i32
          %parallel_loop3A_372 = arith.addi %parallel_loop3A_300, %parallel_loop3A_371 : i32
          %parallel_loop3A_373 = arith.index_cast %parallel_loop3A_372 : i32 to index
          %parallel_loop3A_374 = tpu.vector_load %arg19[%parallel_loop3A_373] {strides = array<i32>} : memref<4224xi32, #tpu.memory_space<vmem>>, vector<16xi32>,
          tpu.vector_store %arg19[%parallel_loop3A_373], %broadcast_in_dim3A_7 {strides = array<i32>} : memref<4224xi32, #tpu.memory_space<vmem>>, vector<16xi32>,
        } {sc.loop_unroll_factor = 8 : i64, sc.parallel_access}
        %parallel_loop3A_304 = arith.constant 64 : i32
        %parallel_loop3A_305 = vector.broadcast %parallel_loop3A_304 : i32 to vector<16xi32>
        %parallel_loop3A_306 = arith.addi %broadcast_in_dim3A_7, %parallel_loop3A_305 : vector<16xi32>
        %parallel_loop3A_307 = tpu.vector_load_idx %arg13[%parallel_loop3A_292, %parallel_loop3A_306] : memref<128x128xf32, #tpu.memory_space<vmem>>[vector<16xi32>, vector<16xi32>], vector<16xf32>,
        %parallel_loop3A_308 = arith.constant 1 : i32
        %parallel_loop3A_309 = vector.broadcast %parallel_loop3A_308 : i32 to vector<16xi32>
        %parallel_loop3A_310 = arith.addi %parallel_loop3A_306, %parallel_loop3A_309 : vector<16xi32>
        %parallel_loop3A_311 = tpu.vector_load_idx %arg13[%parallel_loop3A_292, %parallel_loop3A_310] : memref<128x128xf32, #tpu.memory_space<vmem>>[vector<16xi32>, vector<16xi32>], vector<16xf32>,
        %parallel_loop3A_312 = arith.constant 2 : i32
        %parallel_loop3A_313 = vector.broadcast %parallel_loop3A_312 : i32 to vector<16xi32>
        %parallel_loop3A_314 = arith.addi %parallel_loop3A_306, %parallel_loop3A_313 : vector<16xi32>
        %parallel_loop3A_315 = tpu.vector_load_idx %arg13[%parallel_loop3A_292, %parallel_loop3A_314] : memref<128x128xf32, #tpu.memory_space<vmem>>[vector<16xi32>, vector<16xi32>], vector<16xf32>,
        %parallel_loop3A_316 = arith.constant 3 : i32
        %parallel_loop3A_317 = vector.broadcast %parallel_loop3A_316 : i32 to vector<16xi32>
        %parallel_loop3A_318 = arith.addi %parallel_loop3A_306, %parallel_loop3A_317 : vector<16xi32>
        %parallel_loop3A_319 = tpu.vector_load_idx %arg13[%parallel_loop3A_292, %parallel_loop3A_318] : memref<128x128xf32, #tpu.memory_space<vmem>>[vector<16xi32>, vector<16xi32>], vector<16xf32>,
        %parallel_loop3A_320 = arith.constant 4 : i32
        %parallel_loop3A_321 = vector.broadcast %parallel_loop3A_320 : i32 to vector<16xi32>
        %parallel_loop3A_322 = arith.addi %parallel_loop3A_306, %parallel_loop3A_321 : vector<16xi32>
        %parallel_loop3A_323 = tpu.vector_load_idx %arg13[%parallel_loop3A_292, %parallel_loop3A_322] : memref<128x128xf32, #tpu.memory_space<vmem>>[vector<16xi32>, vector<16xi32>], vector<16xf32>,
        %parallel_loop3A_324 = arith.constant 5 : i32
        %parallel_loop3A_325 = vector.broadcast %parallel_loop3A_324 : i32 to vector<16xi32>
        %parallel_loop3A_326 = arith.addi %parallel_loop3A_306, %parallel_loop3A_325 : vector<16xi32>
        %parallel_loop3A_327 = tpu.vector_load_idx %arg13[%parallel_loop3A_292, %parallel_loop3A_326] : memref<128x128xf32, #tpu.memory_space<vmem>>[vector<16xi32>, vector<16xi32>], vector<16xf32>,
        %parallel_loop3A_328 = arith.constant 0 : i32
        %parallel_loop3A_329 = arith.constant 64 : i32
        %parallel_loop3A_330 = arith.constant 1 : i32
        %parallel_loop3A_331:5 = scf.for %parallel_loop3A_369 = %parallel_loop3A_328 to %parallel_loop3A_329 step %parallel_loop3A_330 iter_args(%parallel_loop3A_370 = %broadcast_in_dim3A_3, %parallel_loop3A_371 = %broadcast_in_dim3A_1, %parallel_loop3A_372 = %broadcast_in_dim3A_1, %parallel_loop3A_373 = %broadcast_in_dim3A_1, %parallel_loop3A_374 = %broadcast_in_dim3A_1) -> (vector<16xf32>, vector<16xf32>, vector<16xf32>, vector<16xf32>, vector<16xf32>)  : i32 {
          %parallel_loop3A_375 = vector.broadcast %parallel_loop3A_369 : i32 to vector<16xi32>
          %parallel_loop3A_376 = arith.addi %broadcast_in_dim3A_7, %parallel_loop3A_375 : vector<16xi32>
          %parallel_loop3A_377 = tpu.vector_load_idx %arg10[%parallel_loop3A_292, %parallel_loop3A_376] : memref<128x64xf32, #tpu.memory_space<vmem>>[vector<16xi32>, vector<16xi32>], vector<16xf32>,
          %parallel_loop3A_378 = arith.mulf %parallel_loop3A_377, %parallel_loop3A_370 : vector<16xf32>
          %parallel_loop3A_379 = arith.constant 1.000000e+00 : f32
          %parallel_loop3A_380 = vector.broadcast %parallel_loop3A_379 : f32 to vector<16xf32>
          %parallel_loop3A_381 = arith.subf %parallel_loop3A_380, %parallel_loop3A_377 : vector<16xf32>
          %parallel_loop3A_382 = arith.mulf %parallel_loop3A_370, %parallel_loop3A_381 : vector<16xf32>
          %parallel_loop3A_383 = arith.constant 9.99999974E-6 : f32
          %parallel_loop3A_384 = vector.broadcast %parallel_loop3A_383 : f32 to vector<16xf32>
          %parallel_loop3A_385 = arith.addf %parallel_loop3A_378, %parallel_loop3A_384 : vector<16xf32>
          %parallel_loop3A_386 = arith.addf %parallel_loop3A_371, %parallel_loop3A_385 : vector<16xf32>
          %parallel_loop3A_387 = arith.constant 16 : i32
          %parallel_loop3A_388 = arith.muli %parallel_loop3A_369, %parallel_loop3A_387 : i32
          %parallel_loop3A_389 = arith.addi %parallel_loop3A_298, %parallel_loop3A_388 : i32
          %parallel_loop3A_390 = arith.index_cast %parallel_loop3A_389 : i32 to index
          %parallel_loop3A_391 = tpu.vector_load %arg18[%parallel_loop3A_390] {strides = array<i32>} : memref<4096xf32, #tpu.memory_space<vmem>>, vector<16xf32>,
          tpu.vector_store %arg18[%parallel_loop3A_390], %parallel_loop3A_386 {strides = array<i32>} : memref<4096xf32, #tpu.memory_space<vmem>>, vector<16xf32>,
          %parallel_loop3A_392 = vector.broadcast %parallel_loop3A_369 : i32 to vector<16xi32>
          %parallel_loop3A_393 = arith.addi %broadcast_in_dim3A_7, %parallel_loop3A_392 : vector<16xi32>
          %parallel_loop3A_394 = tpu.vector_load_idx %arg12[%parallel_loop3A_292, %parallel_loop3A_393] : memref<128x128xf32, #tpu.memory_space<vmem>>[vector<16xi32>, vector<16xi32>], vector<16xf32>,
          %parallel_loop3A_395 = arith.mulf %parallel_loop3A_378, %parallel_loop3A_394 : vector<16xf32>
          %parallel_loop3A_396 = arith.addf %parallel_loop3A_372, %parallel_loop3A_395 : vector<16xf32>
          %parallel_loop3A_397 = arith.constant 64 : i32
          %parallel_loop3A_398 = vector.broadcast %parallel_loop3A_397 : i32 to vector<16xi32>
          %parallel_loop3A_399 = arith.addi %parallel_loop3A_393, %parallel_loop3A_398 : vector<16xi32>
          %parallel_loop3A_400 = tpu.vector_load_idx %arg12[%parallel_loop3A_292, %parallel_loop3A_399] : memref<128x128xf32, #tpu.memory_space<vmem>>[vector<16xi32>, vector<16xi32>], vector<16xf32>,
          %parallel_loop3A_401 = arith.mulf %parallel_loop3A_378, %parallel_loop3A_400 : vector<16xf32>
          %parallel_loop3A_402 = arith.addf %parallel_loop3A_373, %parallel_loop3A_401 : vector<16xf32>
          %parallel_loop3A_403 = tpu.vector_load_idx %arg13[%parallel_loop3A_292, %parallel_loop3A_393] : memref<128x128xf32, #tpu.memory_space<vmem>>[vector<16xi32>, vector<16xi32>], vector<16xf32>,
          %parallel_loop3A_404 = arith.mulf %parallel_loop3A_378, %parallel_loop3A_403 : vector<16xf32>
          %parallel_loop3A_405 = arith.addf %parallel_loop3A_374, %parallel_loop3A_404 : vector<16xf32>
          scf.yield %parallel_loop3A_382, %parallel_loop3A_386, %parallel_loop3A_396, %parallel_loop3A_402, %parallel_loop3A_405 : vector<16xf32>, vector<16xf32>, vector<16xf32>, vector<16xf32>, vector<16xf32>
        } {sc.loop_unroll_factor = 8 : i64, sc.parallel_access}
        %parallel_loop3A_332 = arith.constant 6.400000e-04 : f32
        %parallel_loop3A_333 = vector.broadcast %parallel_loop3A_332 : f32 to vector<16xf32>
        %parallel_loop3A_334 = arith.subf %parallel_loop3A_331#1, %parallel_loop3A_333 : vector<16xf32>
        %parallel_loop3A_335 = arith.constant 0.000000e+00 : f32
        %parallel_loop3A_336 = arith.constant 1.000000e+00 : f32
        %parallel_loop3A_337 = vector.broadcast %parallel_loop3A_335 : f32 to vector<16xf32>
        %parallel_loop3A_338 = arith.maximumf %parallel_loop3A_337, %parallel_loop3A_334 : vector<16xf32>
        %parallel_loop3A_339 = vector.broadcast %parallel_loop3A_336 : f32 to vector<16xf32>
        %parallel_loop3A_340 = arith.minimumf %parallel_loop3A_339, %parallel_loop3A_338 : vector<16xf32>
        tpu.vector_store_idx %arg17[%parallel_loop3A_296, %broadcast_in_dim3A_7], %parallel_loop3A_331#2 : memref<64x4xf32, #tpu.memory_space<vmem>>[vector<16xi32>, vector<16xi32>], vector<16xf32>,
        %parallel_loop3A_341 = arith.constant 1 : i32
        %parallel_loop3A_342 = vector.broadcast %parallel_loop3A_341 : i32 to vector<16xi32>
        %parallel_loop3A_343 = arith.addi %broadcast_in_dim3A_7, %parallel_loop3A_342 : vector<16xi32>
        tpu.vector_store_idx %arg17[%parallel_loop3A_296, %parallel_loop3A_343], %parallel_loop3A_331#3 : memref<64x4xf32, #tpu.memory_space<vmem>>[vector<16xi32>, vector<16xi32>], vector<16xf32>,
        %parallel_loop3A_344 = arith.constant 2 : i32
        %parallel_loop3A_345 = vector.broadcast %parallel_loop3A_344 : i32 to vector<16xi32>
        %parallel_loop3A_346 = arith.addi %broadcast_in_dim3A_7, %parallel_loop3A_345 : vector<16xi32>
        tpu.vector_store_idx %arg17[%parallel_loop3A_296, %parallel_loop3A_346], %parallel_loop3A_331#4 : memref<64x4xf32, #tpu.memory_space<vmem>>[vector<16xi32>, vector<16xi32>], vector<16xf32>,
        %parallel_loop3A_347 = arith.constant 3 : i32
        %parallel_loop3A_348 = vector.broadcast %parallel_loop3A_347 : i32 to vector<16xi32>
        %parallel_loop3A_349 = arith.addi %broadcast_in_dim3A_7, %parallel_loop3A_348 : vector<16xi32>
        tpu.vector_store_idx %arg17[%parallel_loop3A_296, %parallel_loop3A_349], %parallel_loop3A_340 : memref<64x4xf32, #tpu.memory_space<vmem>>[vector<16xi32>, vector<16xi32>], vector<16xf32>,
        %parallel_loop3A_350 = arith.constant 6.400000e+01 : f32
        %parallel_loop3A_351 = vector.broadcast %parallel_loop3A_350 : f32 to vector<16xf32>
        %parallel_loop3A_352 = arith.divf %parallel_loop3A_351, %parallel_loop3A_331#1 : vector<16xf32>
        %parallel_loop3A_353 = arith.constant 0 : i32
        %parallel_loop3A_354 = arith.constant 64 : i32
        %parallel_loop3A_355 = arith.constant 1 : i32
        scf.for %parallel_loop3A_369 = %parallel_loop3A_353 to %parallel_loop3A_354 step %parallel_loop3A_355  : i32 {
          %parallel_loop3A_370 = arith.constant 16 : i32
          %parallel_loop3A_371 = arith.muli %parallel_loop3A_369, %parallel_loop3A_370 : i32
          %parallel_loop3A_372 = arith.addi %parallel_loop3A_298, %parallel_loop3A_371 : i32
          %parallel_loop3A_373 = arith.index_cast %parallel_loop3A_372 : i32 to index
          %parallel_loop3A_374 = tpu.vector_load %arg18[%parallel_loop3A_373] {strides = array<i32>} : memref<4096xf32, #tpu.memory_space<vmem>>, vector<16xf32>,
          %parallel_loop3A_375 = arith.mulf %parallel_loop3A_374, %parallel_loop3A_352 : vector<16xf32>
          %parallel_loop3A_376 = arith.fptosi %parallel_loop3A_375 : vector<16xf32> to vector<16xi32>
          %parallel_loop3A_377 = arith.sitofp %parallel_loop3A_376 : vector<16xi32> to vector<16xf32>
          %parallel_loop3A_378 = arith.cmpf olt, %parallel_loop3A_377, %parallel_loop3A_375 : vector<16xf32>
          %parallel_loop3A_379 = arith.extui %parallel_loop3A_378 : vector<16xi1> to vector<16xi32>
          %parallel_loop3A_380 = arith.addi %parallel_loop3A_376, %parallel_loop3A_379 : vector<16xi32>
          %parallel_loop3A_381 = arith.constant 65 : i32
          %parallel_loop3A_382 = vector.broadcast %parallel_loop3A_381 : i32 to vector<16xi32>
          %parallel_loop3A_383 = arith.minsi %parallel_loop3A_380, %parallel_loop3A_382 : vector<16xi32>
          %parallel_loop3A_384 = arith.constant 16 : i32
          %parallel_loop3A_385 = vector.broadcast %parallel_loop3A_384 : i32 to vector<16xi32>
          %parallel_loop3A_386 = arith.muli %parallel_loop3A_383, %parallel_loop3A_385 : vector<16xi32>
          %parallel_loop3A_387 = vector.broadcast %parallel_loop3A_300 : i32 to vector<16xi32>
          %parallel_loop3A_388 = arith.addi %parallel_loop3A_387, %parallel_loop3A_386 : vector<16xi32>
          %parallel_loop3A_389 = arith.addi %parallel_loop3A_388, %iota3A : vector<16xi32>
          tpu.vector_store_idx %arg19[%parallel_loop3A_389], %broadcast_in_dim3A_5 {add = true} : memref<4224xi32, #tpu.memory_space<vmem>>[vector<16xi32>], vector<16xi32>,
        } {sc.loop_unroll_factor = 8 : i64, sc.parallel_access}
        %parallel_loop3A_356 = arith.index_cast %parallel_loop3A_298 : i32 to index
        %parallel_loop3A_357 = tpu.vector_load %arg18[%parallel_loop3A_356] {strides = array<i32>} : memref<4096xf32, #tpu.memory_space<vmem>>, vector<16xf32>,
        %parallel_loop3A_358 = tpu.vector_load_idx %arg11[%parallel_loop3A_292, %broadcast_in_dim3A_7] : memref<128x64xf32, #tpu.memory_space<vmem>>[vector<16xi32>, vector<16xi32>], vector<16xf32>,
        %parallel_loop3A_359 = arith.constant 63 : i32
        %parallel_loop3A_360 = vector.broadcast %parallel_loop3A_359 : i32 to vector<16xi32>
        %parallel_loop3A_361 = arith.addi %broadcast_in_dim3A_7, %parallel_loop3A_360 : vector<16xi32>
        %parallel_loop3A_362 = tpu.vector_load_idx %arg11[%parallel_loop3A_292, %parallel_loop3A_361] : memref<128x64xf32, #tpu.memory_space<vmem>>[vector<16xi32>, vector<16xi32>], vector<16xf32>,
        %parallel_loop3A_363 = arith.index_cast %parallel_loop3A_300 : i32 to index
        %parallel_loop3A_364 = tpu.vector_load %arg19[%parallel_loop3A_363] {strides = array<i32>} : memref<4224xi32, #tpu.memory_space<vmem>>, vector<16xi32>,
        %parallel_loop3A_365 = arith.constant 1 : i32
        %parallel_loop3A_366 = arith.constant 65 : i32
        %parallel_loop3A_367 = arith.constant 1 : i32
        %parallel_loop3A_368:2 = scf.for %parallel_loop3A_369 = %parallel_loop3A_365 to %parallel_loop3A_366 step %parallel_loop3A_367 iter_args(%parallel_loop3A_370 = %parallel_loop3A_358, %parallel_loop3A_371 = %parallel_loop3A_364) -> (vector<16xf32>, vector<16xi32>)  : i32 {
          %parallel_loop3A_372 = arith.constant 16 : i32
          %parallel_loop3A_373 = arith.muli %parallel_loop3A_369, %parallel_loop3A_372 : i32
          %parallel_loop3A_374 = arith.addi %parallel_loop3A_300, %parallel_loop3A_373 : i32
          %parallel_loop3A_375 = arith.index_cast %parallel_loop3A_374 : i32 to index
          %parallel_loop3A_376 = tpu.vector_load %arg19[%parallel_loop3A_375] {strides = array<i32>} : memref<4224xi32, #tpu.memory_space<vmem>>, vector<16xi32>,
          %parallel_loop3A_377 = arith.addi %parallel_loop3A_371, %parallel_loop3A_376 : vector<16xi32>
          %parallel_loop3A_378 = arith.constant 1 : i32
          %parallel_loop3A_379 = arith.constant 63 : i32
          %parallel_loop3A_380 = vector.broadcast %parallel_loop3A_378 : i32 to vector<16xi32>
          %parallel_loop3A_381 = arith.maxsi %parallel_loop3A_380, %parallel_loop3A_377 : vector<16xi32>
          %parallel_loop3A_382 = vector.broadcast %parallel_loop3A_379 : i32 to vector<16xi32>
          %parallel_loop3A_383 = arith.minsi %parallel_loop3A_382, %parallel_loop3A_381 : vector<16xi32>
          %parallel_loop3A_384 = arith.constant 1 : i32
          %parallel_loop3A_385 = vector.broadcast %parallel_loop3A_384 : i32 to vector<16xi32>
          %parallel_loop3A_386 = arith.subi %parallel_loop3A_383, %parallel_loop3A_385 : vector<16xi32>
          %parallel_loop3A_387 = arith.constant 16 : i32
          %parallel_loop3A_388 = vector.broadcast %parallel_loop3A_387 : i32 to vector<16xi32>
          %parallel_loop3A_389 = arith.muli %parallel_loop3A_386, %parallel_loop3A_388 : vector<16xi32>
          %parallel_loop3A_390 = vector.broadcast %parallel_loop3A_298 : i32 to vector<16xi32>
          %parallel_loop3A_391 = arith.addi %parallel_loop3A_390, %parallel_loop3A_389 : vector<16xi32>
          %parallel_loop3A_392 = arith.addi %parallel_loop3A_391, %iota3A : vector<16xi32>
          %parallel_loop3A_393 = tpu.vector_load_idx %arg18[%parallel_loop3A_392] : memref<4096xf32, #tpu.memory_space<vmem>>[vector<16xi32>], vector<16xf32>,
          %parallel_loop3A_394 = arith.constant 16 : i32
          %parallel_loop3A_395 = vector.broadcast %parallel_loop3A_394 : i32 to vector<16xi32>
          %parallel_loop3A_396 = arith.addi %parallel_loop3A_392, %parallel_loop3A_395 : vector<16xi32>
          %parallel_loop3A_397 = tpu.vector_load_idx %arg18[%parallel_loop3A_396] : memref<4096xf32, #tpu.memory_space<vmem>>[vector<16xi32>], vector<16xf32>,
          %parallel_loop3A_398 = arith.constant 1 : i32
          %parallel_loop3A_399 = vector.broadcast %parallel_loop3A_398 : i32 to vector<16xi32>
          %parallel_loop3A_400 = arith.subi %parallel_loop3A_383, %parallel_loop3A_399 : vector<16xi32>
          %parallel_loop3A_401 = tpu.vector_load_idx %arg11[%parallel_loop3A_292, %parallel_loop3A_400] : memref<128x64xf32, #tpu.memory_space<vmem>>[vector<16xi32>, vector<16xi32>], vector<16xf32>,
          %parallel_loop3A_402 = tpu.vector_load_idx %arg11[%parallel_loop3A_292, %parallel_loop3A_383] : memref<128x64xf32, #tpu.memory_space<vmem>>[vector<16xi32>, vector<16xi32>], vector<16xf32>,
          %parallel_loop3A_403 = arith.sitofp %parallel_loop3A_369 : i32 to f32
          %parallel_loop3A_404 = arith.constant 1.562500e-02 : f32
          %parallel_loop3A_405 = arith.mulf %parallel_loop3A_403, %parallel_loop3A_404 : f32
          %parallel_loop3A_406 = vector.broadcast %parallel_loop3A_405 : f32 to vector<16xf32>
          %parallel_loop3A_407 = arith.mulf %parallel_loop3A_406, %parallel_loop3A_331#1 : vector<16xf32>
          %parallel_loop3A_408 = arith.subf %parallel_loop3A_407, %parallel_loop3A_393 : vector<16xf32>
          %parallel_loop3A_409 = arith.subf %parallel_loop3A_397, %parallel_loop3A_393 : vector<16xf32>
          %parallel_loop3A_410 = arith.divf %parallel_loop3A_408, %parallel_loop3A_409 : vector<16xf32>
          %parallel_loop3A_411 = arith.subf %parallel_loop3A_402, %parallel_loop3A_401 : vector<16xf32>
          %parallel_loop3A_412 = arith.mulf %parallel_loop3A_410, %parallel_loop3A_411 : vector<16xf32>
          %parallel_loop3A_413 = arith.addf %parallel_loop3A_401, %parallel_loop3A_412 : vector<16xf32>
          %parallel_loop3A_414 = arith.cmpf olt, %parallel_loop3A_407, %parallel_loop3A_357 : vector<16xf32>
          %parallel_loop3A_415 = arith.select %parallel_loop3A_414, %parallel_loop3A_358, %parallel_loop3A_413 : vector<16xi1>, vector<16xf32>
          %parallel_loop3A_416 = arith.cmpf oge, %parallel_loop3A_407, %parallel_loop3A_331#1 : vector<16xf32>
          %parallel_loop3A_417 = arith.select %parallel_loop3A_416, %parallel_loop3A_362, %parallel_loop3A_415 : vector<16xi1>, vector<16xf32>
          %parallel_loop3A_418 = arith.addf %parallel_loop3A_370, %parallel_loop3A_417 : vector<16xf32>
          %parallel_loop3A_419 = arith.constant 5.000000e-01 : f32
          %parallel_loop3A_420 = vector.broadcast %parallel_loop3A_419 : f32 to vector<16xf32>
          %parallel_loop3A_421 = arith.mulf %parallel_loop3A_420, %parallel_loop3A_418 : vector<16xf32>
          %parallel_loop3A_422 = arith.constant 1 : i32
          %parallel_loop3A_423 = arith.subi %parallel_loop3A_369, %parallel_loop3A_422 : i32
          %parallel_loop3A_424 = vector.broadcast %parallel_loop3A_423 : i32 to vector<16xi32>
          %parallel_loop3A_425 = arith.addi %broadcast_in_dim3A_7, %parallel_loop3A_424 : vector<16xi32>
          %parallel_loop3A_426 = arith.mulf %parallel_loop3A_421, %parallel_loop3A_319 : vector<16xf32>
          %parallel_loop3A_427 = arith.addf %parallel_loop3A_307, %parallel_loop3A_426 : vector<16xf32>
          tpu.vector_store_idx %arg14[%parallel_loop3A_296, %parallel_loop3A_425], %parallel_loop3A_427 : memref<64x64xf32, #tpu.memory_space<vmem>>[vector<16xi32>, vector<16xi32>], vector<16xf32>,
          %parallel_loop3A_428 = arith.mulf %parallel_loop3A_421, %parallel_loop3A_323 : vector<16xf32>
          %parallel_loop3A_429 = arith.addf %parallel_loop3A_311, %parallel_loop3A_428 : vector<16xf32>
          tpu.vector_store_idx %arg15[%parallel_loop3A_296, %parallel_loop3A_425], %parallel_loop3A_429 : memref<64x64xf32, #tpu.memory_space<vmem>>[vector<16xi32>, vector<16xi32>], vector<16xf32>,
          %parallel_loop3A_430 = arith.mulf %parallel_loop3A_421, %parallel_loop3A_327 : vector<16xf32>
          %parallel_loop3A_431 = arith.addf %parallel_loop3A_315, %parallel_loop3A_430 : vector<16xf32>
          tpu.vector_store_idx %arg16[%parallel_loop3A_296, %parallel_loop3A_425], %parallel_loop3A_431 : memref<64x64xf32, #tpu.memory_space<vmem>>[vector<16xi32>, vector<16xi32>], vector<16xf32>,
          scf.yield %parallel_loop3A_417, %parallel_loop3A_377 : vector<16xf32>, vector<16xi32>
        } {sc.loop_unroll_factor = 8 : i64, sc.parallel_access}
      } {sc.loop_unroll_factor = 2 : i64, sc.parallel_access}
      %mul3A_173 = arith.constant 4096 : i32
      %mul3A_174 = arith.muli %add3A, %mul3A_173 : i32
      %mul3A_175 = arith.constant 64 : i32
      %mul3A_176 = arith.muli %mul3A_123, %mul3A_175 : i32
      %add3A_177 = arith.addi %mul3A_174, %mul3A_176 : i32
      %dma_start3A_178 = arith.constant 0 : i32
      %dma_start3A_179 = tpu.memref_slice %arg6[%add3A_177, %dma_start3A_178] : memref<131072x64xf32, #tpu.memory_space<hbm>> -> memref<64x64xf32, #tpu.memory_space<hbm>>
      %dma_start3A_180 = arith.constant 0 : i32
      %dma_start3A_181 = tpu.memref_slice %arg6[%add3A_177, %dma_start3A_180] : memref<131072x64xf32, #tpu.memory_space<hbm>> -> memref<64x64xf32, #tpu.memory_space<hbm>>
      tpu.enqueue_dma source(%arg14 : memref<64x64xf32, #tpu.memory_space<vmem>>) target(%dma_start3A_181 : memref<64x64xf32, #tpu.memory_space<hbm>>) target_semaphore(%arg22 : memref<!tpu.dma_semaphore, #tpu.memory_space<semaphore_mem>>)
      %dma_start3A_182 = arith.constant 0 : i32
      %dma_start3A_183 = tpu.memref_slice %arg7[%add3A_177, %dma_start3A_182] : memref<131072x64xf32, #tpu.memory_space<hbm>> -> memref<64x64xf32, #tpu.memory_space<hbm>>
      %dma_start3A_184 = arith.constant 0 : i32
      %dma_start3A_185 = tpu.memref_slice %arg7[%add3A_177, %dma_start3A_184] : memref<131072x64xf32, #tpu.memory_space<hbm>> -> memref<64x64xf32, #tpu.memory_space<hbm>>
      tpu.enqueue_dma source(%arg15 : memref<64x64xf32, #tpu.memory_space<vmem>>) target(%dma_start3A_185 : memref<64x64xf32, #tpu.memory_space<hbm>>) target_semaphore(%arg22 : memref<!tpu.dma_semaphore, #tpu.memory_space<semaphore_mem>>)
      %dma_start3A_186 = arith.constant 0 : i32
      %dma_start3A_187 = tpu.memref_slice %arg8[%add3A_177, %dma_start3A_186] : memref<131072x64xf32, #tpu.memory_space<hbm>> -> memref<64x64xf32, #tpu.memory_space<hbm>>
      %dma_start3A_188 = arith.constant 0 : i32
      %dma_start3A_189 = tpu.memref_slice %arg8[%add3A_177, %dma_start3A_188] : memref<131072x64xf32, #tpu.memory_space<hbm>> -> memref<64x64xf32, #tpu.memory_space<hbm>>
      tpu.enqueue_dma source(%arg16 : memref<64x64xf32, #tpu.memory_space<vmem>>) target(%dma_start3A_189 : memref<64x64xf32, #tpu.memory_space<hbm>>) target_semaphore(%arg22 : memref<!tpu.dma_semaphore, #tpu.memory_space<semaphore_mem>>)
      %dma_start3A_190 = arith.constant 0 : i32
      %dma_start3A_191 = tpu.memref_slice %arg9[%add3A_177, %dma_start3A_190] : memref<131072x4xf32, #tpu.memory_space<hbm>> -> memref<64x4xf32, #tpu.memory_space<hbm>>
      %dma_start3A_192 = arith.constant 0 : i32
      %dma_start3A_193 = tpu.memref_slice %arg9[%add3A_177, %dma_start3A_192] : memref<131072x4xf32, #tpu.memory_space<hbm>> -> memref<64x4xf32, #tpu.memory_space<hbm>>
      tpu.enqueue_dma source(%arg17 : memref<64x4xf32, #tpu.memory_space<vmem>>) target(%dma_start3A_193 : memref<64x4xf32, #tpu.memory_space<hbm>>) target_semaphore(%arg22 : memref<!tpu.dma_semaphore, #tpu.memory_space<semaphore_mem>>)
      %add3A_194 = arith.constant 2 : i32
      %add3A_195 = arith.addi %mul3A_123, %add3A_194 : i32
      %lt3A = arith.constant 64 : i32
      %lt3A_196 = arith.cmpi slt, %add3A_195, %lt3A : i32
      %convert_element_type3A_197 = arith.extui %lt3A_196 : i1 to i32
      %cond3A_198 = arith.constant 0 : i32
      %cond3A_199 = arith.cmpi ne, %convert_element_type3A_197, %cond3A_198 : i32
      scf.if %cond3A_199 {
        %add3A_286 = arith.constant 2 : i32
        %add3A_287 = arith.addi %mul3A_123, %add3A_286 : i32
        %mul3A_288 = arith.constant 4096 : i32
        %mul3A_289 = arith.muli %add3A, %mul3A_288 : i32
        %mul3A_290 = arith.constant 64 : i32
        %mul3A_291 = arith.muli %add3A_287, %mul3A_290 : i32
        %add3A_292 = arith.addi %mul3A_289, %mul3A_291 : i32
        %dma_start3A_293 = arith.constant 0 : i32
        %dma_start3A_294 = arith.constant 0 : i32
        %dma_start3A_295 = tpu.memref_slice %arg10[%dma_start3A_293, %dma_start3A_294] : memref<128x64xf32, #tpu.memory_space<vmem>> -> memref<64x64xf32, #tpu.memory_space<vmem>>
        %dma_start3A_296 = arith.constant 0 : i32
        %dma_start3A_297 = tpu.memref_slice %arg2[%add3A_292, %dma_start3A_296] : memref<131072x64xf32, #tpu.memory_space<hbm>> -> memref<64x64xf32, #tpu.memory_space<hbm>>
        %dma_start3A_298 = arith.constant 0 : i32
        %dma_start3A_299 = arith.constant 0 : i32
        %dma_start3A_300 = tpu.memref_slice %arg10[%dma_start3A_298, %dma_start3A_299] : memref<128x64xf32, #tpu.memory_space<vmem>> -> memref<64x64xf32, #tpu.memory_space<vmem>>
        %dma_start3A_301 = arith.constant 0 : i32
        %dma_start3A_302 = tpu.memref_slice %arg2[%add3A_292, %dma_start3A_301] : memref<131072x64xf32, #tpu.memory_space<hbm>> -> memref<64x64xf32, #tpu.memory_space<hbm>>
        tpu.enqueue_dma source(%dma_start3A_302 : memref<64x64xf32, #tpu.memory_space<hbm>>) target(%dma_start3A_300 : memref<64x64xf32, #tpu.memory_space<vmem>>) target_semaphore(%arg20 : memref<!tpu.dma_semaphore, #tpu.memory_space<semaphore_mem>>)
        %dma_start3A_303 = arith.constant 0 : i32
        %dma_start3A_304 = arith.constant 0 : i32
        %dma_start3A_305 = tpu.memref_slice %arg11[%dma_start3A_303, %dma_start3A_304] : memref<128x64xf32, #tpu.memory_space<vmem>> -> memref<64x64xf32, #tpu.memory_space<vmem>>
        %dma_start3A_306 = arith.constant 0 : i32
        %dma_start3A_307 = tpu.memref_slice %arg3[%add3A_292, %dma_start3A_306] : memref<131072x64xf32, #tpu.memory_space<hbm>> -> memref<64x64xf32, #tpu.memory_space<hbm>>
        %dma_start3A_308 = arith.constant 0 : i32
        %dma_start3A_309 = arith.constant 0 : i32
        %dma_start3A_310 = tpu.memref_slice %arg11[%dma_start3A_308, %dma_start3A_309] : memref<128x64xf32, #tpu.memory_space<vmem>> -> memref<64x64xf32, #tpu.memory_space<vmem>>
        %dma_start3A_311 = arith.constant 0 : i32
        %dma_start3A_312 = tpu.memref_slice %arg3[%add3A_292, %dma_start3A_311] : memref<131072x64xf32, #tpu.memory_space<hbm>> -> memref<64x64xf32, #tpu.memory_space<hbm>>
        tpu.enqueue_dma source(%dma_start3A_312 : memref<64x64xf32, #tpu.memory_space<hbm>>) target(%dma_start3A_310 : memref<64x64xf32, #tpu.memory_space<vmem>>) target_semaphore(%arg20 : memref<!tpu.dma_semaphore, #tpu.memory_space<semaphore_mem>>)
        %dma_start3A_313 = arith.constant 0 : i32
        %dma_start3A_314 = arith.constant 0 : i32
        %dma_start3A_315 = tpu.memref_slice %arg12[%dma_start3A_313, %dma_start3A_314] : memref<128x128xf32, #tpu.memory_space<vmem>> -> memref<64x128xf32, #tpu.memory_space<vmem>>
        %dma_start3A_316 = arith.constant 0 : i32
        %dma_start3A_317 = tpu.memref_slice %arg4[%add3A_292, %dma_start3A_316] : memref<131072x128xf32, #tpu.memory_space<hbm>> -> memref<64x128xf32, #tpu.memory_space<hbm>>
        %dma_start3A_318 = arith.constant 0 : i32
        %dma_start3A_319 = arith.constant 0 : i32
        %dma_start3A_320 = tpu.memref_slice %arg12[%dma_start3A_318, %dma_start3A_319] : memref<128x128xf32, #tpu.memory_space<vmem>> -> memref<64x128xf32, #tpu.memory_space<vmem>>
        %dma_start3A_321 = arith.constant 0 : i32
        %dma_start3A_322 = tpu.memref_slice %arg4[%add3A_292, %dma_start3A_321] : memref<131072x128xf32, #tpu.memory_space<hbm>> -> memref<64x128xf32, #tpu.memory_space<hbm>>
        tpu.enqueue_dma source(%dma_start3A_322 : memref<64x128xf32, #tpu.memory_space<hbm>>) target(%dma_start3A_320 : memref<64x128xf32, #tpu.memory_space<vmem>>) target_semaphore(%arg20 : memref<!tpu.dma_semaphore, #tpu.memory_space<semaphore_mem>>)
        %dma_start3A_323 = arith.constant 0 : i32
        %dma_start3A_324 = arith.constant 0 : i32
        %dma_start3A_325 = tpu.memref_slice %arg13[%dma_start3A_323, %dma_start3A_324] : memref<128x128xf32, #tpu.memory_space<vmem>> -> memref<64x128xf32, #tpu.memory_space<vmem>>
        %dma_start3A_326 = arith.constant 0 : i32
        %dma_start3A_327 = tpu.memref_slice %arg5[%add3A_292, %dma_start3A_326] : memref<131072x128xf32, #tpu.memory_space<hbm>> -> memref<64x128xf32, #tpu.memory_space<hbm>>
        %dma_start3A_328 = arith.constant 0 : i32
        %dma_start3A_329 = arith.constant 0 : i32
        %dma_start3A_330 = tpu.memref_slice %arg13[%dma_start3A_328, %dma_start3A_329] : memref<128x128xf32, #tpu.memory_space<vmem>> -> memref<64x128xf32, #tpu.memory_space<vmem>>
        %dma_start3A_331 = arith.constant 0 : i32
        %dma_start3A_332 = tpu.memref_slice %arg5[%add3A_292, %dma_start3A_331] : memref<131072x128xf32, #tpu.memory_space<hbm>> -> memref<64x128xf32, #tpu.memory_space<hbm>>
        tpu.enqueue_dma source(%dma_start3A_332 : memref<64x128xf32, #tpu.memory_space<hbm>>) target(%dma_start3A_330 : memref<64x128xf32, #tpu.memory_space<vmem>>) target_semaphore(%arg20 : memref<!tpu.dma_semaphore, #tpu.memory_space<semaphore_mem>>)
      } else {
      }
      %add3A_200 = arith.constant 1 : i32
      %add3A_201 = arith.addi %mul3A_123, %add3A_200 : i32
      %add3A_202 = arith.constant 1 : i32
      %add3A_203 = arith.addi %mul3A_123, %add3A_202 : i32
      %gt3A_204 = arith.constant 0 : i32
      %gt3A_205 = arith.cmpi sgt, %add3A_203, %gt3A_204 : i32
      %mul3A_206 = arith.constant 4096 : i32
      %mul3A_207 = arith.muli %add3A, %mul3A_206 : i32
      %mul3A_208 = arith.constant 64 : i32
      %mul3A_209 = arith.muli %add3A_201, %mul3A_208 : i32
      %add3A_210 = arith.addi %mul3A_207, %mul3A_209 : i32
      %dma_wait3A_211 = arith.constant 64 : i32
      %dma_wait3A_212 = arith.constant 0 : i32
      %dma_wait3A_213 = tpu.memref_slice %arg10[%dma_wait3A_211, %dma_wait3A_212] : memref<128x64xf32, #tpu.memory_space<vmem>> -> memref<64x64xf32, #tpu.memory_space<vmem>>
      %dma_wait3A_214 = arith.constant 0 : i32
      %dma_wait3A_215 = tpu.memref_slice %arg2[%add3A_210, %dma_wait3A_214] : memref<131072x64xf32, #tpu.memory_space<hbm>> -> memref<64x64xf32, #tpu.memory_space<hbm>>
      %dma_wait3A_216 = arith.constant 64 : i32
      %dma_wait3A_217 = arith.constant 0 : i32
      %dma_wait3A_218 = tpu.memref_slice %arg10[%dma_wait3A_216, %dma_wait3A_217] : memref<128x64xf32, #tpu.memory_space<vmem>> -> memref<64x64xf32, #tpu.memory_space<vmem>>
      %dma_wait3A_219 = arith.constant 0 : i32
      %dma_wait3A_220 = tpu.memref_slice %arg2[%add3A_210, %dma_wait3A_219] : memref<131072x64xf32, #tpu.memory_space<hbm>> -> memref<64x64xf32, #tpu.memory_space<hbm>>
      tpu.wait_dma2 semaphore(%arg21 : memref<!tpu.dma_semaphore, #tpu.memory_space<semaphore_mem>>) src(%dma_wait3A_220 : memref<64x64xf32, #tpu.memory_space<hbm>>) dst(%dma_wait3A_218 : memref<64x64xf32, #tpu.memory_space<vmem>>)
      %dma_wait3A_221 = arith.constant 64 : i32
      %dma_wait3A_222 = arith.constant 0 : i32
      %dma_wait3A_223 = tpu.memref_slice %arg11[%dma_wait3A_221, %dma_wait3A_222] : memref<128x64xf32, #tpu.memory_space<vmem>> -> memref<64x64xf32, #tpu.memory_space<vmem>>
      %dma_wait3A_224 = arith.constant 0 : i32
      %dma_wait3A_225 = tpu.memref_slice %arg3[%add3A_210, %dma_wait3A_224] : memref<131072x64xf32, #tpu.memory_space<hbm>> -> memref<64x64xf32, #tpu.memory_space<hbm>>
      %dma_wait3A_226 = arith.constant 64 : i32
      %dma_wait3A_227 = arith.constant 0 : i32
      %dma_wait3A_228 = tpu.memref_slice %arg11[%dma_wait3A_226, %dma_wait3A_227] : memref<128x64xf32, #tpu.memory_space<vmem>> -> memref<64x64xf32, #tpu.memory_space<vmem>>
      %dma_wait3A_229 = arith.constant 0 : i32
      %dma_wait3A_230 = tpu.memref_slice %arg3[%add3A_210, %dma_wait3A_229] : memref<131072x64xf32, #tpu.memory_space<hbm>> -> memref<64x64xf32, #tpu.memory_space<hbm>>
      tpu.wait_dma2 semaphore(%arg21 : memref<!tpu.dma_semaphore, #tpu.memory_space<semaphore_mem>>) src(%dma_wait3A_230 : memref<64x64xf32, #tpu.memory_space<hbm>>) dst(%dma_wait3A_228 : memref<64x64xf32, #tpu.memory_space<vmem>>)
      %dma_wait3A_231 = arith.constant 64 : i32
      %dma_wait3A_232 = arith.constant 0 : i32
      %dma_wait3A_233 = tpu.memref_slice %arg12[%dma_wait3A_231, %dma_wait3A_232] : memref<128x128xf32, #tpu.memory_space<vmem>> -> memref<64x128xf32, #tpu.memory_space<vmem>>
      %dma_wait3A_234 = arith.constant 0 : i32
      %dma_wait3A_235 = tpu.memref_slice %arg4[%add3A_210, %dma_wait3A_234] : memref<131072x128xf32, #tpu.memory_space<hbm>> -> memref<64x128xf32, #tpu.memory_space<hbm>>
      %dma_wait3A_236 = arith.constant 64 : i32
      %dma_wait3A_237 = arith.constant 0 : i32
      %dma_wait3A_238 = tpu.memref_slice %arg12[%dma_wait3A_236, %dma_wait3A_237] : memref<128x128xf32, #tpu.memory_space<vmem>> -> memref<64x128xf32, #tpu.memory_space<vmem>>
      %dma_wait3A_239 = arith.constant 0 : i32
      %dma_wait3A_240 = tpu.memref_slice %arg4[%add3A_210, %dma_wait3A_239] : memref<131072x128xf32, #tpu.memory_space<hbm>> -> memref<64x128xf32, #tpu.memory_space<hbm>>
      tpu.wait_dma2 semaphore(%arg21 : memref<!tpu.dma_semaphore, #tpu.memory_space<semaphore_mem>>) src(%dma_wait3A_240 : memref<64x128xf32, #tpu.memory_space<hbm>>) dst(%dma_wait3A_238 : memref<64x128xf32, #tpu.memory_space<vmem>>)
      %dma_wait3A_241 = arith.constant 64 : i32
      %dma_wait3A_242 = arith.constant 0 : i32
      %dma_wait3A_243 = tpu.memref_slice %arg13[%dma_wait3A_241, %dma_wait3A_242] : memref<128x128xf32, #tpu.memory_space<vmem>> -> memref<64x128xf32, #tpu.memory_space<vmem>>
      %dma_wait3A_244 = arith.constant 0 : i32
      %dma_wait3A_245 = tpu.memref_slice %arg5[%add3A_210, %dma_wait3A_244] : memref<131072x128xf32, #tpu.memory_space<hbm>> -> memref<64x128xf32, #tpu.memory_space<hbm>>
      %dma_wait3A_246 = arith.constant 64 : i32
      %dma_wait3A_247 = arith.constant 0 : i32
      %dma_wait3A_248 = tpu.memref_slice %arg13[%dma_wait3A_246, %dma_wait3A_247] : memref<128x128xf32, #tpu.memory_space<vmem>> -> memref<64x128xf32, #tpu.memory_space<vmem>>
      %dma_wait3A_249 = arith.constant 0 : i32
      %dma_wait3A_250 = tpu.memref_slice %arg5[%add3A_210, %dma_wait3A_249] : memref<131072x128xf32, #tpu.memory_space<hbm>> -> memref<64x128xf32, #tpu.memory_space<hbm>>
      tpu.wait_dma2 semaphore(%arg21 : memref<!tpu.dma_semaphore, #tpu.memory_space<semaphore_mem>>) src(%dma_wait3A_250 : memref<64x128xf32, #tpu.memory_space<hbm>>) dst(%dma_wait3A_248 : memref<64x128xf32, #tpu.memory_space<vmem>>)
      %convert_element_type3A_251 = arith.extui %gt3A_205 : i1 to i32
      %cond3A_252 = arith.constant 0 : i32
      %cond3A_253 = arith.cmpi ne, %convert_element_type3A_251, %cond3A_252 : i32
      scf.if %cond3A_253 {
        %sub3A = arith.constant 1 : i32
        %sub3A_286 = arith.subi %add3A_201, %sub3A : i32
        %mul3A_287 = arith.constant 4096 : i32
        %mul3A_288 = arith.muli %add3A, %mul3A_287 : i32
        %mul3A_289 = arith.constant 64 : i32
        %mul3A_290 = arith.muli %sub3A_286, %mul3A_289 : i32
        %add3A_291 = arith.addi %mul3A_288, %mul3A_290 : i32
        %dma_wait3A_292 = arith.constant 0 : i32
        %dma_wait3A_293 = tpu.memref_slice %arg6[%add3A_291, %dma_wait3A_292] : memref<131072x64xf32, #tpu.memory_space<hbm>> -> memref<64x64xf32, #tpu.memory_space<hbm>>
        %dma_wait3A_294 = arith.constant 0 : i32
        %dma_wait3A_295 = tpu.memref_slice %arg6[%add3A_291, %dma_wait3A_294] : memref<131072x64xf32, #tpu.memory_space<hbm>> -> memref<64x64xf32, #tpu.memory_space<hbm>>
        tpu.wait_dma2 semaphore(%arg22 : memref<!tpu.dma_semaphore, #tpu.memory_space<semaphore_mem>>) src(%arg14 : memref<64x64xf32, #tpu.memory_space<vmem>>) dst(%dma_wait3A_295 : memref<64x64xf32, #tpu.memory_space<hbm>>)
        %dma_wait3A_296 = arith.constant 0 : i32
        %dma_wait3A_297 = tpu.memref_slice %arg7[%add3A_291, %dma_wait3A_296] : memref<131072x64xf32, #tpu.memory_space<hbm>> -> memref<64x64xf32, #tpu.memory_space<hbm>>
        %dma_wait3A_298 = arith.constant 0 : i32
        %dma_wait3A_299 = tpu.memref_slice %arg7[%add3A_291, %dma_wait3A_298] : memref<131072x64xf32, #tpu.memory_space<hbm>> -> memref<64x64xf32, #tpu.memory_space<hbm>>
        tpu.wait_dma2 semaphore(%arg22 : memref<!tpu.dma_semaphore, #tpu.memory_space<semaphore_mem>>) src(%arg15 : memref<64x64xf32, #tpu.memory_space<vmem>>) dst(%dma_wait3A_299 : memref<64x64xf32, #tpu.memory_space<hbm>>)
        %dma_wait3A_300 = arith.constant 0 : i32
        %dma_wait3A_301 = tpu.memref_slice %arg8[%add3A_291, %dma_wait3A_300] : memref<131072x64xf32, #tpu.memory_space<hbm>> -> memref<64x64xf32, #tpu.memory_space<hbm>>
        %dma_wait3A_302 = arith.constant 0 : i32
        %dma_wait3A_303 = tpu.memref_slice %arg8[%add3A_291, %dma_wait3A_302] : memref<131072x64xf32, #tpu.memory_space<hbm>> -> memref<64x64xf32, #tpu.memory_space<hbm>>
        tpu.wait_dma2 semaphore(%arg22 : memref<!tpu.dma_semaphore, #tpu.memory_space<semaphore_mem>>) src(%arg16 : memref<64x64xf32, #tpu.memory_space<vmem>>) dst(%dma_wait3A_303 : memref<64x64xf32, #tpu.memory_space<hbm>>)
        %dma_wait3A_304 = arith.constant 0 : i32
        %dma_wait3A_305 = tpu.memref_slice %arg9[%add3A_291, %dma_wait3A_304] : memref<131072x4xf32, #tpu.memory_space<hbm>> -> memref<64x4xf32, #tpu.memory_space<hbm>>
        %dma_wait3A_306 = arith.constant 0 : i32
        %dma_wait3A_307 = tpu.memref_slice %arg9[%add3A_291, %dma_wait3A_306] : memref<131072x4xf32, #tpu.memory_space<hbm>> -> memref<64x4xf32, #tpu.memory_space<hbm>>
        tpu.wait_dma2 semaphore(%arg22 : memref<!tpu.dma_semaphore, #tpu.memory_space<semaphore_mem>>) src(%arg17 : memref<64x4xf32, #tpu.memory_space<vmem>>) dst(%dma_wait3A_307 : memref<64x4xf32, #tpu.memory_space<hbm>>)
      } else {
      }
      %parallel_loop3A_254 = arith.constant 0 : i32
      %parallel_loop3A_255 = arith.constant 4 : i32
      %parallel_loop3A_256 = arith.constant 1 : i32
      scf.for %parallel_loop3A_286 = %parallel_loop3A_254 to %parallel_loop3A_255 step %parallel_loop3A_256  : i32 {
        %parallel_loop3A_287 = arith.constant 16 : i32
        %parallel_loop3A_288 = arith.muli %parallel_loop3A_286, %parallel_loop3A_287 : i32
        %parallel_loop3A_289 = arith.constant 64 : i32
        %parallel_loop3A_290 = arith.addi %parallel_loop3A_289, %parallel_loop3A_288 : i32
        %parallel_loop3A_291 = vector.broadcast %parallel_loop3A_290 : i32 to vector<16xi32>
        %parallel_loop3A_292 = arith.addi %parallel_loop3A_291, %iota3A : vector<16xi32>
        %parallel_loop3A_293 = arith.constant 16 : i32
        %parallel_loop3A_294 = arith.muli %parallel_loop3A_286, %parallel_loop3A_293 : i32
        %parallel_loop3A_295 = vector.broadcast %parallel_loop3A_294 : i32 to vector<16xi32>
        %parallel_loop3A_296 = arith.addi %parallel_loop3A_295, %iota3A : vector<16xi32>
        %parallel_loop3A_297 = arith.constant 1024 : i32
        %parallel_loop3A_298 = arith.muli %parallel_loop3A_286, %parallel_loop3A_297 : i32
        %parallel_loop3A_299 = arith.constant 1056 : i32
        %parallel_loop3A_300 = arith.muli %parallel_loop3A_286, %parallel_loop3A_299 : i32
        %parallel_loop3A_301 = arith.constant 0 : i32
        %parallel_loop3A_302 = arith.constant 66 : i32
        %parallel_loop3A_303 = arith.constant 1 : i32
        scf.for %parallel_loop3A_369 = %parallel_loop3A_301 to %parallel_loop3A_302 step %parallel_loop3A_303  : i32 {
          %parallel_loop3A_370 = arith.constant 16 : i32
          %parallel_loop3A_371 = arith.muli %parallel_loop3A_369, %parallel_loop3A_370 : i32
          %parallel_loop3A_372 = arith.addi %parallel_loop3A_300, %parallel_loop3A_371 : i32
          %parallel_loop3A_373 = arith.index_cast %parallel_loop3A_372 : i32 to index
          %parallel_loop3A_374 = tpu.vector_load %arg19[%parallel_loop3A_373] {strides = array<i32>} : memref<4224xi32, #tpu.memory_space<vmem>>, vector<16xi32>,
          tpu.vector_store %arg19[%parallel_loop3A_373], %broadcast_in_dim3A_7 {strides = array<i32>} : memref<4224xi32, #tpu.memory_space<vmem>>, vector<16xi32>,
        } {sc.loop_unroll_factor = 8 : i64, sc.parallel_access}
        %parallel_loop3A_304 = arith.constant 64 : i32
        %parallel_loop3A_305 = vector.broadcast %parallel_loop3A_304 : i32 to vector<16xi32>
        %parallel_loop3A_306 = arith.addi %broadcast_in_dim3A_7, %parallel_loop3A_305 : vector<16xi32>
        %parallel_loop3A_307 = tpu.vector_load_idx %arg13[%parallel_loop3A_292, %parallel_loop3A_306] : memref<128x128xf32, #tpu.memory_space<vmem>>[vector<16xi32>, vector<16xi32>], vector<16xf32>,
        %parallel_loop3A_308 = arith.constant 1 : i32
        %parallel_loop3A_309 = vector.broadcast %parallel_loop3A_308 : i32 to vector<16xi32>
        %parallel_loop3A_310 = arith.addi %parallel_loop3A_306, %parallel_loop3A_309 : vector<16xi32>
        %parallel_loop3A_311 = tpu.vector_load_idx %arg13[%parallel_loop3A_292, %parallel_loop3A_310] : memref<128x128xf32, #tpu.memory_space<vmem>>[vector<16xi32>, vector<16xi32>], vector<16xf32>,
        %parallel_loop3A_312 = arith.constant 2 : i32
        %parallel_loop3A_313 = vector.broadcast %parallel_loop3A_312 : i32 to vector<16xi32>
        %parallel_loop3A_314 = arith.addi %parallel_loop3A_306, %parallel_loop3A_313 : vector<16xi32>
        %parallel_loop3A_315 = tpu.vector_load_idx %arg13[%parallel_loop3A_292, %parallel_loop3A_314] : memref<128x128xf32, #tpu.memory_space<vmem>>[vector<16xi32>, vector<16xi32>], vector<16xf32>,
        %parallel_loop3A_316 = arith.constant 3 : i32
        %parallel_loop3A_317 = vector.broadcast %parallel_loop3A_316 : i32 to vector<16xi32>
        %parallel_loop3A_318 = arith.addi %parallel_loop3A_306, %parallel_loop3A_317 : vector<16xi32>
        %parallel_loop3A_319 = tpu.vector_load_idx %arg13[%parallel_loop3A_292, %parallel_loop3A_318] : memref<128x128xf32, #tpu.memory_space<vmem>>[vector<16xi32>, vector<16xi32>], vector<16xf32>,
        %parallel_loop3A_320 = arith.constant 4 : i32
        %parallel_loop3A_321 = vector.broadcast %parallel_loop3A_320 : i32 to vector<16xi32>
        %parallel_loop3A_322 = arith.addi %parallel_loop3A_306, %parallel_loop3A_321 : vector<16xi32>
        %parallel_loop3A_323 = tpu.vector_load_idx %arg13[%parallel_loop3A_292, %parallel_loop3A_322] : memref<128x128xf32, #tpu.memory_space<vmem>>[vector<16xi32>, vector<16xi32>], vector<16xf32>,
        %parallel_loop3A_324 = arith.constant 5 : i32
        %parallel_loop3A_325 = vector.broadcast %parallel_loop3A_324 : i32 to vector<16xi32>
        %parallel_loop3A_326 = arith.addi %parallel_loop3A_306, %parallel_loop3A_325 : vector<16xi32>
        %parallel_loop3A_327 = tpu.vector_load_idx %arg13[%parallel_loop3A_292, %parallel_loop3A_326] : memref<128x128xf32, #tpu.memory_space<vmem>>[vector<16xi32>, vector<16xi32>], vector<16xf32>,
        %parallel_loop3A_328 = arith.constant 0 : i32
        %parallel_loop3A_329 = arith.constant 64 : i32
        %parallel_loop3A_330 = arith.constant 1 : i32
        %parallel_loop3A_331:5 = scf.for %parallel_loop3A_369 = %parallel_loop3A_328 to %parallel_loop3A_329 step %parallel_loop3A_330 iter_args(%parallel_loop3A_370 = %broadcast_in_dim3A_3, %parallel_loop3A_371 = %broadcast_in_dim3A_1, %parallel_loop3A_372 = %broadcast_in_dim3A_1, %parallel_loop3A_373 = %broadcast_in_dim3A_1, %parallel_loop3A_374 = %broadcast_in_dim3A_1) -> (vector<16xf32>, vector<16xf32>, vector<16xf32>, vector<16xf32>, vector<16xf32>)  : i32 {
          %parallel_loop3A_375 = vector.broadcast %parallel_loop3A_369 : i32 to vector<16xi32>
          %parallel_loop3A_376 = arith.addi %broadcast_in_dim3A_7, %parallel_loop3A_375 : vector<16xi32>
          %parallel_loop3A_377 = tpu.vector_load_idx %arg10[%parallel_loop3A_292, %parallel_loop3A_376] : memref<128x64xf32, #tpu.memory_space<vmem>>[vector<16xi32>, vector<16xi32>], vector<16xf32>,
          %parallel_loop3A_378 = arith.mulf %parallel_loop3A_377, %parallel_loop3A_370 : vector<16xf32>
          %parallel_loop3A_379 = arith.constant 1.000000e+00 : f32
          %parallel_loop3A_380 = vector.broadcast %parallel_loop3A_379 : f32 to vector<16xf32>
          %parallel_loop3A_381 = arith.subf %parallel_loop3A_380, %parallel_loop3A_377 : vector<16xf32>
          %parallel_loop3A_382 = arith.mulf %parallel_loop3A_370, %parallel_loop3A_381 : vector<16xf32>
          %parallel_loop3A_383 = arith.constant 9.99999974E-6 : f32
          %parallel_loop3A_384 = vector.broadcast %parallel_loop3A_383 : f32 to vector<16xf32>
          %parallel_loop3A_385 = arith.addf %parallel_loop3A_378, %parallel_loop3A_384 : vector<16xf32>
          %parallel_loop3A_386 = arith.addf %parallel_loop3A_371, %parallel_loop3A_385 : vector<16xf32>
          %parallel_loop3A_387 = arith.constant 16 : i32
          %parallel_loop3A_388 = arith.muli %parallel_loop3A_369, %parallel_loop3A_387 : i32
          %parallel_loop3A_389 = arith.addi %parallel_loop3A_298, %parallel_loop3A_388 : i32
          %parallel_loop3A_390 = arith.index_cast %parallel_loop3A_389 : i32 to index
          %parallel_loop3A_391 = tpu.vector_load %arg18[%parallel_loop3A_390] {strides = array<i32>} : memref<4096xf32, #tpu.memory_space<vmem>>, vector<16xf32>,
          tpu.vector_store %arg18[%parallel_loop3A_390], %parallel_loop3A_386 {strides = array<i32>} : memref<4096xf32, #tpu.memory_space<vmem>>, vector<16xf32>,
          %parallel_loop3A_392 = vector.broadcast %parallel_loop3A_369 : i32 to vector<16xi32>
          %parallel_loop3A_393 = arith.addi %broadcast_in_dim3A_7, %parallel_loop3A_392 : vector<16xi32>
          %parallel_loop3A_394 = tpu.vector_load_idx %arg12[%parallel_loop3A_292, %parallel_loop3A_393] : memref<128x128xf32, #tpu.memory_space<vmem>>[vector<16xi32>, vector<16xi32>], vector<16xf32>,
          %parallel_loop3A_395 = arith.mulf %parallel_loop3A_378, %parallel_loop3A_394 : vector<16xf32>
          %parallel_loop3A_396 = arith.addf %parallel_loop3A_372, %parallel_loop3A_395 : vector<16xf32>
          %parallel_loop3A_397 = arith.constant 64 : i32
          %parallel_loop3A_398 = vector.broadcast %parallel_loop3A_397 : i32 to vector<16xi32>
          %parallel_loop3A_399 = arith.addi %parallel_loop3A_393, %parallel_loop3A_398 : vector<16xi32>
          %parallel_loop3A_400 = tpu.vector_load_idx %arg12[%parallel_loop3A_292, %parallel_loop3A_399] : memref<128x128xf32, #tpu.memory_space<vmem>>[vector<16xi32>, vector<16xi32>], vector<16xf32>,
          %parallel_loop3A_401 = arith.mulf %parallel_loop3A_378, %parallel_loop3A_400 : vector<16xf32>
          %parallel_loop3A_402 = arith.addf %parallel_loop3A_373, %parallel_loop3A_401 : vector<16xf32>
          %parallel_loop3A_403 = tpu.vector_load_idx %arg13[%parallel_loop3A_292, %parallel_loop3A_393] : memref<128x128xf32, #tpu.memory_space<vmem>>[vector<16xi32>, vector<16xi32>], vector<16xf32>,
          %parallel_loop3A_404 = arith.mulf %parallel_loop3A_378, %parallel_loop3A_403 : vector<16xf32>
          %parallel_loop3A_405 = arith.addf %parallel_loop3A_374, %parallel_loop3A_404 : vector<16xf32>
          scf.yield %parallel_loop3A_382, %parallel_loop3A_386, %parallel_loop3A_396, %parallel_loop3A_402, %parallel_loop3A_405 : vector<16xf32>, vector<16xf32>, vector<16xf32>, vector<16xf32>, vector<16xf32>
        } {sc.loop_unroll_factor = 8 : i64, sc.parallel_access}
        %parallel_loop3A_332 = arith.constant 6.400000e-04 : f32
        %parallel_loop3A_333 = vector.broadcast %parallel_loop3A_332 : f32 to vector<16xf32>
        %parallel_loop3A_334 = arith.subf %parallel_loop3A_331#1, %parallel_loop3A_333 : vector<16xf32>
        %parallel_loop3A_335 = arith.constant 0.000000e+00 : f32
        %parallel_loop3A_336 = arith.constant 1.000000e+00 : f32
        %parallel_loop3A_337 = vector.broadcast %parallel_loop3A_335 : f32 to vector<16xf32>
        %parallel_loop3A_338 = arith.maximumf %parallel_loop3A_337, %parallel_loop3A_334 : vector<16xf32>
        %parallel_loop3A_339 = vector.broadcast %parallel_loop3A_336 : f32 to vector<16xf32>
        %parallel_loop3A_340 = arith.minimumf %parallel_loop3A_339, %parallel_loop3A_338 : vector<16xf32>
        tpu.vector_store_idx %arg17[%parallel_loop3A_296, %broadcast_in_dim3A_7], %parallel_loop3A_331#2 : memref<64x4xf32, #tpu.memory_space<vmem>>[vector<16xi32>, vector<16xi32>], vector<16xf32>,
        %parallel_loop3A_341 = arith.constant 1 : i32
        %parallel_loop3A_342 = vector.broadcast %parallel_loop3A_341 : i32 to vector<16xi32>
        %parallel_loop3A_343 = arith.addi %broadcast_in_dim3A_7, %parallel_loop3A_342 : vector<16xi32>
        tpu.vector_store_idx %arg17[%parallel_loop3A_296, %parallel_loop3A_343], %parallel_loop3A_331#3 : memref<64x4xf32, #tpu.memory_space<vmem>>[vector<16xi32>, vector<16xi32>], vector<16xf32>,
        %parallel_loop3A_344 = arith.constant 2 : i32
        %parallel_loop3A_345 = vector.broadcast %parallel_loop3A_344 : i32 to vector<16xi32>
        %parallel_loop3A_346 = arith.addi %broadcast_in_dim3A_7, %parallel_loop3A_345 : vector<16xi32>
        tpu.vector_store_idx %arg17[%parallel_loop3A_296, %parallel_loop3A_346], %parallel_loop3A_331#4 : memref<64x4xf32, #tpu.memory_space<vmem>>[vector<16xi32>, vector<16xi32>], vector<16xf32>,
        %parallel_loop3A_347 = arith.constant 3 : i32
        %parallel_loop3A_348 = vector.broadcast %parallel_loop3A_347 : i32 to vector<16xi32>
        %parallel_loop3A_349 = arith.addi %broadcast_in_dim3A_7, %parallel_loop3A_348 : vector<16xi32>
        tpu.vector_store_idx %arg17[%parallel_loop3A_296, %parallel_loop3A_349], %parallel_loop3A_340 : memref<64x4xf32, #tpu.memory_space<vmem>>[vector<16xi32>, vector<16xi32>], vector<16xf32>,
        %parallel_loop3A_350 = arith.constant 6.400000e+01 : f32
        %parallel_loop3A_351 = vector.broadcast %parallel_loop3A_350 : f32 to vector<16xf32>
        %parallel_loop3A_352 = arith.divf %parallel_loop3A_351, %parallel_loop3A_331#1 : vector<16xf32>
        %parallel_loop3A_353 = arith.constant 0 : i32
        %parallel_loop3A_354 = arith.constant 64 : i32
        %parallel_loop3A_355 = arith.constant 1 : i32
        scf.for %parallel_loop3A_369 = %parallel_loop3A_353 to %parallel_loop3A_354 step %parallel_loop3A_355  : i32 {
          %parallel_loop3A_370 = arith.constant 16 : i32
          %parallel_loop3A_371 = arith.muli %parallel_loop3A_369, %parallel_loop3A_370 : i32
          %parallel_loop3A_372 = arith.addi %parallel_loop3A_298, %parallel_loop3A_371 : i32
          %parallel_loop3A_373 = arith.index_cast %parallel_loop3A_372 : i32 to index
          %parallel_loop3A_374 = tpu.vector_load %arg18[%parallel_loop3A_373] {strides = array<i32>} : memref<4096xf32, #tpu.memory_space<vmem>>, vector<16xf32>,
          %parallel_loop3A_375 = arith.mulf %parallel_loop3A_374, %parallel_loop3A_352 : vector<16xf32>
          %parallel_loop3A_376 = arith.fptosi %parallel_loop3A_375 : vector<16xf32> to vector<16xi32>
          %parallel_loop3A_377 = arith.sitofp %parallel_loop3A_376 : vector<16xi32> to vector<16xf32>
          %parallel_loop3A_378 = arith.cmpf olt, %parallel_loop3A_377, %parallel_loop3A_375 : vector<16xf32>
          %parallel_loop3A_379 = arith.extui %parallel_loop3A_378 : vector<16xi1> to vector<16xi32>
          %parallel_loop3A_380 = arith.addi %parallel_loop3A_376, %parallel_loop3A_379 : vector<16xi32>
          %parallel_loop3A_381 = arith.constant 65 : i32
          %parallel_loop3A_382 = vector.broadcast %parallel_loop3A_381 : i32 to vector<16xi32>
          %parallel_loop3A_383 = arith.minsi %parallel_loop3A_380, %parallel_loop3A_382 : vector<16xi32>
          %parallel_loop3A_384 = arith.constant 16 : i32
          %parallel_loop3A_385 = vector.broadcast %parallel_loop3A_384 : i32 to vector<16xi32>
          %parallel_loop3A_386 = arith.muli %parallel_loop3A_383, %parallel_loop3A_385 : vector<16xi32>
          %parallel_loop3A_387 = vector.broadcast %parallel_loop3A_300 : i32 to vector<16xi32>
          %parallel_loop3A_388 = arith.addi %parallel_loop3A_387, %parallel_loop3A_386 : vector<16xi32>
          %parallel_loop3A_389 = arith.addi %parallel_loop3A_388, %iota3A : vector<16xi32>
          tpu.vector_store_idx %arg19[%parallel_loop3A_389], %broadcast_in_dim3A_5 {add = true} : memref<4224xi32, #tpu.memory_space<vmem>>[vector<16xi32>], vector<16xi32>,
        } {sc.loop_unroll_factor = 8 : i64, sc.parallel_access}
        %parallel_loop3A_356 = arith.index_cast %parallel_loop3A_298 : i32 to index
        %parallel_loop3A_357 = tpu.vector_load %arg18[%parallel_loop3A_356] {strides = array<i32>} : memref<4096xf32, #tpu.memory_space<vmem>>, vector<16xf32>,
        %parallel_loop3A_358 = tpu.vector_load_idx %arg11[%parallel_loop3A_292, %broadcast_in_dim3A_7] : memref<128x64xf32, #tpu.memory_space<vmem>>[vector<16xi32>, vector<16xi32>], vector<16xf32>,
        %parallel_loop3A_359 = arith.constant 63 : i32
        %parallel_loop3A_360 = vector.broadcast %parallel_loop3A_359 : i32 to vector<16xi32>
        %parallel_loop3A_361 = arith.addi %broadcast_in_dim3A_7, %parallel_loop3A_360 : vector<16xi32>
        %parallel_loop3A_362 = tpu.vector_load_idx %arg11[%parallel_loop3A_292, %parallel_loop3A_361] : memref<128x64xf32, #tpu.memory_space<vmem>>[vector<16xi32>, vector<16xi32>], vector<16xf32>,
        %parallel_loop3A_363 = arith.index_cast %parallel_loop3A_300 : i32 to index
        %parallel_loop3A_364 = tpu.vector_load %arg19[%parallel_loop3A_363] {strides = array<i32>} : memref<4224xi32, #tpu.memory_space<vmem>>, vector<16xi32>,
        %parallel_loop3A_365 = arith.constant 1 : i32
        %parallel_loop3A_366 = arith.constant 65 : i32
        %parallel_loop3A_367 = arith.constant 1 : i32
        %parallel_loop3A_368:2 = scf.for %parallel_loop3A_369 = %parallel_loop3A_365 to %parallel_loop3A_366 step %parallel_loop3A_367 iter_args(%parallel_loop3A_370 = %parallel_loop3A_358, %parallel_loop3A_371 = %parallel_loop3A_364) -> (vector<16xf32>, vector<16xi32>)  : i32 {
          %parallel_loop3A_372 = arith.constant 16 : i32
          %parallel_loop3A_373 = arith.muli %parallel_loop3A_369, %parallel_loop3A_372 : i32
          %parallel_loop3A_374 = arith.addi %parallel_loop3A_300, %parallel_loop3A_373 : i32
          %parallel_loop3A_375 = arith.index_cast %parallel_loop3A_374 : i32 to index
          %parallel_loop3A_376 = tpu.vector_load %arg19[%parallel_loop3A_375] {strides = array<i32>} : memref<4224xi32, #tpu.memory_space<vmem>>, vector<16xi32>,
          %parallel_loop3A_377 = arith.addi %parallel_loop3A_371, %parallel_loop3A_376 : vector<16xi32>
          %parallel_loop3A_378 = arith.constant 1 : i32
          %parallel_loop3A_379 = arith.constant 63 : i32
          %parallel_loop3A_380 = vector.broadcast %parallel_loop3A_378 : i32 to vector<16xi32>
          %parallel_loop3A_381 = arith.maxsi %parallel_loop3A_380, %parallel_loop3A_377 : vector<16xi32>
          %parallel_loop3A_382 = vector.broadcast %parallel_loop3A_379 : i32 to vector<16xi32>
          %parallel_loop3A_383 = arith.minsi %parallel_loop3A_382, %parallel_loop3A_381 : vector<16xi32>
          %parallel_loop3A_384 = arith.constant 1 : i32
          %parallel_loop3A_385 = vector.broadcast %parallel_loop3A_384 : i32 to vector<16xi32>
          %parallel_loop3A_386 = arith.subi %parallel_loop3A_383, %parallel_loop3A_385 : vector<16xi32>
          %parallel_loop3A_387 = arith.constant 16 : i32
          %parallel_loop3A_388 = vector.broadcast %parallel_loop3A_387 : i32 to vector<16xi32>
          %parallel_loop3A_389 = arith.muli %parallel_loop3A_386, %parallel_loop3A_388 : vector<16xi32>
          %parallel_loop3A_390 = vector.broadcast %parallel_loop3A_298 : i32 to vector<16xi32>
          %parallel_loop3A_391 = arith.addi %parallel_loop3A_390, %parallel_loop3A_389 : vector<16xi32>
          %parallel_loop3A_392 = arith.addi %parallel_loop3A_391, %iota3A : vector<16xi32>
          %parallel_loop3A_393 = tpu.vector_load_idx %arg18[%parallel_loop3A_392] : memref<4096xf32, #tpu.memory_space<vmem>>[vector<16xi32>], vector<16xf32>,
          %parallel_loop3A_394 = arith.constant 16 : i32
          %parallel_loop3A_395 = vector.broadcast %parallel_loop3A_394 : i32 to vector<16xi32>
          %parallel_loop3A_396 = arith.addi %parallel_loop3A_392, %parallel_loop3A_395 : vector<16xi32>
          %parallel_loop3A_397 = tpu.vector_load_idx %arg18[%parallel_loop3A_396] : memref<4096xf32, #tpu.memory_space<vmem>>[vector<16xi32>], vector<16xf32>,
          %parallel_loop3A_398 = arith.constant 1 : i32
          %parallel_loop3A_399 = vector.broadcast %parallel_loop3A_398 : i32 to vector<16xi32>
          %parallel_loop3A_400 = arith.subi %parallel_loop3A_383, %parallel_loop3A_399 : vector<16xi32>
          %parallel_loop3A_401 = tpu.vector_load_idx %arg11[%parallel_loop3A_292, %parallel_loop3A_400] : memref<128x64xf32, #tpu.memory_space<vmem>>[vector<16xi32>, vector<16xi32>], vector<16xf32>,
          %parallel_loop3A_402 = tpu.vector_load_idx %arg11[%parallel_loop3A_292, %parallel_loop3A_383] : memref<128x64xf32, #tpu.memory_space<vmem>>[vector<16xi32>, vector<16xi32>], vector<16xf32>,
          %parallel_loop3A_403 = arith.sitofp %parallel_loop3A_369 : i32 to f32
          %parallel_loop3A_404 = arith.constant 1.562500e-02 : f32
          %parallel_loop3A_405 = arith.mulf %parallel_loop3A_403, %parallel_loop3A_404 : f32
          %parallel_loop3A_406 = vector.broadcast %parallel_loop3A_405 : f32 to vector<16xf32>
          %parallel_loop3A_407 = arith.mulf %parallel_loop3A_406, %parallel_loop3A_331#1 : vector<16xf32>
          %parallel_loop3A_408 = arith.subf %parallel_loop3A_407, %parallel_loop3A_393 : vector<16xf32>
          %parallel_loop3A_409 = arith.subf %parallel_loop3A_397, %parallel_loop3A_393 : vector<16xf32>
          %parallel_loop3A_410 = arith.divf %parallel_loop3A_408, %parallel_loop3A_409 : vector<16xf32>
          %parallel_loop3A_411 = arith.subf %parallel_loop3A_402, %parallel_loop3A_401 : vector<16xf32>
          %parallel_loop3A_412 = arith.mulf %parallel_loop3A_410, %parallel_loop3A_411 : vector<16xf32>
          %parallel_loop3A_413 = arith.addf %parallel_loop3A_401, %parallel_loop3A_412 : vector<16xf32>
          %parallel_loop3A_414 = arith.cmpf olt, %parallel_loop3A_407, %parallel_loop3A_357 : vector<16xf32>
          %parallel_loop3A_415 = arith.select %parallel_loop3A_414, %parallel_loop3A_358, %parallel_loop3A_413 : vector<16xi1>, vector<16xf32>
          %parallel_loop3A_416 = arith.cmpf oge, %parallel_loop3A_407, %parallel_loop3A_331#1 : vector<16xf32>
          %parallel_loop3A_417 = arith.select %parallel_loop3A_416, %parallel_loop3A_362, %parallel_loop3A_415 : vector<16xi1>, vector<16xf32>
          %parallel_loop3A_418 = arith.addf %parallel_loop3A_370, %parallel_loop3A_417 : vector<16xf32>
          %parallel_loop3A_419 = arith.constant 5.000000e-01 : f32
          %parallel_loop3A_420 = vector.broadcast %parallel_loop3A_419 : f32 to vector<16xf32>
          %parallel_loop3A_421 = arith.mulf %parallel_loop3A_420, %parallel_loop3A_418 : vector<16xf32>
          %parallel_loop3A_422 = arith.constant 1 : i32
          %parallel_loop3A_423 = arith.subi %parallel_loop3A_369, %parallel_loop3A_422 : i32
          %parallel_loop3A_424 = vector.broadcast %parallel_loop3A_423 : i32 to vector<16xi32>
          %parallel_loop3A_425 = arith.addi %broadcast_in_dim3A_7, %parallel_loop3A_424 : vector<16xi32>
          %parallel_loop3A_426 = arith.mulf %parallel_loop3A_421, %parallel_loop3A_319 : vector<16xf32>
          %parallel_loop3A_427 = arith.addf %parallel_loop3A_307, %parallel_loop3A_426 : vector<16xf32>
          tpu.vector_store_idx %arg14[%parallel_loop3A_296, %parallel_loop3A_425], %parallel_loop3A_427 : memref<64x64xf32, #tpu.memory_space<vmem>>[vector<16xi32>, vector<16xi32>], vector<16xf32>,
          %parallel_loop3A_428 = arith.mulf %parallel_loop3A_421, %parallel_loop3A_323 : vector<16xf32>
          %parallel_loop3A_429 = arith.addf %parallel_loop3A_311, %parallel_loop3A_428 : vector<16xf32>
          tpu.vector_store_idx %arg15[%parallel_loop3A_296, %parallel_loop3A_425], %parallel_loop3A_429 : memref<64x64xf32, #tpu.memory_space<vmem>>[vector<16xi32>, vector<16xi32>], vector<16xf32>,
          %parallel_loop3A_430 = arith.mulf %parallel_loop3A_421, %parallel_loop3A_327 : vector<16xf32>
          %parallel_loop3A_431 = arith.addf %parallel_loop3A_315, %parallel_loop3A_430 : vector<16xf32>
          tpu.vector_store_idx %arg16[%parallel_loop3A_296, %parallel_loop3A_425], %parallel_loop3A_431 : memref<64x64xf32, #tpu.memory_space<vmem>>[vector<16xi32>, vector<16xi32>], vector<16xf32>,
          scf.yield %parallel_loop3A_417, %parallel_loop3A_377 : vector<16xf32>, vector<16xi32>
        } {sc.loop_unroll_factor = 8 : i64, sc.parallel_access}
      } {sc.loop_unroll_factor = 2 : i64, sc.parallel_access}
      %mul3A_257 = arith.constant 4096 : i32
      %mul3A_258 = arith.muli %add3A, %mul3A_257 : i32
      %mul3A_259 = arith.constant 64 : i32
      %mul3A_260 = arith.muli %add3A_201, %mul3A_259 : i32
      %add3A_261 = arith.addi %mul3A_258, %mul3A_260 : i32
      %dma_start3A_262 = arith.constant 0 : i32
      %dma_start3A_263 = tpu.memref_slice %arg6[%add3A_261, %dma_start3A_262] : memref<131072x64xf32, #tpu.memory_space<hbm>> -> memref<64x64xf32, #tpu.memory_space<hbm>>
      %dma_start3A_264 = arith.constant 0 : i32
      %dma_start3A_265 = tpu.memref_slice %arg6[%add3A_261, %dma_start3A_264] : memref<131072x64xf32, #tpu.memory_space<hbm>> -> memref<64x64xf32, #tpu.memory_space<hbm>>
      tpu.enqueue_dma source(%arg14 : memref<64x64xf32, #tpu.memory_space<vmem>>) target(%dma_start3A_265 : memref<64x64xf32, #tpu.memory_space<hbm>>) target_semaphore(%arg22 : memref<!tpu.dma_semaphore, #tpu.memory_space<semaphore_mem>>)
      %dma_start3A_266 = arith.constant 0 : i32
      %dma_start3A_267 = tpu.memref_slice %arg7[%add3A_261, %dma_start3A_266] : memref<131072x64xf32, #tpu.memory_space<hbm>> -> memref<64x64xf32, #tpu.memory_space<hbm>>
      %dma_start3A_268 = arith.constant 0 : i32
      %dma_start3A_269 = tpu.memref_slice %arg7[%add3A_261, %dma_start3A_268] : memref<131072x64xf32, #tpu.memory_space<hbm>> -> memref<64x64xf32, #tpu.memory_space<hbm>>
      tpu.enqueue_dma source(%arg15 : memref<64x64xf32, #tpu.memory_space<vmem>>) target(%dma_start3A_269 : memref<64x64xf32, #tpu.memory_space<hbm>>) target_semaphore(%arg22 : memref<!tpu.dma_semaphore, #tpu.memory_space<semaphore_mem>>)
      %dma_start3A_270 = arith.constant 0 : i32
      %dma_start3A_271 = tpu.memref_slice %arg8[%add3A_261, %dma_start3A_270] : memref<131072x64xf32, #tpu.memory_space<hbm>> -> memref<64x64xf32, #tpu.memory_space<hbm>>
      %dma_start3A_272 = arith.constant 0 : i32
      %dma_start3A_273 = tpu.memref_slice %arg8[%add3A_261, %dma_start3A_272] : memref<131072x64xf32, #tpu.memory_space<hbm>> -> memref<64x64xf32, #tpu.memory_space<hbm>>
      tpu.enqueue_dma source(%arg16 : memref<64x64xf32, #tpu.memory_space<vmem>>) target(%dma_start3A_273 : memref<64x64xf32, #tpu.memory_space<hbm>>) target_semaphore(%arg22 : memref<!tpu.dma_semaphore, #tpu.memory_space<semaphore_mem>>)
      %dma_start3A_274 = arith.constant 0 : i32
      %dma_start3A_275 = tpu.memref_slice %arg9[%add3A_261, %dma_start3A_274] : memref<131072x4xf32, #tpu.memory_space<hbm>> -> memref<64x4xf32, #tpu.memory_space<hbm>>
      %dma_start3A_276 = arith.constant 0 : i32
      %dma_start3A_277 = tpu.memref_slice %arg9[%add3A_261, %dma_start3A_276] : memref<131072x4xf32, #tpu.memory_space<hbm>> -> memref<64x4xf32, #tpu.memory_space<hbm>>
      tpu.enqueue_dma source(%arg17 : memref<64x4xf32, #tpu.memory_space<vmem>>) target(%dma_start3A_277 : memref<64x4xf32, #tpu.memory_space<hbm>>) target_semaphore(%arg22 : memref<!tpu.dma_semaphore, #tpu.memory_space<semaphore_mem>>)
      %add3A_278 = arith.constant 2 : i32
      %add3A_279 = arith.addi %add3A_201, %add3A_278 : i32
      %lt3A_280 = arith.constant 64 : i32
      %lt3A_281 = arith.cmpi slt, %add3A_279, %lt3A_280 : i32
      %convert_element_type3A_282 = arith.extui %lt3A_281 : i1 to i32
      %cond3A_283 = arith.constant 0 : i32
      %cond3A_284 = arith.cmpi ne, %convert_element_type3A_282, %cond3A_283 : i32
      scf.if %cond3A_284 {
        %add3A_286 = arith.constant 2 : i32
        %add3A_287 = arith.addi %add3A_201, %add3A_286 : i32
        %mul3A_288 = arith.constant 4096 : i32
        %mul3A_289 = arith.muli %add3A, %mul3A_288 : i32
        %mul3A_290 = arith.constant 64 : i32
        %mul3A_291 = arith.muli %add3A_287, %mul3A_290 : i32
        %add3A_292 = arith.addi %mul3A_289, %mul3A_291 : i32
        %dma_start3A_293 = arith.constant 64 : i32
        %dma_start3A_294 = arith.constant 0 : i32
        %dma_start3A_295 = tpu.memref_slice %arg10[%dma_start3A_293, %dma_start3A_294] : memref<128x64xf32, #tpu.memory_space<vmem>> -> memref<64x64xf32, #tpu.memory_space<vmem>>
        %dma_start3A_296 = arith.constant 0 : i32
        %dma_start3A_297 = tpu.memref_slice %arg2[%add3A_292, %dma_start3A_296] : memref<131072x64xf32, #tpu.memory_space<hbm>> -> memref<64x64xf32, #tpu.memory_space<hbm>>
        %dma_start3A_298 = arith.constant 64 : i32
        %dma_start3A_299 = arith.constant 0 : i32
        %dma_start3A_300 = tpu.memref_slice %arg10[%dma_start3A_298, %dma_start3A_299] : memref<128x64xf32, #tpu.memory_space<vmem>> -> memref<64x64xf32, #tpu.memory_space<vmem>>
        %dma_start3A_301 = arith.constant 0 : i32
        %dma_start3A_302 = tpu.memref_slice %arg2[%add3A_292, %dma_start3A_301] : memref<131072x64xf32, #tpu.memory_space<hbm>> -> memref<64x64xf32, #tpu.memory_space<hbm>>
        tpu.enqueue_dma source(%dma_start3A_302 : memref<64x64xf32, #tpu.memory_space<hbm>>) target(%dma_start3A_300 : memref<64x64xf32, #tpu.memory_space<vmem>>) target_semaphore(%arg21 : memref<!tpu.dma_semaphore, #tpu.memory_space<semaphore_mem>>)
        %dma_start3A_303 = arith.constant 64 : i32
        %dma_start3A_304 = arith.constant 0 : i32
        %dma_start3A_305 = tpu.memref_slice %arg11[%dma_start3A_303, %dma_start3A_304] : memref<128x64xf32, #tpu.memory_space<vmem>> -> memref<64x64xf32, #tpu.memory_space<vmem>>
        %dma_start3A_306 = arith.constant 0 : i32
        %dma_start3A_307 = tpu.memref_slice %arg3[%add3A_292, %dma_start3A_306] : memref<131072x64xf32, #tpu.memory_space<hbm>> -> memref<64x64xf32, #tpu.memory_space<hbm>>
        %dma_start3A_308 = arith.constant 64 : i32
        %dma_start3A_309 = arith.constant 0 : i32
        %dma_start3A_310 = tpu.memref_slice %arg11[%dma_start3A_308, %dma_start3A_309] : memref<128x64xf32, #tpu.memory_space<vmem>> -> memref<64x64xf32, #tpu.memory_space<vmem>>
        %dma_start3A_311 = arith.constant 0 : i32
        %dma_start3A_312 = tpu.memref_slice %arg3[%add3A_292, %dma_start3A_311] : memref<131072x64xf32, #tpu.memory_space<hbm>> -> memref<64x64xf32, #tpu.memory_space<hbm>>
        tpu.enqueue_dma source(%dma_start3A_312 : memref<64x64xf32, #tpu.memory_space<hbm>>) target(%dma_start3A_310 : memref<64x64xf32, #tpu.memory_space<vmem>>) target_semaphore(%arg21 : memref<!tpu.dma_semaphore, #tpu.memory_space<semaphore_mem>>)
        %dma_start3A_313 = arith.constant 64 : i32
        %dma_start3A_314 = arith.constant 0 : i32
        %dma_start3A_315 = tpu.memref_slice %arg12[%dma_start3A_313, %dma_start3A_314] : memref<128x128xf32, #tpu.memory_space<vmem>> -> memref<64x128xf32, #tpu.memory_space<vmem>>
        %dma_start3A_316 = arith.constant 0 : i32
        %dma_start3A_317 = tpu.memref_slice %arg4[%add3A_292, %dma_start3A_316] : memref<131072x128xf32, #tpu.memory_space<hbm>> -> memref<64x128xf32, #tpu.memory_space<hbm>>
        %dma_start3A_318 = arith.constant 64 : i32
        %dma_start3A_319 = arith.constant 0 : i32
        %dma_start3A_320 = tpu.memref_slice %arg12[%dma_start3A_318, %dma_start3A_319] : memref<128x128xf32, #tpu.memory_space<vmem>> -> memref<64x128xf32, #tpu.memory_space<vmem>>
        %dma_start3A_321 = arith.constant 0 : i32
        %dma_start3A_322 = tpu.memref_slice %arg4[%add3A_292, %dma_start3A_321] : memref<131072x128xf32, #tpu.memory_space<hbm>> -> memref<64x128xf32, #tpu.memory_space<hbm>>
        tpu.enqueue_dma source(%dma_start3A_322 : memref<64x128xf32, #tpu.memory_space<hbm>>) target(%dma_start3A_320 : memref<64x128xf32, #tpu.memory_space<vmem>>) target_semaphore(%arg21 : memref<!tpu.dma_semaphore, #tpu.memory_space<semaphore_mem>>)
        %dma_start3A_323 = arith.constant 64 : i32
        %dma_start3A_324 = arith.constant 0 : i32
        %dma_start3A_325 = tpu.memref_slice %arg13[%dma_start3A_323, %dma_start3A_324] : memref<128x128xf32, #tpu.memory_space<vmem>> -> memref<64x128xf32, #tpu.memory_space<vmem>>
        %dma_start3A_326 = arith.constant 0 : i32
        %dma_start3A_327 = tpu.memref_slice %arg5[%add3A_292, %dma_start3A_326] : memref<131072x128xf32, #tpu.memory_space<hbm>> -> memref<64x128xf32, #tpu.memory_space<hbm>>
        %dma_start3A_328 = arith.constant 64 : i32
        %dma_start3A_329 = arith.constant 0 : i32
        %dma_start3A_330 = tpu.memref_slice %arg13[%dma_start3A_328, %dma_start3A_329] : memref<128x128xf32, #tpu.memory_space<vmem>> -> memref<64x128xf32, #tpu.memory_space<vmem>>
        %dma_start3A_331 = arith.constant 0 : i32
        %dma_start3A_332 = tpu.memref_slice %arg5[%add3A_292, %dma_start3A_331] : memref<131072x128xf32, #tpu.memory_space<hbm>> -> memref<64x128xf32, #tpu.memory_space<hbm>>
        tpu.enqueue_dma source(%dma_start3A_332 : memref<64x128xf32, #tpu.memory_space<hbm>>) target(%dma_start3A_330 : memref<64x128xf32, #tpu.memory_space<vmem>>) target_semaphore(%arg21 : memref<!tpu.dma_semaphore, #tpu.memory_space<semaphore_mem>>)
      } else {
      }
      %scan3A_285 = arith.constant 0 : i32
      scf.yield %scan3A_285 : i32
    }
    %scan3A_100 = arith.constant 32 : i32
    %mul3A_101 = arith.constant 4096 : i32
    %mul3A_102 = arith.muli %add3A, %mul3A_101 : i32
    %add3A_103 = arith.constant 4032 : i32
    %add3A_104 = arith.addi %mul3A_102, %add3A_103 : i32
    %dma_wait3A = arith.constant 0 : i32
    %dma_wait3A_105 = tpu.memref_slice %arg6[%add3A_104, %dma_wait3A] : memref<131072x64xf32, #tpu.memory_space<hbm>> -> memref<64x64xf32, #tpu.memory_space<hbm>>
    %dma_wait3A_106 = arith.constant 0 : i32
    %dma_wait3A_107 = tpu.memref_slice %arg6[%add3A_104, %dma_wait3A_106] : memref<131072x64xf32, #tpu.memory_space<hbm>> -> memref<64x64xf32, #tpu.memory_space<hbm>>
    tpu.wait_dma2 semaphore(%arg22 : memref<!tpu.dma_semaphore, #tpu.memory_space<semaphore_mem>>) src(%arg14 : memref<64x64xf32, #tpu.memory_space<vmem>>) dst(%dma_wait3A_107 : memref<64x64xf32, #tpu.memory_space<hbm>>)
    %dma_wait3A_108 = arith.constant 0 : i32
    %dma_wait3A_109 = tpu.memref_slice %arg7[%add3A_104, %dma_wait3A_108] : memref<131072x64xf32, #tpu.memory_space<hbm>> -> memref<64x64xf32, #tpu.memory_space<hbm>>
    %dma_wait3A_110 = arith.constant 0 : i32
    %dma_wait3A_111 = tpu.memref_slice %arg7[%add3A_104, %dma_wait3A_110] : memref<131072x64xf32, #tpu.memory_space<hbm>> -> memref<64x64xf32, #tpu.memory_space<hbm>>
    tpu.wait_dma2 semaphore(%arg22 : memref<!tpu.dma_semaphore, #tpu.memory_space<semaphore_mem>>) src(%arg15 : memref<64x64xf32, #tpu.memory_space<vmem>>) dst(%dma_wait3A_111 : memref<64x64xf32, #tpu.memory_space<hbm>>)
    %dma_wait3A_112 = arith.constant 0 : i32
    %dma_wait3A_113 = tpu.memref_slice %arg8[%add3A_104, %dma_wait3A_112] : memref<131072x64xf32, #tpu.memory_space<hbm>> -> memref<64x64xf32, #tpu.memory_space<hbm>>
    %dma_wait3A_114 = arith.constant 0 : i32
    %dma_wait3A_115 = tpu.memref_slice %arg8[%add3A_104, %dma_wait3A_114] : memref<131072x64xf32, #tpu.memory_space<hbm>> -> memref<64x64xf32, #tpu.memory_space<hbm>>
    tpu.wait_dma2 semaphore(%arg22 : memref<!tpu.dma_semaphore, #tpu.memory_space<semaphore_mem>>) src(%arg16 : memref<64x64xf32, #tpu.memory_space<vmem>>) dst(%dma_wait3A_115 : memref<64x64xf32, #tpu.memory_space<hbm>>)
    %dma_wait3A_116 = arith.constant 0 : i32
    %dma_wait3A_117 = tpu.memref_slice %arg9[%add3A_104, %dma_wait3A_116] : memref<131072x4xf32, #tpu.memory_space<hbm>> -> memref<64x4xf32, #tpu.memory_space<hbm>>
    %dma_wait3A_118 = arith.constant 0 : i32
    %dma_wait3A_119 = tpu.memref_slice %arg9[%add3A_104, %dma_wait3A_118] : memref<131072x4xf32, #tpu.memory_space<hbm>> -> memref<64x4xf32, #tpu.memory_space<hbm>>
    tpu.wait_dma2 semaphore(%arg22 : memref<!tpu.dma_semaphore, #tpu.memory_space<semaphore_mem>>) src(%arg17 : memref<64x4xf32, #tpu.memory_space<vmem>>) dst(%dma_wait3A_119 : memref<64x4xf32, #tpu.memory_space<hbm>>)
    return
  }
}

</mosaic_0001>

<sc_bundles>
// kernel: kernel.3.cloned.1.call-start
scs
__scs_entry_jumppad:
0x0: {  	(pc) =	sbr.rel $0x88, $3  }
0x1: {  	(tag) =	ssettag $0x0;
	lr =	simm.s32 $0x1  }
0x2: {  	[smem:$0x3F9C] =	sst lr;
	_ =	strace $0xD0000000  }
0x3: {  	_ = 	snop  }
0x4: {  	_ = 	snop  }
0x5: {  	_ = 	snop  }
0x6: {  	_ = 	snop  }
0x7: {  	_ = 	snop  }
__scs_overlays_trampoline_lowered:
0x8: {  	[smem:$0x3FAB] =	sst s0  }
0x9: {  	[smem:$0x3FAC] =	sst s1  }
0xa: {  	[smem:$0x3FAD] =	sst s2  }
0xb: {  	[smem:$0x3FAE] =	sst s3  }
0xc: {  	[smem:$0x3FAF] =	sst s4  }
0xd: {  	[smem:$0x3FB0] =	sst s5  }
0xe: {  	[smem:$0x3FB1] =	sst s6  }
0xf: {  	[smem:$0x3FB2] =	sst s7  }
0x10: {  	[smem:$0x3FB3] =	sst s8  }
0x11: {  	[smem:$0x3FB4] =	sst s9;
	s0 =	simm.s32 @!p0 $0x0  }
0x12: {  	s1 =	sld [smem:$0x3F9A];
	s0 =	simm.s32 @p0 $0x1  }
0x13: {  	[smem:$0x3FB5] =	sst s0;
	s0 =	simm.s32 @!p1 $0x0  }
0x14: {  	s2 =	sld [smem:$0x3F99];
	s0 =	simm.s32 @p1 $0x1  }
0x15: {  	[smem:$0x3FB6] =	sst s0;
	s0 =	simm.s32 @!p2 $0x0  }
0x16: {  	s3 =	sld [smem:$0x3FDB];
	s0 =	simm.s32 @p2 $0x1  }
0x17: {  	s4 =	simm.s32 $0x1BF5;
	[smem:$0x3FB8] =	sst s0  }
0x18: {  	s0 =	sld [smem:$0x3F9B];
	_ =	swait.ge [sflag:s4], $0x0  }
0x19: {  	s7 =	sld [smem:$0x3F9C]  }
0x1a: {  	s8 =	sadd.s32 $0xFFFFE003, lr  }
0x1b: {  	s9 =	sadd.s32 $0xFFFFFEF7, lr;
	s5 =	simm.s32 $0xFFFFFFFF;
	p2 =	slt.u32 s8, $0xFFFFF086  }
0x1c: {  	p1 =	slt.u32 s9, $0xF7A;
	s5 =	simm.s32 @!p2 $0x0  }
0x1d: {  	s5 =	simm.s32 @p1 $0x1;
	p0 =	seq.s32 s7, s2  }
0x1e: {  	s7 =	smul.u32 @!p0 $0xF7A, s2;
	p2 =	seq.s32 @!p0 s5, $0x0  }
0x1f: {  	s9 =	smul.u32 $0xF7A, s1;
	s8 =	simm.s32 @!p0 $0x1BF5;
	p2 =	por !p2, p0  }
0x20: {  	[sflag:s8] =	ssyncset.s32 @!p0 $0xFFFFF086;
	s6 =	sadd.s32 @!p0 s3, s7;
	s7 =	simm.s32 @!p0 $0x108  }
0x21: {  	s3 =	sadd.s32 s3, s9;
	s6 =	sadd.s32 @!p0 $0x88, s6;
	s7 =	simm.s32 @p2 $0x1082  }
0x22: {  	[simem:s7], [sflag:s8] =	dma.local @!p0 [hbm:s6], $0xF7A  }
0x23: {  	s9 =	sor.u32 $0xD0000000, s2;
	s6 =	simm.s32 $0x108;
	_ =	swait.ge @!p0 [sflag:s8], $0x0  }
0x24: {  	s3 =	sadd.s32 $0x88, s3;
	s6 =	simm.s32 @!p1 $0x1082;
	[sflag:s4] =	ssyncset.s32 $0xFFFFF086  }
0x25: {  	[simem:s6], [sflag:s4] =	dma.local [hbm:s3], $0xF7A  }
0x26: {  	[smem:$0x3F9C] =	sst s1;
	(tag) =	ssettag s2;
	_ =	strace s9  }
0x27: {  	s1 =	sld [smem:$0x3FAC]  }
0x28: {  	s2 =	sld [smem:$0x3FAD]  }
0x29: {  	s4 =	sld [smem:$0x3FAF]  }
0x2a: {  	p0 =	seq.s32 s5, $0x0;
	s5 =	sld [smem:$0x3FB0]  }
0x2b: {  	s6 =	sld [smem:$0x3FB1]  }
0x2c: {  	s7 =	sld [smem:$0x3FB2]  }
0x2d: {  	s3 =	simm.s32 $0x108;
	s8 =	sld [smem:$0x3FB3]  }
0x2e: {  	s3 =	simm.s32 @!p0 $0x1082;
	s9 =	sld [smem:$0x3FB4]  }
0x2f: {  	lr =	sadd.s32 s0, s3;
	s0 =	sld [smem:$0x3FAB]  }
0x30: {  	s3 =	sld [smem:$0x3FAE]  }
0x31: {  	[smem:$0x3FB7] =	sst s10  }
0x32: {  	s10 =	sld [smem:$0x3FB5];
	_ =	sdelay $0x3  }
0x33: {  	p0 =	seq.s32 s10, $0x1;
	s10 =	sld [smem:$0x3FB7];
	_ =	sdelay $0x3  }
0x34: {  	[smem:$0x3FB7] =	sst s10  }
0x35: {  	s10 =	sld [smem:$0x3FB6];
	_ =	sdelay $0x3  }
0x36: {  	p1 =	seq.s32 s10, $0x1;
	s10 =	sld [smem:$0x3FB7];
	_ =	sdelay $0x3  }
0x37: {  	[smem:$0x3FB7] =	sst s10  }
0x38: {  	s10 =	sld [smem:$0x3FB8]  }
0x39: {  	_ = 	snop;
	(pc) =	sbr.ind lr, $3  }
0x3a: {  	_ = 	snop  }
0x3b: {  	_ = 	snop  }
0x3c: {  	p2 =	seq.s32 s10, $0x1;
	s10 =	sld [smem:$0x3FB7]  }
0x3d: {  	_ =	shalt  }
0x3e: {  	_ =	shalt  }
0x3f: {  	_ =	shalt  }
0x40: {  	_ =	shalt  }
0x41: {  	_ =	shalt  }
0x42: {  	_ =	shalt  }
0x43: {  	_ =	shalt  }
0x44: {  	_ =	shalt  }
0x45: {  	_ =	shalt  }
0x46: {  	_ =	shalt  }
0x47: {  	_ =	shalt  }
0x48: {  	_ =	shalt  }
0x49: {  	_ =	shalt  }
0x4a: {  	_ =	shalt  }
0x4b: {  	_ =	shalt  }
0x4c: {  	_ =	shalt  }
0x4d: {  	_ =	shalt  }
0x4e: {  	_ =	shalt  }
0x4f: {  	_ =	shalt  }
0x50: {  	_ =	shalt  }
0x51: {  	_ =	shalt  }
0x52: {  	_ =	shalt  }
0x53: {  	_ =	shalt  }
0x54: {  	_ =	shalt  }
0x55: {  	_ =	shalt  }
0x56: {  	_ =	shalt  }
0x57: {  	_ =	shalt  }
0x58: {  	_ =	shalt  }
0x59: {  	_ =	shalt  }
0x5a: {  	_ =	shalt  }
0x5b: {  	_ =	shalt  }
0x5c: {  	_ =	shalt  }
0x5d: {  	_ =	shalt  }
0x5e: {  	_ =	shalt  }
0x5f: {  	_ =	shalt  }
0x60: {  	_ =	shalt  }
0x61: {  	_ =	shalt  }
0x62: {  	_ =	shalt  }
0x63: {  	_ =	shalt  }
0x64: {  	_ =	shalt  }
0x65: {  	_ =	shalt  }
0x66: {  	_ =	shalt  }
0x67: {  	_ =	shalt  }
0x68: {  	_ =	shalt  }
0x69: {  	_ =	shalt  }
0x6a: {  	_ =	shalt  }
0x6b: {  	_ =	shalt  }
0x6c: {  	_ =	shalt  }
0x6d: {  	_ =	shalt  }
0x6e: {  	_ =	shalt  }
0x6f: {  	_ =	shalt  }
0x70: {  	_ =	shalt  }
0x71: {  	_ =	shalt  }
0x72: {  	_ =	shalt  }
0x73: {  	_ =	shalt  }
0x74: {  	_ =	shalt  }
0x75: {  	_ =	shalt  }
0x76: {  	_ =	shalt  }
0x77: {  	_ =	shalt  }
0x78: {  	_ =	shalt  }
0x79: {  	_ =	shalt  }
0x7a: {  	_ =	shalt  }
0x7b: {  	_ =	shalt  }
0x7c: {  	_ =	shalt  }
0x7d: {  	_ =	shalt  }
0x7e: {  	_ =	shalt  }
0x7f: {  	_ =	shalt  }
0x80: {  	_ =	shalt  }
0x81: {  	_ =	shalt  }
0x82: {  	_ =	shalt  }
0x83: {  	_ =	shalt  }
0x84: {  	_ =	shalt  }
0x85: {  	_ =	shalt  }
0x86: {  	_ =	shalt  }
0x87: {  	_ =	shalt  }
.Lfunc_end0:
.L_simem_size_0:
called_computation.1_lowered:
.L_overlay_start_0:
0x88: {  	s2 =	sld [smem:$0x3FD9]  }
0x89: {  	s3 =	sld [smem:$0x3FFE];
	_ =	sdelay $0x1  }
0x8a: {  	s1 =	srdreg.scid  }
0x8b: {  	s0 =	sand.u32 $0x1, s1  }
0x8c: {  	s17 =	sshll.u32 s0, $0xA;
	s2 =	sadd.s32 s3, s2  }
0x8d: {  	s2 =	sadd.s32 s2, s17  }
0x8e: {  	[smem:$0x3FC3] =	sst s2  }
0x8f: {  	_ = 	snop  }
0x90: {  	s2 =	sld [smem:$0x3FD0];
	(tm) =	ssettm $0x1  }
0x91: {  	s18 =	sld [smem:$0x3FFB];
	_ =	sdelay $0x3  }
0x92: {  	_ =	strace s18  }
0x93: {  	s3 =	sld [smem:$0x3FFC];
	_ =	sdelay $0x3  }
0x94: {  	_ =	strace s3  }
0x95: {  	s3 =	sld [smem:$0x3FFD];
	_ =	sdelay $0x3  }
0x96: {  	_ =	strace s3  }
0x97: {  	_ =	strace $0x8FFFFFFF  }
0x98: {  	s19 =	sld [smem:$0x3FDB];
	_ =	sdelay $0x1  }
0x99: {  	s4 =	simm.s32 $_scs_section_size  }
0x9a: {  	s5 =	simm.s32 $_size__tile_overlayer_lowered;
	s6 =	simm.s32 $_tile_overlayer_lowered  }
0x9b: {  	s22 =	simm.s32 $0x1BFF;
	s21 =	sshll.u32 s6, $0x1;
	s3 =	sadd.s32 s4, s19  }
0x9c: {  	s7 =	simm.s32 $0x0;
	s20 =	sshll.u32 s5, $0x1;
	s5 =	sadd.s32 s21, s3  }
0x9d: {  	[timem:s7], [sflag:s22] =	dma.local [hbm:s5], s20  }
0x9e: {  	_ =	swait.ge [sflag:s22], s20  }
0x9f: {  	s4 =	ssub.s32 $0x0, s20;
	[sflag:s22] =	ssyncset.done $0x0  }
0xa0: {  	[sflag:s22] =	ssyncadd.s32 s4;
	_ =	sdelay $0x1  }
0xa1: {  	s23 =	simm.s32 $0x1B8B  }
0xa2: {  	_ =	swait.ge [sflag:s23], $0x1  }
0xa3: {  	[sflag:s23] =	ssyncset.done $0x0  }
0xa4: {  	s25 =	simm.s32 $0x1B8E;
	s24 =	sld [smem:$0x3FFE];
	[sflag:s23] =	ssyncadd.s32 $0xFFFFFFFF  }
0xa5: {  	s26 =	simm.s32 $execute0_lowered;
	[smem:$0x3FD2] =	sst s25  }
0xa6: {  	s5 =	sshll.u32 s26, $0x1;
	_ =	strace $0x80000046;
	[dreg:$0x1] =	wrdreg $0xFFFFFFFF  }
0xa7: {  	s28 =	simm.s32 $_size_execute0_lowered;
	s3 =	sadd.s32 s3, s5;
	[dreg:$0x0] =	wrdreg $0x0  }
0xa8: {  	s5 =	sshll.u32 s28, $0x1;
	[dreg:$0x2] =	wrdreg s3  }
0xa9: {  	[dreg:$0x3] =	wrdreg s5  }
0xaa: {  	[dreg:$0x4] =	wrdreg $0xC0  }
0xab: {  	_ =	task [dreg:s7], $0x5FFFF  }
0xac: {  	[dreg:$0x1] =	wrdreg $0xFFFFFFFF  }
0xad: {  	[dreg:$0x0] =	wrdreg $0x60  }
0xae: {  	[dreg:$0x2] =	wrdreg s2  }
0xaf: {  	[dreg:$0x3] =	wrdreg s24  }
0xb0: {  	[dreg:$0x4] =	wrdreg $0x9  }
0xb1: {  	_ =	task.clear_ibuf [dreg:s7], $0x5FFFF;
	_ =	strace $0x90000046  }
0xb2: {  	s29 =	simm.s32 $0x9;
	_ =	strace $0x80000048  }
0xb3: {  	_ =	swait.ge [sflag:s29], $0x1  }
0xb4: {  	[sflag:s29] =	ssyncadd.s32 $0xFFFFFFFF  }
0xb5: {  	_ =	strace $0x90000048  }
0xb6: {  	_ =	sfence  }
0xb7: {  	s30 =	sld [smem:$0x0];
	_ =	sdelay $0x2  }
0xb8: {  	s31 =	sshll.u32 s1, $0xD;
	s1 =	sshrl.u32 s1, $0x2  }
0xb9: {  	s3 =	sand.u32 $0x4000, s31;
	s1 =	sadd.s32 s1, s30  }
0xba: {  	s0 =	sor.u32 s3, s0;
	s1 =	sshll.u32 s1, $0x11  }
0xbb: {  	s0 =	sor.u32 s1, s0  }
0xbc: {  	s0 =	sadd.s32 $0x8F2B, s0  }
0xbd: {  	[sflag:s0] =	ssyncadd.remote.s32 $0x1  }
0xbe: {  	_ =	sfence.sel $0xFFFF  }
0xbf: {  	[dreg:$0x0] =	wrdreg $0xFFFFFFFF;
	(pc) =	sbr.abs _section_cstart, $3  }
0xc0: {  	[dreg:$0x1] =	wrdreg $0xFFFFFFFF  }
0xc1: {  	_ =	task.clear_ibuf [dreg:s7], $0x2FFFF;
	_ =	strace $0x9FFFFFFF  }
0xc2: {  	(tm) =	ssettm $0x7FFFFFFF  }
0xc3: {  	_ =	shalt  }
tec
execute0_lowered:
.L_overlay_start_1:
0x0: {  	(tag) =	ssettag $0x1  }
0x1: {  	s5 =	rddreg [dreg:$0x0]  }
0x2: {  	s0 =	rddreg [dreg:$0x1];
	s2 =	simm.s32 $0x0;
	s19 =	srdreg.scid  }
0x3: {  	[smem:$0x7FF] =	sst s2;
	s6 =	sadd.s32 $0xE00, s0;
	s1 =	sadd.s32 $0x400E00, s0  }
0x4: {  	s18 =	sadd.s32 $0x600E00, s0;
	_ =	strace $0x80000047;
	[dreg:$0x6] =	wrdreg s1  }
0x5: {  	s7 =	sadd.s32 $0xD00E00, s0;
	s3 =	sadd.s32 $0x800E00, s0;
	[dreg:$0x7] =	wrdreg s18  }
0x6: {  	s8 =	sadd.s32 $0xB00E00, s0;
	s0 =	sadd.s32 $0x200E00, s0;
	[dreg:$0x8] =	wrdreg s3  }
0x7: {  	s4 =	stileid.u32;
	[dreg:$0x9] =	wrdreg s0  }
0x8: {  	s4 =	sshll.u32 s4, $0x11;
	s1 =	sand.u32 $0x1, s19;
	[dreg:$0x3] =	wrdreg s6  }
0x9: {  	[dreg:$0x4] =	wrdreg s7;
	s20 =	ssub.s32 $0x2, s1;
	s1 =	sshll.u32 s1, $0x10  }
0xa: {  	[dreg:$0x5] =	wrdreg s8;
	s1 =	sor.u32 s1, s4  }
0xb: {  	s12 =	simm.s32 $0x19000;
	s22 =	sadd.s32 s5, s1;
	[dreg:$0xa] =	wrdreg s1  }
0xc: {  	s13 =	simm.s32 $0x18000;
	s23 =	sadd.s32 s6, s1;
	[dreg:$0xb] =	wrdreg s22  }
0xd: {  	s14 =	simm.s32 $0x10000;
	s24 =	sadd.s32 s7, s1;
	[dreg:$0xc] =	wrdreg s23  }
0xe: {  	s15 =	simm.s32 $0x12000;
	s25 =	sadd.s32 s8, s1;
	[dreg:$0xd] =	wrdreg s24  }
0xf: {  	s17 =	simm.s32 $0x14000;
	s26 =	sor.u32 $0x400, s1;
	[dreg:$0xe] =	wrdreg s25  }
0x10: {  	s19 =	simm.s32 $0x3;
	s31 =	sor.u32 $0x800, s1;
	[dreg:$0xf] =	wrdreg s26  }
0x11: {  	s21 =	sshrl.u32 s20, $0x1;
	s1 =	sor.u32 $0xC00, s1;
	[dreg:$0x14] =	wrdreg s31  }
0x12: {  	s0 =	ssub.s32 s20, s21;
	s28 =	sadd.s32 s5, s26;
	[dreg:$0x15] =	wrdreg s1  }
.Ltmp0:
0x13: {  	s29 =	sadd.s32 s6, s26;
	[dreg:$0x10] =	wrdreg s28;
	(pc) =	sbr.rel .LBB2_1-.Ltmp0, $4  }
0x14: {  	s30 =	sadd.s32 s7, s26;
	s3 =	sadd.s32 s8, s26;
	[dreg:$0x11] =	wrdreg s29  }
0x15: {  	s0 =	smax.u32 s0, $0x1;
	s24 =	simm.s32 $0x4000;
	[dreg:$0x12] =	wrdreg s30  }
0x16: {  	v0 =	vlaneseq.u32;
	s25 =	simm.s32 $0x8000;
	s26 =	simm.s32 $0xC000;
	[dreg:$0x13] =	wrdreg s3  }
0x17: {  	v1 =	vimm.s32 $0x0;
	v3 =	vimm.s32 $0x1;
	v2 =	vmul.u32 $0x80, v0;
	s6 =	simm.s32 $0x16000;
	s1 =	simm.s32 $0x0;
	[dreg:$0x16] =	wrdreg s0  }
.LBB2_48:
0x18: {  	_ =	swait.ge [sflag:s19], $0x2000  }
0x19: {  	[sflag:s19] =	ssyncset.done $0x0  }
0x1a: {  	[sflag:s19] =	ssyncadd.s32 $0xFFFFE000  }
0x1b: {  	_ =	swait.ge [sflag:s19], $0x2000  }
0x1c: {  	[sflag:s19] =	ssyncset.done $0x0  }
0x1d: {  	[sflag:s19] =	ssyncadd.s32 $0xFFFFE000  }
0x1e: {  	_ =	swait.ge [sflag:s19], $0x2000  }
0x1f: {  	[sflag:s19] =	ssyncset.done $0x0  }
0x20: {  	[sflag:s19] =	ssyncadd.s32 $0xFFFFE000  }
0x21: {  	_ =	swait.ge [sflag:s19], $0x2000  }
0x22: {  	s1 =	rddreg [dreg:$0x17]  }
0x23: {  	s0 =	rddreg [dreg:$0x16];
	s1 =	sadd.s32 $0x1, s1  }
0x24: {  	p0 =	sne.s32 s1, s0  }
.Ltmp1:
0x25: {  	_ = 	snop;
	(pc) =	sbr.rel @!p0 .LBB2_49-.Ltmp1, $3  }
0x26: {  	_ =	sdelay $0x1  }
0x27: {  	[sflag:s19] =	ssyncset.done $0x0  }
0x28: {  	[sflag:s19] =	ssyncadd.s32 $0xFFFFE000  }
.LBB2_1:
0x29: {  	[dreg:$0x17] =	wrdreg s1  }
0x2a: {  	s0 =	rddreg [dreg:$0xb]  }
0x2b: {  	[tilespmem:s2], [sflag:$0x1] =	stream.linear.gather [hbm4b:s0+s2], $0x2000, $0x38;
	[tilespmem:$0x1A080] =	vst v63  }
0x2c: {  	s11 =	rddreg [dreg:$0xc]  }
0x2d: {  	[tilespmem:s24], [sflag:$0x1] =	stream.linear.gather [hbm4b:s11+s2], $0x2000, $0x38;
	[tilespmem:$0x1A080] =	vst v63  }
0x2e: {  	s16 =	rddreg [dreg:$0xd]  }
0x2f: {  	[tilespmem:s25], [sflag:$0x1] =	stream.linear.gather [hbm4b:s16+s2], $0x2000, $0x38;
	[tilespmem:$0x1A080] =	vst v63  }
0x30: {  	s18 =	rddreg [dreg:$0xe]  }
0x31: {  	[tilespmem:s26], [sflag:$0x1] =	stream.linear.gather [hbm4b:s18+s2], $0x2000, $0x38;
	[tilespmem:$0x1A080] =	vst v63  }
0x32: {  	s20 =	rddreg [dreg:$0x10];
	s21 =	simm.s32 $0x2000  }
0x33: {  	[tilespmem:s21], [sflag:$0x2] =	stream.linear.gather [hbm4b:s20+s2], $0x2000, $0x38;
	[tilespmem:$0x1A080] =	vst v63  }
0x34: {  	s22 =	rddreg [dreg:$0x11];
	s23 =	simm.s32 $0x6000  }
0x35: {  	[tilespmem:s23], [sflag:$0x2] =	stream.linear.gather [hbm4b:s22+s2], $0x2000, $0x38;
	[tilespmem:$0x1A080] =	vst v63  }
0x36: {  	s28 =	rddreg [dreg:$0x12];
	s29 =	simm.s32 $0xA000  }
0x37: {  	[tilespmem:s29], [sflag:$0x2] =	stream.linear.gather [hbm4b:s28+s2], $0x2000, $0x38;
	[tilespmem:$0x1A080] =	vst v63  }
0x38: {  	s30 =	rddreg [dreg:$0x13];
	s31 =	simm.s32 $0xE000;
	s3 =	simm.s32 $0x0  }
0x39: {  	[tilespmem:s31], [sflag:$0x2] =	stream.linear.gather [hbm4b:s30+s2], $0x2000, $0x38;
	[tilespmem:$0x1A080] =	vst v63  }
.LBB2_2:
0x3a: {  	s0 =	simm.s32 $0x1  }
0x3b: {  	_ =	swait.ge [sflag:s0], $0x2000  }
0x3c: {  	[sflag:s0] =	ssyncset.done $0x0  }
0x3d: {  	[sflag:s0] =	ssyncadd.s32 $0xFFFFE000  }
0x3e: {  	_ =	swait.ge [sflag:s0], $0x2000  }
0x3f: {  	[sflag:s0] =	ssyncset.done $0x0  }
0x40: {  	[sflag:s0] =	ssyncadd.s32 $0xFFFFE000  }
0x41: {  	_ =	swait.ge [sflag:s0], $0x2000  }
0x42: {  	[sflag:s0] =	ssyncset.done $0x0  }
0x43: {  	[sflag:s0] =	ssyncadd.s32 $0xFFFFE000  }
0x44: {  	_ =	swait.ge [sflag:s0], $0x2000  }
0x45: {  	p0 =	seq.s32 s3, $0x0;
	[sflag:s0] =	ssyncset.done $0x0  }
0x46: {  	s1 =	simm.s32 @!p0 $0x3;
	[sflag:s0] =	ssyncadd.s32 $0xFFFFE000  }
0x47: {  	_ =	swait.ge @!p0 [sflag:s1], $0x2000  }
0x48: {  	[sflag:s1] =	ssyncset.done @!p0 $0x0  }
0x49: {  	[sflag:s1] =	ssyncadd.s32 @!p0 $0xFFFFE000  }
0x4a: {  	_ =	swait.ge @!p0 [sflag:s1], $0x2000  }
0x4b: {  	[sflag:s1] =	ssyncset.done @!p0 $0x0  }
0x4c: {  	[sflag:s1] =	ssyncadd.s32 @!p0 $0xFFFFE000  }
0x4d: {  	_ =	swait.ge @!p0 [sflag:s1], $0x2000  }
0x4e: {  	[sflag:s1] =	ssyncset.done @!p0 $0x0  }
0x4f: {  	[sflag:s1] =	ssyncadd.s32 @!p0 $0xFFFFE000  }
0x50: {  	s31 =	sshll.u32 s3, $0xB;
	_ =	swait.ge @!p0 [sflag:s1], $0x2000  }
0x51: {  	s29 =	simm.s32 $0x0;
	[dreg:$0x18] =	wrdreg s3;
	[sflag:s1] =	ssyncset.done @!p0 $0x0  }
0x52: {  	p1 =	por $0x1, $0x1;
	[dreg:$0x19] =	wrdreg s31;
	[sflag:s1] =	ssyncadd.s32 @!p0 $0xFFFFE000  }
.LBB2_3:
0x53: {  	s3 =	smul.u32 $0x1080, s29;
	_ =	sdelay $0x1  }
0x54: {  	s28 =	sshra.s32 s3, $0x2  }
0x55: {  	s31 =	sadd.s32 $0x19040, s28  }
0x56: {  	[tilespmem:s31+$0x30] =	vst v1  }
0x57: {  	[tilespmem:s31+$0x20] =	vst v1  }
0x58: {  	[tilespmem:s31+$0x10] =	vst v1  }
0x59: {  	s1 =	sand.u32 $0xFFFFFF00, s3;
	[tilespmem:s31+$0x0] =	vst v1  }
0x5a: {  	s1 =	sshrl.u32 s1, $0x2;
	[tilespmem:s31+$0xFFFFFFF0] =	vst v1  }
0x5b: {  	p0 =	por p1, p1;
	s1 =	sadd.s32 $0x19000, s1;
	[tilespmem:s31+$0xFFFFFFE0] =	vst v1  }
0x5c: {  	s22 =	smul.u32 $0x420, s29;
	s4 =	simm.s32 $0x0;
	s3 =	smov.u32 s31;
	[tilespmem:s1+$0x0] =	vst v1  }
.LBB2_4:
0x5d: {  	s4 =	sadd.s32 $0x8, s4;
	[tilespmem:s3+$0xFFFFFFD0] =	vst v1;
	s1 =	sadd.s32 $0x80, s1;
	s3 =	sadd.s32 $0x80, s3  }
0x5e: {  	[tilespmem:s1+$0x0] =	vst v1;
	p1 =	slt.u32 s4, $0x38  }
0x5f: {  	[tilespmem:s3+$0x30] =	vst v1  }
.Ltmp2:
0x60: {  	[tilespmem:s3+$0x20] =	vst v1;
	(pc) =	sbr.rel @p1 .LBB2_4-.Ltmp2, $4  }
0x61: {  	[tilespmem:s3+$0x10] =	vst v1  }
0x62: {  	[tilespmem:s3+$0x0] =	vst v1  }
0x63: {  	[tilespmem:s3+$0xFFFFFFF0] =	vst v1  }
0x64: {  	[tilespmem:s3+$0xFFFFFFE0] =	vst v1  }
0x65: {  	s4 =	sadd.s32 $0x19400, s28  }
0x66: {  	[tilespmem:s3+$0xFFFFFFD0] =	vst v1;
	s1 =	simm.s32 $0x0;
	v4 =	vmov s4  }
.LBB2_6:
0x67: {  	p1 =	sne.s32 s1, $0x40  }
.Ltmp3:
0x68: {  	_ = 	snop;
	(pc) =	sbr.rel @p1 .LBB2_6-.Ltmp3, $3  }
0x69: {  	_ =	sdelay $0x1  }
0x6a: {  	s3 =	sshra.s32 s1, $0x2  }
0x6b: {  	s1 =	sadd.s32 $0x40, s1;
	[tilespmem:v4+s3+$0x0 ss:$0x1] =	vst.idx.msk $0xffff, v1  }
0x6c: {  	s1 =	sshll.u32 s29, $0x4  }
0x6d: {  	v4 =	vmov s1  }
0x6e: {  	v4 =	vshll.u32 v4, $0x7  }
0x6f: {  	s5 =	simm.s32 $0x0;
	v5 =	vor.u32 v2, v4  }
0x70: {  	v12 =	vor.u32 s5, v5  }
0x71: {  	s23 =	simm.s32 $0x1;
	v4 =	vor.u32 $0x40, v5  }
0x72: {  	v13 =	vor.u32 s23, v5  }
0x73: {  	v7 =	vor.u32 $0x41, v5  }
0x74: {  	v8 =	vor.u32 $0x42, v5  }
0x75: {  	s8 =	simm.s32 $0x2;
	v9 =	vor.u32 $0x43, v5;
	v10 =	vld.idx.msk [tilespmem:v12+s2+$0x0], $0xffff  }
0x76: {  	s10 =	simm.s32 $0x3;
	v14 =	vor.u32 s8, v5;
	v6 =	vld.idx.msk [tilespmem:v4+s26+$0x0], $0xffff  }
0x77: {  	v20 =	vor.u32 s10, v5;
	v15 =	vld.idx.msk [tilespmem:v13+s2+$0x0], $0xffff  }
0x78: {  	v11 =	vor.u32 $0x44, v5;
	v7 =	vld.idx.msk [tilespmem:v7+s26+$0x0], $0xffff  }
0x79: {  	s11 =	simm.s32 $0x4;
	v16 =	vor.u32 $0x45, v5;
	v8 =	vld.idx.msk [tilespmem:v8+s26+$0x0], $0xffff  }
0x7a: {  	v19 =	vimm.f32 $1.000000000e+00;
	s3 =	simm.s32 $0x6;
	v17 =	vor.u32 s11, v5;
	v9 =	vld.idx.msk [tilespmem:v9+s26+$0x0], $0xffff;
	v18 =	vsub.f32 $1.000000000e+00, v10  }
0x7b: {  	s4 =	simm.s32 $0x5;
	v23 =	vor.u32 s3, v5;
	v22 =	vld.idx.msk [tilespmem:v14+s2+$0x0], $0xffff;
	v21 =	vmul.f32 v10, v19  }
0x7c: {  	v24 =	vor.u32 s4, v5;
	v26 =	vld.idx.msk [tilespmem:v20+s2+$0x0], $0xffff;
	v18 =	vmul.f32 v18, v19  }
0x7d: {  	v36 =	vor.u32 s5, v4;
	v10 =	vld.idx.msk [tilespmem:v11+s26+$0x0], $0xffff;
	v19 =	vadd.f32 $9.999999740e-06, v21  }
0x7e: {  	s7 =	sshll.u32 s29, $0xC;
	v11 =	vld.idx.msk [tilespmem:v16+s26+$0x0], $0xffff;
	v16 =	vimm.f32 $0.0e+00;
	v25 =	vmul.f32 v15, v18  }
0x7f: {  	s30 =	sshra.s32 s7, $0x2;
	v29 =	vld.idx.msk [tilespmem:v17+s2+$0x0], $0xffff;
	v15 =	vsub.f32 $1.000000000e+00, v15;
	v27 =	vadd.f32 v19, v16  }
0x80: {  	s1 =	sadd.s32 $0x18040, s30;
	v30 =	vld.idx.msk [tilespmem:v23+s2+$0x0], $0xffff;
	v19 =	vadd.f32 $9.999999740e-06, v25  }
0x81: {  	v28 =	vor.u32 s23, v4;
	v32 =	vld.idx.msk [tilespmem:v24+s2+$0x0], $0xffff;
	v15 =	vmul.f32 v15, v18;
	v18 =	vsub.f32 $1.000000000e+00, v22;
	[tilespmem:s1+$0xFFFFFFC0] =	vst v27  }
0x82: {  	s9 =	simm.s32 $0x7;
	v36 =	vld.idx.msk [tilespmem:v36+s25+$0x0], $0xffff;
	v31 =	vadd.f32 v19, v27  }
0x83: {  	s0 =	simm.s32 $0x9;
	v19 =	vor.u32 s9, v5;
	v22 =	vmul.f32 v22, v15;
	v27 =	vld.idx.msk [tilespmem:v12+s26+$0x0], $0xffff;
	v15 =	vmul.f32 v18, v15  }
0x84: {  	v34 =	vsub.f32 $1.000000000e+00, v26;
	v18 =	vor.u32 s0, v5;
	v12 =	vld.idx.msk [tilespmem:v12+s25+$0x0], $0xffff;
	[tilespmem:s1+$0xFFFFFFD0] =	vst v31  }
0x85: {  	s18 =	simm.s32 $0xA;
	v33 =	vadd.f32 $9.999999740e-06, v22;
	v26 =	vmul.f32 v26, v15;
	v35 =	vld.idx.msk [tilespmem:v13+s25+$0x0], $0xffff  }
0x86: {  	v45 =	vor.u32 s18, v5;
	v37 =	vsub.f32 $1.000000000e+00, v29;
	v15 =	vmul.f32 v34, v15;
	v28 =	vld.idx.msk [tilespmem:v28+s25+$0x0], $0xffff  }
0x87: {  	s20 =	simm.s32 $0xB;
	v39 =	vor.u32 s10, v4;
	v13 =	vld.idx.msk [tilespmem:v13+s26+$0x0], $0xffff;
	v31 =	vadd.f32 v33, v31;
	v61 =	vadd.f32 $9.999999740e-06, v26  }
0x88: {  	v50 =	vor.u32 s20, v5;
	v55 =	vor.u32 s8, v4;
	v29 =	vmul.f32 v29, v15;
	v38 =	vld.idx.msk [tilespmem:v19+s2+$0x0], $0xffff  }
0x89: {  	v48 =	vor.u32 s9, v4;
	v37 =	vmul.f32 v37, v15;
	v44 =	vld.idx.msk [tilespmem:v18+s2+$0x0], $0xffff;
	[tilespmem:s1+$0xFFFFFFE0] =	vst v31;
	v31 =	vadd.f32 v61, v31  }
0x8a: {  	v51 =	vor.u32 s3, v4;
	v40 =	vsub.f32 $1.000000000e+00, v32;
	v42 =	vadd.f32 $9.999999740e-06, v29;
	v62 =	vld.idx.msk [tilespmem:v14+s26+$0x0], $0xffff  }
0x8b: {  	s16 =	simm.s32 $0x8;
	v15 =	vor.u32 s11, v4;
	v43 =	vmul.f32 v12, v21;
	v32 =	vmul.f32 v32, v37;
	v14 =	vld.idx.msk [tilespmem:v14+s25+$0x0], $0xffff;
	[tilespmem:s1+$0xFFFFFFF0] =	vst v31  }
0x8c: {  	v37 =	vmul.f32 v40, v37;
	v40 =	vor.u32 s16, v5;
	v12 =	vadd.f32 v42, v31;
	v31 =	vld.idx.msk [tilespmem:v39+s25+$0x0], $0xffff  }
0x8d: {  	s23 =	simm.s32 $0xC;
	v53 =	vor.u32 s18, v4;
	v27 =	vmul.f32 v27, v21;
	v21 =	vmul.f32 v36, v21;
	v57 =	vld.idx.msk [tilespmem:v20+s26+$0x0], $0xffff  }
0x8e: {  	v54 =	vor.u32 s23, v4;
	v41 =	vsub.f32 $1.000000000e+00, v30;
	v56 =	vadd.f32 $9.999999740e-06, v32;
	v20 =	vld.idx.msk [tilespmem:v20+s25+$0x0], $0xffff;
	[tilespmem:s1+$0x0] =	vst v12  }
0x8f: {  	v61 =	vor.u32 s4, v4;
	v21 =	vadd.f32 v21, v16;
	v28 =	vmul.f32 v28, v25;
	v59 =	vld.idx.msk [tilespmem:v17+s25+$0x0], $0xffff  }
0x90: {  	v35 =	vmul.f32 v35, v25;
	v30 =	vmul.f32 v30, v37;
	v12 =	vadd.f32 v56, v12;
	v15 =	vld.idx.msk [tilespmem:v15+s25+$0x0], $0xffff  }
0x91: {  	v43 =	vadd.f32 v43, v16;
	v63 =	vmul.f32 v41, v37;
	v13 =	vmul.f32 v13, v25;
	v49 =	vld.idx.msk [tilespmem:v40+s2+$0x0], $0xffff  }
0x92: {  	v58 =	vadd.f32 $9.999999740e-06, v30;
	v60 =	vmul.f32 v14, v22;
	v14 =	vadd.f32 v27, v16;
	v27 =	vld.idx.msk [tilespmem:v55+s25+$0x0], $0xffff;
	[tilespmem:s1+$0x10] =	vst v12  }
0x93: {  	v25 =	vsub.f32 $1.000000000e+00, v38;
	v21 =	vadd.f32 v28, v21;
	v56 =	vor.u32 s0, v4;
	v46 =	vld.idx.msk [tilespmem:v24+s26+$0x0], $0xffff  }
0x94: {  	s21 =	simm.s32 $0x11;
	v39 =	vmul.f32 v38, v63;
	v35 =	vadd.f32 v35, v43;
	v42 =	vadd.f32 v58, v12;
	v24 =	vld.idx.msk [tilespmem:v24+s25+$0x0], $0xffff  }
0x95: {  	s7 =	simm.s32 $0xD;
	v34 =	vmul.f32 v62, v22;
	v25 =	vmul.f32 v25, v63;
	v12 =	vor.u32 s21, v5;
	v33 =	vld.idx.msk [tilespmem:v61+s25+$0x0], $0xffff  }
0x96: {  	v55 =	vsub.f32 $1.000000000e+00, v44;
	v16 =	vor.u32 s7, v5;
	v37 =	vmul.f32 v57, v26;
	[tilespmem:s1+$0x20] =	vst v42;
	v57 =	vld.idx.msk [tilespmem:v45+s2+$0x0], $0xffff  }
0x97: {  	s3 =	simm.s32 $0xF;
	v63 =	vadd.f32 $9.999999740e-06, v39;
	v31 =	vmul.f32 v31, v26;
	v47 =	vadd.f32 v13, v14;
	v52 =	vld.idx.msk [tilespmem:v23+s26+$0x0], $0xffff  }
0x98: {  	v14 =	vor.u32 s23, v5;
	v13 =	vor.u32 s3, v5;
	v35 =	vadd.f32 v60, v35;
	v23 =	vld.idx.msk [tilespmem:v23+s25+$0x0], $0xffff  }
0x99: {  	s4 =	simm.s32 $0xE;
	v20 =	vmul.f32 v20, v26;
	v26 =	vld.idx.msk [tilespmem:v51+s25+$0x0], $0xffff;
	v36 =	vmul.f32 v59, v29;
	v62 =	vsub.f32 $1.000000000e+00, v49  }
0x9a: {  	v28 =	vmul.f32 v15, v29;
	v15 =	vor.u32 s4, v5;
	v58 =	vmul.f32 v49, v25;
	v49 =	vld.idx.msk [tilespmem:v50+s2+$0x0], $0xffff  }
0x9b: {  	v59 =	vld.idx.msk [tilespmem:v17+s26+$0x0], $0xffff;
	v34 =	vadd.f32 v34, v47;
	v20 =	vadd.f32 v20, v35;
	v17 =	vmul.f32 v62, v25  }
0x9c: {  	v22 =	vmul.f32 v27, v22;
	v35 =	vld.idx.msk [tilespmem:v16+s2+$0x0], $0xffff;
	v25 =	vadd.f32 $9.999999740e-06, v58;
	v43 =	vmul.f32 v52, v30  }
0x9d: {  	v27 =	vld.idx.msk [tilespmem:v14+s2+$0x0], $0xffff;
	v38 =	vmul.f32 v44, v17;
	v55 =	vmul.f32 v55, v17;
	v17 =	vadd.f32 v63, v42  }
0x9e: {  	v36 =	vadd.f32 v36, v20;
	v52 =	vmul.f32 v26, v30;
	v30 =	vmul.f32 v23, v30;
	v23 =	vld.idx.msk [tilespmem:v13+s2+$0x0], $0xffff  }
0x9f: {  	v46 =	vmul.f32 v46, v32;
	v21 =	vadd.f32 v22, v21;
	v60 =	vsub.f32 $1.000000000e+00, v57;
	v44 =	vld.idx.msk [tilespmem:v15+s2+$0x0], $0xffff;
	[tilespmem:s1+$0x30] =	vst v17  }
0xa0: {  	v29 =	vmul.f32 v59, v29;
	v22 =	vadd.f32 v25, v17;
	v25 =	vadd.f32 $9.999999740e-06, v38;
	v42 =	vld.idx.msk [tilespmem:v19+s26+$0x0], $0xffff  }
0xa1: {  	s11 =	sadd.s32 $0x80, s1;
	v62 =	vsub.f32 $1.000000000e+00, v49;
	v21 =	vadd.f32 v31, v21;
	v17 =	vmul.f32 v57, v55;
	v26 =	vld.idx.msk [tilespmem:v48+s25+$0x0], $0xffff  }
0xa2: {  	v47 =	vor.u32 s16, v4;
	[tilespmem:s11+$0xFFFFFFC0] =	vst v22;
	v22 =	vadd.f32 v25, v22;
	v25 =	vadd.f32 v37, v34;
	v34 =	vld.idx.msk [tilespmem:v19+s25+$0x0], $0xffff  }
0xa3: {  	v59 =	vsub.f32 $1.000000000e+00, v35;
	v21 =	vadd.f32 v28, v21;
	v19 =	vmul.f32 v60, v55;
	v37 =	vld.idx.msk [tilespmem:v40+s26+$0x0], $0xffff  }
0xa4: {  	v24 =	vmul.f32 v24, v32;
	v61 =	vadd.f32 $9.999999740e-06, v17;
	v63 =	vsub.f32 $1.000000000e+00, v27;
	v60 =	vld.idx.msk [tilespmem:v40+s25+$0x0], $0xffff  }
0xa5: {  	[tilespmem:s11+$0xFFFFFFD0] =	vst v22;
	v20 =	vmul.f32 v49, v19;
	v19 =	vmul.f32 v62, v19;
	v25 =	vadd.f32 v29, v25  }
0xa6: {  	v32 =	vmul.f32 v33, v32;
	v49 =	vsub.f32 $1.000000000e+00, v44;
	v22 =	vadd.f32 v61, v22;
	v29 =	vld.idx.msk [tilespmem:v56+s25+$0x0], $0xffff  }
0xa7: {  	v62 =	vor.u32 s20, v4;
	v57 =	vld.idx.msk [tilespmem:v18+s25+$0x0], $0xffff;
	v56 =	vadd.f32 v24, v36;
	v61 =	vmul.f32 v63, v19  }
0xa8: {  	s5 =	simm.s32 $0x10;
	v28 =	vld.idx.msk [tilespmem:v18+s26+$0x0], $0xffff;
	v31 =	vadd.f32 $9.999999740e-06, v20;
	v19 =	vmul.f32 v27, v19;
	v25 =	vadd.f32 v46, v25  }
0xa9: {  	v18 =	vor.u32 s5, v5;
	v46 =	vld.idx.msk [tilespmem:v47+s25+$0x0], $0xffff;
	v27 =	vmul.f32 v42, v39;
	[tilespmem:s11+$0xFFFFFFE0] =	vst v22;
	v40 =	vmul.f32 v37, v58  }
0xaa: {  	v63 =	vld.idx.msk [tilespmem:v45+s26+$0x0], $0xffff;
	v31 =	vadd.f32 v31, v22;
	v22 =	vmul.f32 v35, v61;
	v41 =	vmul.f32 v59, v61  }
0xab: {  	v45 =	vld.idx.msk [tilespmem:v45+s25+$0x0], $0xffff;
	v43 =	vadd.f32 v43, v25;
	v35 =	vmul.f32 v26, v39;
	v36 =	vmul.f32 v29, v38  }
0xac: {  	v25 =	vld.idx.msk [tilespmem:v53+s25+$0x0], $0xffff;
	[tilespmem:s11+$0xFFFFFFF0] =	vst v31;
	v29 =	vadd.f32 $9.999999740e-06, v19;
	v26 =	vmul.f32 v57, v38;
	v57 =	vadd.f32 v32, v21  }
0xad: {  	v32 =	vmul.f32 v60, v58;
	v21 =	vmul.f32 v44, v41;
	v44 =	vadd.f32 v27, v43;
	v27 =	vld.idx.msk [tilespmem:v12+s2+$0x0], $0xffff  }
0xae: {  	v33 =	vmul.f32 v49, v41;
	v38 =	vmul.f32 v28, v38;
	v24 =	vld.idx.msk [tilespmem:v50+s25+$0x0], $0xffff;
	v59 =	vadd.f32 v29, v31  }
0xaf: {  	v61 =	vsub.f32 $1.000000000e+00, v23;
	v42 =	vld.idx.msk [tilespmem:v62+s25+$0x0], $0xffff;
	v62 =	vmul.f32 v34, v39;
	v43 =	vmul.f32 v46, v58  }
0xb0: {  	v60 =	vadd.f32 $9.999999740e-06, v22;
	v31 =	vld.idx.msk [tilespmem:v50+s26+$0x0], $0xffff;
	v29 =	vmul.f32 v63, v17;
	v63 =	vadd.f32 v30, v56;
	[tilespmem:s11+$0x0] =	vst v59  }
0xb1: {  	v28 =	vadd.f32 $9.999999740e-06, v21;
	v34 =	vmul.f32 v45, v17;
	v46 =	vadd.f32 v52, v57;
	v41 =	vld.idx.msk [tilespmem:v14+s25+$0x0], $0xffff  }
0xb2: {  	s9 =	simm.s32 $0x18;
	s8 =	smov.u32 s11;
	s16 =	sshll.u32 s29, $0xA;
	v39 =	vmul.f32 v61, v33;
	v45 =	vadd.f32 v60, v59;
	v37 =	vadd.f32 v62, v63;
	v30 =	vld.idx.msk [tilespmem:v54+s25+$0x0], $0xffff  }
.LBB2_8:
0xb3: {  	p1 =	slt.u32 s9, $0x38  }
0xb4: {  	v40 =	vadd.f32 v40, v44;
	s11 =	sadd.s32 $0x80, s11;
	v44 =	vadd.f32 v35, v46;
	s23 =	smov.u32 s9;
	s9 =	sadd.s32 $0x8, s9  }
0xb5: {  	s0 =	sadd.s32 $0x2, s5;
	v42 =	vmul.f32 v42, v20;
	v46 =	vor.u32 s7, v4;
	s20 =	sadd.s32 $0x1, s23;
	[tilespmem:s8+$0x10] =	vst v45;
	v45 =	vadd.f32 v28, v45  }
0xb6: {  	v35 =	vor.u32 s0, v5;
	v47 =	vmul.f32 v31, v20;
	v28 =	vor.u32 s20, v5;
	v48 =	vld.idx.msk [tilespmem:v16+s26+$0x0], $0xffff  }
0xb7: {  	s10 =	sadd.s32 $0x3, s5;
	v43 =	vadd.f32 v43, v44;
	v40 =	vadd.f32 v38, v40;
	v44 =	vor.u32 s3, v4;
	v49 =	vld.idx.msk [tilespmem:v18+s2+$0x0], $0xffff;
	[tilespmem:s8+$0x20] =	vst v45  }
0xb8: {  	s7 =	sadd.s32 $0x4, s5;
	v50 =	vor.u32 s4, v4;
	v31 =	vor.u32 s10, v5;
	v41 =	vmul.f32 v41, v19;
	v51 =	vld.idx.msk [tilespmem:v15+s26+$0x0], $0xffff  }
0xb9: {  	v52 =	vor.u32 s7, v5;
	s3 =	sadd.s32 $0x7, s5;
	v36 =	vadd.f32 v36, v43;
	v43 =	vmul.f32 v30, v19;
	v53 =	vld.idx.msk [tilespmem:v16+s25+$0x0], $0xffff  }
0xba: {  	s4 =	sadd.s32 $0x6, s5;
	v38 =	vor.u32 s0, v4;
	v54 =	vor.u32 s3, v5;
	v30 =	vor.u32 s7, v4;
	v46 =	vld.idx.msk [tilespmem:v46+s25+$0x0], $0xffff  }
0xbb: {  	v56 =	vor.u32 s21, v4;
	v58 =	vor.u32 s4, v5;
	v55 =	vsub.f32 $1.000000000e+00, v27;
	s21 =	smov.u32 s20;
	v57 =	vld.idx.msk [tilespmem:v35+s2+$0x0], $0xffff  }
0xbc: {  	v60 =	vmul.f32 v23, v33;
	v32 =	vadd.f32 v32, v37;
	s7 =	sadd.s32 $0x5, s5;
	v48 =	vmul.f32 v48, v22;
	v59 =	vld.idx.msk [tilespmem:v15+s25+$0x0], $0xffff  }
0xbd: {  	v16 =	vor.u32 s7, v5;
	v37 =	vmul.f32 v49, v39;
	v23 =	vsub.f32 $1.000000000e+00, v49;
	v15 =	vmovc v58;
	v33 =	vld.idx.msk [tilespmem:v31+s2+$0x0], $0xffff  }
0xbe: {  	v26 =	vadd.f32 v26, v32;
	v49 =	vmul.f32 v51, v21;
	v51 =	vadd.f32 $9.999999740e-06, v60;
	v32 =	vld.idx.msk [tilespmem:v14+s26+$0x0], $0xffff;
	v14 =	vmovc v52  }
0xbf: {  	v17 =	vmul.f32 v25, v17;
	v23 =	vmul.f32 v23, v39;
	v39 =	vadd.f32 $9.999999740e-06, v37;
	v52 =	vld.idx.msk [tilespmem:v52+s2+$0x0], $0xffff  }
0xc0: {  	v20 =	vmul.f32 v24, v20;
	v25 =	vadd.f32 v34, v26;
	v26 =	vadd.f32 v29, v40;
	v24 =	vld.idx.msk [tilespmem:v50+s25+$0x0], $0xffff  }
0xc1: {  	v29 =	vadd.f32 v51, v45;
	v27 =	vmul.f32 v27, v23;
	v23 =	vmul.f32 v55, v23  }
0xc2: {  	v36 =	vadd.f32 v17, v36;
	v20 =	vadd.f32 v20, v25;
	v25 =	vmul.f32 v53, v22;
	v34 =	vld.idx.msk [tilespmem:v58+s2+$0x0], $0xffff  }
0xc3: {  	v46 =	vmul.f32 v46, v22;
	v39 =	vadd.f32 v39, v29;
	v40 =	vadd.f32 $9.999999740e-06, v27;
	v45 =	vld.idx.msk [tilespmem:v16+s2+$0x0], $0xffff;
	[tilespmem:s8+$0x30] =	vst v29;
	s8 =	smov.u32 s11  }
0xc4: {  	v22 =	vsub.f32 $1.000000000e+00, v57;
	v17 =	vmul.f32 v57, v23;
	v19 =	vmul.f32 v32, v19;
	v29 =	vld.idx.msk [tilespmem:v13+s26+$0x0], $0xffff  }
0xc5: {  	v26 =	vadd.f32 v47, v26;
	v32 =	vor.u32 s5, v4;
	s5 =	smov.u32 s23;
	[tilespmem:s11+$0xFFFFFFC0] =	vst v39;
	v39 =	vadd.f32 v40, v39;
	v47 =	vld.idx.msk [tilespmem:v13+s25+$0x0], $0xffff  }
0xc6: {  	v22 =	vmul.f32 v22, v23;
	v50 =	vsub.f32 $1.000000000e+00, v33;
	v23 =	vadd.f32 $9.999999740e-06, v17;
	v13 =	vmovc v54;
	v40 =	vld.idx.msk [tilespmem:v18+s26+$0x0], $0xffff  }
0xc7: {  	v41 =	vadd.f32 v41, v20;
	v51 =	vsub.f32 $1.000000000e+00, v52;
	v53 =	vmul.f32 v24, v21;
	[tilespmem:s11+$0xFFFFFFD0] =	vst v39;
	v24 =	vld.idx.msk [tilespmem:v44+s25+$0x0], $0xffff  }
0xc8: {  	v20 =	vmul.f32 v33, v22;
	v22 =	vmul.f32 v50, v22;
	v26 =	vadd.f32 v19, v26;
	v44 =	vld.idx.msk [tilespmem:v12+s25+$0x0], $0xffff  }
0xc9: {  	v55 =	vmul.f32 v59, v21;
	v54 =	vsub.f32 $1.000000000e+00, v34;
	v50 =	vsub.f32 $1.000000000e+00, v45;
	v33 =	vld.idx.msk [tilespmem:v56+s25+$0x0], $0xffff  }
0xca: {  	v36 =	vadd.f32 v42, v36;
	v21 =	vld.idx.msk [tilespmem:v18+s25+$0x0], $0xffff;
	v18 =	vadd.f32 v23, v39;
	v39 =	vmul.f32 v51, v22  }
0xcb: {  	v42 =	vadd.f32 $9.999999740e-06, v20;
	v19 =	vmul.f32 v52, v22;
	v22 =	vadd.f32 v48, v26;
	v23 =	vld.idx.msk [tilespmem:v13+s2+$0x0], $0xffff  }
0xcc: {  	v29 =	vmul.f32 v29, v60;
	v40 =	vmul.f32 v40, v37;
	v48 =	vld.idx.msk [tilespmem:v32+s25+$0x0], $0xffff;
	v32 =	vadd.f32 v43, v36  }
0xcd: {  	v51 =	vor.u32 s10, v4;
	v42 =	vadd.f32 v42, v18;
	v49 =	vadd.f32 v49, v22;
	v43 =	vld.idx.msk [tilespmem:v12+s26+$0x0], $0xffff;
	[tilespmem:s11+$0xFFFFFFE0] =	vst v18  }
0xce: {  	v41 =	vadd.f32 v25, v41;
	v22 =	vmul.f32 v45, v39;
	v39 =	vmul.f32 v50, v39;
	v52 =	vld.idx.msk [tilespmem:v35+s26+$0x0], $0xffff  }
0xcf: {  	v36 =	vmul.f32 v33, v27;
	v33 =	vadd.f32 $9.999999740e-06, v19;
	v45 =	vld.idx.msk [tilespmem:v35+s25+$0x0], $0xffff;
	[tilespmem:s11+$0xFFFFFFF0] =	vst v42;
	v35 =	vmul.f32 v24, v60  }
0xd0: {  	v18 =	vor.u32 s5, v5;
	v26 =	vmul.f32 v44, v27;
	v12 =	vmovc v28;
	v46 =	vadd.f32 v46, v32;
	v24 =	vld.idx.msk [tilespmem:v31+s25+$0x0], $0xffff  }
0xd1: {  	v32 =	vmul.f32 v21, v37;
	v50 =	vadd.f32 v33, v42;
	v33 =	vmul.f32 v54, v39;
	v25 =	vld.idx.msk [tilespmem:v38+s25+$0x0], $0xffff  }
.Ltmp4:
0xd2: {  	v44 =	vadd.f32 v29, v49;
	v21 =	vmul.f32 v34, v39;
	v42 =	vld.idx.msk [tilespmem:v51+s25+$0x0], $0xffff;
	v51 =	vadd.f32 $9.999999740e-06, v22;
	(pc) =	sbr.rel @p1 .LBB2_8-.Ltmp4, $4  }
0xd3: {  	v47 =	vmul.f32 v47, v60;
	v39 =	vsub.f32 $1.000000000e+00, v23;
	v38 =	vmul.f32 v43, v27;
	v31 =	vld.idx.msk [tilespmem:v31+s26+$0x0], $0xffff  }
0xd4: {  	v49 =	vadd.f32 v55, v41;
	v29 =	vmul.f32 v52, v17;
	v27 =	vld.idx.msk [tilespmem:v28+s2+$0x0], $0xffff;
	[tilespmem:s11+$0x0] =	vst v50;
	v28 =	vadd.f32 $9.999999740e-06, v21  }
0xd5: {  	v46 =	vadd.f32 v53, v46;
	v43 =	vmul.f32 v48, v37;
	v34 =	vmul.f32 v45, v17;
	v41 =	vld.idx.msk [tilespmem:v14+s25+$0x0], $0xffff  }
0xd6: {  	v39 =	vmul.f32 v39, v33;
	v37 =	vadd.f32 v47, v49;
	v45 =	vadd.f32 v51, v50;
	v30 =	vld.idx.msk [tilespmem:v30+s25+$0x0], $0xffff  }
0xd7: {  	_ = 	snop  }
0xd8: {  	v40 =	vadd.f32 v40, v44;
	v35 =	vadd.f32 v35, v46  }
0xd9: {  	v42 =	vmul.f32 v42, v20;
	v58 =	vor.u32 s7, v4;
	v49 =	vor.u32 s4, v4  }
0xda: {  	s0 =	sadd.s32 $0x2, s5;
	v54 =	vor.u32 s21, v4;
	v23 =	vmul.f32 v23, v33;
	v17 =	vmul.f32 v25, v17  }
0xdb: {  	s9 =	sadd.s32 $0x3, s5;
	v59 =	vld.idx.msk [tilespmem:v18+s2+$0x0], $0xffff;
	s10 =	sadd.s32 $0x4, s5;
	[tilespmem:s8+$0x10] =	vst v45;
	v45 =	vadd.f32 v28, v45;
	v46 =	vor.u32 s0, v5;
	v31 =	vmul.f32 v31, v20  }
0xdc: {  	v14 =	vld.idx.msk [tilespmem:v14+s26+$0x0], $0xffff;
	v48 =	vor.u32 s9, v5;
	v28 =	vor.u32 s10, v5;
	v32 =	vadd.f32 v32, v37  }
0xdd: {  	v20 =	vmul.f32 v24, v20;
	v47 =	vld.idx.msk [tilespmem:v16+s26+$0x0], $0xffff;
	v35 =	vadd.f32 v43, v35;
	v38 =	vadd.f32 v38, v40  }
0xde: {  	v43 =	vor.u32 s3, v4;
	v53 =	vsub.f32 $1.000000000e+00, v27;
	v60 =	vadd.f32 $9.999999740e-06, v23;
	[tilespmem:s8+$0x20] =	vst v45  }
0xdf: {  	s18 =	sadd.s32 $0x6, s5;
	v41 =	vmul.f32 v41, v19;
	v26 =	vadd.f32 v26, v32;
	v50 =	vld.idx.msk [tilespmem:v15+s26+$0x0], $0xffff;
	v35 =	vadd.f32 v36, v35  }
0xe0: {  	v36 =	vld.idx.msk [tilespmem:v16+s25+$0x0], $0xffff;
	v16 =	vor.u32 s18, v5;
	v29 =	vadd.f32 v29, v38;
	v33 =	vmul.f32 v59, v39  }
0xe1: {  	v15 =	vld.idx.msk [tilespmem:v15+s25+$0x0], $0xffff;
	v40 =	vsub.f32 $1.000000000e+00, v59;
	v26 =	vadd.f32 v34, v26;
	v14 =	vmul.f32 v14, v19  }
0xe2: {  	s20 =	sadd.s32 $0x5, s5;
	v44 =	vld.idx.msk [tilespmem:v58+s25+$0x0], $0xffff;
	v17 =	vadd.f32 v17, v35;
	v29 =	vadd.f32 v31, v29;
	v37 =	vmul.f32 v47, v22  }
0xe3: {  	v55 =	vld.idx.msk [tilespmem:v46+s2+$0x0], $0xffff;
	v47 =	vor.u32 s20, v5;
	v61 =	vmul.f32 v40, v39;
	v62 =	vadd.f32 $9.999999740e-06, v33  }
0xe4: {  	v30 =	vmul.f32 v30, v19;
	v56 =	vld.idx.msk [tilespmem:v48+s2+$0x0], $0xffff;
	v20 =	vadd.f32 v20, v26;
	v14 =	vadd.f32 v14, v29  }
0xe5: {  	v25 =	vld.idx.msk [tilespmem:v28+s2+$0x0], $0xffff;
	v17 =	vadd.f32 v42, v17;
	v32 =	vmul.f32 v50, v21;
	v27 =	vmul.f32 v27, v61  }
0xe6: {  	v63 =	vld.idx.msk [tilespmem:v49+s25+$0x0], $0xffff;
	v49 =	vmul.f32 v53, v61;
	v53 =	vadd.f32 v60, v45;
	v26 =	vmul.f32 v36, v22  }
0xe7: {  	s23 =	sadd.s32 $0x7, s5;
	v39 =	vld.idx.msk [tilespmem:v16+s2+$0x0], $0xffff;
	v20 =	vadd.f32 v41, v20;
	v15 =	vmul.f32 v15, v21;
	v14 =	vadd.f32 v37, v14  }
0xe8: {  	v45 =	vor.u32 s23, v5;
	v17 =	vadd.f32 v30, v17;
	v57 =	vadd.f32 v62, v53;
	[tilespmem:s8+$0x30] =	vst v53;
	v40 =	vld.idx.msk [tilespmem:v47+s2+$0x0], $0xffff  }
0xe9: {  	v22 =	vmul.f32 v44, v22;
	v58 =	vadd.f32 $9.999999740e-06, v27;
	v59 =	vsub.f32 $1.000000000e+00, v55;
	v19 =	vld.idx.msk [tilespmem:v13+s26+$0x0], $0xffff  }
0xea: {  	s21 =	sadd.s32 $0x80, s11;
	v38 =	vmul.f32 v55, v49;
	v61 =	vsub.f32 $1.000000000e+00, v56;
	v62 =	vsub.f32 $1.000000000e+00, v25;
	v13 =	vld.idx.msk [tilespmem:v13+s25+$0x0], $0xffff  }
0xeb: {  	v20 =	vadd.f32 v26, v20;
	v41 =	vld.idx.msk [tilespmem:v43+s25+$0x0], $0xffff;
	v14 =	vadd.f32 v32, v14;
	[tilespmem:s21+$0xFFFFFFC0] =	vst v57  }
0xec: {  	v24 =	vmul.f32 v63, v21;
	v17 =	vadd.f32 v22, v17;
	v35 =	vadd.f32 v58, v57;
	v31 =	vld.idx.msk [tilespmem:v18+s26+$0x0], $0xffff  }
0xed: {  	v34 =	vmul.f32 v59, v49;
	v60 =	vadd.f32 $9.999999740e-06, v38;
	v49 =	vor.u32 s5, v4;
	v18 =	vld.idx.msk [tilespmem:v18+s25+$0x0], $0xffff  }
0xee: {  	v15 =	vadd.f32 v15, v20;
	v59 =	vsub.f32 $1.000000000e+00, v39;
	v29 =	vld.idx.msk [tilespmem:v45+s2+$0x0], $0xffff;
	[tilespmem:s21+$0xFFFFFFD0] =	vst v35  }
0xef: {  	v17 =	vadd.f32 v24, v17;
	v53 =	vmul.f32 v56, v34;
	v63 =	vmul.f32 v61, v34;
	v43 =	vld.idx.msk [tilespmem:v12+s25+$0x0], $0xffff  }
0xf0: {  	v51 =	vor.u32 s0, v4;
	v21 =	vadd.f32 v60, v35;
	v57 =	vld.idx.msk [tilespmem:v54+s25+$0x0], $0xffff;
	v58 =	vsub.f32 $1.000000000e+00, v40  }
0xf1: {  	v12 =	vld.idx.msk [tilespmem:v12+s26+$0x0], $0xffff;
	v60 =	vmul.f32 v62, v63;
	v61 =	vadd.f32 $9.999999740e-06, v53;
	v25 =	vmul.f32 v25, v63  }
0xf2: {  	v19 =	vmul.f32 v19, v23;
	[tilespmem:s21+$0xFFFFFFE0] =	vst v21;
	v63 =	vor.u32 s9, v4;
	v41 =	vmul.f32 v41, v23;
	v62 =	vld.idx.msk [tilespmem:v49+s25+$0x0], $0xffff  }
0xf3: {  	v13 =	vmul.f32 v13, v23;
	v49 =	vld.idx.msk [tilespmem:v46+s26+$0x0], $0xffff;
	v31 =	vmul.f32 v31, v33;
	v21 =	vadd.f32 v61, v21  }
0xf4: {  	v50 =	vld.idx.msk [tilespmem:v46+s25+$0x0], $0xffff;
	v36 =	vmul.f32 v40, v60;
	v35 =	vmul.f32 v58, v60;
	v55 =	vadd.f32 $9.999999740e-06, v25  }
0xf5: {  	v52 =	vor.u32 s10, v4;
	v58 =	vld.idx.msk [tilespmem:v51+s25+$0x0], $0xffff;
	v14 =	vadd.f32 v19, v14;
	v13 =	vadd.f32 v13, v15;
	[tilespmem:s21+$0xFFFFFFF0] =	vst v21  }
0xf6: {  	v18 =	vmul.f32 v18, v33;
	v17 =	vadd.f32 v41, v17;
	v21 =	vadd.f32 v55, v21;
	v22 =	vld.idx.msk [tilespmem:v48+s25+$0x0], $0xffff  }
0xf7: {  	v26 =	vmul.f32 v57, v27;
	v56 =	vmul.f32 v43, v27;
	v57 =	vadd.f32 $9.999999740e-06, v36;
	v19 =	vld.idx.msk [tilespmem:v63+s25+$0x0], $0xffff  }
0xf8: {  	v15 =	vor.u32 s20, v4;
	v39 =	vmul.f32 v39, v35;
	v35 =	vmul.f32 v59, v35;
	v61 =	vld.idx.msk [tilespmem:v48+s26+$0x0], $0xffff;
	[tilespmem:s21+$0x0] =	vst v21  }
0xf9: {  	v13 =	vadd.f32 v18, v13;
	v60 =	vadd.f32 v57, v21;
	v21 =	vmul.f32 v62, v33;
	v23 =	vld.idx.msk [tilespmem:v28+s25+$0x0], $0xffff  }
0xfa: {  	v12 =	vmul.f32 v12, v27;
	v14 =	vadd.f32 v31, v14;
	v59 =	vadd.f32 $9.999999740e-06, v39;
	v62 =	vld.idx.msk [tilespmem:v52+s25+$0x0], $0xffff  }
0xfb: {  	v44 =	vor.u32 s18, v4;
	v29 =	vmul.f32 v29, v35;
	[tilespmem:s21+$0x10] =	vst v60;
	v17 =	vadd.f32 v21, v17;
	v21 =	vld.idx.msk [tilespmem:v28+s26+$0x0], $0xffff  }
0xfc: {  	v63 =	vmul.f32 v50, v38;
	v13 =	vadd.f32 v56, v13;
	v27 =	vadd.f32 v59, v60;
	v37 =	vld.idx.msk [tilespmem:v47+s26+$0x0], $0xffff  }
0xfd: {  	v20 =	vmul.f32 v49, v38;
	v14 =	vadd.f32 v12, v14;
	v48 =	vadd.f32 $9.999999740e-06, v29;
	v15 =	vld.idx.msk [tilespmem:v15+s25+$0x0], $0xffff  }
0xfe: {  	v4 =	vor.u32 s23, v4;
	v13 =	vadd.f32 v63, v13;
	[tilespmem:s21+$0x20] =	vst v27;
	v18 =	vmul.f32 v19, v53;
	v19 =	vld.idx.msk [tilespmem:v47+s25+$0x0], $0xffff  }
0xff: {  	v50 =	vmul.f32 v58, v38;
	v12 =	vadd.f32 v48, v27;
	v17 =	vadd.f32 v26, v17;
	v46 =	vld.idx.msk [tilespmem:v16+s26+$0x0], $0xffff  }
0x100: {  	v14 =	vadd.f32 v20, v14;
	v49 =	vmul.f32 v61, v53;
	v20 =	vmul.f32 v22, v53;
	v16 =	vld.idx.msk [tilespmem:v16+s25+$0x0], $0xffff  }
0x101: {  	v22 =	vld.idx.msk [tilespmem:v44+s25+$0x0], $0xffff;
	[tilespmem:s21+$0x30] =	vst v12;
	v23 =	vmul.f32 v23, v25;
	v17 =	vadd.f32 v50, v17  }
0x102: {  	v24 =	vmul.f32 v62, v25;
	v13 =	vadd.f32 v20, v13;
	v14 =	vadd.f32 v49, v14;
	v51 =	vld.idx.msk [tilespmem:v45+s26+$0x0], $0xffff  }
0x103: {  	v20 =	vmul.f32 v21, v25;
	v53 =	vld.idx.msk [tilespmem:v45+s25+$0x0], $0xffff;
	v21 =	vmul.f32 v37, v36;
	v17 =	vadd.f32 v18, v17  }
0x104: {  	v4 =	vld.idx.msk [tilespmem:v4+s25+$0x0], $0xffff;
	v13 =	vadd.f32 v23, v13;
	v15 =	vmul.f32 v15, v36;
	v18 =	vmul.f32 v19, v36  }
0x105: {  	v14 =	vadd.f32 v20, v14;
	v52 =	vmul.f32 v46, v39;
	v17 =	vadd.f32 v24, v17  }
0x106: {  	v19 =	vmul.f32 v22, v39;
	v16 =	vmul.f32 v16, v39;
	v13 =	vadd.f32 v18, v13  }
0x107: {  	v14 =	vadd.f32 v21, v14;
	v18 =	vmul.f32 v51, v29;
	v15 =	vadd.f32 v15, v17  }
0x108: {  	v17 =	vmul.f32 v53, v29;
	v13 =	vadd.f32 v16, v13;
	v16 =	vor.u32 $0x1, v5  }
0x109: {  	v4 =	vmul.f32 v4, v29;
	v15 =	vadd.f32 v19, v15;
	v19 =	vor.u32 $0x2, v5  }
0x10a: {  	v14 =	vadd.f32 v52, v14;
	v13 =	vadd.f32 v17, v13;
	v17 =	vor.u32 $0x3, v5  }
0x10b: {  	v4 =	vadd.f32 v4, v15;
	v15 =	vadd.f32 $-6.399999840e-04, v12  }
0x10c: {  	(erf) = vrcp.f32 v12;
	v14 =	vadd.f32 v18, v14;
	[tilespmem:v5+s6+$0x0] =	vst.idx.msk $0xffff, v13  }
0x10d: {  	v13 =	vmax.f32 v15, $0.0e+00;
	[tilespmem:v16+s6+$0x0] =	vst.idx.msk $0xffff, v4  }
0x10e: {  	v4 =	vmin.f32 v13, $1.000000000e+00;
	[tilespmem:v19+s6+$0x0] =	vst.idx.msk $0xffff, v14  }
0x10f: {  	[tilespmem:v17+s6+$0x0] =	vst.idx.msk $0xffff, v4  }
0x110: {  	v4 =	vld [tilespmem:s1+$0x30]  }
0x111: {  	v14 =	vld [tilespmem:s1+$0xFFFFFFD0]  }
0x112: {  	v15 =	vld [tilespmem:s1+$0xFFFFFFE0]  }
0x113: {  	v16 =	vld [tilespmem:s1+$0xFFFFFFF0]  }
0x114: {  	v17 =	vld [tilespmem:s1+$0x0]  }
0x115: {  	v13 =	vpop (erf);
	v18 =	vld [tilespmem:s1+$0x10]  }
0x116: {  	v20 =	vld [tilespmem:s1+$0x20];
	v13 =	vmul.f32 $6.400000000e+01, v13  }
0x117: {  	v21 =	vld [tilespmem:s1+$0xFFFFFFC0]  }
0x118: {  	v19 =	vmul.f32 v4, v13  }
0x119: {  	v14 =	vmul.f32 v14, v13;
	v15 =	vmul.f32 v15, v13  }
0x11a: {  	v16 =	vmul.f32 v16, v13;
	v17 =	vmul.f32 v17, v13  }
0x11b: {  	v18 =	vmul.f32 v18, v13;
	v20 =	vmul.f32 v20, v13  }
0x11c: {  	v21 =	vmul.f32 v21, v13;
	v22 =	vtrunc.f32 v19  }
0x11d: {  	v54 =	vtrunc.f32 v15;
	v55 =	vtrunc.f32 v17  }
0x11e: {  	v4 =	vor.u32 s22, v0;
	v56 =	vtrunc.f32 v18;
	v57 =	vtrunc.f32 v20  }
0x11f: {  	v58 =	vtrunc.f32 v21;
	v23 =	vcvt.f32.s32 v22;
	vm0 =	vgt.f32 v19, v22  }
0x120: {  	v19 =	vtrunc.f32 v14;
	v60 =	vcvt.f32.s32 v58;
	vm2 =	vgt.f32 v15, v54  }
0x121: {  	vm4 =	vgt.f32 v17, v55;
	vm5 =	vgt.f32 v18, v56;
	v22 =	vsel vm0, $0x1, v1  }
0x122: {  	v59 =	vcvt.f32.s32 v19;
	vm1 =	vgt.f32 v14, v19;
	v14 =	vcvt.f32.s32 v54  }
0x123: {  	v19 =	vcvt.f32.s32 v56;
	v61 =	vsel vm4, $0x1, v1;
	v26 =	vsel vm5, $0x1, v1  }
0x124: {  	v22 =	vadd.s32 v23, v22;
	v23 =	vtrunc.f32 v16;
	v18 =	vsel vm1, $0x1, v1  }
0x125: {  	vm0 =	vlt.s32 v22, $0x41;
	v15 =	vcvt.f32.s32 v23;
	vm3 =	vgt.f32 v16, v23  }
0x126: {  	v16 =	vcvt.f32.s32 v55;
	v63 =	vadd.s32 v59, v18;
	v22 =	vnsel vm0, $0x41, v22  }
0x127: {  	vm0 =	vgt.f32 v21, v58;
	v21 =	vcvt.f32.s32 v57;
	v23 =	vsel vm3, $0x1, v1  }
0x128: {  	vm5 =	vlt.s32 v63, $0x41;
	v22 =	vshll.u32 v22, $0x4;
	v17 =	vsel vm0, $0x1, v1  }
0x129: {  	vm0 =	vgt.f32 v20, v57;
	v20 =	vsel vm2, $0x1, v1;
	v22 =	vadd.s32 v4, v22  }
0x12a: {  	v16 =	vadd.s32 v16, v61;
	v62 =	vadd.s32 v60, v17;
	v27 =	vsel vm0, $0x1, v1  }
0x12b: {  	v18 =	vadd.s32 v14, v20;
	v17 =	vadd.s32 v15, v23;
	v15 =	vadd.s32 v19, v26  }
0x12c: {  	vm2 =	vlt.s32 v16, $0x41;
	v19 =	vnsel vm5, $0x41, v63;
	v14 =	vadd.s32 v21, v27  }
0x12d: {  	vm1 =	vlt.s32 v62, $0x41;
	vm4 =	vlt.s32 v18, $0x41;
	vm3 =	vlt.s32 v17, $0x41  }
0x12e: {  	s3 =	simm.s32 $0x0;
	s1 =	sadd.s32 $0x80, s1;
	vm0 =	vlt.s32 v15, $0x41;
	v20 =	vnsel vm1, $0x41, v62;
	vm1 =	vlt.s32 v14, $0x41;
	[tilespmem:v22+s12+$0x0] =	vst.idx.add.s32.msk $0xffff, v3  }
.LBB2_10:
0x12f: {  	v21 =	vld [tilespmem:s1+$0x30];
	s3 =	sadd.s32 $0x8, s3;
	v18 =	vnsel vm4, $0x41, v18;
	v17 =	vnsel vm3, $0x41, v17;
	v16 =	vnsel vm2, $0x41, v16  }
0x130: {  	v20 =	vshll.u32 v20, $0x4;
	v15 =	vnsel vm0, $0x41, v15;
	v14 =	vnsel vm1, $0x41, v14;
	v22 =	vld [tilespmem:s1+$0xFFFFFFD0];
	p1 =	slt.u32 s3, $0x38  }
0x131: {  	v19 =	vshll.u32 v19, $0x4;
	v18 =	vshll.u32 v18, $0x4;
	v17 =	vshll.u32 v17, $0x4;
	v23 =	vld [tilespmem:s1+$0xFFFFFFE0]  }
0x132: {  	v16 =	vshll.u32 v16, $0x4;
	v15 =	vshll.u32 v15, $0x4;
	v14 =	vshll.u32 v14, $0x4;
	v24 =	vld [tilespmem:s1+$0xFFFFFFF0]  }
0x133: {  	v20 =	vadd.s32 v4, v20;
	v19 =	vadd.s32 v4, v19;
	v18 =	vadd.s32 v4, v18;
	v25 =	vld [tilespmem:s1+$0x0]  }
0x134: {  	v17 =	vadd.s32 v4, v17;
	v16 =	vadd.s32 v4, v16;
	v26 =	vld [tilespmem:s1+$0x10];
	v21 =	vmul.f32 v21, v13  }
0x135: {  	v15 =	vadd.s32 v4, v15;
	v14 =	vadd.s32 v4, v14;
	v22 =	vmul.f32 v22, v13;
	v27 =	vld [tilespmem:s1+$0x20]  }
0x136: {  	v28 =	vld [tilespmem:s1+$0xFFFFFFC0];
	v23 =	vmul.f32 v23, v13;
	v29 =	vtrunc.f32 v21  }
0x137: {  	v24 =	vmul.f32 v24, v13;
	v30 =	vcvt.f32.s32 v29;
	vm0 =	vgt.f32 v21, v29  }
0x138: {  	v21 =	vtrunc.f32 v22;
	v25 =	vmul.f32 v25, v13;
	v29 =	vsel vm0, $0x1, v1;
	[tilespmem:v20+s12+$0x0] =	vst.idx.add.s32.msk $0xffff, v3  }
0x139: {  	v20 =	vtrunc.f32 v23;
	v26 =	vmul.f32 v26, v13;
	v29 =	vadd.s32 v30, v29;
	[tilespmem:v19+s12+$0x0] =	vst.idx.add.s32.msk $0xffff, v3  }
0x13a: {  	v19 =	vtrunc.f32 v24;
	v27 =	vmul.f32 v27, v13;
	vm0 =	vlt.s32 v29, $0x41;
	[tilespmem:v18+s12+$0x0] =	vst.idx.add.s32.msk $0xffff, v3  }
0x13b: {  	v18 =	vmul.f32 v28, v13;
	v28 =	vtrunc.f32 v25;
	v29 =	vnsel vm0, $0x41, v29;
	[tilespmem:v17+s12+$0x0] =	vst.idx.add.s32.msk $0xffff, v3  }
0x13c: {  	v17 =	vtrunc.f32 v26;
	v30 =	vtrunc.f32 v27;
	v29 =	vshll.u32 v29, $0x4;
	[tilespmem:v16+s12+$0x0] =	vst.idx.add.s32.msk $0xffff, v3  }
0x13d: {  	v31 =	vcvt.f32.s32 v21;
	v16 =	vtrunc.f32 v18;
	v29 =	vadd.s32 v4, v29;
	[tilespmem:v15+s12+$0x0] =	vst.idx.add.s32.msk $0xffff, v3  }
0x13e: {  	vm1 =	vgt.f32 v22, v21;
	v15 =	vcvt.f32.s32 v16;
	vm0 =	vgt.f32 v18, v16;
	[tilespmem:v14+s12+$0x0] =	vst.idx.add.s32.msk $0xffff, v3  }
0x13f: {  	vm2 =	vgt.f32 v23, v20;
	v14 =	vcvt.f32.s32 v20;
	v16 =	vcvt.f32.s32 v19  }
0x140: {  	vm3 =	vgt.f32 v24, v19;
	vm4 =	vgt.f32 v25, v28;
	v19 =	vcvt.f32.s32 v28  }
0x141: {  	vm5 =	vgt.f32 v26, v17;
	v21 =	vcvt.f32.s32 v30;
	v20 =	vcvt.f32.s32 v17  }
0x142: {  	v18 =	vsel vm1, $0x1, v1;
	v17 =	vsel vm0, $0x1, v1;
	vm0 =	vgt.f32 v27, v30;
	[tilespmem:v29+s12+$0x0] =	vst.idx.add.s32.msk $0xffff, v3  }
0x143: {  	v22 =	vsel vm2, $0x1, v1;
	v23 =	vsel vm3, $0x1, v1;
	v24 =	vsel vm4, $0x1, v1  }
0x144: {  	v25 =	vadd.s32 v15, v17;
	v15 =	vsel vm5, $0x1, v1;
	v26 =	vsel vm0, $0x1, v1  }
.Ltmp5:
0x145: {  	v27 =	vadd.s32 v31, v18;
	v18 =	vadd.s32 v14, v22;
	v17 =	vadd.s32 v16, v23;
	(pc) =	sbr.rel @p1 .LBB2_10-.Ltmp5, $4  }
0x146: {  	v16 =	vadd.s32 v19, v24;
	v15 =	vadd.s32 v20, v15;
	v14 =	vadd.s32 v21, v26  }
0x147: {  	vm5 =	vlt.s32 v27, $0x41;
	vm1 =	vlt.s32 v25, $0x41;
	vm4 =	vlt.s32 v18, $0x41  }
0x148: {  	vm3 =	vlt.s32 v17, $0x41;
	vm2 =	vlt.s32 v16, $0x41;
	vm0 =	vlt.s32 v15, $0x41  }
0x149: {  	s1 =	sadd.s32 $0x80, s1;
	v19 =	vnsel vm5, $0x41, v27;
	v20 =	vnsel vm1, $0x41, v25;
	vm1 =	vlt.s32 v14, $0x41  }
0x14a: {  	v13 =	vshll.u32 v20, $0x4  }
0x14b: {  	v18 =	vnsel vm4, $0x41, v18;
	v19 =	vshll.u32 v19, $0x4;
	v13 =	vadd.s32 v4, v13  }
0x14c: {  	v17 =	vnsel vm3, $0x41, v17;
	v18 =	vshll.u32 v18, $0x4;
	v19 =	vadd.s32 v4, v19  }
0x14d: {  	v16 =	vnsel vm2, $0x41, v16;
	v17 =	vshll.u32 v17, $0x4;
	v18 =	vadd.s32 v4, v18  }
0x14e: {  	v15 =	vnsel vm0, $0x41, v15;
	v16 =	vshll.u32 v16, $0x4;
	v17 =	vadd.s32 v4, v17  }
0x14f: {  	v14 =	vnsel vm1, $0x41, v14;
	v15 =	vshll.u32 v15, $0x4;
	v16 =	vadd.s32 v4, v16  }
0x150: {  	v14 =	vshll.u32 v14, $0x4;
	v15 =	vadd.s32 v4, v15;
	[tilespmem:v13+s12+$0x0] =	vst.idx.add.s32.msk $0xffff, v3  }
0x151: {  	v4 =	vadd.s32 v4, v14;
	[tilespmem:v19+s12+$0x0] =	vst.idx.add.s32.msk $0xffff, v3  }
0x152: {  	[tilespmem:v18+s12+$0x0] =	vst.idx.add.s32.msk $0xffff, v3  }
0x153: {  	[tilespmem:v17+s12+$0x0] =	vst.idx.add.s32.msk $0xffff, v3  }
0x154: {  	[tilespmem:v16+s12+$0x0] =	vst.idx.add.s32.msk $0xffff, v3  }
0x155: {  	[tilespmem:v15+s12+$0x0] =	vst.idx.add.s32.msk $0xffff, v3  }
0x156: {  	[tilespmem:v4+s12+$0x0] =	vst.idx.add.s32.msk $0xffff, v3;
	v4 =	vor.u32 $0x3F, v5  }
0x157: {  	v13 =	vld.idx.msk [tilespmem:v5+s24+$0x0], $0xffff;
	_ =	sdelay $0x2  }
0x158: {  	v14 =	vld [tilespmem:s16+$0x18000]  }
0x159: {  	v15 =	vld.idx.msk [tilespmem:v4+s24+$0x0], $0xffff;
	v4 =	vor.u32 $0x10, v0  }
0x15a: {  	s1 =	simm.s32 $0x1;
	v16 =	vmov s16;
	v20 =	vld [tilespmem:s22+$0x19000];
	v17 =	vor.u32 s16, v4;
	v18 =	vmov v13  }
.LBB2_12:
0x15b: {  	v19 =	vld [tilespmem:s31+$0xFFFFFFD0];
	_ =	sdelay $0x4  }
0x15c: {  	v19 =	vadd.s32 v20, v19  }
0x15d: {  	v21 =	vld [tilespmem:s31+$0xFFFFFFE0];
	vm0 =	vgt.s32 v19, $0x1  }
0x15e: {  	v20 =	vnsel vm0, $0x1, v19  }
0x15f: {  	v20 =	vmin.u32 v20, $0x3F  }
0x160: {  	v22 =	vadd.s32 $0xFFFFFFFF, v20  }
0x161: {  	v23 =	vshll.u32 v22, $0x4  }
0x162: {  	v19 =	vadd.s32 v19, v21;
	v24 =	vadd.s32 v16, v23;
	v21 =	vadd.s32 v17, v23  }
0x163: {  	vm5 =	vgt.s32 v19, $0x1;
	v24 =	vor.u32 v0, v24  }
0x164: {  	v23 =	vnsel vm5, $0x1, v19  }
0x165: {  	v23 =	vmin.u32 v23, $0x3F  }
0x166: {  	v25 =	vadd.s32 $0xFFFFFFFF, v23  }
0x167: {  	v26 =	vshll.u32 v25, $0x4;
	v21 =	vld.idx.msk [tilespmem:v21+s13+$0x0], $0xffff  }
0x168: {  	v27 =	vadd.s32 v16, v26;
	v24 =	vld.idx.msk [tilespmem:v24+s13+$0x0], $0xffff  }
0x169: {  	v27 =	vor.u32 v0, v27  }
0x16a: {  	v26 =	vadd.s32 v17, v26;
	_ =	sdelay $0x2  }
0x16b: {  	v21 =	vsub.f32 v21, v24  }
0x16c: {  	v20 =	vor.u32 v5, v20;
	v27 =	vld.idx.msk [tilespmem:v27+s13+$0x0], $0xffff  }
0x16d: {  	s0 =	scvt.s32.f32 s1;
	s23 =	sadd.s32 $0x1, s1;
	v22 =	vor.u32 v5, v22;
	(erf) = vrcp.f32 v21;
	v21 =	vld.idx.msk [tilespmem:v26+s13+$0x0], $0xffff  }
0x16e: {  	s9 =	sadd.s32 $0x2, s1;
	s3 =	scvt.s32.f32 s23  }
0x16f: {  	v47 =	vld [tilespmem:s31+$0xFFFFFFF0];
	s4 =	scvt.s32.f32 s9;
	s0 =	smul.f32 $1.562500000e-02, s0  }
0x170: {  	s5 =	sadd.s32 $0xFFFFFFFF, s1;
	v62 =	vmov s1;
	s3 =	smul.f32 $1.562500000e-02, s3  }
0x171: {  	v56 =	vmov s5;
	v36 =	vmov s23;
	s4 =	smul.f32 $1.562500000e-02, s4;
	v28 =	vmul.f32 s0, v12;
	v20 =	vld.idx.msk [tilespmem:v20+s24+$0x0], $0xffff  }
0x172: {  	v61 =	vand.u32 $0xFFFFFF80, v56;
	v30 =	vmul.f32 s3, v12;
	v22 =	vld.idx.msk [tilespmem:v22+s24+$0x0], $0xffff;
	v21 =	vsub.f32 v21, v27  }
0x173: {  	v32 =	vmul.f32 s4, v12;
	vm7 =	vlt.f32 v28, v14;
	v25 =	vor.u32 v5, v25  }
0x174: {  	v31 =	vld [tilespmem:s31+$0x0];
	v19 =	vadd.s32 v19, v47;
	v23 =	vor.u32 v5, v23;
	(erf) = vrcp.f32 v21  }
0x175: {  	vm8 =	vge.f32 v28, v12;
	vm6 =	vgt.s32 v19, $0x1;
	v21 =	vsub.f32 v28, v24  }
0x176: {  	v51 =	vld [tilespmem:s31+$0x10];
	vm11 =	vlt.f32 v30, v14;
	vm12 =	vge.f32 v30, v12;
	v48 =	vnsel vm6, $0x1, v19;
	v49 =	vpop (erf)  }
0x177: {  	v20 =	vsub.f32 v20, v22;
	v24 =	vmin.u32 v48, $0x3F;
	v21 =	vmul.f32 v49, v21  }
0x178: {  	s7 =	sadd.s32 $0x3, s1;
	vm14 =	vlt.f32 v32, v14;
	vm4 =	vge.f32 v32, v12;
	v25 =	vld.idx.msk [tilespmem:v25+s24+$0x0], $0xffff;
	v50 =	vadd.s32 $0xFFFFFFFF, v24  }
0x179: {  	s8 =	scvt.s32.f32 s7;
	v19 =	vadd.s32 v19, v31;
	v29 =	vshll.u32 v50, $0x4;
	v20 =	vmul.f32 v20, v21;
	v21 =	vld.idx.msk [tilespmem:v23+s24+$0x0], $0xffff  }
0x17a: {  	v31 =	vand.u32 $0x7F, v56;
	vm9 =	vgt.s32 v19, $0x1;
	v23 =	vadd.s32 v16, v29  }
0x17b: {  	s10 =	sadd.s32 $0x4, s1;
	v46 =	vld [tilespmem:s31+$0x20];
	s8 =	smul.f32 $1.562500000e-02, s8;
	v54 =	vadd.s32 v19, v51;
	v23 =	vor.u32 v0, v23;
	v20 =	vadd.f32 v20, v22  }
0x17c: {  	s11 =	scvt.s32.f32 s10;
	vm10 =	vgt.s32 v54, $0x1;
	v27 =	vsub.f32 v30, v27;
	v57 =	vor.u32 v5, v24  }
0x17d: {  	v24 =	vmul.f32 s8, v12;
	v22 =	vadd.s32 v17, v29;
	v20 =	vsel vm7, v13, v20;
	v52 =	vpop (erf)  }
0x17e: {  	s16 =	smul.f32 $1.562500000e-02, s11;
	v20 =	vsel vm8, v15, v20;
	v27 =	vmul.f32 v52, v27;
	v21 =	vsub.f32 v21, v25  }
0x17f: {  	vm6 =	vlt.f32 v24, v14;
	vm7 =	vge.f32 v24, v12;
	v18 =	vadd.f32 v20, v18  }
0x180: {  	v53 =	vld.idx.msk [tilespmem:v23+s13+$0x0], $0xffff;
	v23 =	vmul.f32 s16, v12;
	v21 =	vmul.f32 v21, v27;
	v27 =	vadd.s32 v54, v46  }
0x181: {  	v55 =	vmul.f32 $5.000000000e-01, v18;
	v18 =	vnsel vm9, $0x1, v19;
	vm13 =	vgt.s32 v27, $0x1  }
0x182: {  	v22 =	vld.idx.msk [tilespmem:v22+s13+$0x0], $0xffff;
	vm8 =	vlt.f32 v23, v14;
	vm9 =	vge.f32 v23, v12;
	v19 =	vadd.f32 v21, v25  }
0x183: {  	s21 =	sadd.s32 $0x6, s1;
	v21 =	vnsel vm10, $0x1, v54;
	v33 =	vmin.u32 v18, $0x3F;
	v18 =	vor.u32 v5, v50  }
0x184: {  	s18 =	sadd.s32 $0x5, s1;
	s22 =	scvt.s32.f32 s21;
	v25 =	vmov s9;
	v34 =	vadd.s32 $0xFFFFFFFF, v33;
	v42 =	vmul.f32 v55, v9  }
0x185: {  	s20 =	scvt.s32.f32 s18;
	v45 =	vmul.f32 v55, v10;
	v29 =	vmul.f32 v55, v11;
	v52 =	vor.u32 v5, v33  }
0x186: {  	v63 =	vld [tilespmem:s31+$0x30];
	s0 =	smul.f32 $1.562500000e-02, s22;
	v37 =	vshll.u32 v34, $0x4;
	v19 =	vsel vm11, v13, v19;
	v28 =	vsub.f32 v32, v53  }
0x187: {  	s8 =	smul.f32 $1.562500000e-02, s20;
	v35 =	vsub.f32 v22, v53;
	v22 =	vadd.s32 v16, v37;
	v58 =	vadd.s32 v17, v37  }
0x188: {  	v34 =	vor.u32 v5, v34;
	v37 =	vmin.u32 v21, $0x3F;
	v38 =	vor.u32 v0, v22  }
0x189: {  	v21 =	vmul.f32 s8, v12;
	v39 =	vsel vm12, v15, v19;
	v19 =	vmul.f32 s0, v12  }
0x18a: {  	v42 =	vadd.f32 v42, v6;
	v20 =	vadd.f32 v39, v20;
	(erf) = vrcp.f32 v35  }
0x18b: {  	v29 =	vadd.f32 v29, v8;
	v53 =	vnsel vm13, $0x1, v27;
	v27 =	vadd.s32 v27, v63  }
0x18c: {  	v22 =	vmov s7;
	v59 =	vadd.s32 $0xFFFFFFFF, v37;
	v44 =	vmul.f32 $5.000000000e-01, v20;
	v20 =	vld.idx.msk [tilespmem:v58+s13+$0x0], $0xffff  }
0x18d: {  	s23 =	sadd.s32 $0x7, s1;
	vm15 =	vgt.s32 v27, $0x1;
	v37 =	vor.u32 v5, v37;
	v41 =	vshll.u32 v59, $0x4;
	v38 =	vld.idx.msk [tilespmem:v38+s13+$0x0], $0xffff  }
0x18e: {  	v26 =	vld.idx.msk [tilespmem:v57+s24+$0x0], $0xffff;
	s7 =	scvt.s32.f32 s23;
	v57 =	vnsel vm15, $0x1, v27;
	v30 =	vor.u32 v5, v59;
	vm10 =	vlt.f32 v21, v14  }
0x18f: {  	v40 =	vld.idx.msk [tilespmem:v18+s24+$0x0], $0xffff;
	vm11 =	vge.f32 v21, v12;
	vm12 =	vlt.f32 v19, v14;
	vm13 =	vge.f32 v19, v12  }
0x190: {  	s7 =	smul.f32 $1.562500000e-02, s7;
	v43 =	vadd.s32 v16, v41;
	v60 =	vadd.s32 v17, v41;
	v41 =	vadd.s32 v5, v61  }
0x191: {  	v43 =	vor.u32 v0, v43;
	v31 =	vor.u32 v31, v41;
	v41 =	vadd.f32 v45, v7  }
0x192: {  	v45 =	vand.u32 $0x7F, v62;
	v18 =	vmul.f32 s7, v12;
	v20 =	vsub.f32 v20, v38  }
0x193: {  	v46 =	vmin.u32 v57, $0x3F;
	v47 =	vmul.f32 v44, v9;
	v45 =	vbroadcast v45, $0x0;
	v48 =	vpop (erf)  }
0x194: {  	v26 =	vsub.f32 v26, v40;
	v28 =	vmul.f32 v48, v28;
	(erf) = vrcp.f32 v20  }
0x195: {  	v47 =	vadd.f32 v47, v6;
	v33 =	vor.u32 v5, v45;
	v45 =	vmul.f32 v44, v10;
	v35 =	vld.idx.msk [tilespmem:v60+s13+$0x0], $0xffff  }
0x196: {  	vm15 =	vge.f32 v18, v12;
	v60 =	vand.u32 $0x80, v36;
	v43 =	vld.idx.msk [tilespmem:v43+s13+$0x0], $0xffff;
	v20 =	vmul.f32 v26, v28  }
0x197: {  	v49 =	vld [tilespmem:s31+$0x40];
	v36 =	vand.u32 $0x7F, v36;
	v62 =	vadd.s32 v5, v60;
	v48 =	vadd.s32 $0xFFFFFFFF, v46  }
0x198: {  	v34 =	vld.idx.msk [tilespmem:v34+s24+$0x0], $0xffff;
	v51 =	vshll.u32 v48, $0x4;
	v28 =	vmin.u32 v53, $0x3F;
	v20 =	vadd.f32 v20, v40  }
0x199: {  	v36 =	vor.u32 v36, v62;
	v26 =	vld.idx.msk [tilespmem:v52+s24+$0x0], $0xffff;
	v52 =	vadd.s32 v16, v51;
	v40 =	vadd.s32 $0xFFFFFFFF, v28  }
0x19a: {  	v37 =	vld.idx.msk [tilespmem:v37+s24+$0x0], $0xffff;
	v51 =	vadd.s32 v17, v51;
	v54 =	vshll.u32 v40, $0x4;
	v20 =	vsel vm14, v13, v20  }
0x19b: {  	v30 =	vld.idx.msk [tilespmem:v30+s24+$0x0], $0xffff;
	v35 =	vsub.f32 v35, v43;
	v55 =	vadd.s32 v16, v54;
	v58 =	vadd.s32 v17, v54  }
0x19c: {  	[tilespmem:v31+s14+$0x0] =	vst.idx.msk $0xffff, v42;
	v62 =	vand.u32 $0x80, v25;
	v38 =	vsub.f32 v24, v38;
	v56 =	vor.u32 v0, v55  }
0x19d: {  	[tilespmem:v31+s15+$0x0] =	vst.idx.msk $0xffff, v41;
	v59 =	vor.u32 v0, v52;
	(erf) = vrcp.f32 v35;
	v50 =	vsel vm4, v15, v20;
	v20 =	vpop (erf)  }
0x19e: {  	v28 =	vor.u32 v5, v28;
	v38 =	vmul.f32 v20, v38;
	v20 =	vadd.s32 v27, v49  }
0x19f: {  	v40 =	vor.u32 v5, v40;
	v26 =	vsub.f32 v26, v34;
	v55 =	vld.idx.msk [tilespmem:v51+s13+$0x0], $0xffff;
	vm5 =	vgt.s32 v20, $0x1  }
0x1a0: {  	v25 =	vand.u32 $0x7F, v25;
	[tilespmem:v31+s17+$0x0] =	vst.idx.msk $0xffff, v29;
	v37 =	vsub.f32 v37, v30;
	v32 =	vld.idx.msk [tilespmem:v58+s13+$0x0], $0xffff;
	v61 =	vnsel vm5, $0x1, v20  }
0x1a1: {  	v39 =	vadd.f32 v50, v39;
	v27 =	vld.idx.msk [tilespmem:v56+s13+$0x0], $0xffff;
	v26 =	vmul.f32 v26, v38;
	v38 =	vmin.u32 v61, $0x3F  }
0x1a2: {  	v43 =	vsub.f32 v23, v43;
	v54 =	vmul.f32 v44, v11;
	v35 =	vld.idx.msk [tilespmem:v59+s13+$0x0], $0xffff;
	v49 =	vadd.s32 $0xFFFFFFFF, v38  }
0x1a3: {  	[tilespmem:v33+s14+$0x0] =	vst.idx.msk $0xffff, v47;
	vm14 =	vlt.f32 v18, v14;
	v28 =	vld.idx.msk [tilespmem:v28+s24+$0x0], $0xffff;
	v57 =	vmul.f32 $5.000000000e-01, v39;
	v52 =	vshll.u32 v49, $0x4  }
0x1a4: {  	v59 =	vadd.f32 v54, v8;
	v47 =	vld.idx.msk [tilespmem:v40+s24+$0x0], $0xffff;
	v53 =	vadd.s32 v16, v52;
	v58 =	vadd.s32 v17, v52  }
0x1a5: {  	v60 =	vmul.f32 v57, v9;
	v23 =	vmul.f32 v57, v10;
	v42 =	vor.u32 v0, v53  }
0x1a6: {  	v51 =	vor.u32 v5, v48;
	v56 =	vadd.f32 v45, v7;
	v32 =	vsub.f32 v32, v27  }
0x1a7: {  	v31 =	vmul.f32 v57, v11;
	v63 =	vpop (erf);
	v45 =	vadd.f32 v60, v6;
	v23 =	vadd.f32 v23, v7  }
0x1a8: {  	[tilespmem:v33+s15+$0x0] =	vst.idx.msk $0xffff, v56;
	v26 =	vadd.f32 v26, v34;
	v34 =	vmul.f32 v63, v43;
	(erf) = vrcp.f32 v32  }
0x1a9: {  	v63 =	vsub.f32 v55, v35;
	[tilespmem:v33+s17+$0x0] =	vst.idx.msk $0xffff, v59;
	v28 =	vsub.f32 v28, v47;
	v44 =	vld.idx.msk [tilespmem:v58+s13+$0x0], $0xffff  }
0x1aa: {  	v38 =	vor.u32 v5, v38;
	v59 =	vsub.f32 v19, v35;
	v57 =	vor.u32 v5, v49;
	v42 =	vld.idx.msk [tilespmem:v42+s13+$0x0], $0xffff  }
0x1ab: {  	[tilespmem:v36+s14+$0x0] =	vst.idx.msk $0xffff, v45;
	v45 =	vmov s10;
	v61 =	vmul.f32 v37, v34;
	v34 =	vadd.s32 v5, v62  }
0x1ac: {  	v26 =	vsel vm6, v13, v26;
	v53 =	vor.u32 v5, v46;
	(erf) = vrcp.f32 v63  }
0x1ad: {  	v27 =	vsub.f32 v21, v27;
	v26 =	vsel vm7, v15, v26;
	v29 =	vadd.f32 v61, v30  }
0x1ae: {  	v33 =	vld.idx.msk [tilespmem:v51+s24+$0x0], $0xffff;
	v48 =	vand.u32 $0x80, v45;
	v24 =	vor.u32 v25, v34;
	v52 =	vadd.f32 v26, v50  }
0x1af: {  	v61 =	vadd.f32 v31, v8;
	v41 =	vld.idx.msk [tilespmem:v38+s24+$0x0], $0xffff;
	v29 =	vsel vm8, v13, v29;
	v25 =	vsub.f32 v44, v42  }
0x1b0: {  	v50 =	vadd.s32 v5, v48;
	v54 =	vmul.f32 $5.000000000e-01, v52;
	v39 =	vld.idx.msk [tilespmem:v57+s24+$0x0], $0xffff;
	v29 =	vsel vm9, v15, v29  }
0x1b1: {  	[tilespmem:v36+s15+$0x0] =	vst.idx.msk $0xffff, v23;
	v58 =	vand.u32 $0x80, v22;
	v22 =	vand.u32 $0x7F, v22;
	v37 =	vld.idx.msk [tilespmem:v53+s24+$0x0], $0xffff;
	v55 =	vpop (erf);
	(erf) = vrcp.f32 v25  }
0x1b2: {  	v56 =	vmul.f32 v54, v9;
	v23 =	vadd.s32 v5, v58;
	v63 =	vmul.f32 v54, v10  }
0x1b3: {  	v26 =	vadd.f32 v29, v26;
	v30 =	vmul.f32 v54, v11;
	v22 =	vor.u32 v22, v23  }
0x1b4: {  	v62 =	vadd.f32 v56, v6;
	v31 =	vadd.f32 v63, v7;
	v27 =	vmul.f32 v55, v27  }
0x1b5: {  	v26 =	vmul.f32 $5.000000000e-01, v26;
	v30 =	vadd.f32 v30, v8;
	v49 =	vsub.f32 v41, v39;
	v60 =	vpop (erf)  }
0x1b6: {  	v40 =	vsub.f32 v37, v33;
	v25 =	vmul.f32 v60, v59;
	v23 =	vmul.f32 v28, v27  }
0x1b7: {  	v58 =	vmov s21;
	v21 =	vmul.f32 v26, v9;
	[tilespmem:v24+s14+$0x0] =	vst.idx.msk $0xffff, v62;
	v51 =	vmul.f32 v26, v10  }
0x1b8: {  	v26 =	vmul.f32 v26, v11;
	v25 =	vmul.f32 v40, v25;
	v23 =	vadd.f32 v23, v47  }
0x1b9: {  	v56 =	vmov s18;
	v43 =	vsub.f32 v18, v42;
	[tilespmem:v24+s15+$0x0] =	vst.idx.msk $0xffff, v31;
	v21 =	vadd.f32 v21, v6  }
0x1ba: {  	v19 =	vadd.f32 v51, v7;
	v25 =	vadd.f32 v25, v33;
	v23 =	vsel vm10, v13, v23;
	v46 =	vpop (erf)  }
0x1bb: {  	v26 =	vadd.f32 v26, v8;
	v23 =	vsel vm11, v15, v23;
	v47 =	vmul.f32 v46, v43  }
0x1bc: {  	v57 =	vand.u32 $0x80, v56;
	[tilespmem:v24+s17+$0x0] =	vst.idx.msk $0xffff, v30;
	v25 =	vsel vm12, v13, v25;
	v44 =	vadd.f32 v23, v29  }
0x1bd: {  	v24 =	vadd.s32 v5, v57;
	v25 =	vsel vm13, v15, v25;
	v28 =	vmul.f32 v49, v47  }
0x1be: {  	[tilespmem:v36+s17+$0x0] =	vst.idx.msk $0xffff, v61;
	v29 =	vand.u32 $0x7F, v45;
	v23 =	vadd.f32 v25, v23;
	v27 =	vmul.f32 $5.000000000e-01, v44  }
0x1bf: {  	v61 =	vand.u32 $0x80, v58;
	[tilespmem:v22+s14+$0x0] =	vst.idx.msk $0xffff, v21;
	v29 =	vor.u32 v29, v50;
	v28 =	vadd.f32 v28, v39  }
0x1c0: {  	[tilespmem:v22+s15+$0x0] =	vst.idx.msk $0xffff, v19;
	v19 =	vmul.f32 $5.000000000e-01, v23;
	v23 =	vand.u32 $0x7F, v56;
	v52 =	vmul.f32 v27, v9  }
0x1c1: {  	v53 =	vmul.f32 v27, v10;
	v27 =	vmul.f32 v27, v11;
	v55 =	vsel vm14, v13, v28  }
0x1c2: {  	[tilespmem:v22+s17+$0x0] =	vst.idx.msk $0xffff, v26;
	v22 =	vor.u32 v23, v24;
	v24 =	vand.u32 $0x7F, v58;
	v18 =	vsel vm15, v15, v55  }
0x1c3: {  	v59 =	vmul.f32 v19, v9;
	v54 =	vadd.f32 v52, v6;
	v23 =	vadd.f32 v18, v25  }
0x1c4: {  	v60 =	vmul.f32 v19, v10;
	v19 =	vmul.f32 v19, v11;
	v32 =	vadd.f32 v53, v7  }
0x1c5: {  	v21 =	vadd.f32 v27, v8;
	v27 =	vadd.s32 v5, v61;
	[tilespmem:v29+s14+$0x0] =	vst.idx.msk $0xffff, v54;
	v23 =	vmul.f32 $5.000000000e-01, v23  }
0x1c6: {  	v24 =	vor.u32 v24, v27;
	[tilespmem:v29+s15+$0x0] =	vst.idx.msk $0xffff, v32;
	v25 =	vadd.f32 v59, v6  }
0x1c7: {  	[tilespmem:v29+s17+$0x0] =	vst.idx.msk $0xffff, v21;
	v21 =	vadd.f32 v60, v7;
	v62 =	vmul.f32 v23, v9  }
0x1c8: {  	p1 =	slt.u32 s1, $0x39;
	v19 =	vadd.f32 v19, v8;
	[tilespmem:v22+s14+$0x0] =	vst.idx.msk $0xffff, v25;
	v63 =	vmul.f32 v23, v10  }
.Ltmp6:
0x1c9: {  	[tilespmem:v22+s15+$0x0] =	vst.idx.msk $0xffff, v21;
	v23 =	vmul.f32 v23, v11;
	v21 =	vadd.f32 v62, v6;
	(pc) =	sbr.rel @p1 .LBB2_12-.Ltmp6, $4  }
0x1ca: {  	[tilespmem:v22+s17+$0x0] =	vst.idx.msk $0xffff, v19;
	v19 =	vadd.f32 v63, v7  }
0x1cb: {  	[tilespmem:v24+s14+$0x0] =	vst.idx.msk $0xffff, v21;
	v21 =	vadd.f32 v23, v8  }
0x1cc: {  	[tilespmem:v24+s15+$0x0] =	vst.idx.msk $0xffff, v19  }
0x1cd: {  	s1 =	sadd.s32 $0x8, s1;
	s31 =	sadd.s32 $0x80, s31;
	[tilespmem:v24+s17+$0x0] =	vst.idx.msk $0xffff, v21  }
0x1ce: {  	s5 =	sor.u32 $0x1, s29  }
0x1cf: {  	s31 =	smul.u32 $0x420, s5;
	_ =	sdelay $0x1  }
0x1d0: {  	s0 =	sshll.u32 s31, $0x2  }
0x1d1: {  	s1 =	sshll.u32 s29, $0x7;
	s0 =	sand.u32 $0xFFFFFE00, s0  }
0x1d2: {  	s0 =	sadd.s32 s1, s0;
	s1 =	sadd.s32 $0x19490, s28  }
0x1d3: {  	[tilespmem:s1+$0x0] =	vst v1  }
0x1d4: {  	[tilespmem:s1+$0xFFFFFFF0] =	vst v1  }
0x1d5: {  	[tilespmem:s1+$0xFFFFFFE0] =	vst v1  }
0x1d6: {  	[tilespmem:s1+$0xFFFFFFD0] =	vst v1  }
0x1d7: {  	s0 =	sshra.s32 s0, $0x2;
	[tilespmem:s1+$0xFFFFFFC0] =	vst v1  }
0x1d8: {  	[tilespmem:s1+$0xFFFFFFB0] =	vst v1;
	s3 =	sadd.s32 $0x19020, s0  }
0x1d9: {  	s4 =	simm.s32 $0x0;
	[tilespmem:s3+$0x0] =	vst v1  }
.LBB2_14:
0x1da: {  	s4 =	sadd.s32 $0x8, s4;
	[tilespmem:s1+$0xFFFFFFA0] =	vst v1;
	s3 =	sadd.s32 $0x80, s3;
	s1 =	sadd.s32 $0x80, s1  }
0x1db: {  	[tilespmem:s3+$0x0] =	vst v1;
	p1 =	slt.u32 s4, $0x38  }
0x1dc: {  	[tilespmem:s1+$0x0] =	vst v1  }
.Ltmp7:
0x1dd: {  	[tilespmem:s1+$0xFFFFFFF0] =	vst v1;
	(pc) =	sbr.rel @p1 .LBB2_14-.Ltmp7, $4  }
0x1de: {  	[tilespmem:s1+$0xFFFFFFE0] =	vst v1  }
0x1df: {  	[tilespmem:s1+$0xFFFFFFD0] =	vst v1  }
0x1e0: {  	[tilespmem:s1+$0xFFFFFFC0] =	vst v1  }
0x1e1: {  	[tilespmem:s1+$0xFFFFFFB0] =	vst v1  }
0x1e2: {  	s0 =	sadd.s32 $0x19820, s28  }
0x1e3: {  	[tilespmem:s1+$0xFFFFFFA0] =	vst v1;
	s1 =	simm.s32 $0x0;
	v5 =	vmov s0  }
.LBB2_16:
0x1e4: {  	p1 =	sne.s32 s1, $0x40  }
.Ltmp8:
0x1e5: {  	_ = 	snop;
	(pc) =	sbr.rel @p1 .LBB2_16-.Ltmp8, $3  }
0x1e6: {  	_ =	sdelay $0x1  }
0x1e7: {  	s0 =	sshra.s32 s1, $0x2  }
0x1e8: {  	s1 =	sadd.s32 $0x40, s1;
	[tilespmem:v5+s0+$0x0 ss:$0x1] =	vst.idx.msk $0xffff, v1  }
0x1e9: {  	s0 =	sshll.u32 s5, $0x4  }
0x1ea: {  	v5 =	vmov s0  }
0x1eb: {  	v5 =	vshll.u32 v5, $0x7  }
0x1ec: {  	s21 =	simm.s32 $0x0;
	v5 =	vor.u32 v2, v5  }
0x1ed: {  	v13 =	vor.u32 s21, v5  }
0x1ee: {  	s1 =	simm.s32 $0x1;
	v12 =	vor.u32 $0x40, v5  }
0x1ef: {  	v14 =	vor.u32 s1, v5  }
0x1f0: {  	v7 =	vor.u32 $0x41, v5  }
0x1f1: {  	v8 =	vor.u32 $0x42, v5  }
0x1f2: {  	s8 =	simm.s32 $0x2;
	v9 =	vor.u32 $0x43, v5;
	v10 =	vld.idx.msk [tilespmem:v13+s2+$0x0], $0xffff  }
0x1f3: {  	s9 =	simm.s32 $0x3;
	v15 =	vor.u32 s8, v5;
	v6 =	vld.idx.msk [tilespmem:v12+s26+$0x0], $0xffff  }
0x1f4: {  	v21 =	vor.u32 s9, v5;
	v16 =	vld.idx.msk [tilespmem:v14+s2+$0x0], $0xffff  }
0x1f5: {  	v11 =	vor.u32 $0x44, v5;
	v7 =	vld.idx.msk [tilespmem:v7+s26+$0x0], $0xffff  }
0x1f6: {  	s11 =	simm.s32 $0x4;
	v17 =	vor.u32 $0x45, v5;
	v8 =	vld.idx.msk [tilespmem:v8+s26+$0x0], $0xffff  }
0x1f7: {  	v20 =	vimm.f32 $1.000000000e+00;
	s3 =	simm.s32 $0x6;
	v18 =	vor.u32 s11, v5;
	v9 =	vld.idx.msk [tilespmem:v9+s26+$0x0], $0xffff;
	v19 =	vsub.f32 $1.000000000e+00, v10  }
0x1f8: {  	s4 =	simm.s32 $0x5;
	v24 =	vor.u32 s3, v5;
	v23 =	vld.idx.msk [tilespmem:v15+s2+$0x0], $0xffff;
	v22 =	vmul.f32 v10, v20  }
0x1f9: {  	v25 =	vor.u32 s4, v5;
	v27 =	vld.idx.msk [tilespmem:v21+s2+$0x0], $0xffff;
	v19 =	vmul.f32 v19, v20  }
0x1fa: {  	v37 =	vor.u32 s21, v12;
	v10 =	vld.idx.msk [tilespmem:v11+s26+$0x0], $0xffff;
	v20 =	vadd.f32 $9.999999740e-06, v22  }
0x1fb: {  	v11 =	vld.idx.msk [tilespmem:v17+s26+$0x0], $0xffff;
	v17 =	vimm.f32 $0.0e+00;
	v26 =	vmul.f32 v16, v19  }
0x1fc: {  	v30 =	vld.idx.msk [tilespmem:v18+s2+$0x0], $0xffff;
	v16 =	vsub.f32 $1.000000000e+00, v16;
	v28 =	vadd.f32 v20, v17  }
0x1fd: {  	v29 =	vor.u32 s1, v12;
	s1 =	sadd.s32 $0x18470, s30;
	v31 =	vld.idx.msk [tilespmem:v24+s2+$0x0], $0xffff;
	v20 =	vadd.f32 $9.999999740e-06, v26  }
0x1fe: {  	s23 =	simm.s32 $0xA;
	v33 =	vld.idx.msk [tilespmem:v25+s2+$0x0], $0xffff;
	v16 =	vmul.f32 v16, v19;
	v19 =	vsub.f32 $1.000000000e+00, v23;
	[tilespmem:s1+$0xFFFFFF90] =	vst v28  }
0x1ff: {  	s10 =	simm.s32 $0x7;
	v46 =	vor.u32 s23, v5;
	v37 =	vld.idx.msk [tilespmem:v37+s25+$0x0], $0xffff;
	v32 =	vadd.f32 v20, v28  }
0x200: {  	s7 =	simm.s32 $0x9;
	s29 =	simm.s32 $0xB;
	v20 =	vor.u32 s10, v5;
	v23 =	vmul.f32 v23, v16;
	v28 =	vld.idx.msk [tilespmem:v13+s26+$0x0], $0xffff;
	v16 =	vmul.f32 v19, v16  }
0x201: {  	v51 =	vor.u32 s29, v5;
	v35 =	vsub.f32 $1.000000000e+00, v27;
	v19 =	vor.u32 s7, v5;
	v13 =	vld.idx.msk [tilespmem:v13+s25+$0x0], $0xffff;
	[tilespmem:s1+$0xFFFFFFA0] =	vst v32  }
0x202: {  	v55 =	vor.u32 s8, v12;
	v34 =	vadd.f32 $9.999999740e-06, v23;
	v27 =	vmul.f32 v27, v16;
	v36 =	vld.idx.msk [tilespmem:v14+s25+$0x0], $0xffff  }
0x203: {  	v40 =	vor.u32 s9, v12;
	v38 =	vsub.f32 $1.000000000e+00, v30;
	v16 =	vmul.f32 v35, v16;
	v29 =	vld.idx.msk [tilespmem:v29+s25+$0x0], $0xffff  }
0x204: {  	v63 =	vor.u32 s4, v12;
	v14 =	vld.idx.msk [tilespmem:v14+s26+$0x0], $0xffff;
	v32 =	vadd.f32 v34, v32;
	v56 =	vadd.f32 $9.999999740e-06, v27  }
0x205: {  	v49 =	vor.u32 s10, v12;
	v41 =	vsub.f32 $1.000000000e+00, v33;
	v30 =	vmul.f32 v30, v16;
	v39 =	vld.idx.msk [tilespmem:v20+s2+$0x0], $0xffff  }
0x206: {  	v42 =	vsub.f32 $1.000000000e+00, v31;
	v38 =	vmul.f32 v38, v16;
	v45 =	vld.idx.msk [tilespmem:v19+s2+$0x0], $0xffff;
	[tilespmem:s1+$0xFFFFFFB0] =	vst v32;
	v32 =	vadd.f32 v56, v32  }
0x207: {  	v28 =	vmul.f32 v28, v22;
	v44 =	vmul.f32 v13, v22;
	v43 =	vadd.f32 $9.999999740e-06, v30;
	v57 =	vld.idx.msk [tilespmem:v15+s26+$0x0], $0xffff  }
0x208: {  	s22 =	simm.s32 $0x8;
	v16 =	vor.u32 s11, v12;
	v22 =	vmul.f32 v37, v22;
	v33 =	vmul.f32 v33, v38;
	v15 =	vld.idx.msk [tilespmem:v15+s25+$0x0], $0xffff;
	[tilespmem:s1+$0xFFFFFFC0] =	vst v32  }
0x209: {  	v38 =	vmul.f32 v41, v38;
	v41 =	vor.u32 s22, v5;
	v13 =	vadd.f32 v43, v32;
	v58 =	vld.idx.msk [tilespmem:v40+s25+$0x0], $0xffff  }
0x20a: {  	v52 =	vor.u32 s3, v12;
	v22 =	vadd.f32 v22, v17;
	v44 =	vadd.f32 v44, v17;
	v60 =	vld.idx.msk [tilespmem:v21+s26+$0x0], $0xffff  }
0x20b: {  	v29 =	vmul.f32 v29, v26;
	v59 =	vadd.f32 $9.999999740e-06, v33;
	v31 =	vmul.f32 v31, v38;
	v21 =	vld.idx.msk [tilespmem:v21+s25+$0x0], $0xffff;
	[tilespmem:s1+$0xFFFFFFD0] =	vst v13  }
0x20c: {  	v36 =	vmul.f32 v36, v26;
	v14 =	vmul.f32 v14, v26;
	v26 =	vsub.f32 $1.000000000e+00, v39;
	v62 =	vld.idx.msk [tilespmem:v18+s25+$0x0], $0xffff  }
0x20d: {  	v40 =	vmul.f32 v42, v38;
	v61 =	vadd.f32 $9.999999740e-06, v31;
	v13 =	vadd.f32 v59, v13;
	v16 =	vld.idx.msk [tilespmem:v16+s25+$0x0], $0xffff  }
0x20e: {  	v22 =	vadd.f32 v29, v22;
	v56 =	vsub.f32 $1.000000000e+00, v45;
	v50 =	vld.idx.msk [tilespmem:v41+s2+$0x0], $0xffff;
	v42 =	vmul.f32 v15, v23  }
0x20f: {  	s21 =	simm.s32 $0x11;
	v54 =	vor.u32 s23, v12;
	v15 =	vadd.f32 v28, v17;
	v28 =	vld.idx.msk [tilespmem:v55+s25+$0x0], $0xffff;
	v43 =	vadd.f32 v61, v13;
	[tilespmem:s1+$0xFFFFFFE0] =	vst v13  }
0x210: {  	s30 =	simm.s32 $0xC;
	v36 =	vadd.f32 v36, v44;
	v35 =	vmul.f32 v57, v23;
	v13 =	vor.u32 s21, v5;
	v47 =	vld.idx.msk [tilespmem:v25+s26+$0x0], $0xffff  }
0x211: {  	v26 =	vmul.f32 v26, v40;
	v55 =	vor.u32 s30, v12;
	v57 =	vor.u32 s7, v12;
	s7 =	simm.s32 $0xD;
	v25 =	vld.idx.msk [tilespmem:v25+s25+$0x0], $0xffff;
	[tilespmem:s1+$0xFFFFFFF0] =	vst v43  }
0x212: {  	v40 =	vmul.f32 v39, v40;
	v17 =	vor.u32 s7, v5;
	v32 =	vmul.f32 v58, v27;
	v53 =	vld.idx.msk [tilespmem:v24+s26+$0x0], $0xffff  }
0x213: {  	s3 =	simm.s32 $0xF;
	v34 =	vld.idx.msk [tilespmem:v63+s25+$0x0], $0xffff;
	v38 =	vmul.f32 v60, v27;
	v48 =	vadd.f32 v14, v15;
	v15 =	vor.u32 s30, v5  }
0x214: {  	s4 =	simm.s32 $0xE;
	v14 =	vor.u32 s3, v5;
	v58 =	vld.idx.msk [tilespmem:v46+s2+$0x0], $0xffff;
	v36 =	vadd.f32 v42, v36;
	v21 =	vmul.f32 v21, v27  }
0x215: {  	v60 =	vld.idx.msk [tilespmem:v18+s26+$0x0], $0xffff;
	v29 =	vmul.f32 v16, v30;
	v16 =	vor.u32 s4, v5;
	v39 =	vsub.f32 $1.000000000e+00, v50  }
0x216: {  	v59 =	vmul.f32 v50, v26;
	v50 =	vld.idx.msk [tilespmem:v51+s2+$0x0], $0xffff;
	v35 =	vadd.f32 v35, v48;
	v23 =	vmul.f32 v28, v23  }
0x217: {  	v24 =	vld.idx.msk [tilespmem:v24+s25+$0x0], $0xffff;
	v18 =	vmul.f32 v39, v26;
	v44 =	vmul.f32 v53, v31;
	v53 =	vadd.f32 $9.999999740e-06, v40  }
0x218: {  	v27 =	vld.idx.msk [tilespmem:v52+s25+$0x0], $0xffff;
	v37 =	vmul.f32 v62, v30;
	v21 =	vadd.f32 v21, v36;
	v22 =	vadd.f32 v23, v22  }
0x219: {  	v36 =	vld.idx.msk [tilespmem:v17+s2+$0x0], $0xffff;
	v39 =	vmul.f32 v45, v18;
	v56 =	vmul.f32 v56, v18;
	v18 =	vadd.f32 v53, v43  }
0x21a: {  	v47 =	vmul.f32 v47, v33;
	v26 =	vadd.f32 $9.999999740e-06, v59;
	v37 =	vadd.f32 v37, v21;
	v28 =	vld.idx.msk [tilespmem:v15+s2+$0x0], $0xffff  }
0x21b: {  	v25 =	vmul.f32 v25, v33;
	v45 =	vld.idx.msk [tilespmem:v16+s2+$0x0], $0xffff;
	v61 =	vsub.f32 $1.000000000e+00, v50;
	v22 =	vadd.f32 v32, v22;
	[tilespmem:s1+$0x0] =	vst v18  }
0x21c: {  	v30 =	vmul.f32 v60, v30;
	v23 =	vadd.f32 v26, v18;
	v26 =	vadd.f32 $9.999999740e-06, v39;
	v43 =	vld.idx.msk [tilespmem:v20+s26+$0x0], $0xffff  }
0x21d: {  	s11 =	sadd.s32 $0x80, s1;
	v53 =	vmul.f32 v27, v31;
	v18 =	vmul.f32 v58, v56;
	v58 =	vsub.f32 $1.000000000e+00, v58;
	v27 =	vld.idx.msk [tilespmem:v49+s25+$0x0], $0xffff  }
0x21e: {  	v48 =	vor.u32 s22, v12;
	[tilespmem:s11+$0xFFFFFF90] =	vst v23;
	v23 =	vadd.f32 v26, v23;
	v26 =	vadd.f32 v38, v35;
	v35 =	vld.idx.msk [tilespmem:v20+s25+$0x0], $0xffff  }
0x21f: {  	v63 =	vsub.f32 $1.000000000e+00, v36;
	v22 =	vadd.f32 v29, v22;
	v20 =	vmul.f32 v58, v56;
	v38 =	vld.idx.msk [tilespmem:v41+s26+$0x0], $0xffff  }
0x220: {  	v33 =	vmul.f32 v34, v33;
	v62 =	vsub.f32 $1.000000000e+00, v28;
	v60 =	vadd.f32 $9.999999740e-06, v18;
	v56 =	vld.idx.msk [tilespmem:v41+s25+$0x0], $0xffff;
	[tilespmem:s11+$0xFFFFFFA0] =	vst v23  }
0x221: {  	v21 =	vmul.f32 v50, v20;
	v20 =	vmul.f32 v61, v20;
	v26 =	vadd.f32 v30, v26;
	v49 =	vld.idx.msk [tilespmem:v19+s25+$0x0], $0xffff  }
0x222: {  	s22 =	simm.s32 $0x10;
	v31 =	vmul.f32 v24, v31;
	v50 =	vsub.f32 $1.000000000e+00, v45;
	v23 =	vadd.f32 v60, v23;
	v30 =	vld.idx.msk [tilespmem:v57+s25+$0x0], $0xffff  }
0x223: {  	v29 =	vld.idx.msk [tilespmem:v19+s26+$0x0], $0xffff;
	v19 =	vor.u32 s22, v5;
	v57 =	vadd.f32 v33, v22;
	v60 =	vmul.f32 v62, v20  }
0x224: {  	v24 =	vld.idx.msk [tilespmem:v14+s2+$0x0], $0xffff;
	v61 =	vadd.f32 $9.999999740e-06, v21;
	v20 =	vmul.f32 v28, v20;
	v26 =	vadd.f32 v47, v26  }
0x225: {  	v47 =	vld.idx.msk [tilespmem:v48+s25+$0x0], $0xffff;
	v28 =	vmul.f32 v43, v40;
	[tilespmem:s11+$0xFFFFFFB0] =	vst v23;
	v62 =	vor.u32 s29, v12;
	v41 =	vmul.f32 v38, v59  }
0x226: {  	v48 =	vld.idx.msk [tilespmem:v46+s26+$0x0], $0xffff;
	v32 =	vadd.f32 v61, v23;
	v44 =	vadd.f32 v44, v26;
	v23 =	vmul.f32 v36, v60  }
0x227: {  	v46 =	vld.idx.msk [tilespmem:v46+s25+$0x0], $0xffff;
	v42 =	vmul.f32 v63, v60;
	v63 =	vadd.f32 v25, v37;
	v36 =	vmul.f32 v27, v40  }
0x228: {  	v33 =	vmul.f32 v56, v59;
	v26 =	vld.idx.msk [tilespmem:v54+s25+$0x0], $0xffff;
	v37 =	vmul.f32 v30, v39;
	v30 =	vadd.f32 $9.999999740e-06, v20  }
0x229: {  	v61 =	vsub.f32 $1.000000000e+00, v24;
	[tilespmem:s11+$0xFFFFFFC0] =	vst v32;
	v22 =	vmul.f32 v45, v42;
	v45 =	vadd.f32 v28, v44;
	v28 =	vld.idx.msk [tilespmem:v13+s2+$0x0], $0xffff  }
0x22a: {  	v27 =	vmul.f32 v49, v39;
	v34 =	vmul.f32 v50, v42;
	v25 =	vld.idx.msk [tilespmem:v51+s25+$0x0], $0xffff;
	v58 =	vadd.f32 v30, v32  }
0x22b: {  	v39 =	vmul.f32 v29, v39;
	v63 =	vadd.f32 v31, v63;
	v43 =	vld.idx.msk [tilespmem:v62+s25+$0x0], $0xffff;
	v62 =	vmul.f32 v35, v40  }
0x22c: {  	v60 =	vadd.f32 $9.999999740e-06, v23;
	v44 =	vmul.f32 v47, v59;
	v47 =	vadd.f32 v53, v57;
	v32 =	vld.idx.msk [tilespmem:v51+s26+$0x0], $0xffff;
	[tilespmem:s11+$0xFFFFFFD0] =	vst v58  }
0x22d: {  	v30 =	vmul.f32 v48, v18;
	v29 =	vadd.f32 $9.999999740e-06, v22;
	v35 =	vmul.f32 v46, v18;
	v42 =	vld.idx.msk [tilespmem:v15+s25+$0x0], $0xffff  }
0x22e: {  	s16 =	sshll.u32 s5, $0xA;
	s8 =	simm.s32 $0x18;
	s5 =	smov.u32 s11;
	v40 =	vmul.f32 v61, v34;
	v38 =	vadd.f32 v62, v63;
	v46 =	vadd.f32 v60, v58;
	v31 =	vld.idx.msk [tilespmem:v55+s25+$0x0], $0xffff  }
.LBB2_18:
0x22f: {  	p1 =	slt.u32 s8, $0x38  }
0x230: {  	v41 =	vadd.f32 v41, v45;
	s11 =	sadd.s32 $0x80, s11;
	v45 =	vadd.f32 v36, v47;
	s10 =	smov.u32 s8;
	s8 =	sadd.s32 $0x8, s8  }
0x231: {  	s20 =	sadd.s32 $0x2, s22;
	v43 =	vmul.f32 v43, v21;
	v47 =	vor.u32 s7, v12;
	s0 =	sadd.s32 $0x1, s10;
	[tilespmem:s5+$0xFFFFFFE0] =	vst v46;
	v46 =	vadd.f32 v29, v46  }
0x232: {  	v36 =	vor.u32 s20, v5;
	v48 =	vmul.f32 v32, v21;
	v29 =	vor.u32 s0, v5;
	v49 =	vld.idx.msk [tilespmem:v17+s26+$0x0], $0xffff  }
0x233: {  	s9 =	sadd.s32 $0x3, s22;
	v44 =	vadd.f32 v44, v45;
	v41 =	vadd.f32 v39, v41;
	v45 =	vor.u32 s3, v12;
	v50 =	vld.idx.msk [tilespmem:v19+s2+$0x0], $0xffff;
	[tilespmem:s5+$0xFFFFFFF0] =	vst v46  }
0x234: {  	s7 =	sadd.s32 $0x4, s22;
	v51 =	vor.u32 s4, v12;
	v32 =	vor.u32 s9, v5;
	v42 =	vmul.f32 v42, v20;
	v52 =	vld.idx.msk [tilespmem:v16+s26+$0x0], $0xffff  }
0x235: {  	v53 =	vor.u32 s7, v5;
	s3 =	sadd.s32 $0x7, s22;
	v37 =	vadd.f32 v37, v44;
	v44 =	vmul.f32 v31, v20;
	v54 =	vld.idx.msk [tilespmem:v17+s25+$0x0], $0xffff  }
0x236: {  	s4 =	sadd.s32 $0x6, s22;
	v39 =	vor.u32 s20, v12;
	v55 =	vor.u32 s3, v5;
	v31 =	vor.u32 s7, v12;
	v47 =	vld.idx.msk [tilespmem:v47+s25+$0x0], $0xffff  }
0x237: {  	v57 =	vor.u32 s21, v12;
	v59 =	vor.u32 s4, v5;
	v56 =	vsub.f32 $1.000000000e+00, v28;
	s21 =	smov.u32 s0;
	v58 =	vld.idx.msk [tilespmem:v36+s2+$0x0], $0xffff  }
0x238: {  	v61 =	vmul.f32 v24, v34;
	v33 =	vadd.f32 v33, v38;
	s7 =	sadd.s32 $0x5, s22;
	v49 =	vmul.f32 v49, v23;
	v60 =	vld.idx.msk [tilespmem:v16+s25+$0x0], $0xffff  }
0x239: {  	v17 =	vor.u32 s7, v5;
	v38 =	vmul.f32 v50, v40;
	v24 =	vsub.f32 $1.000000000e+00, v50;
	v16 =	vmovc v59;
	v34 =	vld.idx.msk [tilespmem:v32+s2+$0x0], $0xffff  }
0x23a: {  	v27 =	vadd.f32 v27, v33;
	v50 =	vmul.f32 v52, v22;
	v52 =	vadd.f32 $9.999999740e-06, v61;
	v33 =	vld.idx.msk [tilespmem:v15+s26+$0x0], $0xffff;
	v15 =	vmovc v53  }
0x23b: {  	v18 =	vmul.f32 v26, v18;
	v24 =	vmul.f32 v24, v40;
	v40 =	vadd.f32 $9.999999740e-06, v38;
	v53 =	vld.idx.msk [tilespmem:v53+s2+$0x0], $0xffff  }
0x23c: {  	v21 =	vmul.f32 v25, v21;
	v26 =	vadd.f32 v35, v27;
	v27 =	vadd.f32 v30, v41;
	v25 =	vld.idx.msk [tilespmem:v51+s25+$0x0], $0xffff  }
0x23d: {  	v30 =	vadd.f32 v52, v46;
	v28 =	vmul.f32 v28, v24;
	v24 =	vmul.f32 v56, v24  }
0x23e: {  	v37 =	vadd.f32 v18, v37;
	v21 =	vadd.f32 v21, v26;
	v26 =	vmul.f32 v54, v23;
	v35 =	vld.idx.msk [tilespmem:v59+s2+$0x0], $0xffff  }
0x23f: {  	v47 =	vmul.f32 v47, v23;
	v40 =	vadd.f32 v40, v30;
	v41 =	vadd.f32 $9.999999740e-06, v28;
	v46 =	vld.idx.msk [tilespmem:v17+s2+$0x0], $0xffff;
	[tilespmem:s5+$0x0] =	vst v30;
	s5 =	smov.u32 s11  }
0x240: {  	v23 =	vsub.f32 $1.000000000e+00, v58;
	v18 =	vmul.f32 v58, v24;
	v20 =	vmul.f32 v33, v20;
	v30 =	vld.idx.msk [tilespmem:v14+s26+$0x0], $0xffff  }
0x241: {  	v27 =	vadd.f32 v48, v27;
	v33 =	vor.u32 s22, v12;
	s22 =	smov.u32 s10;
	[tilespmem:s11+$0xFFFFFF90] =	vst v40;
	v40 =	vadd.f32 v41, v40;
	v48 =	vld.idx.msk [tilespmem:v14+s25+$0x0], $0xffff  }
0x242: {  	v23 =	vmul.f32 v23, v24;
	v51 =	vsub.f32 $1.000000000e+00, v34;
	v24 =	vadd.f32 $9.999999740e-06, v18;
	v14 =	vmovc v55;
	v41 =	vld.idx.msk [tilespmem:v19+s26+$0x0], $0xffff  }
0x243: {  	v42 =	vadd.f32 v42, v21;
	v52 =	vsub.f32 $1.000000000e+00, v53;
	v54 =	vmul.f32 v25, v22;
	[tilespmem:s11+$0xFFFFFFA0] =	vst v40;
	v25 =	vld.idx.msk [tilespmem:v45+s25+$0x0], $0xffff  }
0x244: {  	v21 =	vmul.f32 v34, v23;
	v23 =	vmul.f32 v51, v23;
	v27 =	vadd.f32 v20, v27;
	v45 =	vld.idx.msk [tilespmem:v13+s25+$0x0], $0xffff  }
0x245: {  	v56 =	vmul.f32 v60, v22;
	v55 =	vsub.f32 $1.000000000e+00, v35;
	v51 =	vsub.f32 $1.000000000e+00, v46;
	v34 =	vld.idx.msk [tilespmem:v57+s25+$0x0], $0xffff  }
0x246: {  	v37 =	vadd.f32 v43, v37;
	v22 =	vld.idx.msk [tilespmem:v19+s25+$0x0], $0xffff;
	v19 =	vadd.f32 v24, v40;
	v40 =	vmul.f32 v52, v23  }
0x247: {  	v43 =	vadd.f32 $9.999999740e-06, v21;
	v20 =	vmul.f32 v53, v23;
	v23 =	vadd.f32 v49, v27;
	v24 =	vld.idx.msk [tilespmem:v14+s2+$0x0], $0xffff  }
0x248: {  	v30 =	vmul.f32 v30, v61;
	v41 =	vmul.f32 v41, v38;
	v49 =	vld.idx.msk [tilespmem:v33+s25+$0x0], $0xffff;
	v33 =	vadd.f32 v44, v37  }
0x249: {  	v52 =	vor.u32 s9, v12;
	v43 =	vadd.f32 v43, v19;
	v50 =	vadd.f32 v50, v23;
	v44 =	vld.idx.msk [tilespmem:v13+s26+$0x0], $0xffff;
	[tilespmem:s11+$0xFFFFFFB0] =	vst v19  }
0x24a: {  	v42 =	vadd.f32 v26, v42;
	v23 =	vmul.f32 v46, v40;
	v40 =	vmul.f32 v51, v40;
	v53 =	vld.idx.msk [tilespmem:v36+s26+$0x0], $0xffff  }
0x24b: {  	v37 =	vmul.f32 v34, v28;
	v34 =	vadd.f32 $9.999999740e-06, v20;
	v46 =	vld.idx.msk [tilespmem:v36+s25+$0x0], $0xffff;
	[tilespmem:s11+$0xFFFFFFC0] =	vst v43;
	v36 =	vmul.f32 v25, v61  }
0x24c: {  	v19 =	vor.u32 s22, v5;
	v27 =	vmul.f32 v45, v28;
	v13 =	vmovc v29;
	v47 =	vadd.f32 v47, v33;
	v25 =	vld.idx.msk [tilespmem:v32+s25+$0x0], $0xffff  }
0x24d: {  	v33 =	vmul.f32 v22, v38;
	v51 =	vadd.f32 v34, v43;
	v34 =	vmul.f32 v55, v40;
	v26 =	vld.idx.msk [tilespmem:v39+s25+$0x0], $0xffff  }
.Ltmp9:
0x24e: {  	v45 =	vadd.f32 v30, v50;
	v22 =	vmul.f32 v35, v40;
	v43 =	vld.idx.msk [tilespmem:v52+s25+$0x0], $0xffff;
	v52 =	vadd.f32 $9.999999740e-06, v23;
	(pc) =	sbr.rel @p1 .LBB2_18-.Ltmp9, $4  }
0x24f: {  	v48 =	vmul.f32 v48, v61;
	v40 =	vsub.f32 $1.000000000e+00, v24;
	v39 =	vmul.f32 v44, v28;
	v32 =	vld.idx.msk [tilespmem:v32+s26+$0x0], $0xffff  }
0x250: {  	v50 =	vadd.f32 v56, v42;
	v30 =	vmul.f32 v53, v18;
	v28 =	vld.idx.msk [tilespmem:v29+s2+$0x0], $0xffff;
	[tilespmem:s11+$0xFFFFFFD0] =	vst v51;
	v29 =	vadd.f32 $9.999999740e-06, v22  }
0x251: {  	v47 =	vadd.f32 v54, v47;
	v44 =	vmul.f32 v49, v38;
	v35 =	vmul.f32 v46, v18;
	v42 =	vld.idx.msk [tilespmem:v15+s25+$0x0], $0xffff  }
0x252: {  	v40 =	vmul.f32 v40, v34;
	v38 =	vadd.f32 v48, v50;
	v46 =	vadd.f32 v52, v51;
	v31 =	vld.idx.msk [tilespmem:v31+s25+$0x0], $0xffff  }
0x253: {  	_ = 	snop  }
0x254: {  	v41 =	vadd.f32 v41, v45;
	v36 =	vadd.f32 v36, v47  }
0x255: {  	v43 =	vmul.f32 v43, v21;
	v62 =	vor.u32 s7, v12;
	v50 =	vor.u32 s4, v12  }
0x256: {  	s0 =	sadd.s32 $0x2, s22;
	v55 =	vor.u32 s21, v12;
	v24 =	vmul.f32 v24, v34;
	v18 =	vmul.f32 v26, v18  }
0x257: {  	s18 =	sadd.s32 $0x3, s22;
	v63 =	vld.idx.msk [tilespmem:v19+s2+$0x0], $0xffff;
	s20 =	sadd.s32 $0x4, s22;
	[tilespmem:s5+$0xFFFFFFE0] =	vst v46;
	v46 =	vadd.f32 v29, v46;
	v47 =	vor.u32 s0, v5;
	v32 =	vmul.f32 v32, v21  }
0x258: {  	v15 =	vld.idx.msk [tilespmem:v15+s26+$0x0], $0xffff;
	v49 =	vor.u32 s18, v5;
	v29 =	vor.u32 s20, v5;
	v33 =	vadd.f32 v33, v38  }
0x259: {  	v52 =	vor.u32 s0, v12;
	v21 =	vmul.f32 v25, v21;
	v48 =	vld.idx.msk [tilespmem:v17+s26+$0x0], $0xffff;
	v36 =	vadd.f32 v44, v36;
	[tilespmem:s5+$0xFFFFFFF0] =	vst v46  }
0x25a: {  	v39 =	vadd.f32 v39, v41;
	v44 =	vor.u32 s3, v12;
	v54 =	vsub.f32 $1.000000000e+00, v28;
	v51 =	vld.idx.msk [tilespmem:v16+s26+$0x0], $0xffff  }
0x25b: {  	s23 =	sadd.s32 $0x6, s22;
	v59 =	vadd.f32 $9.999999740e-06, v24;
	v42 =	vmul.f32 v42, v20;
	v36 =	vadd.f32 v37, v36;
	v37 =	vld.idx.msk [tilespmem:v17+s25+$0x0], $0xffff  }
0x25c: {  	v27 =	vadd.f32 v27, v33;
	v31 =	vmul.f32 v31, v20;
	v17 =	vor.u32 s23, v5;
	v16 =	vld.idx.msk [tilespmem:v16+s25+$0x0], $0xffff  }
0x25d: {  	v30 =	vadd.f32 v30, v39;
	v45 =	vld.idx.msk [tilespmem:v62+s25+$0x0], $0xffff;
	v34 =	vmul.f32 v63, v40;
	v41 =	vsub.f32 $1.000000000e+00, v63  }
0x25e: {  	s8 =	sadd.s32 $0x7, s22;
	v27 =	vadd.f32 v35, v27;
	v62 =	vld.idx.msk [tilespmem:v50+s25+$0x0], $0xffff;
	v50 =	vadd.f32 v59, v46;
	v15 =	vmul.f32 v15, v20  }
0x25f: {  	v46 =	vor.u32 s8, v5;
	v56 =	vld.idx.msk [tilespmem:v47+s2+$0x0], $0xffff;
	v18 =	vadd.f32 v18, v36;
	v30 =	vadd.f32 v32, v30  }
0x260: {  	s29 =	sadd.s32 $0x5, s22;
	v57 =	vld.idx.msk [tilespmem:v49+s2+$0x0], $0xffff;
	v38 =	vmul.f32 v48, v23;
	v60 =	vmul.f32 v41, v40;
	v61 =	vadd.f32 $9.999999740e-06, v34  }
0x261: {  	v26 =	vld.idx.msk [tilespmem:v29+s2+$0x0], $0xffff;
	v48 =	vor.u32 s29, v5;
	v21 =	vadd.f32 v21, v27;
	[tilespmem:s5+$0x0] =	vst v50;
	v15 =	vadd.f32 v15, v30  }
0x262: {  	v20 =	vld.idx.msk [tilespmem:v14+s26+$0x0], $0xffff;
	v18 =	vadd.f32 v43, v18;
	v33 =	vmul.f32 v51, v22;
	v28 =	vmul.f32 v28, v60  }
0x263: {  	v14 =	vld.idx.msk [tilespmem:v14+s25+$0x0], $0xffff;
	v63 =	vmul.f32 v54, v60;
	v27 =	vmul.f32 v37, v23;
	v51 =	vadd.f32 v61, v50  }
0x264: {  	v40 =	vld.idx.msk [tilespmem:v17+s2+$0x0], $0xffff;
	v60 =	vor.u32 s22, v12;
	v21 =	vadd.f32 v42, v21;
	v15 =	vadd.f32 v38, v15  }
0x265: {  	v42 =	vld.idx.msk [tilespmem:v44+s25+$0x0], $0xffff;
	v23 =	vmul.f32 v45, v23;
	v18 =	vadd.f32 v31, v18;
	v54 =	vadd.f32 $9.999999740e-06, v28  }
0x266: {  	s30 =	sadd.s32 $0x80, s11;
	v30 =	vld.idx.msk [tilespmem:v46+s2+$0x0], $0xffff;
	v39 =	vmul.f32 v56, v63;
	v56 =	vsub.f32 $1.000000000e+00, v56;
	v59 =	vsub.f32 $1.000000000e+00, v57  }
0x267: {  	v16 =	vmul.f32 v16, v22;
	[tilespmem:s30+$0xFFFFFF90] =	vst v51;
	v61 =	vsub.f32 $1.000000000e+00, v26;
	v21 =	vadd.f32 v27, v21;
	v41 =	vld.idx.msk [tilespmem:v48+s2+$0x0], $0xffff  }
0x268: {  	v25 =	vmul.f32 v62, v22;
	v32 =	vld.idx.msk [tilespmem:v19+s26+$0x0], $0xffff;
	v15 =	vadd.f32 v33, v15;
	v18 =	vadd.f32 v23, v18  }
0x269: {  	v19 =	vld.idx.msk [tilespmem:v19+s25+$0x0], $0xffff;
	v36 =	vadd.f32 v54, v51;
	v35 =	vmul.f32 v56, v63;
	v58 =	vadd.f32 $9.999999740e-06, v39  }
0x26a: {  	v20 =	vmul.f32 v20, v24;
	v14 =	vmul.f32 v14, v24;
	v16 =	vadd.f32 v16, v21;
	v60 =	vld.idx.msk [tilespmem:v60+s25+$0x0], $0xffff  }
0x26b: {  	v18 =	vadd.f32 v25, v18;
	[tilespmem:s30+$0xFFFFFFA0] =	vst v36;
	v54 =	vmul.f32 v57, v35;
	v22 =	vadd.f32 v58, v36  }
0x26c: {  	v62 =	vmul.f32 v59, v35;
	v15 =	vadd.f32 v20, v15;
	v14 =	vadd.f32 v14, v16;
	v44 =	vld.idx.msk [tilespmem:v13+s25+$0x0], $0xffff  }
0x26d: {  	v42 =	vmul.f32 v42, v24;
	v35 =	vld.idx.msk [tilespmem:v55+s25+$0x0], $0xffff;
	v63 =	vsub.f32 $1.000000000e+00, v41;
	v59 =	vadd.f32 $9.999999740e-06, v54  }
0x26e: {  	v13 =	vld.idx.msk [tilespmem:v13+s26+$0x0], $0xffff;
	v58 =	vmul.f32 v61, v62;
	v26 =	vmul.f32 v26, v62;
	[tilespmem:s30+$0xFFFFFFB0] =	vst v22;
	v61 =	vor.u32 s18, v12  }
0x26f: {  	v53 =	vor.u32 s20, v12;
	v18 =	vadd.f32 v42, v18;
	v62 =	vld.idx.msk [tilespmem:v47+s26+$0x0], $0xffff;
	v22 =	vadd.f32 v59, v22  }
0x270: {  	v19 =	vmul.f32 v19, v34;
	v36 =	vmul.f32 v63, v58;
	v63 =	vld.idx.msk [tilespmem:v47+s25+$0x0], $0xffff;
	v47 =	vadd.f32 $9.999999740e-06, v26  }
0x271: {  	v57 =	vsub.f32 $1.000000000e+00, v40;
	v32 =	vmul.f32 v32, v34;
	v56 =	vld.idx.msk [tilespmem:v52+s25+$0x0], $0xffff;
	v37 =	vmul.f32 v41, v58;
	[tilespmem:s30+$0xFFFFFFC0] =	vst v22  }
0x272: {  	v14 =	vadd.f32 v19, v14;
	v22 =	vadd.f32 v47, v22;
	v23 =	vld.idx.msk [tilespmem:v49+s25+$0x0], $0xffff  }
0x273: {  	v15 =	vadd.f32 v32, v15;
	v27 =	vmul.f32 v35, v28;
	v51 =	vadd.f32 $9.999999740e-06, v37;
	v20 =	vld.idx.msk [tilespmem:v61+s25+$0x0], $0xffff  }
0x274: {  	v16 =	vor.u32 s29, v12;
	v50 =	vmul.f32 v44, v28;
	v40 =	vmul.f32 v40, v36;
	v59 =	vld.idx.msk [tilespmem:v49+s26+$0x0], $0xffff;
	[tilespmem:s30+$0xFFFFFFD0] =	vst v22  }
0x275: {  	v36 =	vmul.f32 v57, v36;
	v58 =	vadd.f32 v51, v22;
	v22 =	vmul.f32 v60, v34;
	v60 =	vld.idx.msk [tilespmem:v29+s25+$0x0], $0xffff  }
0x276: {  	v13 =	vmul.f32 v13, v28;
	v57 =	vadd.f32 $9.999999740e-06, v40;
	v21 =	vmul.f32 v62, v39;
	v61 =	vld.idx.msk [tilespmem:v53+s25+$0x0], $0xffff  }
0x277: {  	v42 =	vor.u32 s23, v12;
	v30 =	vmul.f32 v30, v36;
	v14 =	vadd.f32 v50, v14;
	v29 =	vld.idx.msk [tilespmem:v29+s26+$0x0], $0xffff;
	[tilespmem:s30+$0xFFFFFFE0] =	vst v58  }
0x278: {  	v13 =	vadd.f32 v13, v15;
	v62 =	vmul.f32 v63, v39;
	v28 =	vadd.f32 v57, v58;
	v63 =	vld.idx.msk [tilespmem:v48+s26+$0x0], $0xffff  }
0x279: {  	v47 =	vadd.f32 $9.999999740e-06, v30;
	v18 =	vadd.f32 v22, v18;
	v15 =	vld.idx.msk [tilespmem:v16+s25+$0x0], $0xffff  }
0x27a: {  	v22 =	vor.u32 s8, v12;
	v13 =	vadd.f32 v21, v13;
	[tilespmem:s30+$0xFFFFFFF0] =	vst v28;
	v19 =	vmul.f32 v20, v54;
	v20 =	vld.idx.msk [tilespmem:v48+s25+$0x0], $0xffff  }
0x27b: {  	v12 =	vadd.f32 v47, v28;
	v16 =	vadd.f32 v27, v18;
	v18 =	vmul.f32 v56, v39;
	v45 =	vld.idx.msk [tilespmem:v17+s26+$0x0], $0xffff  }
0x27c: {  	v14 =	vadd.f32 v62, v14;
	v48 =	vmul.f32 v59, v54;
	v21 =	vmul.f32 v23, v54;
	v17 =	vld.idx.msk [tilespmem:v17+s25+$0x0], $0xffff  }
0x27d: {  	v23 =	vld.idx.msk [tilespmem:v42+s25+$0x0], $0xffff;
	[tilespmem:s30+$0x0] =	vst v12;
	v24 =	vmul.f32 v60, v26;
	v16 =	vadd.f32 v18, v16  }
0x27e: {  	v14 =	vadd.f32 v21, v14;
	v21 =	vmul.f32 v29, v26;
	v13 =	vadd.f32 v48, v13;
	v18 =	vld.idx.msk [tilespmem:v46+s26+$0x0], $0xffff  }
0x27f: {  	v25 =	vmul.f32 v61, v26;
	v51 =	vld.idx.msk [tilespmem:v46+s25+$0x0], $0xffff;
	v49 =	vmul.f32 v63, v37;
	v16 =	vadd.f32 v19, v16  }
0x280: {  	v22 =	vld.idx.msk [tilespmem:v22+s25+$0x0], $0xffff;
	v14 =	vadd.f32 v24, v14;
	v13 =	vadd.f32 v21, v13;
	v19 =	vmul.f32 v20, v37  }
0x281: {  	v15 =	vmul.f32 v15, v37;
	v50 =	vmul.f32 v45, v40;
	v16 =	vadd.f32 v25, v16  }
0x282: {  	v20 =	vmul.f32 v23, v40;
	v17 =	vmul.f32 v17, v40;
	v14 =	vadd.f32 v19, v14  }
0x283: {  	v13 =	vadd.f32 v49, v13;
	v18 =	vmul.f32 v18, v30;
	v15 =	vadd.f32 v15, v16  }
0x284: {  	v16 =	vmul.f32 v51, v30;
	v14 =	vadd.f32 v17, v14;
	v17 =	vor.u32 $0x1, v5  }
0x285: {  	v19 =	vmul.f32 v22, v30;
	v15 =	vadd.f32 v20, v15;
	v20 =	vor.u32 $0x2, v5  }
0x286: {  	v13 =	vadd.f32 v50, v13;
	v14 =	vadd.f32 v16, v14;
	v16 =	vor.u32 $0x3, v5  }
0x287: {  	v15 =	vadd.f32 v19, v15;
	v19 =	vadd.f32 $-6.399999840e-04, v12  }
0x288: {  	v13 =	vadd.f32 v18, v13;
	[tilespmem:v5+s6+$0x0] =	vst.idx.msk $0xffff, v14  }
0x289: {  	(erf) = vrcp.f32 v12;
	v14 =	vmax.f32 v19, $0.0e+00;
	[tilespmem:v17+s6+$0x0] =	vst.idx.msk $0xffff, v15  }
0x28a: {  	v14 =	vmin.f32 v14, $1.000000000e+00;
	[tilespmem:v20+s6+$0x0] =	vst.idx.msk $0xffff, v13  }
0x28b: {  	[tilespmem:v16+s6+$0x0] =	vst.idx.msk $0xffff, v14  }
0x28c: {  	v13 =	vld [tilespmem:s1+$0x0]  }
0x28d: {  	v15 =	vld [tilespmem:s1+$0xFFFFFFA0]  }
0x28e: {  	v16 =	vld [tilespmem:s1+$0xFFFFFFB0]  }
0x28f: {  	v17 =	vld [tilespmem:s1+$0xFFFFFFC0]  }
0x290: {  	v18 =	vld [tilespmem:s1+$0xFFFFFFD0]  }
0x291: {  	v19 =	vld [tilespmem:s1+$0xFFFFFFE0]  }
0x292: {  	v21 =	vld [tilespmem:s1+$0xFFFFFFF0];
	v14 =	vpop (erf)  }
0x293: {  	v22 =	vld [tilespmem:s1+$0xFFFFFF90];
	v14 =	vmul.f32 $6.400000000e+01, v14;
	_ =	sdelay $0x1  }
0x294: {  	v20 =	vmul.f32 v13, v14;
	v15 =	vmul.f32 v15, v14  }
0x295: {  	v16 =	vmul.f32 v16, v14;
	v17 =	vmul.f32 v17, v14  }
0x296: {  	v18 =	vmul.f32 v18, v14;
	v19 =	vmul.f32 v19, v14  }
0x297: {  	v21 =	vmul.f32 v21, v14;
	v22 =	vmul.f32 v22, v14  }
0x298: {  	v23 =	vtrunc.f32 v20;
	v53 =	vtrunc.f32 v16  }
0x299: {  	v54 =	vtrunc.f32 v17;
	v55 =	vtrunc.f32 v18  }
0x29a: {  	v56 =	vtrunc.f32 v19;
	v57 =	vtrunc.f32 v21  }
0x29b: {  	v13 =	vor.u32 s31, v0;
	v58 =	vtrunc.f32 v22;
	v52 =	vcvt.f32.s32 v23  }
0x29c: {  	vm0 =	vgt.f32 v20, v23;
	v20 =	vtrunc.f32 v15;
	v60 =	vcvt.f32.s32 v58  }
0x29d: {  	vm2 =	vgt.f32 v16, v53;
	v16 =	vcvt.f32.s32 v54;
	vm3 =	vgt.f32 v17, v54  }
0x29e: {  	v17 =	vcvt.f32.s32 v55;
	vm4 =	vgt.f32 v18, v55;
	vm5 =	vgt.f32 v19, v56  }
0x29f: {  	v23 =	vsel vm0, $0x1, v1;
	v59 =	vcvt.f32.s32 v20;
	vm1 =	vgt.f32 v15, v20  }
0x2a0: {  	v15 =	vcvt.f32.s32 v53;
	v20 =	vcvt.f32.s32 v56;
	v24 =	vsel vm3, $0x1, v1  }
0x2a1: {  	v61 =	vsel vm4, $0x1, v1;
	v27 =	vsel vm5, $0x1, v1;
	v23 =	vadd.s32 v52, v23  }
0x2a2: {  	v19 =	vsel vm1, $0x1, v1;
	v17 =	vadd.s32 v17, v61;
	vm0 =	vlt.s32 v23, $0x41  }
0x2a3: {  	v63 =	vadd.s32 v59, v19;
	v23 =	vnsel vm0, $0x41, v23;
	vm0 =	vgt.f32 v22, v58  }
0x2a4: {  	v22 =	vcvt.f32.s32 v57;
	vm5 =	vlt.s32 v63, $0x41;
	v23 =	vshll.u32 v23, $0x4  }
0x2a5: {  	v18 =	vsel vm0, $0x1, v1;
	vm0 =	vgt.f32 v21, v57;
	v23 =	vadd.s32 v13, v23  }
0x2a6: {  	v21 =	vsel vm2, $0x1, v1;
	vm2 =	vlt.s32 v17, $0x41;
	v62 =	vadd.s32 v60, v18  }
0x2a7: {  	v28 =	vsel vm0, $0x1, v1;
	v19 =	vadd.s32 v15, v21;
	v18 =	vadd.s32 v16, v24  }
0x2a8: {  	v16 =	vadd.s32 v20, v27;
	v20 =	vnsel vm5, $0x41, v63;
	v15 =	vadd.s32 v22, v28  }
0x2a9: {  	vm1 =	vlt.s32 v62, $0x41;
	vm4 =	vlt.s32 v19, $0x41;
	vm3 =	vlt.s32 v18, $0x41  }
0x2aa: {  	s3 =	simm.s32 $0x0;
	s1 =	sadd.s32 $0x80, s1;
	vm0 =	vlt.s32 v16, $0x41;
	v21 =	vnsel vm1, $0x41, v62;
	vm1 =	vlt.s32 v15, $0x41;
	[tilespmem:v23+s12+$0x0] =	vst.idx.add.s32.msk $0xffff, v3  }
.LBB2_20:
0x2ab: {  	v22 =	vld [tilespmem:s1+$0x0];
	s3 =	sadd.s32 $0x8, s3;
	v19 =	vnsel vm4, $0x41, v19;
	v18 =	vnsel vm3, $0x41, v18;
	v17 =	vnsel vm2, $0x41, v17  }
0x2ac: {  	v21 =	vshll.u32 v21, $0x4;
	v16 =	vnsel vm0, $0x41, v16;
	v15 =	vnsel vm1, $0x41, v15;
	v23 =	vld [tilespmem:s1+$0xFFFFFFA0];
	p1 =	slt.u32 s3, $0x38  }
0x2ad: {  	v20 =	vshll.u32 v20, $0x4;
	v19 =	vshll.u32 v19, $0x4;
	v18 =	vshll.u32 v18, $0x4;
	v24 =	vld [tilespmem:s1+$0xFFFFFFB0]  }
0x2ae: {  	v17 =	vshll.u32 v17, $0x4;
	v16 =	vshll.u32 v16, $0x4;
	v15 =	vshll.u32 v15, $0x4;
	v25 =	vld [tilespmem:s1+$0xFFFFFFC0]  }
0x2af: {  	v21 =	vadd.s32 v13, v21;
	v20 =	vadd.s32 v13, v20;
	v19 =	vadd.s32 v13, v19;
	v26 =	vld [tilespmem:s1+$0xFFFFFFD0]  }
0x2b0: {  	v18 =	vadd.s32 v13, v18;
	v17 =	vadd.s32 v13, v17;
	v27 =	vld [tilespmem:s1+$0xFFFFFFE0];
	v22 =	vmul.f32 v22, v14  }
0x2b1: {  	v16 =	vadd.s32 v13, v16;
	v15 =	vadd.s32 v13, v15;
	v23 =	vmul.f32 v23, v14;
	v28 =	vld [tilespmem:s1+$0xFFFFFFF0]  }
0x2b2: {  	v29 =	vld [tilespmem:s1+$0xFFFFFF90];
	v24 =	vmul.f32 v24, v14;
	v30 =	vtrunc.f32 v22  }
0x2b3: {  	v25 =	vmul.f32 v25, v14;
	v31 =	vcvt.f32.s32 v30;
	vm0 =	vgt.f32 v22, v30  }
0x2b4: {  	v22 =	vtrunc.f32 v23;
	v26 =	vmul.f32 v26, v14;
	v30 =	vsel vm0, $0x1, v1;
	[tilespmem:v21+s12+$0x0] =	vst.idx.add.s32.msk $0xffff, v3  }
0x2b5: {  	v21 =	vtrunc.f32 v24;
	v27 =	vmul.f32 v27, v14;
	v30 =	vadd.s32 v31, v30;
	[tilespmem:v20+s12+$0x0] =	vst.idx.add.s32.msk $0xffff, v3  }
0x2b6: {  	v20 =	vtrunc.f32 v25;
	v28 =	vmul.f32 v28, v14;
	vm0 =	vlt.s32 v30, $0x41;
	[tilespmem:v19+s12+$0x0] =	vst.idx.add.s32.msk $0xffff, v3  }
0x2b7: {  	v19 =	vmul.f32 v29, v14;
	v29 =	vtrunc.f32 v26;
	v30 =	vnsel vm0, $0x41, v30;
	[tilespmem:v18+s12+$0x0] =	vst.idx.add.s32.msk $0xffff, v3  }
0x2b8: {  	v18 =	vtrunc.f32 v27;
	v31 =	vtrunc.f32 v28;
	v30 =	vshll.u32 v30, $0x4;
	[tilespmem:v17+s12+$0x0] =	vst.idx.add.s32.msk $0xffff, v3  }
0x2b9: {  	v32 =	vcvt.f32.s32 v22;
	v17 =	vtrunc.f32 v19;
	v30 =	vadd.s32 v13, v30;
	[tilespmem:v16+s12+$0x0] =	vst.idx.add.s32.msk $0xffff, v3  }
0x2ba: {  	vm1 =	vgt.f32 v23, v22;
	v16 =	vcvt.f32.s32 v17;
	vm0 =	vgt.f32 v19, v17;
	[tilespmem:v15+s12+$0x0] =	vst.idx.add.s32.msk $0xffff, v3  }
0x2bb: {  	vm2 =	vgt.f32 v24, v21;
	v15 =	vcvt.f32.s32 v21;
	v17 =	vcvt.f32.s32 v20  }
0x2bc: {  	vm3 =	vgt.f32 v25, v20;
	vm4 =	vgt.f32 v26, v29;
	v20 =	vcvt.f32.s32 v29  }
0x2bd: {  	vm5 =	vgt.f32 v27, v18;
	v22 =	vcvt.f32.s32 v31;
	v21 =	vcvt.f32.s32 v18  }
0x2be: {  	v19 =	vsel vm1, $0x1, v1;
	v18 =	vsel vm0, $0x1, v1;
	vm0 =	vgt.f32 v28, v31;
	[tilespmem:v30+s12+$0x0] =	vst.idx.add.s32.msk $0xffff, v3  }
0x2bf: {  	v23 =	vsel vm2, $0x1, v1;
	v24 =	vsel vm3, $0x1, v1;
	v25 =	vsel vm4, $0x1, v1  }
0x2c0: {  	v26 =	vadd.s32 v16, v18;
	v16 =	vsel vm5, $0x1, v1;
	v27 =	vsel vm0, $0x1, v1  }
.Ltmp10:
0x2c1: {  	v28 =	vadd.s32 v32, v19;
	v19 =	vadd.s32 v15, v23;
	v18 =	vadd.s32 v17, v24;
	(pc) =	sbr.rel @p1 .LBB2_20-.Ltmp10, $4  }
0x2c2: {  	v17 =	vadd.s32 v20, v25;
	v16 =	vadd.s32 v21, v16;
	v15 =	vadd.s32 v22, v27  }
0x2c3: {  	vm5 =	vlt.s32 v28, $0x41;
	vm1 =	vlt.s32 v26, $0x41;
	vm4 =	vlt.s32 v19, $0x41  }
0x2c4: {  	vm3 =	vlt.s32 v18, $0x41;
	vm2 =	vlt.s32 v17, $0x41;
	vm0 =	vlt.s32 v16, $0x41  }
0x2c5: {  	s1 =	sadd.s32 $0x80, s1;
	v20 =	vnsel vm5, $0x41, v28;
	v21 =	vnsel vm1, $0x41, v26;
	vm1 =	vlt.s32 v15, $0x41  }
0x2c6: {  	v14 =	vshll.u32 v21, $0x4  }
0x2c7: {  	v19 =	vnsel vm4, $0x41, v19;
	v20 =	vshll.u32 v20, $0x4;
	v14 =	vadd.s32 v13, v14  }
0x2c8: {  	v18 =	vnsel vm3, $0x41, v18;
	v19 =	vshll.u32 v19, $0x4;
	v20 =	vadd.s32 v13, v20  }
0x2c9: {  	v17 =	vnsel vm2, $0x41, v17;
	v18 =	vshll.u32 v18, $0x4;
	v19 =	vadd.s32 v13, v19  }
0x2ca: {  	v16 =	vnsel vm0, $0x41, v16;
	v17 =	vshll.u32 v17, $0x4;
	v18 =	vadd.s32 v13, v18  }
0x2cb: {  	v15 =	vnsel vm1, $0x41, v15;
	v16 =	vshll.u32 v16, $0x4;
	v17 =	vadd.s32 v13, v17  }
0x2cc: {  	v15 =	vshll.u32 v15, $0x4;
	v16 =	vadd.s32 v13, v16;
	[tilespmem:v14+s12+$0x0] =	vst.idx.add.s32.msk $0xffff, v3  }
0x2cd: {  	v13 =	vadd.s32 v13, v15;
	[tilespmem:v20+s12+$0x0] =	vst.idx.add.s32.msk $0xffff, v3  }
0x2ce: {  	[tilespmem:v19+s12+$0x0] =	vst.idx.add.s32.msk $0xffff, v3  }
0x2cf: {  	[tilespmem:v18+s12+$0x0] =	vst.idx.add.s32.msk $0xffff, v3  }
0x2d0: {  	[tilespmem:v17+s12+$0x0] =	vst.idx.add.s32.msk $0xffff, v3  }
0x2d1: {  	[tilespmem:v16+s12+$0x0] =	vst.idx.add.s32.msk $0xffff, v3  }
0x2d2: {  	v15 =	vor.u32 $0x3F, v5;
	[tilespmem:v13+s12+$0x0] =	vst.idx.add.s32.msk $0xffff, v3  }
0x2d3: {  	v13 =	vld.idx.msk [tilespmem:v5+s24+$0x0], $0xffff;
	_ =	sdelay $0x2  }
0x2d4: {  	v14 =	vld [tilespmem:s16+$0x18000]  }
0x2d5: {  	v15 =	vld.idx.msk [tilespmem:v15+s24+$0x0], $0xffff  }
0x2d6: {  	s1 =	sadd.s32 $0x194A0, s28;
	v16 =	vmov s16;
	v17 =	vor.u32 s16, v4;
	v20 =	vld [tilespmem:s31+$0x19000];
	s16 =	simm.s32 $0x1;
	v18 =	vmov v13  }
.LBB2_22:
0x2d7: {  	v19 =	vld [tilespmem:s1+$0xFFFFFF90];
	_ =	sdelay $0x4  }
0x2d8: {  	v19 =	vadd.s32 v20, v19  }
0x2d9: {  	v21 =	vld [tilespmem:s1+$0xFFFFFFA0];
	vm0 =	vgt.s32 v19, $0x1  }
0x2da: {  	v20 =	vnsel vm0, $0x1, v19  }
0x2db: {  	v20 =	vmin.u32 v20, $0x3F  }
0x2dc: {  	v22 =	vadd.s32 $0xFFFFFFFF, v20  }
0x2dd: {  	v23 =	vshll.u32 v22, $0x4  }
0x2de: {  	v19 =	vadd.s32 v19, v21;
	v24 =	vadd.s32 v16, v23;
	v21 =	vadd.s32 v17, v23  }
0x2df: {  	vm5 =	vgt.s32 v19, $0x1;
	v24 =	vor.u32 v0, v24  }
0x2e0: {  	v23 =	vnsel vm5, $0x1, v19  }
0x2e1: {  	v23 =	vmin.u32 v23, $0x3F  }
0x2e2: {  	v25 =	vadd.s32 $0xFFFFFFFF, v23  }
0x2e3: {  	v26 =	vshll.u32 v25, $0x4;
	v21 =	vld.idx.msk [tilespmem:v21+s13+$0x0], $0xffff  }
0x2e4: {  	v27 =	vadd.s32 v16, v26;
	v24 =	vld.idx.msk [tilespmem:v24+s13+$0x0], $0xffff  }
0x2e5: {  	v27 =	vor.u32 v0, v27  }
0x2e6: {  	v26 =	vadd.s32 v17, v26;
	_ =	sdelay $0x2  }
0x2e7: {  	v21 =	vsub.f32 v21, v24  }
0x2e8: {  	v20 =	vor.u32 v5, v20;
	v27 =	vld.idx.msk [tilespmem:v27+s13+$0x0], $0xffff  }
0x2e9: {  	s0 =	scvt.s32.f32 s16;
	s11 =	sadd.s32 $0x1, s16;
	v22 =	vor.u32 v5, v22;
	(erf) = vrcp.f32 v21;
	v21 =	vld.idx.msk [tilespmem:v26+s13+$0x0], $0xffff  }
0x2ea: {  	s18 =	sadd.s32 $0x2, s16;
	s3 =	scvt.s32.f32 s11  }
0x2eb: {  	v47 =	vld [tilespmem:s1+$0xFFFFFFB0];
	s4 =	scvt.s32.f32 s18;
	s0 =	smul.f32 $1.562500000e-02, s0  }
0x2ec: {  	s5 =	sadd.s32 $0xFFFFFFFF, s16;
	v62 =	vmov s16;
	s3 =	smul.f32 $1.562500000e-02, s3  }
0x2ed: {  	v56 =	vmov s5;
	v36 =	vmov s11;
	s4 =	smul.f32 $1.562500000e-02, s4;
	v28 =	vmul.f32 s0, v12;
	v20 =	vld.idx.msk [tilespmem:v20+s24+$0x0], $0xffff  }
0x2ee: {  	v61 =	vand.u32 $0xFFFFFF80, v56;
	v30 =	vmul.f32 s3, v12;
	v22 =	vld.idx.msk [tilespmem:v22+s24+$0x0], $0xffff;
	v21 =	vsub.f32 v21, v27  }
0x2ef: {  	v32 =	vmul.f32 s4, v12;
	vm7 =	vlt.f32 v28, v14;
	v25 =	vor.u32 v5, v25  }
0x2f0: {  	v31 =	vld [tilespmem:s1+$0xFFFFFFC0];
	v19 =	vadd.s32 v19, v47;
	v23 =	vor.u32 v5, v23;
	(erf) = vrcp.f32 v21  }
0x2f1: {  	vm8 =	vge.f32 v28, v12;
	vm6 =	vgt.s32 v19, $0x1;
	v21 =	vsub.f32 v28, v24  }
0x2f2: {  	v51 =	vld [tilespmem:s1+$0xFFFFFFD0];
	vm11 =	vlt.f32 v30, v14;
	vm12 =	vge.f32 v30, v12;
	v48 =	vnsel vm6, $0x1, v19;
	v49 =	vpop (erf)  }
0x2f3: {  	v20 =	vsub.f32 v20, v22;
	v24 =	vmin.u32 v48, $0x3F;
	v21 =	vmul.f32 v49, v21  }
0x2f4: {  	s7 =	sadd.s32 $0x3, s16;
	vm14 =	vlt.f32 v32, v14;
	vm4 =	vge.f32 v32, v12;
	v25 =	vld.idx.msk [tilespmem:v25+s24+$0x0], $0xffff;
	v50 =	vadd.s32 $0xFFFFFFFF, v24  }
0x2f5: {  	s8 =	scvt.s32.f32 s7;
	v19 =	vadd.s32 v19, v31;
	v29 =	vshll.u32 v50, $0x4;
	v20 =	vmul.f32 v20, v21;
	v21 =	vld.idx.msk [tilespmem:v23+s24+$0x0], $0xffff  }
0x2f6: {  	v31 =	vand.u32 $0x7F, v56;
	vm9 =	vgt.s32 v19, $0x1;
	v23 =	vadd.s32 v16, v29  }
0x2f7: {  	s20 =	sadd.s32 $0x4, s16;
	v46 =	vld [tilespmem:s1+$0xFFFFFFE0];
	s8 =	smul.f32 $1.562500000e-02, s8;
	v54 =	vadd.s32 v19, v51;
	v23 =	vor.u32 v0, v23;
	v20 =	vadd.f32 v20, v22  }
0x2f8: {  	s21 =	scvt.s32.f32 s20;
	vm10 =	vgt.s32 v54, $0x1;
	v27 =	vsub.f32 v30, v27;
	v57 =	vor.u32 v5, v24  }
0x2f9: {  	v24 =	vmul.f32 s8, v12;
	v22 =	vadd.s32 v17, v29;
	v20 =	vsel vm7, v13, v20;
	v52 =	vpop (erf)  }
0x2fa: {  	s22 =	smul.f32 $1.562500000e-02, s21;
	v20 =	vsel vm8, v15, v20;
	v27 =	vmul.f32 v52, v27;
	v21 =	vsub.f32 v21, v25  }
0x2fb: {  	vm6 =	vlt.f32 v24, v14;
	vm7 =	vge.f32 v24, v12;
	v18 =	vadd.f32 v20, v18  }
0x2fc: {  	v53 =	vld.idx.msk [tilespmem:v23+s13+$0x0], $0xffff;
	v23 =	vmul.f32 s22, v12;
	v21 =	vmul.f32 v21, v27;
	v27 =	vadd.s32 v54, v46  }
0x2fd: {  	v55 =	vmul.f32 $5.000000000e-01, v18;
	v18 =	vnsel vm9, $0x1, v19;
	vm13 =	vgt.s32 v27, $0x1  }
0x2fe: {  	v22 =	vld.idx.msk [tilespmem:v22+s13+$0x0], $0xffff;
	vm8 =	vlt.f32 v23, v14;
	vm9 =	vge.f32 v23, v12;
	v19 =	vadd.f32 v21, v25  }
0x2ff: {  	s29 =	sadd.s32 $0x6, s16;
	v21 =	vnsel vm10, $0x1, v54;
	v33 =	vmin.u32 v18, $0x3F;
	v18 =	vor.u32 v5, v50  }
0x300: {  	s23 =	sadd.s32 $0x5, s16;
	s30 =	scvt.s32.f32 s29;
	v25 =	vmov s18;
	v34 =	vadd.s32 $0xFFFFFFFF, v33;
	v42 =	vmul.f32 v55, v9  }
0x301: {  	s28 =	scvt.s32.f32 s23;
	v45 =	vmul.f32 v55, v10;
	v29 =	vmul.f32 v55, v11;
	v52 =	vor.u32 v5, v33  }
0x302: {  	v63 =	vld [tilespmem:s1+$0xFFFFFFF0];
	s0 =	smul.f32 $1.562500000e-02, s30;
	v37 =	vshll.u32 v34, $0x4;
	v19 =	vsel vm11, v13, v19;
	v28 =	vsub.f32 v32, v53  }
0x303: {  	s8 =	smul.f32 $1.562500000e-02, s28;
	v35 =	vsub.f32 v22, v53;
	v22 =	vadd.s32 v16, v37;
	v58 =	vadd.s32 v17, v37  }
0x304: {  	v34 =	vor.u32 v5, v34;
	v37 =	vmin.u32 v21, $0x3F;
	v38 =	vor.u32 v0, v22  }
0x305: {  	v21 =	vmul.f32 s8, v12;
	v39 =	vsel vm12, v15, v19;
	v19 =	vmul.f32 s0, v12  }
0x306: {  	v42 =	vadd.f32 v42, v6;
	v20 =	vadd.f32 v39, v20;
	(erf) = vrcp.f32 v35  }
0x307: {  	v29 =	vadd.f32 v29, v8;
	v53 =	vnsel vm13, $0x1, v27;
	v27 =	vadd.s32 v27, v63  }
0x308: {  	v22 =	vmov s7;
	v59 =	vadd.s32 $0xFFFFFFFF, v37;
	v44 =	vmul.f32 $5.000000000e-01, v20;
	v20 =	vld.idx.msk [tilespmem:v58+s13+$0x0], $0xffff  }
0x309: {  	s31 =	sadd.s32 $0x7, s16;
	vm15 =	vgt.s32 v27, $0x1;
	v37 =	vor.u32 v5, v37;
	v41 =	vshll.u32 v59, $0x4;
	v38 =	vld.idx.msk [tilespmem:v38+s13+$0x0], $0xffff  }
0x30a: {  	v26 =	vld.idx.msk [tilespmem:v57+s24+$0x0], $0xffff;
	s7 =	scvt.s32.f32 s31;
	v57 =	vnsel vm15, $0x1, v27;
	v30 =	vor.u32 v5, v59;
	vm10 =	vlt.f32 v21, v14  }
0x30b: {  	v40 =	vld.idx.msk [tilespmem:v18+s24+$0x0], $0xffff;
	vm11 =	vge.f32 v21, v12;
	vm12 =	vlt.f32 v19, v14;
	vm13 =	vge.f32 v19, v12  }
0x30c: {  	s7 =	smul.f32 $1.562500000e-02, s7;
	v43 =	vadd.s32 v16, v41;
	v60 =	vadd.s32 v17, v41;
	v41 =	vadd.s32 v5, v61  }
0x30d: {  	v43 =	vor.u32 v0, v43;
	v31 =	vor.u32 v31, v41;
	v41 =	vadd.f32 v45, v7  }
0x30e: {  	v45 =	vand.u32 $0x7F, v62;
	v18 =	vmul.f32 s7, v12;
	v20 =	vsub.f32 v20, v38  }
0x30f: {  	v46 =	vmin.u32 v57, $0x3F;
	v47 =	vmul.f32 v44, v9;
	v45 =	vbroadcast v45, $0x0;
	v48 =	vpop (erf)  }
0x310: {  	v26 =	vsub.f32 v26, v40;
	v28 =	vmul.f32 v48, v28;
	(erf) = vrcp.f32 v20  }
0x311: {  	v47 =	vadd.f32 v47, v6;
	v33 =	vor.u32 v5, v45;
	v45 =	vmul.f32 v44, v10;
	v35 =	vld.idx.msk [tilespmem:v60+s13+$0x0], $0xffff  }
0x312: {  	vm15 =	vge.f32 v18, v12;
	v60 =	vand.u32 $0x80, v36;
	v43 =	vld.idx.msk [tilespmem:v43+s13+$0x0], $0xffff;
	v20 =	vmul.f32 v26, v28  }
0x313: {  	v49 =	vld [tilespmem:s1+$0x0];
	v36 =	vand.u32 $0x7F, v36;
	v62 =	vadd.s32 v5, v60;
	v48 =	vadd.s32 $0xFFFFFFFF, v46  }
0x314: {  	v34 =	vld.idx.msk [tilespmem:v34+s24+$0x0], $0xffff;
	v51 =	vshll.u32 v48, $0x4;
	v28 =	vmin.u32 v53, $0x3F;
	v20 =	vadd.f32 v20, v40  }
0x315: {  	v36 =	vor.u32 v36, v62;
	v26 =	vld.idx.msk [tilespmem:v52+s24+$0x0], $0xffff;
	v52 =	vadd.s32 v16, v51;
	v40 =	vadd.s32 $0xFFFFFFFF, v28  }
0x316: {  	v37 =	vld.idx.msk [tilespmem:v37+s24+$0x0], $0xffff;
	v51 =	vadd.s32 v17, v51;
	v54 =	vshll.u32 v40, $0x4;
	v20 =	vsel vm14, v13, v20  }
0x317: {  	v30 =	vld.idx.msk [tilespmem:v30+s24+$0x0], $0xffff;
	v35 =	vsub.f32 v35, v43;
	v55 =	vadd.s32 v16, v54;
	v58 =	vadd.s32 v17, v54  }
0x318: {  	[tilespmem:v31+s14+$0x0] =	vst.idx.msk $0xffff, v42;
	v62 =	vand.u32 $0x80, v25;
	v38 =	vsub.f32 v24, v38;
	v56 =	vor.u32 v0, v55  }
0x319: {  	[tilespmem:v31+s15+$0x0] =	vst.idx.msk $0xffff, v41;
	v59 =	vor.u32 v0, v52;
	(erf) = vrcp.f32 v35;
	v50 =	vsel vm4, v15, v20;
	v20 =	vpop (erf)  }
0x31a: {  	v28 =	vor.u32 v5, v28;
	v38 =	vmul.f32 v20, v38;
	v20 =	vadd.s32 v27, v49  }
0x31b: {  	v40 =	vor.u32 v5, v40;
	v26 =	vsub.f32 v26, v34;
	v55 =	vld.idx.msk [tilespmem:v51+s13+$0x0], $0xffff;
	vm5 =	vgt.s32 v20, $0x1  }
0x31c: {  	v25 =	vand.u32 $0x7F, v25;
	[tilespmem:v31+s17+$0x0] =	vst.idx.msk $0xffff, v29;
	v37 =	vsub.f32 v37, v30;
	v32 =	vld.idx.msk [tilespmem:v58+s13+$0x0], $0xffff;
	v61 =	vnsel vm5, $0x1, v20  }
0x31d: {  	v39 =	vadd.f32 v50, v39;
	v27 =	vld.idx.msk [tilespmem:v56+s13+$0x0], $0xffff;
	v26 =	vmul.f32 v26, v38;
	v38 =	vmin.u32 v61, $0x3F  }
0x31e: {  	v43 =	vsub.f32 v23, v43;
	v54 =	vmul.f32 v44, v11;
	v35 =	vld.idx.msk [tilespmem:v59+s13+$0x0], $0xffff;
	v49 =	vadd.s32 $0xFFFFFFFF, v38  }
0x31f: {  	[tilespmem:v33+s14+$0x0] =	vst.idx.msk $0xffff, v47;
	vm14 =	vlt.f32 v18, v14;
	v28 =	vld.idx.msk [tilespmem:v28+s24+$0x0], $0xffff;
	v57 =	vmul.f32 $5.000000000e-01, v39;
	v52 =	vshll.u32 v49, $0x4  }
0x320: {  	v59 =	vadd.f32 v54, v8;
	v47 =	vld.idx.msk [tilespmem:v40+s24+$0x0], $0xffff;
	v53 =	vadd.s32 v16, v52;
	v58 =	vadd.s32 v17, v52  }
0x321: {  	v60 =	vmul.f32 v57, v9;
	v23 =	vmul.f32 v57, v10;
	v42 =	vor.u32 v0, v53  }
0x322: {  	v51 =	vor.u32 v5, v48;
	v56 =	vadd.f32 v45, v7;
	v32 =	vsub.f32 v32, v27  }
0x323: {  	v31 =	vmul.f32 v57, v11;
	v63 =	vpop (erf);
	v45 =	vadd.f32 v60, v6;
	v23 =	vadd.f32 v23, v7  }
0x324: {  	[tilespmem:v33+s15+$0x0] =	vst.idx.msk $0xffff, v56;
	v26 =	vadd.f32 v26, v34;
	v34 =	vmul.f32 v63, v43;
	(erf) = vrcp.f32 v32  }
0x325: {  	v63 =	vsub.f32 v55, v35;
	[tilespmem:v33+s17+$0x0] =	vst.idx.msk $0xffff, v59;
	v28 =	vsub.f32 v28, v47;
	v44 =	vld.idx.msk [tilespmem:v58+s13+$0x0], $0xffff  }
0x326: {  	v38 =	vor.u32 v5, v38;
	v59 =	vsub.f32 v19, v35;
	v57 =	vor.u32 v5, v49;
	v42 =	vld.idx.msk [tilespmem:v42+s13+$0x0], $0xffff  }
0x327: {  	[tilespmem:v36+s14+$0x0] =	vst.idx.msk $0xffff, v45;
	v45 =	vmov s20;
	v61 =	vmul.f32 v37, v34;
	v34 =	vadd.s32 v5, v62  }
0x328: {  	v26 =	vsel vm6, v13, v26;
	v53 =	vor.u32 v5, v46;
	(erf) = vrcp.f32 v63  }
0x329: {  	v27 =	vsub.f32 v21, v27;
	v26 =	vsel vm7, v15, v26;
	v29 =	vadd.f32 v61, v30  }
0x32a: {  	v33 =	vld.idx.msk [tilespmem:v51+s24+$0x0], $0xffff;
	v48 =	vand.u32 $0x80, v45;
	v24 =	vor.u32 v25, v34;
	v52 =	vadd.f32 v26, v50  }
0x32b: {  	v61 =	vadd.f32 v31, v8;
	v41 =	vld.idx.msk [tilespmem:v38+s24+$0x0], $0xffff;
	v29 =	vsel vm8, v13, v29;
	v25 =	vsub.f32 v44, v42  }
0x32c: {  	v50 =	vadd.s32 v5, v48;
	v54 =	vmul.f32 $5.000000000e-01, v52;
	v39 =	vld.idx.msk [tilespmem:v57+s24+$0x0], $0xffff;
	v29 =	vsel vm9, v15, v29  }
0x32d: {  	[tilespmem:v36+s15+$0x0] =	vst.idx.msk $0xffff, v23;
	v58 =	vand.u32 $0x80, v22;
	v22 =	vand.u32 $0x7F, v22;
	v37 =	vld.idx.msk [tilespmem:v53+s24+$0x0], $0xffff;
	v55 =	vpop (erf);
	(erf) = vrcp.f32 v25  }
0x32e: {  	v56 =	vmul.f32 v54, v9;
	v23 =	vadd.s32 v5, v58;
	v63 =	vmul.f32 v54, v10  }
0x32f: {  	v26 =	vadd.f32 v29, v26;
	v30 =	vmul.f32 v54, v11;
	v22 =	vor.u32 v22, v23  }
0x330: {  	v62 =	vadd.f32 v56, v6;
	v31 =	vadd.f32 v63, v7;
	v27 =	vmul.f32 v55, v27  }
0x331: {  	v26 =	vmul.f32 $5.000000000e-01, v26;
	v30 =	vadd.f32 v30, v8;
	v49 =	vsub.f32 v41, v39;
	v60 =	vpop (erf)  }
0x332: {  	v40 =	vsub.f32 v37, v33;
	v25 =	vmul.f32 v60, v59;
	v23 =	vmul.f32 v28, v27  }
0x333: {  	v58 =	vmov s29;
	v21 =	vmul.f32 v26, v9;
	[tilespmem:v24+s14+$0x0] =	vst.idx.msk $0xffff, v62;
	v51 =	vmul.f32 v26, v10  }
0x334: {  	v26 =	vmul.f32 v26, v11;
	v25 =	vmul.f32 v40, v25;
	v23 =	vadd.f32 v23, v47  }
0x335: {  	v56 =	vmov s23;
	v43 =	vsub.f32 v18, v42;
	[tilespmem:v24+s15+$0x0] =	vst.idx.msk $0xffff, v31;
	v21 =	vadd.f32 v21, v6  }
0x336: {  	v19 =	vadd.f32 v51, v7;
	v25 =	vadd.f32 v25, v33;
	v23 =	vsel vm10, v13, v23;
	v46 =	vpop (erf)  }
0x337: {  	v26 =	vadd.f32 v26, v8;
	v23 =	vsel vm11, v15, v23;
	v47 =	vmul.f32 v46, v43  }
0x338: {  	v57 =	vand.u32 $0x80, v56;
	[tilespmem:v24+s17+$0x0] =	vst.idx.msk $0xffff, v30;
	v25 =	vsel vm12, v13, v25;
	v44 =	vadd.f32 v23, v29  }
0x339: {  	v24 =	vadd.s32 v5, v57;
	v25 =	vsel vm13, v15, v25;
	v28 =	vmul.f32 v49, v47  }
0x33a: {  	[tilespmem:v36+s17+$0x0] =	vst.idx.msk $0xffff, v61;
	v29 =	vand.u32 $0x7F, v45;
	v23 =	vadd.f32 v25, v23;
	v27 =	vmul.f32 $5.000000000e-01, v44  }
0x33b: {  	v61 =	vand.u32 $0x80, v58;
	[tilespmem:v22+s14+$0x0] =	vst.idx.msk $0xffff, v21;
	v29 =	vor.u32 v29, v50;
	v28 =	vadd.f32 v28, v39  }
0x33c: {  	[tilespmem:v22+s15+$0x0] =	vst.idx.msk $0xffff, v19;
	v19 =	vmul.f32 $5.000000000e-01, v23;
	v23 =	vand.u32 $0x7F, v56;
	v52 =	vmul.f32 v27, v9  }
0x33d: {  	v53 =	vmul.f32 v27, v10;
	v27 =	vmul.f32 v27, v11;
	v55 =	vsel vm14, v13, v28  }
0x33e: {  	[tilespmem:v22+s17+$0x0] =	vst.idx.msk $0xffff, v26;
	v22 =	vor.u32 v23, v24;
	v24 =	vand.u32 $0x7F, v58;
	v18 =	vsel vm15, v15, v55  }
0x33f: {  	v59 =	vmul.f32 v19, v9;
	v54 =	vadd.f32 v52, v6;
	v23 =	vadd.f32 v18, v25  }
0x340: {  	v60 =	vmul.f32 v19, v10;
	v19 =	vmul.f32 v19, v11;
	v32 =	vadd.f32 v53, v7  }
0x341: {  	v21 =	vadd.f32 v27, v8;
	v27 =	vadd.s32 v5, v61;
	[tilespmem:v29+s14+$0x0] =	vst.idx.msk $0xffff, v54;
	v23 =	vmul.f32 $5.000000000e-01, v23  }
0x342: {  	v24 =	vor.u32 v24, v27;
	[tilespmem:v29+s15+$0x0] =	vst.idx.msk $0xffff, v32;
	v25 =	vadd.f32 v59, v6  }
0x343: {  	[tilespmem:v29+s17+$0x0] =	vst.idx.msk $0xffff, v21;
	v21 =	vadd.f32 v60, v7;
	v62 =	vmul.f32 v23, v9  }
0x344: {  	p1 =	slt.u32 s16, $0x39;
	v19 =	vadd.f32 v19, v8;
	[tilespmem:v22+s14+$0x0] =	vst.idx.msk $0xffff, v25;
	v63 =	vmul.f32 v23, v10  }
.Ltmp11:
0x345: {  	[tilespmem:v22+s15+$0x0] =	vst.idx.msk $0xffff, v21;
	v23 =	vmul.f32 v23, v11;
	v21 =	vadd.f32 v62, v6;
	(pc) =	sbr.rel @p1 .LBB2_22-.Ltmp11, $4  }
0x346: {  	[tilespmem:v22+s17+$0x0] =	vst.idx.msk $0xffff, v19;
	v19 =	vadd.f32 v63, v7  }
0x347: {  	[tilespmem:v24+s14+$0x0] =	vst.idx.msk $0xffff, v21;
	v21 =	vadd.f32 v23, v8  }
0x348: {  	[tilespmem:v24+s15+$0x0] =	vst.idx.msk $0xffff, v19  }
0x349: {  	s16 =	sadd.s32 $0x8, s16;
	s1 =	sadd.s32 $0x80, s1;
	[tilespmem:v24+s17+$0x0] =	vst.idx.msk $0xffff, v21  }
.Ltmp12:
0x34a: {  	(pc) =	sbr.rel @p0 .LBB2_3-.Ltmp12, $2  }
0x34b: {  	_ =	sdelay $0x2  }
0x34c: {  	s29 =	simm.s32 $0x2;
	p1 =	por $0x0, $0x0  }
0x34d: {  	s0 =	rddreg [dreg:$0xa]  }
0x34e: {  	s3 =	rddreg [dreg:$0x19]  }
0x34f: {  	s1 =	rddreg [dreg:$0x6];
	s0 =	sor.u32 s0, s3  }
0x350: {  	s22 =	rddreg [dreg:$0x7];
	s1 =	sadd.s32 s1, s0  }
0x351: {  	[hbm4b:s1+s2] =	stream.linear.scatter [tilespmem:s14], [sflag:$0x3], $0x2000, $0x38;
	[tilespmem:$0x1A080] =	vst v63  }
0x352: {  	s23 =	rddreg [dreg:$0x8];
	s1 =	sadd.s32 s22, s0  }
0x353: {  	[hbm4b:s1+s2] =	stream.linear.scatter [tilespmem:s15], [sflag:$0x3], $0x2000, $0x38;
	[tilespmem:$0x1A080] =	vst v63  }
0x354: {  	s28 =	rddreg [dreg:$0x9];
	s1 =	sadd.s32 s23, s0  }
0x355: {  	[hbm4b:s1+s2] =	stream.linear.scatter [tilespmem:s17], [sflag:$0x3], $0x2000, $0x38;
	[tilespmem:$0x1A080] =	vst v63  }
0x356: {  	s30 =	rddreg [dreg:$0x18];
	s0 =	sadd.s32 s28, s0  }
0x357: {  	[hbm4b:s0+s2] =	stream.linear.scatter [tilespmem:s6], [sflag:$0x3], $0x2000, $0x38;
	[tilespmem:$0x1A080] =	vst v63  }
0x358: {  	p0 =	seq.s32 s30, $0x1F;
	s0 =	rddreg [dreg:$0x14]  }
0x359: {  	s1 =	rddreg [dreg:$0x0];
	s0 =	sadd.s32 @!p0 s3, s0  }
0x35a: {  	s3 =	simm.s32 @!p0 $0x0;
	s1 =	sadd.s32 @!p0 s1, s0  }
0x35b: {  	[tilespmem:s3], [sflag:$0x1] =	stream.linear.gather @!p0 [hbm4b:s1+s3], $0x2000, $0x38;
	[tilespmem:$0x1A080] =	vst v63  }
0x35c: {  	s1 =	rddreg [dreg:$0x3]  }
0x35d: {  	s4 =	simm.s32 @!p0 $0x4000;
	s1 =	sadd.s32 @!p0 s1, s0  }
0x35e: {  	[tilespmem:s4], [sflag:$0x1] =	stream.linear.gather @!p0 [hbm4b:s1+s3], $0x2000, $0x38;
	[tilespmem:$0x1A080] =	vst v63  }
0x35f: {  	s1 =	rddreg [dreg:$0x4]  }
0x360: {  	s4 =	simm.s32 @!p0 $0x8000;
	s1 =	sadd.s32 @!p0 s1, s0  }
0x361: {  	[tilespmem:s4], [sflag:$0x1] =	stream.linear.gather @!p0 [hbm4b:s1+s3], $0x2000, $0x38;
	[tilespmem:$0x1A080] =	vst v63  }
0x362: {  	s1 =	rddreg [dreg:$0x5]  }
0x363: {  	s31 =	simm.s32 $0x2;
	s0 =	sadd.s32 @!p0 s1, s0;
	s1 =	simm.s32 @!p0 $0xC000  }
0x364: {  	[tilespmem:s1], [sflag:$0x1] =	stream.linear.gather @!p0 [hbm4b:s0+s3], $0x2000, $0x38;
	[tilespmem:$0x1A080] =	vst v63  }
0x365: {  	_ =	swait.ge [sflag:s31], $0x2000  }
0x366: {  	[sflag:s31] =	ssyncset.done $0x0  }
0x367: {  	[sflag:s31] =	ssyncadd.s32 $0xFFFFE000  }
0x368: {  	_ =	swait.ge [sflag:s31], $0x2000  }
0x369: {  	[sflag:s31] =	ssyncset.done $0x0  }
0x36a: {  	[sflag:s31] =	ssyncadd.s32 $0xFFFFE000  }
0x36b: {  	_ =	swait.ge [sflag:s31], $0x2000  }
0x36c: {  	[sflag:s31] =	ssyncset.done $0x0  }
0x36d: {  	[sflag:s31] =	ssyncadd.s32 $0xFFFFE000  }
0x36e: {  	_ =	swait.ge [sflag:s31], $0x2000  }
0x36f: {  	[sflag:s31] =	ssyncset.done $0x0  }
0x370: {  	[sflag:s31] =	ssyncadd.s32 $0xFFFFE000  }
0x371: {  	_ =	swait.ge [sflag:s19], $0x2000  }
0x372: {  	[sflag:s19] =	ssyncset.done $0x0  }
0x373: {  	[sflag:s19] =	ssyncadd.s32 $0xFFFFE000  }
0x374: {  	_ =	swait.ge [sflag:s19], $0x2000  }
0x375: {  	[sflag:s19] =	ssyncset.done $0x0  }
0x376: {  	[sflag:s19] =	ssyncadd.s32 $0xFFFFE000  }
0x377: {  	_ =	swait.ge [sflag:s19], $0x2000  }
0x378: {  	[sflag:s19] =	ssyncset.done $0x0  }
0x379: {  	[sflag:s19] =	ssyncadd.s32 $0xFFFFE000  }
0x37a: {  	_ =	swait.ge [sflag:s19], $0x2000  }
0x37b: {  	[sflag:s19] =	ssyncset.done $0x0  }
0x37c: {  	s29 =	simm.s32 $0x0;
	p2 =	por $0x1, $0x1;
	[sflag:s19] =	ssyncadd.s32 $0xFFFFE000  }
.LBB2_25:
0x37d: {  	s0 =	smul.u32 $0x1080, s29;
	_ =	sdelay $0x1  }
0x37e: {  	s28 =	sshra.s32 s0, $0x2  }
0x37f: {  	s31 =	sadd.s32 $0x19040, s28  }
0x380: {  	[tilespmem:s31+$0x30] =	vst v1  }
0x381: {  	[tilespmem:s31+$0x20] =	vst v1  }
0x382: {  	[tilespmem:s31+$0x10] =	vst v1  }
0x383: {  	s1 =	sand.u32 $0xFFFFFF00, s0;
	[tilespmem:s31+$0x0] =	vst v1  }
0x384: {  	s1 =	sshrl.u32 s1, $0x2;
	[tilespmem:s31+$0xFFFFFFF0] =	vst v1  }
0x385: {  	p1 =	por p2, p2;
	s1 =	sadd.s32 $0x19000, s1;
	[tilespmem:s31+$0xFFFFFFE0] =	vst v1  }
0x386: {  	s22 =	smul.u32 $0x420, s29;
	s4 =	simm.s32 $0x0;
	s3 =	smov.u32 s31;
	[tilespmem:s1+$0x0] =	vst v1  }
.LBB2_26:
0x387: {  	s4 =	sadd.s32 $0x8, s4;
	[tilespmem:s3+$0xFFFFFFD0] =	vst v1;
	s1 =	sadd.s32 $0x80, s1;
	s3 =	sadd.s32 $0x80, s3  }
0x388: {  	[tilespmem:s1+$0x0] =	vst v1;
	p2 =	slt.u32 s4, $0x38  }
0x389: {  	[tilespmem:s3+$0x30] =	vst v1  }
.Ltmp13:
0x38a: {  	[tilespmem:s3+$0x20] =	vst v1;
	(pc) =	sbr.rel @p2 .LBB2_26-.Ltmp13, $4  }
0x38b: {  	[tilespmem:s3+$0x10] =	vst v1  }
0x38c: {  	[tilespmem:s3+$0x0] =	vst v1  }
0x38d: {  	[tilespmem:s3+$0xFFFFFFF0] =	vst v1  }
0x38e: {  	[tilespmem:s3+$0xFFFFFFE0] =	vst v1  }
0x38f: {  	s0 =	sadd.s32 $0x19400, s28  }
0x390: {  	[tilespmem:s3+$0xFFFFFFD0] =	vst v1;
	s1 =	simm.s32 $0x0;
	v5 =	vmov s0  }
.LBB2_28:
0x391: {  	p2 =	sne.s32 s1, $0x40  }
.Ltmp14:
0x392: {  	_ = 	snop;
	(pc) =	sbr.rel @p2 .LBB2_28-.Ltmp14, $3  }
0x393: {  	_ =	sdelay $0x1  }
0x394: {  	s0 =	sshra.s32 s1, $0x2  }
0x395: {  	s1 =	sadd.s32 $0x40, s1;
	[tilespmem:v5+s0+$0x0 ss:$0x1] =	vst.idx.msk $0xffff, v1  }
0x396: {  	s21 =	sshll.u32 s29, $0x4  }
0x397: {  	s0 =	sor.u32 $0x40, s21  }
0x398: {  	v5 =	vmov s0  }
0x399: {  	v5 =	vshll.u32 v5, $0x7  }
0x39a: {  	s20 =	simm.s32 $0x0;
	v5 =	vor.u32 v2, v5  }
0x39b: {  	v13 =	vor.u32 s20, v5  }
0x39c: {  	s1 =	simm.s32 $0x1;
	v12 =	vor.u32 $0x40, v5  }
0x39d: {  	v14 =	vor.u32 s1, v5  }
0x39e: {  	v7 =	vor.u32 $0x41, v5  }
0x39f: {  	v8 =	vor.u32 $0x42, v5  }
0x3a0: {  	s7 =	simm.s32 $0x2;
	v9 =	vor.u32 $0x43, v5;
	v10 =	vld.idx.msk [tilespmem:v13+s2+$0x0], $0xffff  }
0x3a1: {  	s9 =	simm.s32 $0x3;
	v15 =	vor.u32 s7, v5;
	v6 =	vld.idx.msk [tilespmem:v12+s26+$0x0], $0xffff  }
0x3a2: {  	v21 =	vor.u32 s9, v5;
	v16 =	vld.idx.msk [tilespmem:v14+s2+$0x0], $0xffff  }
0x3a3: {  	v11 =	vor.u32 $0x44, v5;
	v7 =	vld.idx.msk [tilespmem:v7+s26+$0x0], $0xffff  }
0x3a4: {  	s10 =	simm.s32 $0x4;
	v17 =	vor.u32 $0x45, v5;
	v8 =	vld.idx.msk [tilespmem:v8+s26+$0x0], $0xffff  }
0x3a5: {  	v20 =	vimm.f32 $1.000000000e+00;
	s3 =	simm.s32 $0x6;
	v18 =	vor.u32 s10, v5;
	v9 =	vld.idx.msk [tilespmem:v9+s26+$0x0], $0xffff;
	v19 =	vsub.f32 $1.000000000e+00, v10  }
0x3a6: {  	s4 =	simm.s32 $0x5;
	v24 =	vor.u32 s3, v5;
	v23 =	vld.idx.msk [tilespmem:v15+s2+$0x0], $0xffff;
	v22 =	vmul.f32 v10, v20  }
0x3a7: {  	v25 =	vor.u32 s4, v5;
	v27 =	vld.idx.msk [tilespmem:v21+s2+$0x0], $0xffff;
	v19 =	vmul.f32 v19, v20  }
0x3a8: {  	v37 =	vor.u32 s20, v12;
	v10 =	vld.idx.msk [tilespmem:v11+s26+$0x0], $0xffff;
	v20 =	vadd.f32 $9.999999740e-06, v22  }
0x3a9: {  	s5 =	sshll.u32 s29, $0xC;
	v11 =	vld.idx.msk [tilespmem:v17+s26+$0x0], $0xffff;
	v17 =	vimm.f32 $0.0e+00;
	v26 =	vmul.f32 v16, v19  }
0x3aa: {  	s30 =	sshra.s32 s5, $0x2;
	v30 =	vld.idx.msk [tilespmem:v18+s2+$0x0], $0xffff;
	v16 =	vsub.f32 $1.000000000e+00, v16;
	v28 =	vadd.f32 v20, v17  }
0x3ab: {  	v29 =	vor.u32 s1, v12;
	s1 =	sadd.s32 $0x18040, s30;
	v31 =	vld.idx.msk [tilespmem:v24+s2+$0x0], $0xffff;
	v20 =	vadd.f32 $9.999999740e-06, v26  }
0x3ac: {  	s18 =	simm.s32 $0xA;
	v33 =	vld.idx.msk [tilespmem:v25+s2+$0x0], $0xffff;
	v16 =	vmul.f32 v16, v19;
	v19 =	vsub.f32 $1.000000000e+00, v23;
	[tilespmem:s1+$0xFFFFFFC0] =	vst v28  }
0x3ad: {  	s23 =	simm.s32 $0x7;
	v46 =	vor.u32 s18, v5;
	v37 =	vld.idx.msk [tilespmem:v37+s25+$0x0], $0xffff;
	v32 =	vadd.f32 v20, v28  }
0x3ae: {  	s8 =	simm.s32 $0x9;
	v20 =	vor.u32 s23, v5;
	v23 =	vmul.f32 v23, v16;
	v28 =	vld.idx.msk [tilespmem:v13+s26+$0x0], $0xffff;
	v16 =	vmul.f32 v19, v16  }
0x3af: {  	v55 =	vor.u32 s7, v12;
	v35 =	vsub.f32 $1.000000000e+00, v27;
	v19 =	vor.u32 s8, v5;
	v13 =	vld.idx.msk [tilespmem:v13+s25+$0x0], $0xffff;
	[tilespmem:s1+$0xFFFFFFD0] =	vst v32  }
0x3b0: {  	v40 =	vor.u32 s9, v12;
	v34 =	vadd.f32 $9.999999740e-06, v23;
	v27 =	vmul.f32 v27, v16;
	v36 =	vld.idx.msk [tilespmem:v14+s25+$0x0], $0xffff  }
0x3b1: {  	v63 =	vor.u32 s4, v12;
	v38 =	vsub.f32 $1.000000000e+00, v30;
	v16 =	vmul.f32 v35, v16;
	v29 =	vld.idx.msk [tilespmem:v29+s25+$0x0], $0xffff  }
0x3b2: {  	v49 =	vor.u32 s23, v12;
	v14 =	vld.idx.msk [tilespmem:v14+s26+$0x0], $0xffff;
	v32 =	vadd.f32 v34, v32;
	v56 =	vadd.f32 $9.999999740e-06, v27  }
0x3b3: {  	v52 =	vor.u32 s3, v12;
	v41 =	vsub.f32 $1.000000000e+00, v33;
	v30 =	vmul.f32 v30, v16;
	v39 =	vld.idx.msk [tilespmem:v20+s2+$0x0], $0xffff  }
0x3b4: {  	v42 =	vsub.f32 $1.000000000e+00, v31;
	v38 =	vmul.f32 v38, v16;
	v45 =	vld.idx.msk [tilespmem:v19+s2+$0x0], $0xffff;
	[tilespmem:s1+$0xFFFFFFE0] =	vst v32;
	v32 =	vadd.f32 v56, v32  }
0x3b5: {  	v28 =	vmul.f32 v28, v22;
	v44 =	vmul.f32 v13, v22;
	v43 =	vadd.f32 $9.999999740e-06, v30;
	v57 =	vld.idx.msk [tilespmem:v15+s26+$0x0], $0xffff  }
0x3b6: {  	s16 =	simm.s32 $0x8;
	v16 =	vor.u32 s10, v12;
	v22 =	vmul.f32 v37, v22;
	v33 =	vmul.f32 v33, v38;
	v15 =	vld.idx.msk [tilespmem:v15+s25+$0x0], $0xffff;
	[tilespmem:s1+$0xFFFFFFF0] =	vst v32  }
0x3b7: {  	v38 =	vmul.f32 v41, v38;
	v41 =	vor.u32 s16, v5;
	v13 =	vadd.f32 v43, v32;
	v58 =	vld.idx.msk [tilespmem:v40+s25+$0x0], $0xffff  }
0x3b8: {  	v54 =	vor.u32 s18, v12;
	v22 =	vadd.f32 v22, v17;
	v44 =	vadd.f32 v44, v17;
	v60 =	vld.idx.msk [tilespmem:v21+s26+$0x0], $0xffff  }
0x3b9: {  	v29 =	vmul.f32 v29, v26;
	v59 =	vadd.f32 $9.999999740e-06, v33;
	v31 =	vmul.f32 v31, v38;
	v21 =	vld.idx.msk [tilespmem:v21+s25+$0x0], $0xffff;
	[tilespmem:s1+$0x0] =	vst v13  }
0x3ba: {  	v36 =	vmul.f32 v36, v26;
	v14 =	vmul.f32 v14, v26;
	v26 =	vsub.f32 $1.000000000e+00, v39;
	v62 =	vld.idx.msk [tilespmem:v18+s25+$0x0], $0xffff  }
0x3bb: {  	v40 =	vmul.f32 v42, v38;
	v61 =	vadd.f32 $9.999999740e-06, v31;
	v13 =	vadd.f32 v59, v13;
	v16 =	vld.idx.msk [tilespmem:v16+s25+$0x0], $0xffff  }
0x3bc: {  	s20 =	simm.s32 $0xB;
	v22 =	vadd.f32 v29, v22;
	v56 =	vsub.f32 $1.000000000e+00, v45;
	v50 =	vld.idx.msk [tilespmem:v41+s2+$0x0], $0xffff;
	v42 =	vmul.f32 v15, v23  }
0x3bd: {  	s11 =	simm.s32 $0x11;
	v51 =	vor.u32 s20, v5;
	v15 =	vadd.f32 v28, v17;
	v28 =	vld.idx.msk [tilespmem:v55+s25+$0x0], $0xffff;
	v43 =	vadd.f32 v61, v13;
	[tilespmem:s1+$0x10] =	vst v13  }
0x3be: {  	s23 =	simm.s32 $0xC;
	v36 =	vadd.f32 v36, v44;
	v35 =	vmul.f32 v57, v23;
	v13 =	vor.u32 s11, v5;
	v47 =	vld.idx.msk [tilespmem:v25+s26+$0x0], $0xffff  }
0x3bf: {  	v26 =	vmul.f32 v26, v40;
	v55 =	vor.u32 s23, v12;
	v57 =	vor.u32 s8, v12;
	s8 =	simm.s32 $0xD;
	v25 =	vld.idx.msk [tilespmem:v25+s25+$0x0], $0xffff;
	[tilespmem:s1+$0x20] =	vst v43  }
0x3c0: {  	v40 =	vmul.f32 v39, v40;
	v17 =	vor.u32 s8, v5;
	v32 =	vmul.f32 v58, v27;
	v53 =	vld.idx.msk [tilespmem:v24+s26+$0x0], $0xffff  }
0x3c1: {  	s4 =	simm.s32 $0xF;
	v34 =	vld.idx.msk [tilespmem:v63+s25+$0x0], $0xffff;
	v38 =	vmul.f32 v60, v27;
	v48 =	vadd.f32 v14, v15;
	v15 =	vor.u32 s23, v5  }
0x3c2: {  	s5 =	simm.s32 $0xE;
	v14 =	vor.u32 s4, v5;
	v58 =	vld.idx.msk [tilespmem:v46+s2+$0x0], $0xffff;
	v36 =	vadd.f32 v42, v36;
	v21 =	vmul.f32 v21, v27  }
0x3c3: {  	v60 =	vld.idx.msk [tilespmem:v18+s26+$0x0], $0xffff;
	v29 =	vmul.f32 v16, v30;
	v16 =	vor.u32 s5, v5;
	v39 =	vsub.f32 $1.000000000e+00, v50  }
0x3c4: {  	v59 =	vmul.f32 v50, v26;
	v50 =	vld.idx.msk [tilespmem:v51+s2+$0x0], $0xffff;
	v35 =	vadd.f32 v35, v48;
	v23 =	vmul.f32 v28, v23  }
0x3c5: {  	v24 =	vld.idx.msk [tilespmem:v24+s25+$0x0], $0xffff;
	v18 =	vmul.f32 v39, v26;
	v44 =	vmul.f32 v53, v31;
	v53 =	vadd.f32 $9.999999740e-06, v40  }
0x3c6: {  	v27 =	vld.idx.msk [tilespmem:v52+s25+$0x0], $0xffff;
	v37 =	vmul.f32 v62, v30;
	v21 =	vadd.f32 v21, v36;
	v22 =	vadd.f32 v23, v22  }
0x3c7: {  	v36 =	vld.idx.msk [tilespmem:v17+s2+$0x0], $0xffff;
	v39 =	vmul.f32 v45, v18;
	v56 =	vmul.f32 v56, v18;
	v18 =	vadd.f32 v53, v43  }
0x3c8: {  	v47 =	vmul.f32 v47, v33;
	v26 =	vadd.f32 $9.999999740e-06, v59;
	v37 =	vadd.f32 v37, v21;
	v28 =	vld.idx.msk [tilespmem:v15+s2+$0x0], $0xffff  }
0x3c9: {  	v25 =	vmul.f32 v25, v33;
	v45 =	vld.idx.msk [tilespmem:v16+s2+$0x0], $0xffff;
	v61 =	vsub.f32 $1.000000000e+00, v50;
	v22 =	vadd.f32 v32, v22;
	[tilespmem:s1+$0x30] =	vst v18  }
0x3ca: {  	v30 =	vmul.f32 v60, v30;
	v23 =	vadd.f32 v26, v18;
	v26 =	vadd.f32 $9.999999740e-06, v39;
	v43 =	vld.idx.msk [tilespmem:v20+s26+$0x0], $0xffff  }
0x3cb: {  	s3 =	sadd.s32 $0x80, s1;
	v53 =	vmul.f32 v27, v31;
	v18 =	vmul.f32 v58, v56;
	v58 =	vsub.f32 $1.000000000e+00, v58;
	v27 =	vld.idx.msk [tilespmem:v49+s25+$0x0], $0xffff  }
0x3cc: {  	v48 =	vor.u32 s16, v12;
	[tilespmem:s3+$0xFFFFFFC0] =	vst v23;
	v23 =	vadd.f32 v26, v23;
	v26 =	vadd.f32 v38, v35;
	v35 =	vld.idx.msk [tilespmem:v20+s25+$0x0], $0xffff  }
0x3cd: {  	v63 =	vsub.f32 $1.000000000e+00, v36;
	v22 =	vadd.f32 v29, v22;
	v20 =	vmul.f32 v58, v56;
	v38 =	vld.idx.msk [tilespmem:v41+s26+$0x0], $0xffff  }
0x3ce: {  	v33 =	vmul.f32 v34, v33;
	v62 =	vsub.f32 $1.000000000e+00, v28;
	v60 =	vadd.f32 $9.999999740e-06, v18;
	v56 =	vld.idx.msk [tilespmem:v41+s25+$0x0], $0xffff;
	[tilespmem:s3+$0xFFFFFFD0] =	vst v23  }
0x3cf: {  	v21 =	vmul.f32 v50, v20;
	v20 =	vmul.f32 v61, v20;
	v26 =	vadd.f32 v30, v26;
	v49 =	vld.idx.msk [tilespmem:v19+s25+$0x0], $0xffff  }
0x3d0: {  	s7 =	simm.s32 $0x10;
	v31 =	vmul.f32 v24, v31;
	v50 =	vsub.f32 $1.000000000e+00, v45;
	v23 =	vadd.f32 v60, v23;
	v30 =	vld.idx.msk [tilespmem:v57+s25+$0x0], $0xffff  }
0x3d1: {  	v29 =	vld.idx.msk [tilespmem:v19+s26+$0x0], $0xffff;
	v19 =	vor.u32 s7, v5;
	v57 =	vadd.f32 v33, v22;
	v60 =	vmul.f32 v62, v20  }
0x3d2: {  	v24 =	vld.idx.msk [tilespmem:v14+s2+$0x0], $0xffff;
	v61 =	vadd.f32 $9.999999740e-06, v21;
	v20 =	vmul.f32 v28, v20;
	v26 =	vadd.f32 v47, v26  }
0x3d3: {  	v47 =	vld.idx.msk [tilespmem:v48+s25+$0x0], $0xffff;
	v28 =	vmul.f32 v43, v40;
	[tilespmem:s3+$0xFFFFFFE0] =	vst v23;
	v62 =	vor.u32 s20, v12;
	v41 =	vmul.f32 v38, v59  }
0x3d4: {  	v48 =	vld.idx.msk [tilespmem:v46+s26+$0x0], $0xffff;
	v32 =	vadd.f32 v61, v23;
	v44 =	vadd.f32 v44, v26;
	v23 =	vmul.f32 v36, v60  }
0x3d5: {  	v46 =	vld.idx.msk [tilespmem:v46+s25+$0x0], $0xffff;
	v42 =	vmul.f32 v63, v60;
	v63 =	vadd.f32 v25, v37;
	v36 =	vmul.f32 v27, v40  }
0x3d6: {  	v34 =	vmul.f32 v56, v59;
	v26 =	vld.idx.msk [tilespmem:v54+s25+$0x0], $0xffff;
	v37 =	vmul.f32 v30, v39;
	v30 =	vadd.f32 $9.999999740e-06, v20  }
0x3d7: {  	v61 =	vsub.f32 $1.000000000e+00, v24;
	[tilespmem:s3+$0xFFFFFFF0] =	vst v32;
	v22 =	vmul.f32 v45, v42;
	v45 =	vadd.f32 v28, v44;
	v28 =	vld.idx.msk [tilespmem:v13+s2+$0x0], $0xffff  }
0x3d8: {  	v27 =	vmul.f32 v49, v39;
	v33 =	vmul.f32 v50, v42;
	v25 =	vld.idx.msk [tilespmem:v51+s25+$0x0], $0xffff;
	v58 =	vadd.f32 v30, v32  }
0x3d9: {  	v39 =	vmul.f32 v29, v39;
	v63 =	vadd.f32 v31, v63;
	v43 =	vld.idx.msk [tilespmem:v62+s25+$0x0], $0xffff;
	v62 =	vmul.f32 v35, v40  }
0x3da: {  	v60 =	vadd.f32 $9.999999740e-06, v23;
	v44 =	vmul.f32 v47, v59;
	v47 =	vadd.f32 v53, v57;
	v32 =	vld.idx.msk [tilespmem:v51+s26+$0x0], $0xffff;
	[tilespmem:s3+$0x0] =	vst v58  }
0x3db: {  	v30 =	vmul.f32 v48, v18;
	v29 =	vadd.f32 $9.999999740e-06, v22;
	v35 =	vmul.f32 v46, v18;
	v42 =	vld.idx.msk [tilespmem:v15+s25+$0x0], $0xffff  }
0x3dc: {  	s9 =	smov.u32 s3;
	s10 =	simm.s32 $0x18;
	s16 =	sshll.u32 s29, $0xA;
	v40 =	vmul.f32 v61, v33;
	v38 =	vadd.f32 v62, v63;
	v46 =	vadd.f32 v60, v58;
	v31 =	vld.idx.msk [tilespmem:v55+s25+$0x0], $0xffff  }
.LBB2_30:
0x3dd: {  	p2 =	slt.u32 s10, $0x38  }
0x3de: {  	v41 =	vadd.f32 v41, v45;
	s3 =	sadd.s32 $0x80, s3;
	v45 =	vadd.f32 v36, v47;
	s20 =	smov.u32 s10;
	s10 =	sadd.s32 $0x8, s10  }
0x3df: {  	s18 =	sadd.s32 $0x2, s7;
	v43 =	vmul.f32 v43, v21;
	v47 =	vor.u32 s8, v12;
	s0 =	sadd.s32 $0x1, s20;
	[tilespmem:s9+$0x10] =	vst v46;
	v46 =	vadd.f32 v29, v46  }
0x3e0: {  	v36 =	vor.u32 s18, v5;
	v48 =	vmul.f32 v32, v21;
	v29 =	vor.u32 s0, v5;
	v49 =	vld.idx.msk [tilespmem:v17+s26+$0x0], $0xffff  }
0x3e1: {  	s23 =	sadd.s32 $0x3, s7;
	v44 =	vadd.f32 v44, v45;
	v41 =	vadd.f32 v39, v41;
	v45 =	vor.u32 s4, v12;
	v50 =	vld.idx.msk [tilespmem:v19+s2+$0x0], $0xffff;
	[tilespmem:s9+$0x20] =	vst v46  }
0x3e2: {  	s8 =	sadd.s32 $0x4, s7;
	v51 =	vor.u32 s5, v12;
	v32 =	vor.u32 s23, v5;
	v42 =	vmul.f32 v42, v20;
	v52 =	vld.idx.msk [tilespmem:v16+s26+$0x0], $0xffff  }
0x3e3: {  	v53 =	vor.u32 s8, v5;
	s4 =	sadd.s32 $0x7, s7;
	v37 =	vadd.f32 v37, v44;
	v44 =	vmul.f32 v31, v20;
	v54 =	vld.idx.msk [tilespmem:v17+s25+$0x0], $0xffff  }
0x3e4: {  	s5 =	sadd.s32 $0x6, s7;
	v39 =	vor.u32 s18, v12;
	v55 =	vor.u32 s4, v5;
	v31 =	vor.u32 s8, v12;
	v47 =	vld.idx.msk [tilespmem:v47+s25+$0x0], $0xffff  }
0x3e5: {  	v57 =	vor.u32 s11, v12;
	v59 =	vor.u32 s5, v5;
	v56 =	vsub.f32 $1.000000000e+00, v28;
	s11 =	smov.u32 s0;
	v58 =	vld.idx.msk [tilespmem:v36+s2+$0x0], $0xffff  }
0x3e6: {  	v61 =	vmul.f32 v24, v33;
	v34 =	vadd.f32 v34, v38;
	s8 =	sadd.s32 $0x5, s7;
	v49 =	vmul.f32 v49, v23;
	v60 =	vld.idx.msk [tilespmem:v16+s25+$0x0], $0xffff  }
0x3e7: {  	v17 =	vor.u32 s8, v5;
	v38 =	vmul.f32 v50, v40;
	v24 =	vsub.f32 $1.000000000e+00, v50;
	v16 =	vmovc v59;
	v33 =	vld.idx.msk [tilespmem:v32+s2+$0x0], $0xffff  }
0x3e8: {  	v27 =	vadd.f32 v27, v34;
	v50 =	vmul.f32 v52, v22;
	v52 =	vadd.f32 $9.999999740e-06, v61;
	v34 =	vld.idx.msk [tilespmem:v15+s26+$0x0], $0xffff;
	v15 =	vmovc v53  }
0x3e9: {  	v18 =	vmul.f32 v26, v18;
	v24 =	vmul.f32 v24, v40;
	v40 =	vadd.f32 $9.999999740e-06, v38;
	v53 =	vld.idx.msk [tilespmem:v53+s2+$0x0], $0xffff  }
0x3ea: {  	v21 =	vmul.f32 v25, v21;
	v26 =	vadd.f32 v35, v27;
	v27 =	vadd.f32 v30, v41;
	v25 =	vld.idx.msk [tilespmem:v51+s25+$0x0], $0xffff  }
0x3eb: {  	v30 =	vadd.f32 v52, v46;
	v28 =	vmul.f32 v28, v24;
	v24 =	vmul.f32 v56, v24  }
0x3ec: {  	v37 =	vadd.f32 v18, v37;
	v21 =	vadd.f32 v21, v26;
	v26 =	vmul.f32 v54, v23;
	v35 =	vld.idx.msk [tilespmem:v59+s2+$0x0], $0xffff  }
0x3ed: {  	v47 =	vmul.f32 v47, v23;
	v40 =	vadd.f32 v40, v30;
	v41 =	vadd.f32 $9.999999740e-06, v28;
	v46 =	vld.idx.msk [tilespmem:v17+s2+$0x0], $0xffff;
	[tilespmem:s9+$0x30] =	vst v30;
	s9 =	smov.u32 s3  }
0x3ee: {  	v23 =	vsub.f32 $1.000000000e+00, v58;
	v18 =	vmul.f32 v58, v24;
	v20 =	vmul.f32 v34, v20;
	v30 =	vld.idx.msk [tilespmem:v14+s26+$0x0], $0xffff  }
0x3ef: {  	v27 =	vadd.f32 v48, v27;
	v34 =	vor.u32 s7, v12;
	s7 =	smov.u32 s20;
	[tilespmem:s3+$0xFFFFFFC0] =	vst v40;
	v40 =	vadd.f32 v41, v40;
	v48 =	vld.idx.msk [tilespmem:v14+s25+$0x0], $0xffff  }
0x3f0: {  	v23 =	vmul.f32 v23, v24;
	v51 =	vsub.f32 $1.000000000e+00, v33;
	v24 =	vadd.f32 $9.999999740e-06, v18;
	v14 =	vmovc v55;
	v41 =	vld.idx.msk [tilespmem:v19+s26+$0x0], $0xffff  }
0x3f1: {  	v42 =	vadd.f32 v42, v21;
	v52 =	vsub.f32 $1.000000000e+00, v53;
	v54 =	vmul.f32 v25, v22;
	[tilespmem:s3+$0xFFFFFFD0] =	vst v40;
	v25 =	vld.idx.msk [tilespmem:v45+s25+$0x0], $0xffff  }
0x3f2: {  	v21 =	vmul.f32 v33, v23;
	v23 =	vmul.f32 v51, v23;
	v27 =	vadd.f32 v20, v27;
	v45 =	vld.idx.msk [tilespmem:v13+s25+$0x0], $0xffff  }
0x3f3: {  	v56 =	vmul.f32 v60, v22;
	v55 =	vsub.f32 $1.000000000e+00, v35;
	v51 =	vsub.f32 $1.000000000e+00, v46;
	v33 =	vld.idx.msk [tilespmem:v57+s25+$0x0], $0xffff  }
0x3f4: {  	v37 =	vadd.f32 v43, v37;
	v22 =	vld.idx.msk [tilespmem:v19+s25+$0x0], $0xffff;
	v19 =	vadd.f32 v24, v40;
	v40 =	vmul.f32 v52, v23  }
0x3f5: {  	v43 =	vadd.f32 $9.999999740e-06, v21;
	v20 =	vmul.f32 v53, v23;
	v23 =	vadd.f32 v49, v27;
	v24 =	vld.idx.msk [tilespmem:v14+s2+$0x0], $0xffff  }
0x3f6: {  	v30 =	vmul.f32 v30, v61;
	v41 =	vmul.f32 v41, v38;
	v49 =	vld.idx.msk [tilespmem:v34+s25+$0x0], $0xffff;
	v34 =	vadd.f32 v44, v37  }
0x3f7: {  	v52 =	vor.u32 s23, v12;
	v43 =	vadd.f32 v43, v19;
	v50 =	vadd.f32 v50, v23;
	v44 =	vld.idx.msk [tilespmem:v13+s26+$0x0], $0xffff;
	[tilespmem:s3+$0xFFFFFFE0] =	vst v19  }
0x3f8: {  	v42 =	vadd.f32 v26, v42;
	v23 =	vmul.f32 v46, v40;
	v40 =	vmul.f32 v51, v40;
	v53 =	vld.idx.msk [tilespmem:v36+s26+$0x0], $0xffff  }
0x3f9: {  	v37 =	vmul.f32 v33, v28;
	v33 =	vadd.f32 $9.999999740e-06, v20;
	v46 =	vld.idx.msk [tilespmem:v36+s25+$0x0], $0xffff;
	[tilespmem:s3+$0xFFFFFFF0] =	vst v43;
	v36 =	vmul.f32 v25, v61  }
0x3fa: {  	v19 =	vor.u32 s7, v5;
	v27 =	vmul.f32 v45, v28;
	v13 =	vmovc v29;
	v47 =	vadd.f32 v47, v34;
	v25 =	vld.idx.msk [tilespmem:v32+s25+$0x0], $0xffff  }
0x3fb: {  	v34 =	vmul.f32 v22, v38;
	v51 =	vadd.f32 v33, v43;
	v33 =	vmul.f32 v55, v40;
	v26 =	vld.idx.msk [tilespmem:v39+s25+$0x0], $0xffff  }
.Ltmp15:
0x3fc: {  	v45 =	vadd.f32 v30, v50;
	v22 =	vmul.f32 v35, v40;
	v43 =	vld.idx.msk [tilespmem:v52+s25+$0x0], $0xffff;
	v52 =	vadd.f32 $9.999999740e-06, v23;
	(pc) =	sbr.rel @p2 .LBB2_30-.Ltmp15, $4  }
0x3fd: {  	v48 =	vmul.f32 v48, v61;
	v40 =	vsub.f32 $1.000000000e+00, v24;
	v39 =	vmul.f32 v44, v28;
	v32 =	vld.idx.msk [tilespmem:v32+s26+$0x0], $0xffff  }
0x3fe: {  	v50 =	vadd.f32 v56, v42;
	v30 =	vmul.f32 v53, v18;
	v28 =	vld.idx.msk [tilespmem:v29+s2+$0x0], $0xffff;
	[tilespmem:s3+$0x0] =	vst v51;
	v29 =	vadd.f32 $9.999999740e-06, v22  }
0x3ff: {  	v47 =	vadd.f32 v54, v47;
	v44 =	vmul.f32 v49, v38;
	v35 =	vmul.f32 v46, v18;
	v42 =	vld.idx.msk [tilespmem:v15+s25+$0x0], $0xffff  }
0x400: {  	v40 =	vmul.f32 v40, v33;
	v38 =	vadd.f32 v48, v50;
	v46 =	vadd.f32 v52, v51;
	v31 =	vld.idx.msk [tilespmem:v31+s25+$0x0], $0xffff  }
0x401: {  	_ =	sdelay $0x2  }
0x402: {  	v41 =	vadd.f32 v41, v45;
	v36 =	vadd.f32 v36, v47;
	v43 =	vmul.f32 v43, v21  }
0x403: {  	v62 =	vor.u32 s8, v12;
	v63 =	vld.idx.msk [tilespmem:v19+s2+$0x0], $0xffff;
	v50 =	vor.u32 s5, v12;
	v55 =	vor.u32 s11, v12  }
0x404: {  	s0 =	sadd.s32 $0x2, s7;
	s8 =	sadd.s32 $0x3, s7;
	v24 =	vmul.f32 v24, v33;
	v18 =	vmul.f32 v26, v18;
	[tilespmem:s9+$0x10] =	vst v46;
	v46 =	vadd.f32 v29, v46  }
0x405: {  	s10 =	sadd.s32 $0x4, s7;
	v15 =	vld.idx.msk [tilespmem:v15+s26+$0x0], $0xffff;
	v47 =	vor.u32 s0, v5;
	v32 =	vmul.f32 v32, v21;
	v49 =	vor.u32 s8, v5  }
0x406: {  	s20 =	sadd.s32 $0x5, s7;
	v29 =	vor.u32 s10, v5;
	v52 =	vor.u32 s0, v12;
	v48 =	vld.idx.msk [tilespmem:v17+s26+$0x0], $0xffff;
	v36 =	vadd.f32 v44, v36;
	[tilespmem:s9+$0x20] =	vst v46  }
0x407: {  	v34 =	vadd.f32 v34, v38;
	v57 =	vor.u32 s20, v5;
	v21 =	vmul.f32 v25, v21;
	v51 =	vld.idx.msk [tilespmem:v16+s26+$0x0], $0xffff  }
0x408: {  	v39 =	vadd.f32 v39, v41;
	v41 =	vor.u32 s4, v12;
	v36 =	vadd.f32 v37, v36;
	v37 =	vld.idx.msk [tilespmem:v17+s25+$0x0], $0xffff  }
0x409: {  	s18 =	sadd.s32 $0x6, s7;
	v54 =	vsub.f32 $1.000000000e+00, v28;
	v42 =	vmul.f32 v42, v20;
	v27 =	vadd.f32 v27, v34;
	v16 =	vld.idx.msk [tilespmem:v16+s25+$0x0], $0xffff  }
0x40a: {  	v31 =	vmul.f32 v31, v20;
	v17 =	vor.u32 s18, v5;
	v45 =	vld.idx.msk [tilespmem:v62+s25+$0x0], $0xffff;
	v44 =	vsub.f32 $1.000000000e+00, v63  }
0x40b: {  	v33 =	vmul.f32 v63, v40;
	v62 =	vadd.f32 v35, v27;
	v63 =	vadd.f32 v30, v39;
	v27 =	vld.idx.msk [tilespmem:v50+s25+$0x0], $0xffff  }
0x40c: {  	v15 =	vmul.f32 v15, v20;
	v56 =	vld.idx.msk [tilespmem:v47+s2+$0x0], $0xffff;
	v34 =	vmul.f32 v51, v22;
	v51 =	vadd.f32 $9.999999740e-06, v24  }
0x40d: {  	v58 =	vld.idx.msk [tilespmem:v29+s2+$0x0], $0xffff;
	v18 =	vadd.f32 v18, v36;
	v60 =	vmul.f32 v44, v40;
	v61 =	vadd.f32 $9.999999740e-06, v33  }
0x40e: {  	v38 =	vmul.f32 v48, v23;
	v48 =	vld.idx.msk [tilespmem:v49+s2+$0x0], $0xffff;
	v21 =	vadd.f32 v21, v62;
	v46 =	vadd.f32 v51, v46  }
0x40f: {  	v40 =	vld.idx.msk [tilespmem:v57+s2+$0x0], $0xffff;
	v25 =	vadd.f32 v32, v63;
	v18 =	vadd.f32 v43, v18;
	v28 =	vmul.f32 v28, v60  }
0x410: {  	v53 =	vor.u32 s10, v12;
	v50 =	vmul.f32 v54, v60;
	v39 =	vld.idx.msk [tilespmem:v17+s2+$0x0], $0xffff;
	v26 =	vmul.f32 v37, v23;
	[tilespmem:s9+$0x30] =	vst v46  }
0x411: {  	v23 =	vmul.f32 v45, v23;
	v54 =	vadd.f32 $9.999999740e-06, v28;
	v51 =	vadd.f32 v61, v46;
	v45 =	vld.idx.msk [tilespmem:v14+s26+$0x0], $0xffff  }
0x412: {  	s3 =	sadd.s32 $0x80, s3;
	s23 =	sadd.s32 $0x7, s7;
	v21 =	vadd.f32 v42, v21;
	v15 =	vadd.f32 v15, v25;
	v30 =	vmul.f32 v56, v50;
	v14 =	vld.idx.msk [tilespmem:v14+s25+$0x0], $0xffff  }
0x413: {  	v56 =	vsub.f32 $1.000000000e+00, v56;
	v46 =	vor.u32 s23, v5;
	v41 =	vld.idx.msk [tilespmem:v41+s25+$0x0], $0xffff;
	[tilespmem:s3+$0xFFFFFFC0] =	vst v51;
	v20 =	vadd.f32 v54, v51  }
0x414: {  	v18 =	vadd.f32 v31, v18;
	v63 =	vsub.f32 $1.000000000e+00, v58;
	v61 =	vor.u32 s7, v12;
	v59 =	vld.idx.msk [tilespmem:v19+s26+$0x0], $0xffff  }
0x415: {  	v15 =	vadd.f32 v38, v15;
	v62 =	vsub.f32 $1.000000000e+00, v48;
	v35 =	vmul.f32 v56, v50;
	v19 =	vld.idx.msk [tilespmem:v19+s25+$0x0], $0xffff;
	[tilespmem:s3+$0xFFFFFFD0] =	vst v20  }
0x416: {  	v16 =	vmul.f32 v16, v22;
	v21 =	vadd.f32 v26, v21;
	v18 =	vadd.f32 v23, v18;
	v42 =	vld.idx.msk [tilespmem:v13+s25+$0x0], $0xffff  }
0x417: {  	v60 =	vadd.f32 $9.999999740e-06, v30;
	v48 =	vmul.f32 v48, v35;
	v35 =	vmul.f32 v62, v35;
	v54 =	vld.idx.msk [tilespmem:v55+s25+$0x0], $0xffff  }
0x418: {  	v27 =	vmul.f32 v27, v22;
	v15 =	vadd.f32 v34, v15;
	v16 =	vadd.f32 v16, v21;
	v43 =	vld.idx.msk [tilespmem:v46+s2+$0x0], $0xffff  }
0x419: {  	v20 =	vadd.f32 v60, v20;
	v22 =	vmul.f32 v63, v35;
	v56 =	vadd.f32 $9.999999740e-06, v48;
	v37 =	vld.idx.msk [tilespmem:v61+s25+$0x0], $0xffff  }
0x41a: {  	v18 =	vadd.f32 v27, v18;
	v35 =	vmul.f32 v58, v35;
	v55 =	vsub.f32 $1.000000000e+00, v40;
	v13 =	vld.idx.msk [tilespmem:v13+s26+$0x0], $0xffff  }
0x41b: {  	v58 =	vmul.f32 v45, v24;
	v36 =	vadd.f32 v56, v20;
	[tilespmem:s3+$0xFFFFFFE0] =	vst v20;
	v20 =	vmul.f32 v40, v22  }
0x41c: {  	v61 =	vadd.f32 $9.999999740e-06, v35;
	v41 =	vmul.f32 v41, v24;
	v14 =	vmul.f32 v14, v24;
	v60 =	vld.idx.msk [tilespmem:v47+s26+$0x0], $0xffff  }
0x41d: {  	v62 =	vsub.f32 $1.000000000e+00, v39;
	v22 =	vmul.f32 v55, v22;
	v63 =	vld.idx.msk [tilespmem:v47+s25+$0x0], $0xffff;
	v32 =	vmul.f32 v59, v33  }
0x41e: {  	v23 =	vld.idx.msk [tilespmem:v52+s25+$0x0], $0xffff;
	v59 =	vor.u32 s8, v12;
	[tilespmem:s3+$0xFFFFFFF0] =	vst v36;
	v26 =	vadd.f32 v61, v36;
	v51 =	vadd.f32 $9.999999740e-06, v20  }
0x41f: {  	v19 =	vmul.f32 v19, v33;
	v15 =	vadd.f32 v58, v15;
	v61 =	vor.u32 s20, v12;
	v50 =	vld.idx.msk [tilespmem:v49+s25+$0x0], $0xffff  }
0x420: {  	v18 =	vadd.f32 v41, v18;
	v14 =	vadd.f32 v14, v16;
	v16 =	vor.u32 s18, v12;
	v56 =	vld.idx.msk [tilespmem:v49+s26+$0x0], $0xffff;
	[tilespmem:s3+$0x0] =	vst v26  }
0x421: {  	v39 =	vmul.f32 v39, v22;
	v22 =	vmul.f32 v62, v22;
	v36 =	vadd.f32 v51, v26;
	v26 =	vld.idx.msk [tilespmem:v29+s25+$0x0], $0xffff  }
0x422: {  	v25 =	vmul.f32 v54, v28;
	v13 =	vmul.f32 v13, v28;
	v14 =	vadd.f32 v19, v14;
	v19 =	vld.idx.msk [tilespmem:v29+s26+$0x0], $0xffff  }
0x423: {  	v21 =	vmul.f32 v37, v33;
	v15 =	vadd.f32 v32, v15;
	v58 =	vmul.f32 v60, v30;
	v60 =	vld.idx.msk [tilespmem:v53+s25+$0x0], $0xffff  }
0x424: {  	v42 =	vmul.f32 v42, v28;
	v55 =	vadd.f32 $9.999999740e-06, v39;
	v22 =	vmul.f32 v43, v22;
	[tilespmem:s3+$0x10] =	vst v36;
	v54 =	vld.idx.msk [tilespmem:v59+s25+$0x0], $0xffff  }
0x425: {  	v62 =	vmul.f32 v63, v30;
	v18 =	vadd.f32 v21, v18;
	v13 =	vadd.f32 v13, v15;
	v63 =	vld.idx.msk [tilespmem:v57+s26+$0x0], $0xffff  }
0x426: {  	v15 =	vor.u32 s23, v12;
	v14 =	vadd.f32 v42, v14;
	v59 =	vadd.f32 v55, v36;
	v21 =	vld.idx.msk [tilespmem:v57+s25+$0x0], $0xffff  }
0x427: {  	v23 =	vmul.f32 v23, v30;
	v41 =	vadd.f32 $9.999999740e-06, v22;
	v43 =	vld.idx.msk [tilespmem:v61+s25+$0x0], $0xffff;
	v18 =	vadd.f32 v25, v18  }
0x428: {  	v28 =	vmul.f32 v56, v48;
	v13 =	vadd.f32 v58, v13;
	v14 =	vadd.f32 v62, v14;
	[tilespmem:s3+$0x20] =	vst v59  }
0x429: {  	v12 =	vadd.f32 v41, v59;
	v40 =	vld.idx.msk [tilespmem:v17+s26+$0x0], $0xffff;
	v26 =	vmul.f32 v26, v35;
	v19 =	vmul.f32 v19, v35  }
0x42a: {  	v16 =	vld.idx.msk [tilespmem:v16+s25+$0x0], $0xffff;
	v13 =	vadd.f32 v28, v13;
	v31 =	vmul.f32 v54, v48;
	v48 =	vmul.f32 v50, v48  }
0x42b: {  	v17 =	vld.idx.msk [tilespmem:v17+s25+$0x0], $0xffff;
	v18 =	vadd.f32 v23, v18;
	v44 =	vmul.f32 v60, v35;
	[tilespmem:s3+$0x30] =	vst v12  }
0x42c: {  	v47 =	vmul.f32 v63, v20;
	v23 =	vld.idx.msk [tilespmem:v46+s26+$0x0], $0xffff;
	v13 =	vadd.f32 v19, v13;
	v14 =	vadd.f32 v48, v14  }
0x42d: {  	v21 =	vmul.f32 v21, v20;
	v20 =	vmul.f32 v43, v20;
	v50 =	vld.idx.msk [tilespmem:v46+s25+$0x0], $0xffff;
	v18 =	vadd.f32 v31, v18  }
0x42e: {  	v15 =	vld.idx.msk [tilespmem:v15+s25+$0x0], $0xffff;
	v19 =	vadd.f32 v47, v13;
	v49 =	vmul.f32 v40, v39;
	v14 =	vadd.f32 v26, v14  }
0x42f: {  	v16 =	vmul.f32 v16, v39;
	v13 =	vadd.f32 v44, v18;
	v18 =	vmov s21  }
0x430: {  	v17 =	vmul.f32 v17, v39;
	v18 =	vshll.u32 v18, $0x7;
	v14 =	vadd.f32 v21, v14  }
0x431: {  	v23 =	vmul.f32 v23, v22;
	v20 =	vadd.f32 v20, v13;
	v13 =	vor.u32 v2, v18  }
0x432: {  	v18 =	vmul.f32 v50, v22;
	v14 =	vadd.f32 v17, v14;
	v17 =	vor.u32 $0x1, v13  }
0x433: {  	v15 =	vmul.f32 v15, v22;
	v16 =	vadd.f32 v16, v20;
	v20 =	vor.u32 $0x2, v13  }
0x434: {  	v19 =	vadd.f32 v49, v19;
	v14 =	vadd.f32 v18, v14;
	v18 =	vor.u32 $0x3, v13  }
0x435: {  	v15 =	vadd.f32 v15, v16;
	v16 =	vadd.f32 $-6.399999840e-04, v12  }
0x436: {  	v19 =	vadd.f32 v23, v19;
	[tilespmem:v13+s6+$0x0] =	vst.idx.msk $0xffff, v14  }
0x437: {  	(erf) = vrcp.f32 v12;
	v14 =	vmax.f32 v16, $0.0e+00;
	[tilespmem:v17+s6+$0x0] =	vst.idx.msk $0xffff, v15  }
0x438: {  	v14 =	vmin.f32 v14, $1.000000000e+00;
	[tilespmem:v20+s6+$0x0] =	vst.idx.msk $0xffff, v19  }
0x439: {  	[tilespmem:v18+s6+$0x0] =	vst.idx.msk $0xffff, v14  }
0x43a: {  	v14 =	vld [tilespmem:s1+$0x30]  }
0x43b: {  	v16 =	vld [tilespmem:s1+$0xFFFFFFD0]  }
0x43c: {  	v17 =	vld [tilespmem:s1+$0xFFFFFFE0]  }
0x43d: {  	v18 =	vld [tilespmem:s1+$0xFFFFFFF0]  }
0x43e: {  	v19 =	vld [tilespmem:s1+$0x0]  }
0x43f: {  	v20 =	vld [tilespmem:s1+$0x10]  }
0x440: {  	v15 =	vpop (erf);
	v22 =	vld [tilespmem:s1+$0x20]  }
0x441: {  	v15 =	vmul.f32 $6.400000000e+01, v15;
	v23 =	vld [tilespmem:s1+$0xFFFFFFC0];
	_ =	sdelay $0x1  }
0x442: {  	v21 =	vmul.f32 v14, v15;
	v16 =	vmul.f32 v16, v15  }
0x443: {  	v17 =	vmul.f32 v17, v15;
	v18 =	vmul.f32 v18, v15  }
0x444: {  	v19 =	vmul.f32 v19, v15;
	v20 =	vmul.f32 v20, v15  }
0x445: {  	v22 =	vmul.f32 v22, v15;
	v23 =	vmul.f32 v23, v15  }
0x446: {  	v51 =	vtrunc.f32 v21;
	v53 =	vtrunc.f32 v17  }
0x447: {  	v54 =	vtrunc.f32 v18;
	v55 =	vtrunc.f32 v19  }
0x448: {  	v56 =	vtrunc.f32 v20;
	v57 =	vtrunc.f32 v22  }
0x449: {  	v14 =	vor.u32 s22, v0;
	v58 =	vtrunc.f32 v23;
	v52 =	vcvt.f32.s32 v51  }
0x44a: {  	vm0 =	vgt.f32 v21, v51;
	v21 =	vtrunc.f32 v16;
	v60 =	vcvt.f32.s32 v58  }
0x44b: {  	vm2 =	vgt.f32 v17, v53;
	v17 =	vcvt.f32.s32 v54;
	vm3 =	vgt.f32 v18, v54  }
0x44c: {  	v18 =	vcvt.f32.s32 v55;
	vm4 =	vgt.f32 v19, v55;
	vm5 =	vgt.f32 v20, v56  }
0x44d: {  	v24 =	vsel vm0, $0x1, v1;
	v59 =	vcvt.f32.s32 v21;
	vm1 =	vgt.f32 v16, v21  }
0x44e: {  	v16 =	vcvt.f32.s32 v53;
	v21 =	vcvt.f32.s32 v56;
	v25 =	vsel vm3, $0x1, v1  }
0x44f: {  	v61 =	vsel vm4, $0x1, v1;
	v28 =	vsel vm5, $0x1, v1;
	v24 =	vadd.s32 v52, v24  }
0x450: {  	v20 =	vsel vm1, $0x1, v1;
	v18 =	vadd.s32 v18, v61;
	vm0 =	vlt.s32 v24, $0x41  }
0x451: {  	v63 =	vadd.s32 v59, v20;
	v24 =	vnsel vm0, $0x41, v24;
	vm0 =	vgt.f32 v23, v58  }
0x452: {  	v23 =	vcvt.f32.s32 v57;
	vm5 =	vlt.s32 v63, $0x41;
	v24 =	vshll.u32 v24, $0x4  }
0x453: {  	v19 =	vsel vm0, $0x1, v1;
	vm0 =	vgt.f32 v22, v57;
	v24 =	vadd.s32 v14, v24  }
0x454: {  	v22 =	vsel vm2, $0x1, v1;
	vm2 =	vlt.s32 v18, $0x41;
	v62 =	vadd.s32 v60, v19  }
0x455: {  	v29 =	vsel vm0, $0x1, v1;
	v20 =	vadd.s32 v16, v22;
	v19 =	vadd.s32 v17, v25  }
0x456: {  	v17 =	vadd.s32 v21, v28;
	v21 =	vnsel vm5, $0x41, v63;
	v16 =	vadd.s32 v23, v29  }
0x457: {  	vm1 =	vlt.s32 v62, $0x41;
	vm4 =	vlt.s32 v20, $0x41;
	vm3 =	vlt.s32 v19, $0x41  }
0x458: {  	s3 =	simm.s32 $0x0;
	s1 =	sadd.s32 $0x80, s1;
	vm0 =	vlt.s32 v17, $0x41;
	v22 =	vnsel vm1, $0x41, v62;
	vm1 =	vlt.s32 v16, $0x41;
	[tilespmem:v24+s12+$0x0] =	vst.idx.add.s32.msk $0xffff, v3  }
.LBB2_32:
0x459: {  	v23 =	vld [tilespmem:s1+$0x30];
	s3 =	sadd.s32 $0x8, s3;
	v20 =	vnsel vm4, $0x41, v20;
	v19 =	vnsel vm3, $0x41, v19;
	v18 =	vnsel vm2, $0x41, v18  }
0x45a: {  	v22 =	vshll.u32 v22, $0x4;
	v17 =	vnsel vm0, $0x41, v17;
	v16 =	vnsel vm1, $0x41, v16;
	v24 =	vld [tilespmem:s1+$0xFFFFFFD0];
	p2 =	slt.u32 s3, $0x38  }
0x45b: {  	v21 =	vshll.u32 v21, $0x4;
	v20 =	vshll.u32 v20, $0x4;
	v19 =	vshll.u32 v19, $0x4;
	v25 =	vld [tilespmem:s1+$0xFFFFFFE0]  }
0x45c: {  	v18 =	vshll.u32 v18, $0x4;
	v17 =	vshll.u32 v17, $0x4;
	v16 =	vshll.u32 v16, $0x4;
	v26 =	vld [tilespmem:s1+$0xFFFFFFF0]  }
0x45d: {  	v22 =	vadd.s32 v14, v22;
	v21 =	vadd.s32 v14, v21;
	v20 =	vadd.s32 v14, v20;
	v27 =	vld [tilespmem:s1+$0x0]  }
0x45e: {  	v19 =	vadd.s32 v14, v19;
	v18 =	vadd.s32 v14, v18;
	v28 =	vld [tilespmem:s1+$0x10];
	v23 =	vmul.f32 v23, v15  }
0x45f: {  	v17 =	vadd.s32 v14, v17;
	v16 =	vadd.s32 v14, v16;
	v24 =	vmul.f32 v24, v15;
	v29 =	vld [tilespmem:s1+$0x20]  }
0x460: {  	v30 =	vld [tilespmem:s1+$0xFFFFFFC0];
	v25 =	vmul.f32 v25, v15;
	v31 =	vtrunc.f32 v23  }
0x461: {  	v26 =	vmul.f32 v26, v15;
	v32 =	vcvt.f32.s32 v31;
	vm0 =	vgt.f32 v23, v31  }
0x462: {  	v23 =	vtrunc.f32 v24;
	v27 =	vmul.f32 v27, v15;
	v31 =	vsel vm0, $0x1, v1;
	[tilespmem:v22+s12+$0x0] =	vst.idx.add.s32.msk $0xffff, v3  }
0x463: {  	v22 =	vtrunc.f32 v25;
	v28 =	vmul.f32 v28, v15;
	v31 =	vadd.s32 v32, v31;
	[tilespmem:v21+s12+$0x0] =	vst.idx.add.s32.msk $0xffff, v3  }
0x464: {  	v21 =	vtrunc.f32 v26;
	v29 =	vmul.f32 v29, v15;
	vm0 =	vlt.s32 v31, $0x41;
	[tilespmem:v20+s12+$0x0] =	vst.idx.add.s32.msk $0xffff, v3  }
0x465: {  	v20 =	vmul.f32 v30, v15;
	v30 =	vtrunc.f32 v27;
	v31 =	vnsel vm0, $0x41, v31;
	[tilespmem:v19+s12+$0x0] =	vst.idx.add.s32.msk $0xffff, v3  }
0x466: {  	v19 =	vtrunc.f32 v28;
	v32 =	vtrunc.f32 v29;
	v31 =	vshll.u32 v31, $0x4;
	[tilespmem:v18+s12+$0x0] =	vst.idx.add.s32.msk $0xffff, v3  }
0x467: {  	v33 =	vcvt.f32.s32 v23;
	v18 =	vtrunc.f32 v20;
	v31 =	vadd.s32 v14, v31;
	[tilespmem:v17+s12+$0x0] =	vst.idx.add.s32.msk $0xffff, v3  }
0x468: {  	vm1 =	vgt.f32 v24, v23;
	v17 =	vcvt.f32.s32 v18;
	vm0 =	vgt.f32 v20, v18;
	[tilespmem:v16+s12+$0x0] =	vst.idx.add.s32.msk $0xffff, v3  }
0x469: {  	vm2 =	vgt.f32 v25, v22;
	v16 =	vcvt.f32.s32 v22;
	v18 =	vcvt.f32.s32 v21  }
0x46a: {  	vm3 =	vgt.f32 v26, v21;
	vm4 =	vgt.f32 v27, v30;
	v21 =	vcvt.f32.s32 v30  }
0x46b: {  	vm5 =	vgt.f32 v28, v19;
	v23 =	vcvt.f32.s32 v32;
	v22 =	vcvt.f32.s32 v19  }
0x46c: {  	v20 =	vsel vm1, $0x1, v1;
	v19 =	vsel vm0, $0x1, v1;
	vm0 =	vgt.f32 v29, v32;
	[tilespmem:v31+s12+$0x0] =	vst.idx.add.s32.msk $0xffff, v3  }
0x46d: {  	v24 =	vsel vm2, $0x1, v1;
	v25 =	vsel vm3, $0x1, v1;
	v26 =	vsel vm4, $0x1, v1  }
0x46e: {  	v27 =	vadd.s32 v17, v19;
	v17 =	vsel vm5, $0x1, v1;
	v28 =	vsel vm0, $0x1, v1  }
.Ltmp16:
0x46f: {  	v29 =	vadd.s32 v33, v20;
	v20 =	vadd.s32 v16, v24;
	v19 =	vadd.s32 v18, v25;
	(pc) =	sbr.rel @p2 .LBB2_32-.Ltmp16, $4  }
0x470: {  	v18 =	vadd.s32 v21, v26;
	v17 =	vadd.s32 v22, v17;
	v16 =	vadd.s32 v23, v28  }
0x471: {  	vm5 =	vlt.s32 v29, $0x41;
	vm1 =	vlt.s32 v27, $0x41;
	vm4 =	vlt.s32 v20, $0x41  }
0x472: {  	vm3 =	vlt.s32 v19, $0x41;
	vm2 =	vlt.s32 v18, $0x41;
	vm0 =	vlt.s32 v17, $0x41  }
0x473: {  	s1 =	sadd.s32 $0x80, s1;
	v21 =	vnsel vm5, $0x41, v29;
	v22 =	vnsel vm1, $0x41, v27;
	vm1 =	vlt.s32 v16, $0x41  }
0x474: {  	v15 =	vshll.u32 v22, $0x4  }
0x475: {  	v20 =	vnsel vm4, $0x41, v20;
	v21 =	vshll.u32 v21, $0x4;
	v15 =	vadd.s32 v14, v15  }
0x476: {  	v19 =	vnsel vm3, $0x41, v19;
	v20 =	vshll.u32 v20, $0x4;
	v21 =	vadd.s32 v14, v21  }
0x477: {  	v18 =	vnsel vm2, $0x41, v18;
	v19 =	vshll.u32 v19, $0x4;
	v20 =	vadd.s32 v14, v20  }
0x478: {  	v17 =	vnsel vm0, $0x41, v17;
	v18 =	vshll.u32 v18, $0x4;
	v19 =	vadd.s32 v14, v19  }
0x479: {  	v16 =	vnsel vm1, $0x41, v16;
	v17 =	vshll.u32 v17, $0x4;
	v18 =	vadd.s32 v14, v18  }
0x47a: {  	v16 =	vshll.u32 v16, $0x4;
	v17 =	vadd.s32 v14, v17;
	[tilespmem:v15+s12+$0x0] =	vst.idx.add.s32.msk $0xffff, v3  }
0x47b: {  	v14 =	vadd.s32 v14, v16;
	[tilespmem:v21+s12+$0x0] =	vst.idx.add.s32.msk $0xffff, v3  }
0x47c: {  	[tilespmem:v20+s12+$0x0] =	vst.idx.add.s32.msk $0xffff, v3  }
0x47d: {  	[tilespmem:v19+s12+$0x0] =	vst.idx.add.s32.msk $0xffff, v3  }
0x47e: {  	[tilespmem:v18+s12+$0x0] =	vst.idx.add.s32.msk $0xffff, v3  }
0x47f: {  	[tilespmem:v17+s12+$0x0] =	vst.idx.add.s32.msk $0xffff, v3  }
0x480: {  	v16 =	vor.u32 $0x3F, v5;
	[tilespmem:v14+s12+$0x0] =	vst.idx.add.s32.msk $0xffff, v3  }
0x481: {  	v14 =	vld.idx.msk [tilespmem:v5+s24+$0x0], $0xffff;
	_ =	sdelay $0x2  }
0x482: {  	v15 =	vld [tilespmem:s16+$0x18000]  }
0x483: {  	v16 =	vld.idx.msk [tilespmem:v16+s24+$0x0], $0xffff  }
0x484: {  	s1 =	simm.s32 $0x1;
	v17 =	vmov s16;
	v18 =	vor.u32 s16, v4;
	v21 =	vld [tilespmem:s22+$0x19000];
	v19 =	vmov v14  }
.LBB2_34:
0x485: {  	v20 =	vld [tilespmem:s31+$0xFFFFFFD0];
	_ =	sdelay $0x4  }
0x486: {  	v20 =	vadd.s32 v21, v20  }
0x487: {  	v22 =	vld [tilespmem:s31+$0xFFFFFFE0];
	vm0 =	vgt.s32 v20, $0x1  }
0x488: {  	v21 =	vnsel vm0, $0x1, v20  }
0x489: {  	v21 =	vmin.u32 v21, $0x3F  }
0x48a: {  	v23 =	vadd.s32 $0xFFFFFFFF, v21  }
0x48b: {  	v24 =	vshll.u32 v23, $0x4  }
0x48c: {  	v20 =	vadd.s32 v20, v22;
	v25 =	vadd.s32 v17, v24;
	v22 =	vadd.s32 v18, v24  }
0x48d: {  	v25 =	vor.u32 v0, v25  }
0x48e: {  	vm5 =	vgt.s32 v20, $0x1  }
0x48f: {  	v54 =	vnsel vm5, $0x1, v20  }
0x490: {  	v24 =	vmin.u32 v54, $0x3F  }
0x491: {  	v26 =	vadd.s32 $0xFFFFFFFF, v24;
	v22 =	vld.idx.msk [tilespmem:v22+s13+$0x0], $0xffff  }
0x492: {  	v27 =	vshll.u32 v26, $0x4;
	v25 =	vld.idx.msk [tilespmem:v25+s13+$0x0], $0xffff  }
0x493: {  	v28 =	vadd.s32 v17, v27  }
0x494: {  	v28 =	vor.u32 v0, v28  }
0x495: {  	v27 =	vadd.s32 v18, v27;
	_ =	sdelay $0x1  }
0x496: {  	v22 =	vsub.f32 v22, v25  }
0x497: {  	v55 =	vld [tilespmem:s31+$0xFFFFFFF0];
	v21 =	vor.u32 v5, v21  }
0x498: {  	s0 =	scvt.s32.f32 s1;
	s23 =	sadd.s32 $0x1, s1;
	v23 =	vor.u32 v5, v23;
	v28 =	vld.idx.msk [tilespmem:v28+s13+$0x0], $0xffff;
	(erf) = vrcp.f32 v22  }
0x499: {  	s9 =	sadd.s32 $0x2, s1;
	s3 =	scvt.s32.f32 s23;
	v22 =	vld.idx.msk [tilespmem:v27+s13+$0x0], $0xffff  }
0x49a: {  	s4 =	scvt.s32.f32 s9;
	s0 =	smul.f32 $1.562500000e-02, s0  }
0x49b: {  	s5 =	sadd.s32 $0xFFFFFFFF, s1;
	s3 =	smul.f32 $1.562500000e-02, s3  }
0x49c: {  	v51 =	vmov s5;
	v37 =	vmov s23;
	s4 =	smul.f32 $1.562500000e-02, s4;
	v21 =	vld.idx.msk [tilespmem:v21+s24+$0x0], $0xffff  }
0x49d: {  	v29 =	vmul.f32 s0, v12;
	v31 =	vmul.f32 s3, v12;
	v20 =	vadd.s32 v20, v55;
	v23 =	vld.idx.msk [tilespmem:v23+s24+$0x0], $0xffff  }
0x49e: {  	v33 =	vmul.f32 s4, v12;
	vm6 =	vgt.s32 v20, $0x1;
	v22 =	vsub.f32 v22, v28  }
0x49f: {  	vm7 =	vlt.f32 v29, v15;
	v56 =	vnsel vm6, $0x1, v20;
	v26 =	vor.u32 v5, v26  }
0x4a0: {  	v32 =	vld [tilespmem:s31+$0x0];
	v24 =	vor.u32 v5, v24;
	(erf) = vrcp.f32 v22;
	v22 =	vsub.f32 v29, v25  }
0x4a1: {  	v60 =	vld [tilespmem:s31+$0x10];
	vm8 =	vge.f32 v29, v12;
	vm11 =	vlt.f32 v31, v15;
	v25 =	vmin.u32 v56, $0x3F;
	v57 =	vpop (erf)  }
0x4a2: {  	v21 =	vsub.f32 v21, v23;
	v58 =	vadd.s32 $0xFFFFFFFF, v25;
	v22 =	vmul.f32 v57, v22  }
0x4a3: {  	s7 =	sadd.s32 $0x3, s1;
	vm12 =	vge.f32 v31, v12;
	vm14 =	vlt.f32 v33, v15;
	v30 =	vshll.u32 v58, $0x4  }
0x4a4: {  	s8 =	scvt.s32.f32 s7;
	vm4 =	vge.f32 v33, v12;
	v26 =	vld.idx.msk [tilespmem:v26+s24+$0x0], $0xffff;
	v59 =	vadd.s32 v17, v30;
	v21 =	vmul.f32 v21, v22  }
0x4a5: {  	s10 =	sadd.s32 $0x4, s1;
	v20 =	vadd.s32 v20, v32;
	v32 =	vand.u32 $0x7F, v51;
	v22 =	vld.idx.msk [tilespmem:v24+s24+$0x0], $0xffff;
	v24 =	vor.u32 v0, v59  }
0x4a6: {  	s11 =	scvt.s32.f32 s10;
	s8 =	smul.f32 $1.562500000e-02, s8;
	vm9 =	vgt.s32 v20, $0x1;
	v63 =	vadd.s32 v20, v60;
	v21 =	vadd.f32 v21, v23  }
0x4a7: {  	v47 =	vld [tilespmem:s31+$0x20];
	vm10 =	vgt.s32 v63, $0x1;
	v28 =	vsub.f32 v31, v28;
	v56 =	vand.u32 $0xFFFFFF80, v51  }
0x4a8: {  	s16 =	smul.f32 $1.562500000e-02, s11;
	v52 =	vor.u32 v5, v25;
	v25 =	vmul.f32 s8, v12;
	v21 =	vsel vm7, v14, v21  }
0x4a9: {  	v57 =	vmov s1;
	v23 =	vadd.s32 v18, v30;
	v61 =	vpop (erf);
	v21 =	vsel vm8, v16, v21  }
0x4aa: {  	v28 =	vmul.f32 v61, v28;
	v22 =	vsub.f32 v22, v26;
	v62 =	vld.idx.msk [tilespmem:v24+s13+$0x0], $0xffff;
	v24 =	vmul.f32 s16, v12  }
0x4ab: {  	vm6 =	vlt.f32 v25, v15;
	vm7 =	vge.f32 v25, v12;
	v19 =	vadd.f32 v21, v19  }
0x4ac: {  	v22 =	vmul.f32 v22, v28;
	v28 =	vadd.s32 v63, v47;
	vm8 =	vlt.f32 v24, v15  }
0x4ad: {  	v50 =	vmul.f32 $5.000000000e-01, v19;
	v19 =	vnsel vm9, $0x1, v20;
	vm13 =	vgt.s32 v28, $0x1  }
0x4ae: {  	v23 =	vld.idx.msk [tilespmem:v23+s13+$0x0], $0xffff;
	vm9 =	vge.f32 v24, v12;
	v20 =	vadd.f32 v22, v26;
	v22 =	vnsel vm10, $0x1, v63  }
0x4af: {  	s21 =	sadd.s32 $0x6, s1;
	v34 =	vmin.u32 v19, $0x3F;
	v19 =	vor.u32 v5, v58;
	v26 =	vmov s9  }
0x4b0: {  	s18 =	sadd.s32 $0x5, s1;
	s22 =	scvt.s32.f32 s21;
	v60 =	vnsel vm13, $0x1, v28;
	v35 =	vadd.s32 $0xFFFFFFFF, v34;
	v43 =	vmul.f32 v50, v9  }
0x4b1: {  	s20 =	scvt.s32.f32 s18;
	v46 =	vmul.f32 v50, v10;
	v30 =	vmul.f32 v50, v11;
	v29 =	vsub.f32 v33, v62  }
0x4b2: {  	s0 =	smul.f32 $1.562500000e-02, s22;
	v59 =	vor.u32 v5, v34;
	v38 =	vshll.u32 v35, $0x4;
	v20 =	vsel vm11, v14, v20  }
0x4b3: {  	s8 =	smul.f32 $1.562500000e-02, s20;
	v36 =	vsub.f32 v23, v62;
	v23 =	vadd.s32 v17, v38;
	v53 =	vadd.s32 v18, v38  }
0x4b4: {  	v58 =	vld [tilespmem:s31+$0x30];
	v35 =	vor.u32 v5, v35;
	v38 =	vmin.u32 v22, $0x3F;
	v39 =	vor.u32 v0, v23  }
0x4b5: {  	v22 =	vmul.f32 s8, v12;
	v40 =	vsel vm12, v16, v20;
	v20 =	vmul.f32 s0, v12  }
0x4b6: {  	v43 =	vadd.f32 v43, v6;
	v21 =	vadd.f32 v40, v21;
	(erf) = vrcp.f32 v36  }
0x4b7: {  	v30 =	vadd.f32 v30, v8;
	v23 =	vmov s7;
	v54 =	vadd.s32 $0xFFFFFFFF, v38  }
0x4b8: {  	v38 =	vor.u32 v5, v38;
	v42 =	vshll.u32 v54, $0x4;
	v45 =	vmul.f32 $5.000000000e-01, v21;
	v21 =	vld.idx.msk [tilespmem:v53+s13+$0x0], $0xffff  }
0x4b9: {  	s23 =	sadd.s32 $0x7, s1;
	v28 =	vadd.s32 v28, v58;
	v31 =	vor.u32 v5, v54;
	vm10 =	vlt.f32 v22, v15;
	v39 =	vld.idx.msk [tilespmem:v39+s13+$0x0], $0xffff  }
0x4ba: {  	v27 =	vld.idx.msk [tilespmem:v52+s24+$0x0], $0xffff;
	s7 =	scvt.s32.f32 s23;
	vm11 =	vge.f32 v22, v12;
	vm12 =	vlt.f32 v20, v15;
	v44 =	vadd.s32 v17, v42  }
0x4bb: {  	v41 =	vld.idx.msk [tilespmem:v19+s24+$0x0], $0xffff;
	v55 =	vadd.s32 v18, v42;
	v42 =	vadd.s32 v13, v56;
	v44 =	vor.u32 v0, v44  }
0x4bc: {  	s7 =	smul.f32 $1.562500000e-02, s7;
	v32 =	vor.u32 v32, v42;
	v42 =	vadd.f32 v46, v7;
	v46 =	vand.u32 $0x7F, v57  }
0x4bd: {  	vm13 =	vge.f32 v20, v12;
	vm15 =	vgt.s32 v28, $0x1;
	v46 =	vbroadcast v46, $0x0;
	v38 =	vld.idx.msk [tilespmem:v38+s24+$0x0], $0xffff  }
0x4be: {  	v56 =	vnsel vm15, $0x1, v28;
	v19 =	vmul.f32 s7, v12;
	v31 =	vld.idx.msk [tilespmem:v31+s24+$0x0], $0xffff;
	v21 =	vsub.f32 v21, v39  }
0x4bf: {  	v48 =	vmul.f32 v45, v9;
	v34 =	vor.u32 v13, v46;
	v46 =	vmul.f32 v45, v10;
	v49 =	vpop (erf)  }
0x4c0: {  	v27 =	vsub.f32 v27, v41;
	v36 =	vld.idx.msk [tilespmem:v55+s13+$0x0], $0xffff;
	v29 =	vmul.f32 v49, v29;
	(erf) = vrcp.f32 v21  }
0x4c1: {  	v47 =	vmin.u32 v56, $0x3F;
	v54 =	vmul.f32 v45, v11;
	v48 =	vadd.f32 v48, v6;
	v44 =	vld.idx.msk [tilespmem:v44+s13+$0x0], $0xffff  }
0x4c2: {  	vm15 =	vge.f32 v19, v12;
	v56 =	vadd.f32 v46, v7;
	v21 =	vmul.f32 v27, v29  }
0x4c3: {  	v39 =	vsub.f32 v25, v39;
	v49 =	vadd.s32 $0xFFFFFFFF, v47;
	v38 =	vsub.f32 v38, v31  }
0x4c4: {  	v50 =	vld [tilespmem:s31+$0x40];
	v47 =	vor.u32 v5, v47;
	v29 =	vmin.u32 v60, $0x3F;
	v21 =	vadd.f32 v21, v41  }
0x4c5: {  	v35 =	vld.idx.msk [tilespmem:v35+s24+$0x0], $0xffff;
	v52 =	vshll.u32 v49, $0x4;
	v45 =	vor.u32 v5, v49;
	v41 =	vadd.s32 $0xFFFFFFFF, v29  }
0x4c6: {  	v36 =	vsub.f32 v36, v44;
	v27 =	vld.idx.msk [tilespmem:v59+s24+$0x0], $0xffff;
	v61 =	vshll.u32 v41, $0x4;
	v21 =	vsel vm14, v14, v21  }
0x4c7: {  	v53 =	vadd.s32 v17, v52;
	v62 =	vadd.s32 v17, v61;
	v57 =	vadd.s32 v18, v61  }
0x4c8: {  	v59 =	vand.u32 $0x80, v37;
	v52 =	vadd.s32 v18, v52;
	v63 =	vor.u32 v0, v62  }
0x4c9: {  	[tilespmem:v32+s14+$0x0] =	vst.idx.msk $0xffff, v43;
	v37 =	vand.u32 $0x7F, v37;
	v58 =	vor.u32 v0, v53;
	v51 =	vsel vm4, v16, v21;
	v21 =	vpop (erf)  }
0x4ca: {  	[tilespmem:v32+s15+$0x0] =	vst.idx.msk $0xffff, v42;
	(erf) = vrcp.f32 v36;
	v39 =	vmul.f32 v21, v39;
	v21 =	vadd.s32 v28, v50  }
0x4cb: {  	[tilespmem:v32+s17+$0x0] =	vst.idx.msk $0xffff, v30;
	v44 =	vsub.f32 v24, v44;
	v27 =	vsub.f32 v27, v35;
	vm5 =	vgt.s32 v21, $0x1  }
0x4cc: {  	v29 =	vor.u32 v5, v29;
	v41 =	vor.u32 v5, v41;
	v33 =	vld.idx.msk [tilespmem:v57+s13+$0x0], $0xffff;
	v60 =	vnsel vm5, $0x1, v21  }
0x4cd: {  	v61 =	vadd.s32 v13, v59;
	v28 =	vld.idx.msk [tilespmem:v63+s13+$0x0], $0xffff;
	v27 =	vmul.f32 v27, v39;
	v39 =	vmin.u32 v60, $0x3F  }
0x4ce: {  	v59 =	vadd.f32 v54, v8;
	v40 =	vadd.f32 v51, v40;
	v36 =	vld.idx.msk [tilespmem:v58+s13+$0x0], $0xffff;
	v50 =	vadd.s32 $0xFFFFFFFF, v39  }
0x4cf: {  	[tilespmem:v34+s14+$0x0] =	vst.idx.msk $0xffff, v48;
	v54 =	vand.u32 $0x80, v23;
	v23 =	vand.u32 $0x7F, v23;
	v63 =	vshll.u32 v50, $0x4  }
0x4d0: {  	[tilespmem:v34+s15+$0x0] =	vst.idx.msk $0xffff, v56;
	v57 =	vmul.f32 $5.000000000e-01, v40;
	v53 =	vadd.s32 v17, v63;
	v58 =	vadd.s32 v18, v63  }
0x4d1: {  	vm14 =	vlt.f32 v19, v15;
	v37 =	vor.u32 v37, v61;
	v43 =	vor.u32 v0, v53  }
0x4d2: {  	v55 =	vld.idx.msk [tilespmem:v52+s13+$0x0], $0xffff;
	v48 =	vmul.f32 v57, v10;
	v32 =	vmul.f32 v57, v11;
	v33 =	vsub.f32 v33, v28  }
0x4d3: {  	v62 =	vpop (erf);
	v56 =	vsub.f32 v20, v36;
	v60 =	vmul.f32 v57, v9;
	v27 =	vadd.f32 v27, v35  }
0x4d4: {  	[tilespmem:v34+s17+$0x0] =	vst.idx.msk $0xffff, v59;
	v34 =	vld.idx.msk [tilespmem:v45+s24+$0x0], $0xffff;
	v35 =	vmul.f32 v62, v44;
	v62 =	vand.u32 $0x80, v26;
	(erf) = vrcp.f32 v33  }
0x4d5: {  	v26 =	vand.u32 $0x7F, v26;
	v24 =	vadd.f32 v48, v7;
	v39 =	vor.u32 v5, v39;
	v40 =	vld.idx.msk [tilespmem:v58+s13+$0x0], $0xffff  }
0x4d6: {  	v59 =	vadd.f32 v32, v8;
	v61 =	vmul.f32 v38, v35;
	v27 =	vsel vm6, v14, v27;
	v43 =	vld.idx.msk [tilespmem:v43+s13+$0x0], $0xffff  }
0x4d7: {  	v29 =	vld.idx.msk [tilespmem:v29+s24+$0x0], $0xffff;
	v42 =	vadd.f32 v60, v6;
	v63 =	vsub.f32 v55, v36;
	v27 =	vsel vm7, v16, v27  }
0x4d8: {  	v44 =	vld.idx.msk [tilespmem:v41+s24+$0x0], $0xffff;
	v35 =	vadd.s32 v13, v62;
	v30 =	vadd.f32 v61, v31;
	v46 =	vadd.f32 v27, v51  }
0x4d9: {  	v28 =	vsub.f32 v22, v28;
	v38 =	vld.idx.msk [tilespmem:v47+s24+$0x0], $0xffff;
	v55 =	vadd.s32 v13, v54;
	(erf) = vrcp.f32 v63  }
0x4da: {  	v25 =	vor.u32 v26, v35;
	v30 =	vsel vm8, v14, v30;
	v49 =	vmul.f32 $5.000000000e-01, v46  }
0x4db: {  	v53 =	vor.u32 v5, v50;
	v30 =	vsel vm9, v16, v30;
	v26 =	vsub.f32 v40, v43  }
0x4dc: {  	v23 =	vor.u32 v23, v55;
	v52 =	vmul.f32 v49, v9;
	v27 =	vadd.f32 v30, v27  }
0x4dd: {  	v29 =	vsub.f32 v29, v44;
	v61 =	vmul.f32 v49, v10;
	v51 =	vpop (erf);
	(erf) = vrcp.f32 v26  }
0x4de: {  	[tilespmem:v37+s14+$0x0] =	vst.idx.msk $0xffff, v42;
	v63 =	vsub.f32 v38, v34;
	v31 =	vmul.f32 v49, v11;
	v27 =	vmul.f32 $5.000000000e-01, v27  }
0x4df: {  	[tilespmem:v37+s15+$0x0] =	vst.idx.msk $0xffff, v24;
	v60 =	vadd.f32 v52, v6;
	v32 =	vadd.f32 v61, v7  }
0x4e0: {  	v62 =	vld.idx.msk [tilespmem:v53+s24+$0x0], $0xffff;
	v31 =	vadd.f32 v31, v8;
	v22 =	vmul.f32 v27, v9;
	v49 =	vmul.f32 v27, v10  }
0x4e1: {  	v54 =	vmov s18;
	[tilespmem:v25+s14+$0x0] =	vst.idx.msk $0xffff, v60;
	v27 =	vmul.f32 v27, v11;
	v40 =	vld.idx.msk [tilespmem:v39+s24+$0x0], $0xffff;
	v28 =	vmul.f32 v51, v28  }
0x4e2: {  	v55 =	vand.u32 $0x80, v54;
	v41 =	vsub.f32 v19, v43;
	[tilespmem:v25+s15+$0x0] =	vst.idx.msk $0xffff, v32;
	v57 =	vpop (erf);
	v22 =	vadd.f32 v22, v6  }
0x4e3: {  	v20 =	vadd.f32 v49, v7;
	v26 =	vmul.f32 v57, v56;
	v58 =	vmul.f32 v29, v28  }
0x4e4: {  	v43 =	vmov s10;
	v27 =	vadd.f32 v27, v8;
	[tilespmem:v25+s17+$0x0] =	vst.idx.msk $0xffff, v31;
	v25 =	vadd.s32 v13, v55  }
0x4e5: {  	v46 =	vand.u32 $0x80, v43;
	[tilespmem:v23+s14+$0x0] =	vst.idx.msk $0xffff, v22;
	v26 =	vmul.f32 v63, v26;
	v24 =	vadd.f32 v58, v44  }
0x4e6: {  	v48 =	vadd.s32 v13, v46;
	v56 =	vand.u32 $0x7F, v54;
	[tilespmem:v23+s15+$0x0] =	vst.idx.msk $0xffff, v20;
	v47 =	vsub.f32 v40, v62;
	v44 =	vpop (erf)  }
0x4e7: {  	v26 =	vadd.f32 v26, v34;
	v24 =	vsel vm10, v14, v24;
	v45 =	vmul.f32 v44, v41  }
0x4e8: {  	[tilespmem:v23+s17+$0x0] =	vst.idx.msk $0xffff, v27;
	v23 =	vor.u32 v56, v25;
	v24 =	vsel vm11, v16, v24  }
0x4e9: {  	v26 =	vsel vm12, v14, v26;
	v42 =	vadd.f32 v24, v30;
	v29 =	vmul.f32 v47, v45  }
0x4ea: {  	v58 =	vmov s21;
	v30 =	vand.u32 $0x7F, v43;
	v26 =	vsel vm13, v16, v26  }
0x4eb: {  	v24 =	vadd.f32 v26, v24;
	v28 =	vmul.f32 $5.000000000e-01, v42;
	v29 =	vadd.f32 v29, v62  }
0x4ec: {  	v61 =	vand.u32 $0x80, v58;
	v25 =	vand.u32 $0x7F, v58;
	v30 =	vor.u32 v30, v48  }
0x4ed: {  	[tilespmem:v37+s17+$0x0] =	vst.idx.msk $0xffff, v59;
	v20 =	vmul.f32 $5.000000000e-01, v24;
	v50 =	vmul.f32 v28, v9;
	v53 =	vsel vm14, v14, v29  }
0x4ee: {  	v51 =	vmul.f32 v28, v10;
	v28 =	vmul.f32 v28, v11;
	v19 =	vsel vm15, v16, v53  }
0x4ef: {  	v59 =	vmul.f32 v20, v9;
	v52 =	vadd.f32 v50, v6;
	v57 =	vadd.f32 v19, v26  }
0x4f0: {  	v60 =	vmul.f32 v20, v10;
	v20 =	vmul.f32 v20, v11;
	v33 =	vadd.f32 v51, v7  }
0x4f1: {  	v22 =	vadd.f32 v28, v8;
	v28 =	vadd.s32 v13, v61;
	[tilespmem:v30+s14+$0x0] =	vst.idx.msk $0xffff, v52;
	v24 =	vmul.f32 $5.000000000e-01, v57  }
0x4f2: {  	v25 =	vor.u32 v25, v28;
	[tilespmem:v30+s15+$0x0] =	vst.idx.msk $0xffff, v33;
	v26 =	vadd.f32 v59, v6  }
0x4f3: {  	[tilespmem:v30+s17+$0x0] =	vst.idx.msk $0xffff, v22;
	v22 =	vadd.f32 v60, v7;
	v62 =	vmul.f32 v24, v9  }
0x4f4: {  	p2 =	slt.u32 s1, $0x39;
	v20 =	vadd.f32 v20, v8;
	[tilespmem:v23+s14+$0x0] =	vst.idx.msk $0xffff, v26;
	v63 =	vmul.f32 v24, v10  }
.Ltmp17:
0x4f5: {  	[tilespmem:v23+s15+$0x0] =	vst.idx.msk $0xffff, v22;
	v24 =	vmul.f32 v24, v11;
	v22 =	vadd.f32 v62, v6;
	(pc) =	sbr.rel @p2 .LBB2_34-.Ltmp17, $4  }
0x4f6: {  	[tilespmem:v23+s17+$0x0] =	vst.idx.msk $0xffff, v20;
	v20 =	vadd.f32 v63, v7  }
0x4f7: {  	[tilespmem:v25+s14+$0x0] =	vst.idx.msk $0xffff, v22;
	v22 =	vadd.f32 v24, v8  }
0x4f8: {  	[tilespmem:v25+s15+$0x0] =	vst.idx.msk $0xffff, v20  }
0x4f9: {  	s1 =	sadd.s32 $0x8, s1;
	s31 =	sadd.s32 $0x80, s31;
	[tilespmem:v25+s17+$0x0] =	vst.idx.msk $0xffff, v22  }
0x4fa: {  	s16 =	sor.u32 $0x1, s29  }
0x4fb: {  	s31 =	smul.u32 $0x420, s16;
	_ =	sdelay $0x1  }
0x4fc: {  	s0 =	sshll.u32 s31, $0x2  }
0x4fd: {  	s1 =	sshll.u32 s29, $0x7;
	s0 =	sand.u32 $0xFFFFFE00, s0  }
0x4fe: {  	s0 =	sadd.s32 s1, s0;
	s1 =	sadd.s32 $0x19490, s28  }
0x4ff: {  	[tilespmem:s1+$0x0] =	vst v1  }
0x500: {  	[tilespmem:s1+$0xFFFFFFF0] =	vst v1  }
0x501: {  	[tilespmem:s1+$0xFFFFFFE0] =	vst v1  }
0x502: {  	[tilespmem:s1+$0xFFFFFFD0] =	vst v1  }
0x503: {  	s0 =	sshra.s32 s0, $0x2;
	[tilespmem:s1+$0xFFFFFFC0] =	vst v1  }
0x504: {  	[tilespmem:s1+$0xFFFFFFB0] =	vst v1;
	s3 =	sadd.s32 $0x19020, s0  }
0x505: {  	s4 =	simm.s32 $0x0;
	[tilespmem:s3+$0x0] =	vst v1  }
.LBB2_36:
0x506: {  	s4 =	sadd.s32 $0x8, s4;
	[tilespmem:s1+$0xFFFFFFA0] =	vst v1;
	s3 =	sadd.s32 $0x80, s3;
	s1 =	sadd.s32 $0x80, s1  }
0x507: {  	[tilespmem:s3+$0x0] =	vst v1;
	p2 =	slt.u32 s4, $0x38  }
0x508: {  	[tilespmem:s1+$0x0] =	vst v1  }
.Ltmp18:
0x509: {  	[tilespmem:s1+$0xFFFFFFF0] =	vst v1;
	(pc) =	sbr.rel @p2 .LBB2_36-.Ltmp18, $4  }
0x50a: {  	[tilespmem:s1+$0xFFFFFFE0] =	vst v1  }
0x50b: {  	[tilespmem:s1+$0xFFFFFFD0] =	vst v1  }
0x50c: {  	[tilespmem:s1+$0xFFFFFFC0] =	vst v1  }
0x50d: {  	[tilespmem:s1+$0xFFFFFFB0] =	vst v1  }
0x50e: {  	s0 =	sadd.s32 $0x19820, s28  }
0x50f: {  	[tilespmem:s1+$0xFFFFFFA0] =	vst v1;
	s1 =	simm.s32 $0x0;
	v5 =	vmov s0  }
.LBB2_38:
0x510: {  	p2 =	sne.s32 s1, $0x40  }
.Ltmp19:
0x511: {  	_ = 	snop;
	(pc) =	sbr.rel @p2 .LBB2_38-.Ltmp19, $3  }
0x512: {  	_ =	sdelay $0x1  }
0x513: {  	s0 =	sshra.s32 s1, $0x2  }
0x514: {  	s1 =	sadd.s32 $0x40, s1;
	[tilespmem:v5+s0+$0x0 ss:$0x1] =	vst.idx.msk $0xffff, v1  }
0x515: {  	s21 =	sshll.u32 s16, $0x4  }
0x516: {  	s0 =	sor.u32 $0x40, s21  }
0x517: {  	v5 =	vmov s0  }
0x518: {  	v5 =	vshll.u32 v5, $0x7  }
0x519: {  	s20 =	simm.s32 $0x0;
	v5 =	vor.u32 v2, v5  }
0x51a: {  	v13 =	vor.u32 s20, v5  }
0x51b: {  	s1 =	simm.s32 $0x1;
	v12 =	vor.u32 $0x40, v5  }
0x51c: {  	v14 =	vor.u32 s1, v5  }
0x51d: {  	v7 =	vor.u32 $0x41, v5  }
0x51e: {  	v8 =	vor.u32 $0x42, v5  }
0x51f: {  	s7 =	simm.s32 $0x2;
	v9 =	vor.u32 $0x43, v5;
	v10 =	vld.idx.msk [tilespmem:v13+s2+$0x0], $0xffff  }
0x520: {  	s9 =	simm.s32 $0x3;
	v15 =	vor.u32 s7, v5;
	v6 =	vld.idx.msk [tilespmem:v12+s26+$0x0], $0xffff  }
0x521: {  	v21 =	vor.u32 s9, v5;
	v16 =	vld.idx.msk [tilespmem:v14+s2+$0x0], $0xffff  }
0x522: {  	v11 =	vor.u32 $0x44, v5;
	v7 =	vld.idx.msk [tilespmem:v7+s26+$0x0], $0xffff  }
0x523: {  	s10 =	simm.s32 $0x4;
	v17 =	vor.u32 $0x45, v5;
	v8 =	vld.idx.msk [tilespmem:v8+s26+$0x0], $0xffff  }
0x524: {  	v20 =	vimm.f32 $1.000000000e+00;
	s3 =	simm.s32 $0x6;
	v18 =	vor.u32 s10, v5;
	v9 =	vld.idx.msk [tilespmem:v9+s26+$0x0], $0xffff;
	v19 =	vsub.f32 $1.000000000e+00, v10  }
0x525: {  	s4 =	simm.s32 $0x5;
	v24 =	vor.u32 s3, v5;
	v23 =	vld.idx.msk [tilespmem:v15+s2+$0x0], $0xffff;
	v22 =	vmul.f32 v10, v20  }
0x526: {  	v25 =	vor.u32 s4, v5;
	v27 =	vld.idx.msk [tilespmem:v21+s2+$0x0], $0xffff;
	v19 =	vmul.f32 v19, v20  }
0x527: {  	v37 =	vor.u32 s20, v12;
	v10 =	vld.idx.msk [tilespmem:v11+s26+$0x0], $0xffff;
	v20 =	vadd.f32 $9.999999740e-06, v22  }
0x528: {  	v11 =	vld.idx.msk [tilespmem:v17+s26+$0x0], $0xffff;
	v17 =	vimm.f32 $0.0e+00;
	v26 =	vmul.f32 v16, v19  }
0x529: {  	v30 =	vld.idx.msk [tilespmem:v18+s2+$0x0], $0xffff;
	v16 =	vsub.f32 $1.000000000e+00, v16;
	v28 =	vadd.f32 v20, v17  }
0x52a: {  	v29 =	vor.u32 s1, v12;
	s1 =	sadd.s32 $0x18470, s30;
	v31 =	vld.idx.msk [tilespmem:v24+s2+$0x0], $0xffff;
	v20 =	vadd.f32 $9.999999740e-06, v26  }
0x52b: {  	s23 =	simm.s32 $0xA;
	v33 =	vld.idx.msk [tilespmem:v25+s2+$0x0], $0xffff;
	v16 =	vmul.f32 v16, v19;
	v19 =	vsub.f32 $1.000000000e+00, v23;
	[tilespmem:s1+$0xFFFFFF90] =	vst v28  }
0x52c: {  	s5 =	simm.s32 $0x7;
	v46 =	vor.u32 s23, v5;
	v37 =	vld.idx.msk [tilespmem:v37+s25+$0x0], $0xffff;
	v32 =	vadd.f32 v20, v28  }
0x52d: {  	s8 =	simm.s32 $0x9;
	s29 =	simm.s32 $0xB;
	v20 =	vor.u32 s5, v5;
	v23 =	vmul.f32 v23, v16;
	v28 =	vld.idx.msk [tilespmem:v13+s26+$0x0], $0xffff;
	v16 =	vmul.f32 v19, v16  }
0x52e: {  	v51 =	vor.u32 s29, v5;
	v35 =	vsub.f32 $1.000000000e+00, v27;
	v19 =	vor.u32 s8, v5;
	v13 =	vld.idx.msk [tilespmem:v13+s25+$0x0], $0xffff;
	[tilespmem:s1+$0xFFFFFFA0] =	vst v32  }
0x52f: {  	v55 =	vor.u32 s7, v12;
	v34 =	vadd.f32 $9.999999740e-06, v23;
	v27 =	vmul.f32 v27, v16;
	v36 =	vld.idx.msk [tilespmem:v14+s25+$0x0], $0xffff  }
0x530: {  	v40 =	vor.u32 s9, v12;
	v38 =	vsub.f32 $1.000000000e+00, v30;
	v16 =	vmul.f32 v35, v16;
	v29 =	vld.idx.msk [tilespmem:v29+s25+$0x0], $0xffff  }
0x531: {  	v63 =	vor.u32 s4, v12;
	v14 =	vld.idx.msk [tilespmem:v14+s26+$0x0], $0xffff;
	v32 =	vadd.f32 v34, v32;
	v56 =	vadd.f32 $9.999999740e-06, v27  }
0x532: {  	v49 =	vor.u32 s5, v12;
	v41 =	vsub.f32 $1.000000000e+00, v33;
	v30 =	vmul.f32 v30, v16;
	v39 =	vld.idx.msk [tilespmem:v20+s2+$0x0], $0xffff  }
0x533: {  	v42 =	vsub.f32 $1.000000000e+00, v31;
	v38 =	vmul.f32 v38, v16;
	v45 =	vld.idx.msk [tilespmem:v19+s2+$0x0], $0xffff;
	[tilespmem:s1+$0xFFFFFFB0] =	vst v32;
	v32 =	vadd.f32 v56, v32  }
0x534: {  	v28 =	vmul.f32 v28, v22;
	v44 =	vmul.f32 v13, v22;
	v43 =	vadd.f32 $9.999999740e-06, v30;
	v57 =	vld.idx.msk [tilespmem:v15+s26+$0x0], $0xffff  }
0x535: {  	s22 =	simm.s32 $0x8;
	v16 =	vor.u32 s10, v12;
	v22 =	vmul.f32 v37, v22;
	v33 =	vmul.f32 v33, v38;
	v15 =	vld.idx.msk [tilespmem:v15+s25+$0x0], $0xffff;
	[tilespmem:s1+$0xFFFFFFC0] =	vst v32  }
0x536: {  	v38 =	vmul.f32 v41, v38;
	v41 =	vor.u32 s22, v5;
	v13 =	vadd.f32 v43, v32;
	v58 =	vld.idx.msk [tilespmem:v40+s25+$0x0], $0xffff  }
0x537: {  	v52 =	vor.u32 s3, v12;
	v22 =	vadd.f32 v22, v17;
	v44 =	vadd.f32 v44, v17;
	v60 =	vld.idx.msk [tilespmem:v21+s26+$0x0], $0xffff  }
0x538: {  	v29 =	vmul.f32 v29, v26;
	v59 =	vadd.f32 $9.999999740e-06, v33;
	v31 =	vmul.f32 v31, v38;
	v21 =	vld.idx.msk [tilespmem:v21+s25+$0x0], $0xffff;
	[tilespmem:s1+$0xFFFFFFD0] =	vst v13  }
0x539: {  	v36 =	vmul.f32 v36, v26;
	v14 =	vmul.f32 v14, v26;
	v26 =	vsub.f32 $1.000000000e+00, v39;
	v62 =	vld.idx.msk [tilespmem:v18+s25+$0x0], $0xffff  }
0x53a: {  	v40 =	vmul.f32 v42, v38;
	v61 =	vadd.f32 $9.999999740e-06, v31;
	v13 =	vadd.f32 v59, v13;
	v16 =	vld.idx.msk [tilespmem:v16+s25+$0x0], $0xffff  }
0x53b: {  	v22 =	vadd.f32 v29, v22;
	v56 =	vsub.f32 $1.000000000e+00, v45;
	v50 =	vld.idx.msk [tilespmem:v41+s2+$0x0], $0xffff;
	v42 =	vmul.f32 v15, v23  }
0x53c: {  	s11 =	simm.s32 $0x11;
	v54 =	vor.u32 s23, v12;
	v15 =	vadd.f32 v28, v17;
	v28 =	vld.idx.msk [tilespmem:v55+s25+$0x0], $0xffff;
	v43 =	vadd.f32 v61, v13;
	[tilespmem:s1+$0xFFFFFFE0] =	vst v13  }
0x53d: {  	s30 =	simm.s32 $0xC;
	v36 =	vadd.f32 v36, v44;
	v35 =	vmul.f32 v57, v23;
	v13 =	vor.u32 s11, v5;
	v47 =	vld.idx.msk [tilespmem:v25+s26+$0x0], $0xffff  }
0x53e: {  	v26 =	vmul.f32 v26, v40;
	v55 =	vor.u32 s30, v12;
	v57 =	vor.u32 s8, v12;
	s8 =	simm.s32 $0xD;
	v25 =	vld.idx.msk [tilespmem:v25+s25+$0x0], $0xffff;
	[tilespmem:s1+$0xFFFFFFF0] =	vst v43  }
0x53f: {  	v40 =	vmul.f32 v39, v40;
	v17 =	vor.u32 s8, v5;
	v32 =	vmul.f32 v58, v27;
	v53 =	vld.idx.msk [tilespmem:v24+s26+$0x0], $0xffff  }
0x540: {  	s4 =	simm.s32 $0xF;
	v34 =	vld.idx.msk [tilespmem:v63+s25+$0x0], $0xffff;
	v38 =	vmul.f32 v60, v27;
	v48 =	vadd.f32 v14, v15;
	v15 =	vor.u32 s30, v5  }
0x541: {  	s5 =	simm.s32 $0xE;
	v14 =	vor.u32 s4, v5;
	v58 =	vld.idx.msk [tilespmem:v46+s2+$0x0], $0xffff;
	v36 =	vadd.f32 v42, v36;
	v21 =	vmul.f32 v21, v27  }
0x542: {  	v60 =	vld.idx.msk [tilespmem:v18+s26+$0x0], $0xffff;
	v29 =	vmul.f32 v16, v30;
	v16 =	vor.u32 s5, v5;
	v39 =	vsub.f32 $1.000000000e+00, v50  }
0x543: {  	v59 =	vmul.f32 v50, v26;
	v50 =	vld.idx.msk [tilespmem:v51+s2+$0x0], $0xffff;
	v35 =	vadd.f32 v35, v48;
	v23 =	vmul.f32 v28, v23  }
0x544: {  	v24 =	vld.idx.msk [tilespmem:v24+s25+$0x0], $0xffff;
	v18 =	vmul.f32 v39, v26;
	v44 =	vmul.f32 v53, v31;
	v53 =	vadd.f32 $9.999999740e-06, v40  }
0x545: {  	v27 =	vld.idx.msk [tilespmem:v52+s25+$0x0], $0xffff;
	v37 =	vmul.f32 v62, v30;
	v21 =	vadd.f32 v21, v36;
	v22 =	vadd.f32 v23, v22  }
0x546: {  	v36 =	vld.idx.msk [tilespmem:v17+s2+$0x0], $0xffff;
	v39 =	vmul.f32 v45, v18;
	v56 =	vmul.f32 v56, v18;
	v18 =	vadd.f32 v53, v43  }
0x547: {  	v47 =	vmul.f32 v47, v33;
	v26 =	vadd.f32 $9.999999740e-06, v59;
	v37 =	vadd.f32 v37, v21;
	v28 =	vld.idx.msk [tilespmem:v15+s2+$0x0], $0xffff  }
0x548: {  	v25 =	vmul.f32 v25, v33;
	v45 =	vld.idx.msk [tilespmem:v16+s2+$0x0], $0xffff;
	v61 =	vsub.f32 $1.000000000e+00, v50;
	v22 =	vadd.f32 v32, v22;
	[tilespmem:s1+$0x0] =	vst v18  }
0x549: {  	v30 =	vmul.f32 v60, v30;
	v23 =	vadd.f32 v26, v18;
	v26 =	vadd.f32 $9.999999740e-06, v39;
	v43 =	vld.idx.msk [tilespmem:v20+s26+$0x0], $0xffff  }
0x54a: {  	s3 =	sadd.s32 $0x80, s1;
	v53 =	vmul.f32 v27, v31;
	v18 =	vmul.f32 v58, v56;
	v58 =	vsub.f32 $1.000000000e+00, v58;
	v27 =	vld.idx.msk [tilespmem:v49+s25+$0x0], $0xffff  }
0x54b: {  	v48 =	vor.u32 s22, v12;
	[tilespmem:s3+$0xFFFFFF90] =	vst v23;
	v23 =	vadd.f32 v26, v23;
	v26 =	vadd.f32 v38, v35;
	v35 =	vld.idx.msk [tilespmem:v20+s25+$0x0], $0xffff  }
0x54c: {  	v63 =	vsub.f32 $1.000000000e+00, v36;
	v22 =	vadd.f32 v29, v22;
	v20 =	vmul.f32 v58, v56;
	v38 =	vld.idx.msk [tilespmem:v41+s26+$0x0], $0xffff  }
0x54d: {  	v33 =	vmul.f32 v34, v33;
	v62 =	vsub.f32 $1.000000000e+00, v28;
	v60 =	vadd.f32 $9.999999740e-06, v18;
	v56 =	vld.idx.msk [tilespmem:v41+s25+$0x0], $0xffff;
	[tilespmem:s3+$0xFFFFFFA0] =	vst v23  }
0x54e: {  	v21 =	vmul.f32 v50, v20;
	v20 =	vmul.f32 v61, v20;
	v26 =	vadd.f32 v30, v26;
	v49 =	vld.idx.msk [tilespmem:v19+s25+$0x0], $0xffff  }
0x54f: {  	s7 =	simm.s32 $0x10;
	v31 =	vmul.f32 v24, v31;
	v50 =	vsub.f32 $1.000000000e+00, v45;
	v23 =	vadd.f32 v60, v23;
	v30 =	vld.idx.msk [tilespmem:v57+s25+$0x0], $0xffff  }
0x550: {  	v29 =	vld.idx.msk [tilespmem:v19+s26+$0x0], $0xffff;
	v19 =	vor.u32 s7, v5;
	v57 =	vadd.f32 v33, v22;
	v60 =	vmul.f32 v62, v20  }
0x551: {  	v24 =	vld.idx.msk [tilespmem:v14+s2+$0x0], $0xffff;
	v61 =	vadd.f32 $9.999999740e-06, v21;
	v20 =	vmul.f32 v28, v20;
	v26 =	vadd.f32 v47, v26  }
0x552: {  	v47 =	vld.idx.msk [tilespmem:v48+s25+$0x0], $0xffff;
	v28 =	vmul.f32 v43, v40;
	[tilespmem:s3+$0xFFFFFFB0] =	vst v23;
	v62 =	vor.u32 s29, v12;
	v41 =	vmul.f32 v38, v59  }
0x553: {  	v48 =	vld.idx.msk [tilespmem:v46+s26+$0x0], $0xffff;
	v32 =	vadd.f32 v61, v23;
	v44 =	vadd.f32 v44, v26;
	v23 =	vmul.f32 v36, v60  }
0x554: {  	v46 =	vld.idx.msk [tilespmem:v46+s25+$0x0], $0xffff;
	v42 =	vmul.f32 v63, v60;
	v63 =	vadd.f32 v25, v37;
	v36 =	vmul.f32 v27, v40  }
0x555: {  	v34 =	vmul.f32 v56, v59;
	v26 =	vld.idx.msk [tilespmem:v54+s25+$0x0], $0xffff;
	v37 =	vmul.f32 v30, v39;
	v30 =	vadd.f32 $9.999999740e-06, v20  }
0x556: {  	v61 =	vsub.f32 $1.000000000e+00, v24;
	[tilespmem:s3+$0xFFFFFFC0] =	vst v32;
	v22 =	vmul.f32 v45, v42;
	v45 =	vadd.f32 v28, v44;
	v28 =	vld.idx.msk [tilespmem:v13+s2+$0x0], $0xffff  }
0x557: {  	v27 =	vmul.f32 v49, v39;
	v33 =	vmul.f32 v50, v42;
	v25 =	vld.idx.msk [tilespmem:v51+s25+$0x0], $0xffff;
	v58 =	vadd.f32 v30, v32  }
0x558: {  	v39 =	vmul.f32 v29, v39;
	v63 =	vadd.f32 v31, v63;
	v43 =	vld.idx.msk [tilespmem:v62+s25+$0x0], $0xffff;
	v62 =	vmul.f32 v35, v40  }
0x559: {  	v60 =	vadd.f32 $9.999999740e-06, v23;
	v44 =	vmul.f32 v47, v59;
	v47 =	vadd.f32 v53, v57;
	v32 =	vld.idx.msk [tilespmem:v51+s26+$0x0], $0xffff;
	[tilespmem:s3+$0xFFFFFFD0] =	vst v58  }
0x55a: {  	v30 =	vmul.f32 v48, v18;
	v29 =	vadd.f32 $9.999999740e-06, v22;
	v35 =	vmul.f32 v46, v18;
	v42 =	vld.idx.msk [tilespmem:v15+s25+$0x0], $0xffff  }
0x55b: {  	s16 =	sshll.u32 s16, $0xA;
	s9 =	smov.u32 s3;
	s10 =	simm.s32 $0x18;
	v40 =	vmul.f32 v61, v33;
	v38 =	vadd.f32 v62, v63;
	v46 =	vadd.f32 v60, v58;
	v31 =	vld.idx.msk [tilespmem:v55+s25+$0x0], $0xffff  }
.LBB2_40:
0x55c: {  	p2 =	slt.u32 s10, $0x38  }
0x55d: {  	v41 =	vadd.f32 v41, v45;
	s3 =	sadd.s32 $0x80, s3;
	v45 =	vadd.f32 v36, v47;
	s20 =	smov.u32 s10;
	s10 =	sadd.s32 $0x8, s10  }
0x55e: {  	s18 =	sadd.s32 $0x2, s7;
	v43 =	vmul.f32 v43, v21;
	v47 =	vor.u32 s8, v12;
	s0 =	sadd.s32 $0x1, s20;
	[tilespmem:s9+$0xFFFFFFE0] =	vst v46;
	v46 =	vadd.f32 v29, v46  }
0x55f: {  	v36 =	vor.u32 s18, v5;
	v48 =	vmul.f32 v32, v21;
	v29 =	vor.u32 s0, v5;
	v49 =	vld.idx.msk [tilespmem:v17+s26+$0x0], $0xffff  }
0x560: {  	s22 =	sadd.s32 $0x3, s7;
	v44 =	vadd.f32 v44, v45;
	v41 =	vadd.f32 v39, v41;
	v45 =	vor.u32 s4, v12;
	v50 =	vld.idx.msk [tilespmem:v19+s2+$0x0], $0xffff;
	[tilespmem:s9+$0xFFFFFFF0] =	vst v46  }
0x561: {  	s8 =	sadd.s32 $0x4, s7;
	v51 =	vor.u32 s5, v12;
	v32 =	vor.u32 s22, v5;
	v42 =	vmul.f32 v42, v20;
	v52 =	vld.idx.msk [tilespmem:v16+s26+$0x0], $0xffff  }
0x562: {  	v53 =	vor.u32 s8, v5;
	s4 =	sadd.s32 $0x7, s7;
	v37 =	vadd.f32 v37, v44;
	v44 =	vmul.f32 v31, v20;
	v54 =	vld.idx.msk [tilespmem:v17+s25+$0x0], $0xffff  }
0x563: {  	s5 =	sadd.s32 $0x6, s7;
	v39 =	vor.u32 s18, v12;
	v55 =	vor.u32 s4, v5;
	v31 =	vor.u32 s8, v12;
	v47 =	vld.idx.msk [tilespmem:v47+s25+$0x0], $0xffff  }
0x564: {  	v57 =	vor.u32 s11, v12;
	v59 =	vor.u32 s5, v5;
	v56 =	vsub.f32 $1.000000000e+00, v28;
	s11 =	smov.u32 s0;
	v58 =	vld.idx.msk [tilespmem:v36+s2+$0x0], $0xffff  }
0x565: {  	v61 =	vmul.f32 v24, v33;
	v34 =	vadd.f32 v34, v38;
	s8 =	sadd.s32 $0x5, s7;
	v49 =	vmul.f32 v49, v23;
	v60 =	vld.idx.msk [tilespmem:v16+s25+$0x0], $0xffff  }
0x566: {  	v17 =	vor.u32 s8, v5;
	v38 =	vmul.f32 v50, v40;
	v24 =	vsub.f32 $1.000000000e+00, v50;
	v16 =	vmovc v59;
	v33 =	vld.idx.msk [tilespmem:v32+s2+$0x0], $0xffff  }
0x567: {  	v27 =	vadd.f32 v27, v34;
	v50 =	vmul.f32 v52, v22;
	v52 =	vadd.f32 $9.999999740e-06, v61;
	v34 =	vld.idx.msk [tilespmem:v15+s26+$0x0], $0xffff;
	v15 =	vmovc v53  }
0x568: {  	v18 =	vmul.f32 v26, v18;
	v24 =	vmul.f32 v24, v40;
	v40 =	vadd.f32 $9.999999740e-06, v38;
	v53 =	vld.idx.msk [tilespmem:v53+s2+$0x0], $0xffff  }
0x569: {  	v21 =	vmul.f32 v25, v21;
	v26 =	vadd.f32 v35, v27;
	v27 =	vadd.f32 v30, v41;
	v25 =	vld.idx.msk [tilespmem:v51+s25+$0x0], $0xffff  }
0x56a: {  	v30 =	vadd.f32 v52, v46;
	v28 =	vmul.f32 v28, v24;
	v24 =	vmul.f32 v56, v24  }
0x56b: {  	v37 =	vadd.f32 v18, v37;
	v21 =	vadd.f32 v21, v26;
	v26 =	vmul.f32 v54, v23;
	v35 =	vld.idx.msk [tilespmem:v59+s2+$0x0], $0xffff  }
0x56c: {  	v47 =	vmul.f32 v47, v23;
	v40 =	vadd.f32 v40, v30;
	v41 =	vadd.f32 $9.999999740e-06, v28;
	v46 =	vld.idx.msk [tilespmem:v17+s2+$0x0], $0xffff;
	[tilespmem:s9+$0x0] =	vst v30;
	s9 =	smov.u32 s3  }
0x56d: {  	v23 =	vsub.f32 $1.000000000e+00, v58;
	v18 =	vmul.f32 v58, v24;
	v20 =	vmul.f32 v34, v20;
	v30 =	vld.idx.msk [tilespmem:v14+s26+$0x0], $0xffff  }
0x56e: {  	v27 =	vadd.f32 v48, v27;
	v34 =	vor.u32 s7, v12;
	s7 =	smov.u32 s20;
	[tilespmem:s3+$0xFFFFFF90] =	vst v40;
	v40 =	vadd.f32 v41, v40;
	v48 =	vld.idx.msk [tilespmem:v14+s25+$0x0], $0xffff  }
0x56f: {  	v23 =	vmul.f32 v23, v24;
	v51 =	vsub.f32 $1.000000000e+00, v33;
	v24 =	vadd.f32 $9.999999740e-06, v18;
	v14 =	vmovc v55;
	v41 =	vld.idx.msk [tilespmem:v19+s26+$0x0], $0xffff  }
0x570: {  	v42 =	vadd.f32 v42, v21;
	v52 =	vsub.f32 $1.000000000e+00, v53;
	v54 =	vmul.f32 v25, v22;
	[tilespmem:s3+$0xFFFFFFA0] =	vst v40;
	v25 =	vld.idx.msk [tilespmem:v45+s25+$0x0], $0xffff  }
0x571: {  	v21 =	vmul.f32 v33, v23;
	v23 =	vmul.f32 v51, v23;
	v27 =	vadd.f32 v20, v27;
	v45 =	vld.idx.msk [tilespmem:v13+s25+$0x0], $0xffff  }
0x572: {  	v56 =	vmul.f32 v60, v22;
	v55 =	vsub.f32 $1.000000000e+00, v35;
	v51 =	vsub.f32 $1.000000000e+00, v46;
	v33 =	vld.idx.msk [tilespmem:v57+s25+$0x0], $0xffff  }
0x573: {  	v37 =	vadd.f32 v43, v37;
	v22 =	vld.idx.msk [tilespmem:v19+s25+$0x0], $0xffff;
	v19 =	vadd.f32 v24, v40;
	v40 =	vmul.f32 v52, v23  }
0x574: {  	v43 =	vadd.f32 $9.999999740e-06, v21;
	v20 =	vmul.f32 v53, v23;
	v23 =	vadd.f32 v49, v27;
	v24 =	vld.idx.msk [tilespmem:v14+s2+$0x0], $0xffff  }
0x575: {  	v30 =	vmul.f32 v30, v61;
	v41 =	vmul.f32 v41, v38;
	v49 =	vld.idx.msk [tilespmem:v34+s25+$0x0], $0xffff;
	v34 =	vadd.f32 v44, v37  }
0x576: {  	v52 =	vor.u32 s22, v12;
	v43 =	vadd.f32 v43, v19;
	v50 =	vadd.f32 v50, v23;
	v44 =	vld.idx.msk [tilespmem:v13+s26+$0x0], $0xffff;
	[tilespmem:s3+$0xFFFFFFB0] =	vst v19  }
0x577: {  	v42 =	vadd.f32 v26, v42;
	v23 =	vmul.f32 v46, v40;
	v40 =	vmul.f32 v51, v40;
	v53 =	vld.idx.msk [tilespmem:v36+s26+$0x0], $0xffff  }
0x578: {  	v37 =	vmul.f32 v33, v28;
	v33 =	vadd.f32 $9.999999740e-06, v20;
	v46 =	vld.idx.msk [tilespmem:v36+s25+$0x0], $0xffff;
	[tilespmem:s3+$0xFFFFFFC0] =	vst v43;
	v36 =	vmul.f32 v25, v61  }
0x579: {  	v19 =	vor.u32 s7, v5;
	v27 =	vmul.f32 v45, v28;
	v13 =	vmovc v29;
	v47 =	vadd.f32 v47, v34;
	v25 =	vld.idx.msk [tilespmem:v32+s25+$0x0], $0xffff  }
0x57a: {  	v34 =	vmul.f32 v22, v38;
	v51 =	vadd.f32 v33, v43;
	v33 =	vmul.f32 v55, v40;
	v26 =	vld.idx.msk [tilespmem:v39+s25+$0x0], $0xffff  }
.Ltmp20:
0x57b: {  	v45 =	vadd.f32 v30, v50;
	v22 =	vmul.f32 v35, v40;
	v43 =	vld.idx.msk [tilespmem:v52+s25+$0x0], $0xffff;
	v52 =	vadd.f32 $9.999999740e-06, v23;
	(pc) =	sbr.rel @p2 .LBB2_40-.Ltmp20, $4  }
0x57c: {  	v48 =	vmul.f32 v48, v61;
	v40 =	vsub.f32 $1.000000000e+00, v24;
	v39 =	vmul.f32 v44, v28;
	v32 =	vld.idx.msk [tilespmem:v32+s26+$0x0], $0xffff  }
0x57d: {  	v50 =	vadd.f32 v56, v42;
	v30 =	vmul.f32 v53, v18;
	v28 =	vld.idx.msk [tilespmem:v29+s2+$0x0], $0xffff;
	[tilespmem:s3+$0xFFFFFFD0] =	vst v51;
	v29 =	vadd.f32 $9.999999740e-06, v22  }
0x57e: {  	v47 =	vadd.f32 v54, v47;
	v44 =	vmul.f32 v49, v38;
	v35 =	vmul.f32 v46, v18;
	v42 =	vld.idx.msk [tilespmem:v15+s25+$0x0], $0xffff  }
0x57f: {  	v40 =	vmul.f32 v40, v33;
	v38 =	vadd.f32 v48, v50;
	v46 =	vadd.f32 v52, v51;
	v31 =	vld.idx.msk [tilespmem:v31+s25+$0x0], $0xffff  }
0x580: {  	_ =	sdelay $0x2  }
0x581: {  	v41 =	vadd.f32 v41, v45;
	v36 =	vadd.f32 v36, v47;
	v43 =	vmul.f32 v43, v21  }
0x582: {  	v62 =	vor.u32 s8, v12;
	v63 =	vld.idx.msk [tilespmem:v19+s2+$0x0], $0xffff;
	v50 =	vor.u32 s5, v12;
	v55 =	vor.u32 s11, v12  }
0x583: {  	s0 =	sadd.s32 $0x2, s7;
	s20 =	sadd.s32 $0x3, s7;
	v24 =	vmul.f32 v24, v33;
	v18 =	vmul.f32 v26, v18;
	[tilespmem:s9+$0xFFFFFFE0] =	vst v46;
	v46 =	vadd.f32 v29, v46  }
0x584: {  	s22 =	sadd.s32 $0x4, s7;
	v15 =	vld.idx.msk [tilespmem:v15+s26+$0x0], $0xffff;
	v47 =	vor.u32 s0, v5;
	v32 =	vmul.f32 v32, v21;
	v49 =	vor.u32 s20, v5  }
0x585: {  	s29 =	sadd.s32 $0x5, s7;
	v29 =	vor.u32 s22, v5;
	v52 =	vor.u32 s0, v12;
	v48 =	vld.idx.msk [tilespmem:v17+s26+$0x0], $0xffff;
	v36 =	vadd.f32 v44, v36;
	[tilespmem:s9+$0xFFFFFFF0] =	vst v46  }
0x586: {  	v34 =	vadd.f32 v34, v38;
	v57 =	vor.u32 s29, v5;
	v21 =	vmul.f32 v25, v21;
	v51 =	vld.idx.msk [tilespmem:v16+s26+$0x0], $0xffff  }
0x587: {  	v39 =	vadd.f32 v39, v41;
	v41 =	vor.u32 s4, v12;
	v36 =	vadd.f32 v37, v36;
	v37 =	vld.idx.msk [tilespmem:v17+s25+$0x0], $0xffff  }
0x588: {  	s23 =	sadd.s32 $0x6, s7;
	v54 =	vsub.f32 $1.000000000e+00, v28;
	v42 =	vmul.f32 v42, v20;
	v27 =	vadd.f32 v27, v34;
	v16 =	vld.idx.msk [tilespmem:v16+s25+$0x0], $0xffff  }
0x589: {  	v31 =	vmul.f32 v31, v20;
	v17 =	vor.u32 s23, v5;
	v45 =	vld.idx.msk [tilespmem:v62+s25+$0x0], $0xffff;
	v44 =	vsub.f32 $1.000000000e+00, v63  }
0x58a: {  	v33 =	vmul.f32 v63, v40;
	v62 =	vadd.f32 v35, v27;
	v63 =	vadd.f32 v30, v39;
	v27 =	vld.idx.msk [tilespmem:v50+s25+$0x0], $0xffff  }
0x58b: {  	v15 =	vmul.f32 v15, v20;
	v56 =	vld.idx.msk [tilespmem:v47+s2+$0x0], $0xffff;
	v34 =	vmul.f32 v51, v22;
	v51 =	vadd.f32 $9.999999740e-06, v24  }
0x58c: {  	v58 =	vld.idx.msk [tilespmem:v29+s2+$0x0], $0xffff;
	v18 =	vadd.f32 v18, v36;
	v60 =	vmul.f32 v44, v40;
	v61 =	vadd.f32 $9.999999740e-06, v33  }
0x58d: {  	v38 =	vmul.f32 v48, v23;
	v48 =	vld.idx.msk [tilespmem:v49+s2+$0x0], $0xffff;
	v21 =	vadd.f32 v21, v62;
	v46 =	vadd.f32 v51, v46  }
0x58e: {  	v40 =	vld.idx.msk [tilespmem:v57+s2+$0x0], $0xffff;
	v25 =	vadd.f32 v32, v63;
	v18 =	vadd.f32 v43, v18;
	v28 =	vmul.f32 v28, v60  }
0x58f: {  	v53 =	vor.u32 s22, v12;
	v50 =	vmul.f32 v54, v60;
	v39 =	vld.idx.msk [tilespmem:v17+s2+$0x0], $0xffff;
	v26 =	vmul.f32 v37, v23;
	[tilespmem:s9+$0x0] =	vst v46  }
0x590: {  	v23 =	vmul.f32 v45, v23;
	v54 =	vadd.f32 $9.999999740e-06, v28;
	v51 =	vadd.f32 v61, v46;
	v45 =	vld.idx.msk [tilespmem:v14+s26+$0x0], $0xffff  }
0x591: {  	s3 =	sadd.s32 $0x80, s3;
	s30 =	sadd.s32 $0x7, s7;
	v21 =	vadd.f32 v42, v21;
	v15 =	vadd.f32 v15, v25;
	v30 =	vmul.f32 v56, v50;
	v14 =	vld.idx.msk [tilespmem:v14+s25+$0x0], $0xffff  }
0x592: {  	v56 =	vsub.f32 $1.000000000e+00, v56;
	v46 =	vor.u32 s30, v5;
	v41 =	vld.idx.msk [tilespmem:v41+s25+$0x0], $0xffff;
	[tilespmem:s3+$0xFFFFFF90] =	vst v51;
	v20 =	vadd.f32 v54, v51  }
0x593: {  	v18 =	vadd.f32 v31, v18;
	v63 =	vsub.f32 $1.000000000e+00, v58;
	v61 =	vor.u32 s7, v12;
	v59 =	vld.idx.msk [tilespmem:v19+s26+$0x0], $0xffff  }
0x594: {  	v15 =	vadd.f32 v38, v15;
	v62 =	vsub.f32 $1.000000000e+00, v48;
	v35 =	vmul.f32 v56, v50;
	v19 =	vld.idx.msk [tilespmem:v19+s25+$0x0], $0xffff;
	[tilespmem:s3+$0xFFFFFFA0] =	vst v20  }
0x595: {  	v16 =	vmul.f32 v16, v22;
	v21 =	vadd.f32 v26, v21;
	v18 =	vadd.f32 v23, v18;
	v42 =	vld.idx.msk [tilespmem:v13+s25+$0x0], $0xffff  }
0x596: {  	v60 =	vadd.f32 $9.999999740e-06, v30;
	v48 =	vmul.f32 v48, v35;
	v35 =	vmul.f32 v62, v35;
	v54 =	vld.idx.msk [tilespmem:v55+s25+$0x0], $0xffff  }
0x597: {  	v27 =	vmul.f32 v27, v22;
	v15 =	vadd.f32 v34, v15;
	v16 =	vadd.f32 v16, v21;
	v43 =	vld.idx.msk [tilespmem:v46+s2+$0x0], $0xffff  }
0x598: {  	v20 =	vadd.f32 v60, v20;
	v22 =	vmul.f32 v63, v35;
	v56 =	vadd.f32 $9.999999740e-06, v48;
	v37 =	vld.idx.msk [tilespmem:v61+s25+$0x0], $0xffff  }
0x599: {  	v18 =	vadd.f32 v27, v18;
	v35 =	vmul.f32 v58, v35;
	v55 =	vsub.f32 $1.000000000e+00, v40;
	v13 =	vld.idx.msk [tilespmem:v13+s26+$0x0], $0xffff  }
0x59a: {  	v58 =	vmul.f32 v45, v24;
	v36 =	vadd.f32 v56, v20;
	[tilespmem:s3+$0xFFFFFFB0] =	vst v20;
	v20 =	vmul.f32 v40, v22  }
0x59b: {  	v61 =	vadd.f32 $9.999999740e-06, v35;
	v41 =	vmul.f32 v41, v24;
	v14 =	vmul.f32 v14, v24;
	v60 =	vld.idx.msk [tilespmem:v47+s26+$0x0], $0xffff  }
0x59c: {  	v62 =	vsub.f32 $1.000000000e+00, v39;
	v22 =	vmul.f32 v55, v22;
	v63 =	vld.idx.msk [tilespmem:v47+s25+$0x0], $0xffff;
	v32 =	vmul.f32 v59, v33  }
0x59d: {  	v23 =	vld.idx.msk [tilespmem:v52+s25+$0x0], $0xffff;
	v59 =	vor.u32 s20, v12;
	[tilespmem:s3+$0xFFFFFFC0] =	vst v36;
	v26 =	vadd.f32 v61, v36;
	v51 =	vadd.f32 $9.999999740e-06, v20  }
0x59e: {  	v19 =	vmul.f32 v19, v33;
	v15 =	vadd.f32 v58, v15;
	v61 =	vor.u32 s29, v12;
	v50 =	vld.idx.msk [tilespmem:v49+s25+$0x0], $0xffff  }
0x59f: {  	v18 =	vadd.f32 v41, v18;
	v14 =	vadd.f32 v14, v16;
	v16 =	vor.u32 s23, v12;
	v56 =	vld.idx.msk [tilespmem:v49+s26+$0x0], $0xffff;
	[tilespmem:s3+$0xFFFFFFD0] =	vst v26  }
0x5a0: {  	v39 =	vmul.f32 v39, v22;
	v22 =	vmul.f32 v62, v22;
	v36 =	vadd.f32 v51, v26;
	v26 =	vld.idx.msk [tilespmem:v29+s25+$0x0], $0xffff  }
0x5a1: {  	v25 =	vmul.f32 v54, v28;
	v13 =	vmul.f32 v13, v28;
	v14 =	vadd.f32 v19, v14;
	v19 =	vld.idx.msk [tilespmem:v29+s26+$0x0], $0xffff  }
0x5a2: {  	v21 =	vmul.f32 v37, v33;
	v15 =	vadd.f32 v32, v15;
	v58 =	vmul.f32 v60, v30;
	v60 =	vld.idx.msk [tilespmem:v53+s25+$0x0], $0xffff  }
0x5a3: {  	v42 =	vmul.f32 v42, v28;
	v55 =	vadd.f32 $9.999999740e-06, v39;
	v22 =	vmul.f32 v43, v22;
	[tilespmem:s3+$0xFFFFFFE0] =	vst v36;
	v54 =	vld.idx.msk [tilespmem:v59+s25+$0x0], $0xffff  }
0x5a4: {  	v62 =	vmul.f32 v63, v30;
	v18 =	vadd.f32 v21, v18;
	v13 =	vadd.f32 v13, v15;
	v63 =	vld.idx.msk [tilespmem:v57+s26+$0x0], $0xffff  }
0x5a5: {  	v15 =	vor.u32 s30, v12;
	v14 =	vadd.f32 v42, v14;
	v59 =	vadd.f32 v55, v36;
	v21 =	vld.idx.msk [tilespmem:v57+s25+$0x0], $0xffff  }
0x5a6: {  	v23 =	vmul.f32 v23, v30;
	v41 =	vadd.f32 $9.999999740e-06, v22;
	v43 =	vld.idx.msk [tilespmem:v61+s25+$0x0], $0xffff;
	v18 =	vadd.f32 v25, v18  }
0x5a7: {  	v28 =	vmul.f32 v56, v48;
	v13 =	vadd.f32 v58, v13;
	v14 =	vadd.f32 v62, v14;
	[tilespmem:s3+$0xFFFFFFF0] =	vst v59  }
0x5a8: {  	v12 =	vadd.f32 v41, v59;
	v40 =	vld.idx.msk [tilespmem:v17+s26+$0x0], $0xffff;
	v26 =	vmul.f32 v26, v35;
	v19 =	vmul.f32 v19, v35  }
0x5a9: {  	v16 =	vld.idx.msk [tilespmem:v16+s25+$0x0], $0xffff;
	v13 =	vadd.f32 v28, v13;
	v31 =	vmul.f32 v54, v48;
	v48 =	vmul.f32 v50, v48  }
0x5aa: {  	v17 =	vld.idx.msk [tilespmem:v17+s25+$0x0], $0xffff;
	v18 =	vadd.f32 v23, v18;
	v44 =	vmul.f32 v60, v35;
	[tilespmem:s3+$0x0] =	vst v12  }
0x5ab: {  	v47 =	vmul.f32 v63, v20;
	v23 =	vld.idx.msk [tilespmem:v46+s26+$0x0], $0xffff;
	v13 =	vadd.f32 v19, v13;
	v14 =	vadd.f32 v48, v14  }
0x5ac: {  	v21 =	vmul.f32 v21, v20;
	v20 =	vmul.f32 v43, v20;
	v50 =	vld.idx.msk [tilespmem:v46+s25+$0x0], $0xffff;
	v18 =	vadd.f32 v31, v18  }
0x5ad: {  	v15 =	vld.idx.msk [tilespmem:v15+s25+$0x0], $0xffff;
	v19 =	vadd.f32 v47, v13;
	v49 =	vmul.f32 v40, v39;
	v14 =	vadd.f32 v26, v14  }
0x5ae: {  	v16 =	vmul.f32 v16, v39;
	v13 =	vadd.f32 v44, v18;
	v18 =	vmov s21  }
0x5af: {  	v17 =	vmul.f32 v17, v39;
	v18 =	vshll.u32 v18, $0x7;
	v14 =	vadd.f32 v21, v14  }
0x5b0: {  	v23 =	vmul.f32 v23, v22;
	v20 =	vadd.f32 v20, v13;
	v13 =	vor.u32 v2, v18  }
0x5b1: {  	v18 =	vmul.f32 v50, v22;
	v14 =	vadd.f32 v17, v14;
	v17 =	vor.u32 $0x1, v13  }
0x5b2: {  	v15 =	vmul.f32 v15, v22;
	v16 =	vadd.f32 v16, v20;
	v20 =	vor.u32 $0x2, v13  }
0x5b3: {  	v19 =	vadd.f32 v49, v19;
	v14 =	vadd.f32 v18, v14;
	v18 =	vor.u32 $0x3, v13  }
0x5b4: {  	v15 =	vadd.f32 v15, v16;
	v16 =	vadd.f32 $-6.399999840e-04, v12  }
0x5b5: {  	v19 =	vadd.f32 v23, v19;
	[tilespmem:v13+s6+$0x0] =	vst.idx.msk $0xffff, v14  }
0x5b6: {  	(erf) = vrcp.f32 v12;
	v14 =	vmax.f32 v16, $0.0e+00;
	[tilespmem:v17+s6+$0x0] =	vst.idx.msk $0xffff, v15  }
0x5b7: {  	v14 =	vmin.f32 v14, $1.000000000e+00;
	[tilespmem:v20+s6+$0x0] =	vst.idx.msk $0xffff, v19  }
0x5b8: {  	[tilespmem:v18+s6+$0x0] =	vst.idx.msk $0xffff, v14  }
0x5b9: {  	v14 =	vld [tilespmem:s1+$0x0]  }
0x5ba: {  	v16 =	vld [tilespmem:s1+$0xFFFFFFA0]  }
0x5bb: {  	v17 =	vld [tilespmem:s1+$0xFFFFFFB0]  }
0x5bc: {  	v18 =	vld [tilespmem:s1+$0xFFFFFFC0]  }
0x5bd: {  	v19 =	vld [tilespmem:s1+$0xFFFFFFD0]  }
0x5be: {  	v20 =	vld [tilespmem:s1+$0xFFFFFFE0]  }
0x5bf: {  	v15 =	vpop (erf);
	v22 =	vld [tilespmem:s1+$0xFFFFFFF0]  }
0x5c0: {  	v15 =	vmul.f32 $6.400000000e+01, v15;
	v23 =	vld [tilespmem:s1+$0xFFFFFF90];
	_ =	sdelay $0x1  }
0x5c1: {  	v21 =	vmul.f32 v14, v15;
	v16 =	vmul.f32 v16, v15  }
0x5c2: {  	v17 =	vmul.f32 v17, v15;
	v18 =	vmul.f32 v18, v15  }
0x5c3: {  	v19 =	vmul.f32 v19, v15;
	v20 =	vmul.f32 v20, v15  }
0x5c4: {  	v22 =	vmul.f32 v22, v15;
	v23 =	vmul.f32 v23, v15  }
0x5c5: {  	v51 =	vtrunc.f32 v21;
	v53 =	vtrunc.f32 v17  }
0x5c6: {  	v54 =	vtrunc.f32 v18;
	v55 =	vtrunc.f32 v19  }
0x5c7: {  	v56 =	vtrunc.f32 v20;
	v57 =	vtrunc.f32 v22  }
0x5c8: {  	v14 =	vor.u32 s31, v0;
	v58 =	vtrunc.f32 v23;
	v52 =	vcvt.f32.s32 v51  }
0x5c9: {  	vm0 =	vgt.f32 v21, v51;
	v21 =	vtrunc.f32 v16;
	v60 =	vcvt.f32.s32 v58  }
0x5ca: {  	vm2 =	vgt.f32 v17, v53;
	v17 =	vcvt.f32.s32 v54;
	vm3 =	vgt.f32 v18, v54  }
0x5cb: {  	v18 =	vcvt.f32.s32 v55;
	vm4 =	vgt.f32 v19, v55;
	vm5 =	vgt.f32 v20, v56  }
0x5cc: {  	v24 =	vsel vm0, $0x1, v1;
	v59 =	vcvt.f32.s32 v21;
	vm1 =	vgt.f32 v16, v21  }
0x5cd: {  	v16 =	vcvt.f32.s32 v53;
	v21 =	vcvt.f32.s32 v56;
	v25 =	vsel vm3, $0x1, v1  }
0x5ce: {  	v61 =	vsel vm4, $0x1, v1;
	v28 =	vsel vm5, $0x1, v1;
	v24 =	vadd.s32 v52, v24  }
0x5cf: {  	v20 =	vsel vm1, $0x1, v1;
	v18 =	vadd.s32 v18, v61;
	vm0 =	vlt.s32 v24, $0x41  }
0x5d0: {  	v63 =	vadd.s32 v59, v20;
	v24 =	vnsel vm0, $0x41, v24;
	vm0 =	vgt.f32 v23, v58  }
0x5d1: {  	v23 =	vcvt.f32.s32 v57;
	vm5 =	vlt.s32 v63, $0x41;
	v24 =	vshll.u32 v24, $0x4  }
0x5d2: {  	v19 =	vsel vm0, $0x1, v1;
	vm0 =	vgt.f32 v22, v57;
	v24 =	vadd.s32 v14, v24  }
0x5d3: {  	v22 =	vsel vm2, $0x1, v1;
	vm2 =	vlt.s32 v18, $0x41;
	v62 =	vadd.s32 v60, v19  }
0x5d4: {  	v29 =	vsel vm0, $0x1, v1;
	v20 =	vadd.s32 v16, v22;
	v19 =	vadd.s32 v17, v25  }
0x5d5: {  	v17 =	vadd.s32 v21, v28;
	v21 =	vnsel vm5, $0x41, v63;
	v16 =	vadd.s32 v23, v29  }
0x5d6: {  	vm1 =	vlt.s32 v62, $0x41;
	vm4 =	vlt.s32 v20, $0x41;
	vm3 =	vlt.s32 v19, $0x41  }
0x5d7: {  	s3 =	simm.s32 $0x0;
	s1 =	sadd.s32 $0x80, s1;
	vm0 =	vlt.s32 v17, $0x41;
	v22 =	vnsel vm1, $0x41, v62;
	vm1 =	vlt.s32 v16, $0x41;
	[tilespmem:v24+s12+$0x0] =	vst.idx.add.s32.msk $0xffff, v3  }
.LBB2_42:
0x5d8: {  	v23 =	vld [tilespmem:s1+$0x0];
	s3 =	sadd.s32 $0x8, s3;
	v20 =	vnsel vm4, $0x41, v20;
	v19 =	vnsel vm3, $0x41, v19;
	v18 =	vnsel vm2, $0x41, v18  }
0x5d9: {  	v22 =	vshll.u32 v22, $0x4;
	v17 =	vnsel vm0, $0x41, v17;
	v16 =	vnsel vm1, $0x41, v16;
	v24 =	vld [tilespmem:s1+$0xFFFFFFA0];
	p2 =	slt.u32 s3, $0x38  }
0x5da: {  	v21 =	vshll.u32 v21, $0x4;
	v20 =	vshll.u32 v20, $0x4;
	v19 =	vshll.u32 v19, $0x4;
	v25 =	vld [tilespmem:s1+$0xFFFFFFB0]  }
0x5db: {  	v18 =	vshll.u32 v18, $0x4;
	v17 =	vshll.u32 v17, $0x4;
	v16 =	vshll.u32 v16, $0x4;
	v26 =	vld [tilespmem:s1+$0xFFFFFFC0]  }
0x5dc: {  	v22 =	vadd.s32 v14, v22;
	v21 =	vadd.s32 v14, v21;
	v20 =	vadd.s32 v14, v20;
	v27 =	vld [tilespmem:s1+$0xFFFFFFD0]  }
0x5dd: {  	v19 =	vadd.s32 v14, v19;
	v18 =	vadd.s32 v14, v18;
	v28 =	vld [tilespmem:s1+$0xFFFFFFE0];
	v23 =	vmul.f32 v23, v15  }
0x5de: {  	v17 =	vadd.s32 v14, v17;
	v16 =	vadd.s32 v14, v16;
	v24 =	vmul.f32 v24, v15;
	v29 =	vld [tilespmem:s1+$0xFFFFFFF0]  }
0x5df: {  	v30 =	vld [tilespmem:s1+$0xFFFFFF90];
	v25 =	vmul.f32 v25, v15;
	v31 =	vtrunc.f32 v23  }
0x5e0: {  	v26 =	vmul.f32 v26, v15;
	v32 =	vcvt.f32.s32 v31;
	vm0 =	vgt.f32 v23, v31  }
0x5e1: {  	v23 =	vtrunc.f32 v24;
	v27 =	vmul.f32 v27, v15;
	v31 =	vsel vm0, $0x1, v1;
	[tilespmem:v22+s12+$0x0] =	vst.idx.add.s32.msk $0xffff, v3  }
0x5e2: {  	v22 =	vtrunc.f32 v25;
	v28 =	vmul.f32 v28, v15;
	v31 =	vadd.s32 v32, v31;
	[tilespmem:v21+s12+$0x0] =	vst.idx.add.s32.msk $0xffff, v3  }
0x5e3: {  	v21 =	vtrunc.f32 v26;
	v29 =	vmul.f32 v29, v15;
	vm0 =	vlt.s32 v31, $0x41;
	[tilespmem:v20+s12+$0x0] =	vst.idx.add.s32.msk $0xffff, v3  }
0x5e4: {  	v20 =	vmul.f32 v30, v15;
	v30 =	vtrunc.f32 v27;
	v31 =	vnsel vm0, $0x41, v31;
	[tilespmem:v19+s12+$0x0] =	vst.idx.add.s32.msk $0xffff, v3  }
0x5e5: {  	v19 =	vtrunc.f32 v28;
	v32 =	vtrunc.f32 v29;
	v31 =	vshll.u32 v31, $0x4;
	[tilespmem:v18+s12+$0x0] =	vst.idx.add.s32.msk $0xffff, v3  }
0x5e6: {  	v33 =	vcvt.f32.s32 v23;
	v18 =	vtrunc.f32 v20;
	v31 =	vadd.s32 v14, v31;
	[tilespmem:v17+s12+$0x0] =	vst.idx.add.s32.msk $0xffff, v3  }
0x5e7: {  	vm1 =	vgt.f32 v24, v23;
	v17 =	vcvt.f32.s32 v18;
	vm0 =	vgt.f32 v20, v18;
	[tilespmem:v16+s12+$0x0] =	vst.idx.add.s32.msk $0xffff, v3  }
0x5e8: {  	vm2 =	vgt.f32 v25, v22;
	v16 =	vcvt.f32.s32 v22;
	v18 =	vcvt.f32.s32 v21  }
0x5e9: {  	vm3 =	vgt.f32 v26, v21;
	vm4 =	vgt.f32 v27, v30;
	v21 =	vcvt.f32.s32 v30  }
0x5ea: {  	vm5 =	vgt.f32 v28, v19;
	v23 =	vcvt.f32.s32 v32;
	v22 =	vcvt.f32.s32 v19  }
0x5eb: {  	v20 =	vsel vm1, $0x1, v1;
	v19 =	vsel vm0, $0x1, v1;
	vm0 =	vgt.f32 v29, v32;
	[tilespmem:v31+s12+$0x0] =	vst.idx.add.s32.msk $0xffff, v3  }
0x5ec: {  	v24 =	vsel vm2, $0x1, v1;
	v25 =	vsel vm3, $0x1, v1;
	v26 =	vsel vm4, $0x1, v1  }
0x5ed: {  	v27 =	vadd.s32 v17, v19;
	v17 =	vsel vm5, $0x1, v1;
	v28 =	vsel vm0, $0x1, v1  }
.Ltmp21:
0x5ee: {  	v29 =	vadd.s32 v33, v20;
	v20 =	vadd.s32 v16, v24;
	v19 =	vadd.s32 v18, v25;
	(pc) =	sbr.rel @p2 .LBB2_42-.Ltmp21, $4  }
0x5ef: {  	v18 =	vadd.s32 v21, v26;
	v17 =	vadd.s32 v22, v17;
	v16 =	vadd.s32 v23, v28  }
0x5f0: {  	vm5 =	vlt.s32 v29, $0x41;
	vm1 =	vlt.s32 v27, $0x41;
	vm4 =	vlt.s32 v20, $0x41  }
0x5f1: {  	vm3 =	vlt.s32 v19, $0x41;
	vm2 =	vlt.s32 v18, $0x41;
	vm0 =	vlt.s32 v17, $0x41  }
0x5f2: {  	s1 =	sadd.s32 $0x80, s1;
	v21 =	vnsel vm5, $0x41, v29;
	v22 =	vnsel vm1, $0x41, v27;
	vm1 =	vlt.s32 v16, $0x41  }
0x5f3: {  	v15 =	vshll.u32 v22, $0x4  }
0x5f4: {  	v20 =	vnsel vm4, $0x41, v20;
	v21 =	vshll.u32 v21, $0x4;
	v15 =	vadd.s32 v14, v15  }
0x5f5: {  	v19 =	vnsel vm3, $0x41, v19;
	v20 =	vshll.u32 v20, $0x4;
	v21 =	vadd.s32 v14, v21  }
0x5f6: {  	v18 =	vnsel vm2, $0x41, v18;
	v19 =	vshll.u32 v19, $0x4;
	v20 =	vadd.s32 v14, v20  }
0x5f7: {  	v17 =	vnsel vm0, $0x41, v17;
	v18 =	vshll.u32 v18, $0x4;
	v19 =	vadd.s32 v14, v19  }
0x5f8: {  	v16 =	vnsel vm1, $0x41, v16;
	v17 =	vshll.u32 v17, $0x4;
	v18 =	vadd.s32 v14, v18  }
0x5f9: {  	v16 =	vshll.u32 v16, $0x4;
	v17 =	vadd.s32 v14, v17;
	[tilespmem:v15+s12+$0x0] =	vst.idx.add.s32.msk $0xffff, v3  }
0x5fa: {  	v14 =	vadd.s32 v14, v16;
	[tilespmem:v21+s12+$0x0] =	vst.idx.add.s32.msk $0xffff, v3  }
0x5fb: {  	[tilespmem:v20+s12+$0x0] =	vst.idx.add.s32.msk $0xffff, v3  }
0x5fc: {  	[tilespmem:v19+s12+$0x0] =	vst.idx.add.s32.msk $0xffff, v3  }
0x5fd: {  	[tilespmem:v18+s12+$0x0] =	vst.idx.add.s32.msk $0xffff, v3  }
0x5fe: {  	[tilespmem:v17+s12+$0x0] =	vst.idx.add.s32.msk $0xffff, v3  }
0x5ff: {  	v16 =	vor.u32 $0x3F, v5;
	[tilespmem:v14+s12+$0x0] =	vst.idx.add.s32.msk $0xffff, v3  }
0x600: {  	v14 =	vld.idx.msk [tilespmem:v5+s24+$0x0], $0xffff;
	_ =	sdelay $0x2  }
0x601: {  	v15 =	vld [tilespmem:s16+$0x18000]  }
0x602: {  	v16 =	vld.idx.msk [tilespmem:v16+s24+$0x0], $0xffff  }
0x603: {  	s1 =	sadd.s32 $0x194A0, s28;
	v17 =	vmov s16;
	v18 =	vor.u32 s16, v4;
	v21 =	vld [tilespmem:s31+$0x19000];
	s16 =	simm.s32 $0x1;
	v19 =	vmov v14  }
.LBB2_44:
0x604: {  	v20 =	vld [tilespmem:s1+$0xFFFFFF90];
	_ =	sdelay $0x4  }
0x605: {  	v20 =	vadd.s32 v21, v20  }
0x606: {  	v22 =	vld [tilespmem:s1+$0xFFFFFFA0];
	vm0 =	vgt.s32 v20, $0x1  }
0x607: {  	v21 =	vnsel vm0, $0x1, v20  }
0x608: {  	v21 =	vmin.u32 v21, $0x3F  }
0x609: {  	v23 =	vadd.s32 $0xFFFFFFFF, v21  }
0x60a: {  	v24 =	vshll.u32 v23, $0x4  }
0x60b: {  	v20 =	vadd.s32 v20, v22;
	v25 =	vadd.s32 v17, v24;
	v22 =	vadd.s32 v18, v24  }
0x60c: {  	v25 =	vor.u32 v0, v25  }
0x60d: {  	vm5 =	vgt.s32 v20, $0x1  }
0x60e: {  	v54 =	vnsel vm5, $0x1, v20  }
0x60f: {  	v24 =	vmin.u32 v54, $0x3F  }
0x610: {  	v26 =	vadd.s32 $0xFFFFFFFF, v24;
	v22 =	vld.idx.msk [tilespmem:v22+s13+$0x0], $0xffff  }
0x611: {  	v27 =	vshll.u32 v26, $0x4;
	v25 =	vld.idx.msk [tilespmem:v25+s13+$0x0], $0xffff  }
0x612: {  	v28 =	vadd.s32 v17, v27  }
0x613: {  	v28 =	vor.u32 v0, v28  }
0x614: {  	v27 =	vadd.s32 v18, v27;
	_ =	sdelay $0x1  }
0x615: {  	v22 =	vsub.f32 v22, v25  }
0x616: {  	v55 =	vld [tilespmem:s1+$0xFFFFFFB0];
	v21 =	vor.u32 v5, v21  }
0x617: {  	s0 =	scvt.s32.f32 s16;
	s11 =	sadd.s32 $0x1, s16;
	v23 =	vor.u32 v5, v23;
	v28 =	vld.idx.msk [tilespmem:v28+s13+$0x0], $0xffff;
	(erf) = vrcp.f32 v22  }
0x618: {  	s18 =	sadd.s32 $0x2, s16;
	s3 =	scvt.s32.f32 s11;
	v22 =	vld.idx.msk [tilespmem:v27+s13+$0x0], $0xffff  }
0x619: {  	s4 =	scvt.s32.f32 s18;
	s0 =	smul.f32 $1.562500000e-02, s0  }
0x61a: {  	s5 =	sadd.s32 $0xFFFFFFFF, s16;
	s3 =	smul.f32 $1.562500000e-02, s3  }
0x61b: {  	v51 =	vmov s5;
	v37 =	vmov s11;
	s4 =	smul.f32 $1.562500000e-02, s4;
	v21 =	vld.idx.msk [tilespmem:v21+s24+$0x0], $0xffff  }
0x61c: {  	v29 =	vmul.f32 s0, v12;
	v31 =	vmul.f32 s3, v12;
	v20 =	vadd.s32 v20, v55;
	v23 =	vld.idx.msk [tilespmem:v23+s24+$0x0], $0xffff  }
0x61d: {  	v33 =	vmul.f32 s4, v12;
	vm6 =	vgt.s32 v20, $0x1;
	v22 =	vsub.f32 v22, v28  }
0x61e: {  	vm7 =	vlt.f32 v29, v15;
	v56 =	vnsel vm6, $0x1, v20;
	v26 =	vor.u32 v5, v26  }
0x61f: {  	v32 =	vld [tilespmem:s1+$0xFFFFFFC0];
	v24 =	vor.u32 v5, v24;
	(erf) = vrcp.f32 v22;
	v22 =	vsub.f32 v29, v25  }
0x620: {  	v60 =	vld [tilespmem:s1+$0xFFFFFFD0];
	vm8 =	vge.f32 v29, v12;
	vm11 =	vlt.f32 v31, v15;
	v25 =	vmin.u32 v56, $0x3F;
	v57 =	vpop (erf)  }
0x621: {  	v21 =	vsub.f32 v21, v23;
	v58 =	vadd.s32 $0xFFFFFFFF, v25;
	v22 =	vmul.f32 v57, v22  }
0x622: {  	s7 =	sadd.s32 $0x3, s16;
	vm12 =	vge.f32 v31, v12;
	vm14 =	vlt.f32 v33, v15;
	v30 =	vshll.u32 v58, $0x4  }
0x623: {  	s8 =	scvt.s32.f32 s7;
	vm4 =	vge.f32 v33, v12;
	v26 =	vld.idx.msk [tilespmem:v26+s24+$0x0], $0xffff;
	v59 =	vadd.s32 v17, v30;
	v21 =	vmul.f32 v21, v22  }
0x624: {  	s20 =	sadd.s32 $0x4, s16;
	v20 =	vadd.s32 v20, v32;
	v32 =	vand.u32 $0x7F, v51;
	v22 =	vld.idx.msk [tilespmem:v24+s24+$0x0], $0xffff;
	v24 =	vor.u32 v0, v59  }
0x625: {  	s21 =	scvt.s32.f32 s20;
	s8 =	smul.f32 $1.562500000e-02, s8;
	vm9 =	vgt.s32 v20, $0x1;
	v63 =	vadd.s32 v20, v60;
	v21 =	vadd.f32 v21, v23  }
0x626: {  	v47 =	vld [tilespmem:s1+$0xFFFFFFE0];
	vm10 =	vgt.s32 v63, $0x1;
	v28 =	vsub.f32 v31, v28;
	v56 =	vand.u32 $0xFFFFFF80, v51  }
0x627: {  	s22 =	smul.f32 $1.562500000e-02, s21;
	v52 =	vor.u32 v5, v25;
	v25 =	vmul.f32 s8, v12;
	v21 =	vsel vm7, v14, v21  }
0x628: {  	v57 =	vmov s16;
	v23 =	vadd.s32 v18, v30;
	v61 =	vpop (erf);
	v21 =	vsel vm8, v16, v21  }
0x629: {  	v28 =	vmul.f32 v61, v28;
	v22 =	vsub.f32 v22, v26;
	v62 =	vld.idx.msk [tilespmem:v24+s13+$0x0], $0xffff;
	v24 =	vmul.f32 s22, v12  }
0x62a: {  	vm6 =	vlt.f32 v25, v15;
	vm7 =	vge.f32 v25, v12;
	v19 =	vadd.f32 v21, v19  }
0x62b: {  	v22 =	vmul.f32 v22, v28;
	v28 =	vadd.s32 v63, v47;
	vm8 =	vlt.f32 v24, v15  }
0x62c: {  	v50 =	vmul.f32 $5.000000000e-01, v19;
	v19 =	vnsel vm9, $0x1, v20;
	vm13 =	vgt.s32 v28, $0x1  }
0x62d: {  	v23 =	vld.idx.msk [tilespmem:v23+s13+$0x0], $0xffff;
	vm9 =	vge.f32 v24, v12;
	v20 =	vadd.f32 v22, v26;
	v22 =	vnsel vm10, $0x1, v63  }
0x62e: {  	s29 =	sadd.s32 $0x6, s16;
	v34 =	vmin.u32 v19, $0x3F;
	v19 =	vor.u32 v5, v58;
	v26 =	vmov s18  }
0x62f: {  	s23 =	sadd.s32 $0x5, s16;
	s30 =	scvt.s32.f32 s29;
	v60 =	vnsel vm13, $0x1, v28;
	v35 =	vadd.s32 $0xFFFFFFFF, v34;
	v43 =	vmul.f32 v50, v9  }
0x630: {  	s28 =	scvt.s32.f32 s23;
	v46 =	vmul.f32 v50, v10;
	v30 =	vmul.f32 v50, v11;
	v29 =	vsub.f32 v33, v62  }
0x631: {  	s0 =	smul.f32 $1.562500000e-02, s30;
	v59 =	vor.u32 v5, v34;
	v38 =	vshll.u32 v35, $0x4;
	v20 =	vsel vm11, v14, v20  }
0x632: {  	s8 =	smul.f32 $1.562500000e-02, s28;
	v36 =	vsub.f32 v23, v62;
	v23 =	vadd.s32 v17, v38;
	v53 =	vadd.s32 v18, v38  }
0x633: {  	v58 =	vld [tilespmem:s1+$0xFFFFFFF0];
	v35 =	vor.u32 v5, v35;
	v38 =	vmin.u32 v22, $0x3F;
	v39 =	vor.u32 v0, v23  }
0x634: {  	v22 =	vmul.f32 s8, v12;
	v40 =	vsel vm12, v16, v20;
	v20 =	vmul.f32 s0, v12  }
0x635: {  	v43 =	vadd.f32 v43, v6;
	v21 =	vadd.f32 v40, v21;
	(erf) = vrcp.f32 v36  }
0x636: {  	v30 =	vadd.f32 v30, v8;
	v23 =	vmov s7;
	v54 =	vadd.s32 $0xFFFFFFFF, v38  }
0x637: {  	v38 =	vor.u32 v5, v38;
	v42 =	vshll.u32 v54, $0x4;
	v45 =	vmul.f32 $5.000000000e-01, v21;
	v21 =	vld.idx.msk [tilespmem:v53+s13+$0x0], $0xffff  }
0x638: {  	s31 =	sadd.s32 $0x7, s16;
	v28 =	vadd.s32 v28, v58;
	v31 =	vor.u32 v5, v54;
	vm10 =	vlt.f32 v22, v15;
	v39 =	vld.idx.msk [tilespmem:v39+s13+$0x0], $0xffff  }
0x639: {  	v27 =	vld.idx.msk [tilespmem:v52+s24+$0x0], $0xffff;
	s7 =	scvt.s32.f32 s31;
	vm11 =	vge.f32 v22, v12;
	vm12 =	vlt.f32 v20, v15;
	v44 =	vadd.s32 v17, v42  }
0x63a: {  	v41 =	vld.idx.msk [tilespmem:v19+s24+$0x0], $0xffff;
	v55 =	vadd.s32 v18, v42;
	v42 =	vadd.s32 v13, v56;
	v44 =	vor.u32 v0, v44  }
0x63b: {  	s7 =	smul.f32 $1.562500000e-02, s7;
	v32 =	vor.u32 v32, v42;
	v42 =	vadd.f32 v46, v7;
	v46 =	vand.u32 $0x7F, v57  }
0x63c: {  	vm13 =	vge.f32 v20, v12;
	vm15 =	vgt.s32 v28, $0x1;
	v46 =	vbroadcast v46, $0x0;
	v38 =	vld.idx.msk [tilespmem:v38+s24+$0x0], $0xffff  }
0x63d: {  	v56 =	vnsel vm15, $0x1, v28;
	v19 =	vmul.f32 s7, v12;
	v31 =	vld.idx.msk [tilespmem:v31+s24+$0x0], $0xffff;
	v21 =	vsub.f32 v21, v39  }
0x63e: {  	v48 =	vmul.f32 v45, v9;
	v34 =	vor.u32 v13, v46;
	v46 =	vmul.f32 v45, v10;
	v49 =	vpop (erf)  }
0x63f: {  	v27 =	vsub.f32 v27, v41;
	v36 =	vld.idx.msk [tilespmem:v55+s13+$0x0], $0xffff;
	v29 =	vmul.f32 v49, v29;
	(erf) = vrcp.f32 v21  }
0x640: {  	v47 =	vmin.u32 v56, $0x3F;
	v54 =	vmul.f32 v45, v11;
	v48 =	vadd.f32 v48, v6;
	v44 =	vld.idx.msk [tilespmem:v44+s13+$0x0], $0xffff  }
0x641: {  	vm15 =	vge.f32 v19, v12;
	v56 =	vadd.f32 v46, v7;
	v21 =	vmul.f32 v27, v29  }
0x642: {  	v39 =	vsub.f32 v25, v39;
	v49 =	vadd.s32 $0xFFFFFFFF, v47;
	v38 =	vsub.f32 v38, v31  }
0x643: {  	v50 =	vld [tilespmem:s1+$0x0];
	v47 =	vor.u32 v5, v47;
	v29 =	vmin.u32 v60, $0x3F;
	v21 =	vadd.f32 v21, v41  }
0x644: {  	v35 =	vld.idx.msk [tilespmem:v35+s24+$0x0], $0xffff;
	v52 =	vshll.u32 v49, $0x4;
	v45 =	vor.u32 v5, v49;
	v41 =	vadd.s32 $0xFFFFFFFF, v29  }
0x645: {  	v36 =	vsub.f32 v36, v44;
	v27 =	vld.idx.msk [tilespmem:v59+s24+$0x0], $0xffff;
	v61 =	vshll.u32 v41, $0x4;
	v21 =	vsel vm14, v14, v21  }
0x646: {  	v53 =	vadd.s32 v17, v52;
	v62 =	vadd.s32 v17, v61;
	v57 =	vadd.s32 v18, v61  }
0x647: {  	v59 =	vand.u32 $0x80, v37;
	v52 =	vadd.s32 v18, v52;
	v63 =	vor.u32 v0, v62  }
0x648: {  	[tilespmem:v32+s14+$0x0] =	vst.idx.msk $0xffff, v43;
	v37 =	vand.u32 $0x7F, v37;
	v58 =	vor.u32 v0, v53;
	v51 =	vsel vm4, v16, v21;
	v21 =	vpop (erf)  }
0x649: {  	[tilespmem:v32+s15+$0x0] =	vst.idx.msk $0xffff, v42;
	(erf) = vrcp.f32 v36;
	v39 =	vmul.f32 v21, v39;
	v21 =	vadd.s32 v28, v50  }
0x64a: {  	[tilespmem:v32+s17+$0x0] =	vst.idx.msk $0xffff, v30;
	v44 =	vsub.f32 v24, v44;
	v27 =	vsub.f32 v27, v35;
	vm5 =	vgt.s32 v21, $0x1  }
0x64b: {  	v29 =	vor.u32 v5, v29;
	v41 =	vor.u32 v5, v41;
	v33 =	vld.idx.msk [tilespmem:v57+s13+$0x0], $0xffff;
	v60 =	vnsel vm5, $0x1, v21  }
0x64c: {  	v61 =	vadd.s32 v13, v59;
	v28 =	vld.idx.msk [tilespmem:v63+s13+$0x0], $0xffff;
	v27 =	vmul.f32 v27, v39;
	v39 =	vmin.u32 v60, $0x3F  }
0x64d: {  	v59 =	vadd.f32 v54, v8;
	v40 =	vadd.f32 v51, v40;
	v36 =	vld.idx.msk [tilespmem:v58+s13+$0x0], $0xffff;
	v50 =	vadd.s32 $0xFFFFFFFF, v39  }
0x64e: {  	[tilespmem:v34+s14+$0x0] =	vst.idx.msk $0xffff, v48;
	v54 =	vand.u32 $0x80, v23;
	v23 =	vand.u32 $0x7F, v23;
	v63 =	vshll.u32 v50, $0x4  }
0x64f: {  	[tilespmem:v34+s15+$0x0] =	vst.idx.msk $0xffff, v56;
	v57 =	vmul.f32 $5.000000000e-01, v40;
	v53 =	vadd.s32 v17, v63;
	v58 =	vadd.s32 v18, v63  }
0x650: {  	vm14 =	vlt.f32 v19, v15;
	v37 =	vor.u32 v37, v61;
	v43 =	vor.u32 v0, v53  }
0x651: {  	v55 =	vld.idx.msk [tilespmem:v52+s13+$0x0], $0xffff;
	v48 =	vmul.f32 v57, v10;
	v32 =	vmul.f32 v57, v11;
	v33 =	vsub.f32 v33, v28  }
0x652: {  	v62 =	vpop (erf);
	v56 =	vsub.f32 v20, v36;
	v60 =	vmul.f32 v57, v9;
	v27 =	vadd.f32 v27, v35  }
0x653: {  	[tilespmem:v34+s17+$0x0] =	vst.idx.msk $0xffff, v59;
	v34 =	vld.idx.msk [tilespmem:v45+s24+$0x0], $0xffff;
	v35 =	vmul.f32 v62, v44;
	v62 =	vand.u32 $0x80, v26;
	(erf) = vrcp.f32 v33  }
0x654: {  	v26 =	vand.u32 $0x7F, v26;
	v24 =	vadd.f32 v48, v7;
	v39 =	vor.u32 v5, v39;
	v40 =	vld.idx.msk [tilespmem:v58+s13+$0x0], $0xffff  }
0x655: {  	v59 =	vadd.f32 v32, v8;
	v61 =	vmul.f32 v38, v35;
	v27 =	vsel vm6, v14, v27;
	v43 =	vld.idx.msk [tilespmem:v43+s13+$0x0], $0xffff  }
0x656: {  	v29 =	vld.idx.msk [tilespmem:v29+s24+$0x0], $0xffff;
	v42 =	vadd.f32 v60, v6;
	v63 =	vsub.f32 v55, v36;
	v27 =	vsel vm7, v16, v27  }
0x657: {  	v44 =	vld.idx.msk [tilespmem:v41+s24+$0x0], $0xffff;
	v35 =	vadd.s32 v13, v62;
	v30 =	vadd.f32 v61, v31;
	v46 =	vadd.f32 v27, v51  }
0x658: {  	v28 =	vsub.f32 v22, v28;
	v38 =	vld.idx.msk [tilespmem:v47+s24+$0x0], $0xffff;
	v55 =	vadd.s32 v13, v54;
	(erf) = vrcp.f32 v63  }
0x659: {  	v25 =	vor.u32 v26, v35;
	v30 =	vsel vm8, v14, v30;
	v49 =	vmul.f32 $5.000000000e-01, v46  }
0x65a: {  	v53 =	vor.u32 v5, v50;
	v30 =	vsel vm9, v16, v30;
	v26 =	vsub.f32 v40, v43  }
0x65b: {  	v23 =	vor.u32 v23, v55;
	v52 =	vmul.f32 v49, v9;
	v27 =	vadd.f32 v30, v27  }
0x65c: {  	v29 =	vsub.f32 v29, v44;
	v61 =	vmul.f32 v49, v10;
	v51 =	vpop (erf);
	(erf) = vrcp.f32 v26  }
0x65d: {  	[tilespmem:v37+s14+$0x0] =	vst.idx.msk $0xffff, v42;
	v63 =	vsub.f32 v38, v34;
	v31 =	vmul.f32 v49, v11;
	v27 =	vmul.f32 $5.000000000e-01, v27  }
0x65e: {  	[tilespmem:v37+s15+$0x0] =	vst.idx.msk $0xffff, v24;
	v60 =	vadd.f32 v52, v6;
	v32 =	vadd.f32 v61, v7  }
0x65f: {  	v62 =	vld.idx.msk [tilespmem:v53+s24+$0x0], $0xffff;
	v31 =	vadd.f32 v31, v8;
	v22 =	vmul.f32 v27, v9;
	v49 =	vmul.f32 v27, v10  }
0x660: {  	v54 =	vmov s23;
	[tilespmem:v25+s14+$0x0] =	vst.idx.msk $0xffff, v60;
	v27 =	vmul.f32 v27, v11;
	v40 =	vld.idx.msk [tilespmem:v39+s24+$0x0], $0xffff;
	v28 =	vmul.f32 v51, v28  }
0x661: {  	v55 =	vand.u32 $0x80, v54;
	v41 =	vsub.f32 v19, v43;
	[tilespmem:v25+s15+$0x0] =	vst.idx.msk $0xffff, v32;
	v57 =	vpop (erf);
	v22 =	vadd.f32 v22, v6  }
0x662: {  	v20 =	vadd.f32 v49, v7;
	v26 =	vmul.f32 v57, v56;
	v58 =	vmul.f32 v29, v28  }
0x663: {  	v43 =	vmov s20;
	v27 =	vadd.f32 v27, v8;
	[tilespmem:v25+s17+$0x0] =	vst.idx.msk $0xffff, v31;
	v25 =	vadd.s32 v13, v55  }
0x664: {  	v46 =	vand.u32 $0x80, v43;
	[tilespmem:v23+s14+$0x0] =	vst.idx.msk $0xffff, v22;
	v26 =	vmul.f32 v63, v26;
	v24 =	vadd.f32 v58, v44  }
0x665: {  	v48 =	vadd.s32 v13, v46;
	v56 =	vand.u32 $0x7F, v54;
	[tilespmem:v23+s15+$0x0] =	vst.idx.msk $0xffff, v20;
	v47 =	vsub.f32 v40, v62;
	v44 =	vpop (erf)  }
0x666: {  	v26 =	vadd.f32 v26, v34;
	v24 =	vsel vm10, v14, v24;
	v45 =	vmul.f32 v44, v41  }
0x667: {  	[tilespmem:v23+s17+$0x0] =	vst.idx.msk $0xffff, v27;
	v23 =	vor.u32 v56, v25;
	v24 =	vsel vm11, v16, v24  }
0x668: {  	v26 =	vsel vm12, v14, v26;
	v42 =	vadd.f32 v24, v30;
	v29 =	vmul.f32 v47, v45  }
0x669: {  	v58 =	vmov s29;
	v30 =	vand.u32 $0x7F, v43;
	v26 =	vsel vm13, v16, v26  }
0x66a: {  	v24 =	vadd.f32 v26, v24;
	v28 =	vmul.f32 $5.000000000e-01, v42;
	v29 =	vadd.f32 v29, v62  }
0x66b: {  	v61 =	vand.u32 $0x80, v58;
	v25 =	vand.u32 $0x7F, v58;
	v30 =	vor.u32 v30, v48  }
0x66c: {  	[tilespmem:v37+s17+$0x0] =	vst.idx.msk $0xffff, v59;
	v20 =	vmul.f32 $5.000000000e-01, v24;
	v50 =	vmul.f32 v28, v9;
	v53 =	vsel vm14, v14, v29  }
0x66d: {  	v51 =	vmul.f32 v28, v10;
	v28 =	vmul.f32 v28, v11;
	v19 =	vsel vm15, v16, v53  }
0x66e: {  	v59 =	vmul.f32 v20, v9;
	v52 =	vadd.f32 v50, v6;
	v57 =	vadd.f32 v19, v26  }
0x66f: {  	v60 =	vmul.f32 v20, v10;
	v20 =	vmul.f32 v20, v11;
	v33 =	vadd.f32 v51, v7  }
0x670: {  	v22 =	vadd.f32 v28, v8;
	v28 =	vadd.s32 v13, v61;
	[tilespmem:v30+s14+$0x0] =	vst.idx.msk $0xffff, v52;
	v24 =	vmul.f32 $5.000000000e-01, v57  }
0x671: {  	v25 =	vor.u32 v25, v28;
	[tilespmem:v30+s15+$0x0] =	vst.idx.msk $0xffff, v33;
	v26 =	vadd.f32 v59, v6  }
0x672: {  	[tilespmem:v30+s17+$0x0] =	vst.idx.msk $0xffff, v22;
	v22 =	vadd.f32 v60, v7;
	v62 =	vmul.f32 v24, v9  }
0x673: {  	p2 =	slt.u32 s16, $0x39;
	v20 =	vadd.f32 v20, v8;
	[tilespmem:v23+s14+$0x0] =	vst.idx.msk $0xffff, v26;
	v63 =	vmul.f32 v24, v10  }
.Ltmp22:
0x674: {  	[tilespmem:v23+s15+$0x0] =	vst.idx.msk $0xffff, v22;
	v24 =	vmul.f32 v24, v11;
	v22 =	vadd.f32 v62, v6;
	(pc) =	sbr.rel @p2 .LBB2_44-.Ltmp22, $4  }
0x675: {  	[tilespmem:v23+s17+$0x0] =	vst.idx.msk $0xffff, v20;
	v20 =	vadd.f32 v63, v7  }
0x676: {  	[tilespmem:v25+s14+$0x0] =	vst.idx.msk $0xffff, v22;
	v22 =	vadd.f32 v24, v8  }
0x677: {  	[tilespmem:v25+s15+$0x0] =	vst.idx.msk $0xffff, v20  }
0x678: {  	s16 =	sadd.s32 $0x8, s16;
	s1 =	sadd.s32 $0x80, s1;
	[tilespmem:v25+s17+$0x0] =	vst.idx.msk $0xffff, v22  }
.Ltmp23:
0x679: {  	(pc) =	sbr.rel @p1 .LBB2_25-.Ltmp23, $2  }
0x67a: {  	_ =	sdelay $0x2  }
0x67b: {  	s29 =	simm.s32 $0x2;
	p2 =	por $0x0, $0x0  }
0x67c: {  	s0 =	rddreg [dreg:$0xf]  }
0x67d: {  	s3 =	rddreg [dreg:$0x19]  }
0x67e: {  	s1 =	rddreg [dreg:$0x6];
	s0 =	sadd.s32 s0, s3  }
0x67f: {  	s29 =	rddreg [dreg:$0x7];
	s1 =	sadd.s32 s1, s0  }
0x680: {  	[hbm4b:s1+s2] =	stream.linear.scatter [tilespmem:s14], [sflag:$0x3], $0x2000, $0x38;
	[tilespmem:$0x1A080] =	vst v63  }
0x681: {  	s1 =	sadd.s32 s29, s0  }
0x682: {  	[hbm4b:s1+s2] =	stream.linear.scatter [tilespmem:s15], [sflag:$0x3], $0x2000, $0x38;
	[tilespmem:$0x1A080] =	vst v63  }
.Ltmp24:
0x683: {  	s30 =	rddreg [dreg:$0x8];
	(pc) =	sbr.rel @p0 .LBB2_48-.Ltmp24, $4  }
0x684: {  	s31 =	rddreg [dreg:$0x9];
	s1 =	sadd.s32 s30, s0  }
0x685: {  	[hbm4b:s1+s2] =	stream.linear.scatter [tilespmem:s17], [sflag:$0x3], $0x2000, $0x38;
	[tilespmem:$0x1A080] =	vst v63  }
0x686: {  	s0 =	sadd.s32 s31, s0  }
0x687: {  	[hbm4b:s0+s2] =	stream.linear.scatter [tilespmem:s6], [sflag:$0x3], $0x2000, $0x38;
	[tilespmem:$0x1A080] =	vst v63  }
0x688: {  	s0 =	rddreg [dreg:$0x15]  }
0x689: {  	s1 =	rddreg [dreg:$0x0];
	s0 =	sadd.s32 s3, s0  }
0x68a: {  	s20 =	simm.s32 $0x2000;
	s21 =	rddreg [dreg:$0x3];
	s1 =	sadd.s32 s1, s0  }
0x68b: {  	[tilespmem:s20], [sflag:$0x2] =	stream.linear.gather [hbm4b:s1+s2], $0x2000, $0x38;
	[tilespmem:$0x1A080] =	vst v63  }
0x68c: {  	s22 =	simm.s32 $0x6000;
	s23 =	rddreg [dreg:$0x4];
	s1 =	sadd.s32 s21, s0  }
0x68d: {  	[tilespmem:s22], [sflag:$0x2] =	stream.linear.gather [hbm4b:s1+s2], $0x2000, $0x38;
	[tilespmem:$0x1A080] =	vst v63  }
.Ltmp25:
0x68e: {  	s29 =	rddreg [dreg:$0x5];
	(pc) =	sbr.rel .LBB2_2-.Ltmp25, $4  }
0x68f: {  	s28 =	simm.s32 $0xA000;
	s31 =	rddreg [dreg:$0x18];
	s1 =	sadd.s32 s23, s0  }
0x690: {  	[tilespmem:s28], [sflag:$0x2] =	stream.linear.gather [hbm4b:s1+s2], $0x2000, $0x38;
	[tilespmem:$0x1A080] =	vst v63  }
0x691: {  	s30 =	simm.s32 $0xE000;
	s3 =	sadd.s32 $0x1, s31;
	s0 =	sadd.s32 s29, s0  }
0x692: {  	[tilespmem:s30], [sflag:$0x2] =	stream.linear.gather [hbm4b:s0+s2], $0x2000, $0x38;
	[tilespmem:$0x1A080] =	vst v63  }
.LBB2_49:
0x693: {  	_ =	sfence.sel $0x180000  }
0x694: {  	[bflag:$0x0] =	sbarrier.arrive $0xFFFF  }
0x695: {  	_ =	strace $0x90000047  }
0x696: {  	s0 =	stileid.u32;
	[bflag:$0x2] =	sbarrier.arrive $0xFFFF  }
0x697: {  	p0 =	sne.s32 s0, $0x0;
	s0 =	rddreg [dreg:$0x2]  }
0x698: {  	s0 =	sadd.s32 @!p0 $0x100000, s0  }
0x699: {  	[sflag:s0] =	ssyncadd.tile.s32 @!p0 $0x1;
	_ =	shalt  }
.Lfunc_end2:
_tile_overlayer_lowered:
.L_overlay_start_2:
0x69a: {  	(tag) =	ssettag $0x2  }
0x69b: {  	s0 =	rddreg [dreg:$0x0];
	s2 =	stileid.u32  }
0x69c: {  	s1 =	rddreg [dreg:$0x1];
	p0 =	sne.s32 s2, $0x0  }
0x69d: {  	s3 =	rddreg [dreg:$0x2];
	[bflag:$0x3] =	sbarrier.arrive $0xFFFF;
	s2 =	simm.s32 @!p0 $0x1C04  }
0x69e: {  	[timem:s3], [sflag:s2] =	dma.local @!p0 [hbm:s0], s1  }
0x69f: {  	s0 =	simm.s32 @!p0 $0x4  }
0x6a0: {  	_ =	swait.ge @!p0 [sflag:s0], s1  }
0x6a1: {  	s1 =	ssub.s32 @!p0 $0x0, s1;
	[sflag:s0] =	ssyncset.done @!p0 $0x0  }
0x6a2: {  	[sflag:s0] =	ssyncadd.s32 @!p0 s1  }
0x6a3: {  	[bflag:$0x3] =	sbarrier.arrive $0xFFFF  }
0x6a4: {  	_ =	shalt  }

// kernel: sparse-core-data-format-call.cloned.1.call-start
scs
called_computation_lowered:
.L_overlay_start_0:
0x0: {  	s2 =	sld [smem:$0x3FD9]  }
0x1: {  	s3 =	sld [smem:$0x3FFE];
	_ =	sdelay $0x1  }
0x2: {  	s1 =	srdreg.scid  }
0x3: {  	s0 =	sand.u32 $0x1, s1  }
0x4: {  	s18 =	sshll.u32 s0, $0xA;
	s2 =	sadd.s32 s3, s2  }
0x5: {  	s2 =	sadd.s32 s2, s18  }
0x6: {  	[smem:$0x3FC3] =	sst s2  }
0x7: {  	_ = 	snop  }
0x8: {  	s2 =	sld [smem:$0x3FD0];
	(tm) =	ssettm $0x1  }
0x9: {  	s19 =	sld [smem:$0x3FFB];
	_ =	sdelay $0x3  }
0xa: {  	_ =	strace s19  }
0xb: {  	s3 =	sld [smem:$0x3FFC];
	_ =	sdelay $0x3  }
0xc: {  	_ =	strace s3  }
0xd: {  	s3 =	sld [smem:$0x3FFD];
	_ =	sdelay $0x3  }
0xe: {  	_ =	strace s3  }
0xf: {  	_ =	strace $0x8FFFFFFF  }
0x10: {  	s20 =	sld [smem:$0x3FDB];
	_ =	sdelay $0x1  }
0x11: {  	s4 =	simm.s32 $_scs_section_size  }
0x12: {  	s5 =	simm.s32 $_size__tile_overlayer_lowered;
	s6 =	simm.s32 $_tile_overlayer_lowered  }
0x13: {  	s23 =	simm.s32 $0x1BFF;
	s22 =	sshll.u32 s6, $0x1;
	s3 =	sadd.s32 s4, s20  }
0x14: {  	s7 =	simm.s32 $0x0;
	s21 =	sshll.u32 s5, $0x1;
	s5 =	sadd.s32 s22, s3  }
0x15: {  	[timem:s7], [sflag:s23] =	dma.local [hbm:s5], s21  }
0x16: {  	_ =	swait.ge [sflag:s23], s21  }
0x17: {  	s4 =	ssub.s32 $0x0, s21;
	[sflag:s23] =	ssyncset.done $0x0  }
0x18: {  	[sflag:s23] =	ssyncadd.s32 s4;
	_ =	sdelay $0x1  }
0x19: {  	s24 =	simm.s32 $0x1B8B  }
0x1a: {  	_ =	swait.ge [sflag:s24], $0x1  }
0x1b: {  	[sflag:s24] =	ssyncset.done $0x0  }
0x1c: {  	s26 =	simm.s32 $0x1B8E;
	s25 =	sld [smem:$0x3FFE];
	[sflag:s24] =	ssyncadd.s32 $0xFFFFFFFF  }
0x1d: {  	s27 =	simm.s32 $execute0_lowered;
	[smem:$0x3FD2] =	sst s26  }
0x1e: {  	s5 =	sshll.u32 s27, $0x1;
	_ =	strace $0x80000049;
	[dreg:$0x1] =	wrdreg $0xFFFFFFFF  }
0x1f: {  	s28 =	simm.s32 $_size_execute0_lowered;
	s3 =	sadd.s32 s3, s5;
	[dreg:$0x0] =	wrdreg $0x0  }
0x20: {  	s5 =	sshll.u32 s28, $0x1;
	[dreg:$0x2] =	wrdreg s3  }
0x21: {  	[dreg:$0x3] =	wrdreg s5  }
0x22: {  	[dreg:$0x4] =	wrdreg $0xC0  }
0x23: {  	_ =	task [dreg:s7], $0x5FFFF  }
0x24: {  	[dreg:$0x1] =	wrdreg $0xFFFFFFFF  }
0x25: {  	[dreg:$0x0] =	wrdreg $0x60  }
0x26: {  	[dreg:$0x2] =	wrdreg s25  }
0x27: {  	[dreg:$0x3] =	wrdreg s2  }
0x28: {  	[dreg:$0x4] =	wrdreg $0x9  }
0x29: {  	_ =	task.clear_ibuf [dreg:s7], $0x5FFFF;
	_ =	strace $0x90000049  }
0x2a: {  	s29 =	simm.s32 $0x9;
	_ =	strace $0x8000004B  }
0x2b: {  	_ =	swait.ge [sflag:s29], $0x1  }
0x2c: {  	[sflag:s29] =	ssyncadd.s32 $0xFFFFFFFF  }
0x2d: {  	_ =	strace $0x9000004B  }
0x2e: {  	_ =	sfence  }
0x2f: {  	s30 =	sld [smem:$0x0];
	_ =	sdelay $0x2  }
0x30: {  	s31 =	sshll.u32 s1, $0xD;
	s1 =	sshrl.u32 s1, $0x2  }
0x31: {  	s3 =	sand.u32 $0x4000, s31;
	s1 =	sadd.s32 s1, s30  }
0x32: {  	s0 =	sor.u32 s3, s0;
	s1 =	sshll.u32 s1, $0x11  }
0x33: {  	s0 =	sor.u32 s1, s0  }
0x34: {  	s0 =	sadd.s32 $0x8F2B, s0  }
0x35: {  	[sflag:s0] =	ssyncadd.remote.s32 $0x1  }
0x36: {  	_ =	sfence.sel $0xFFFF  }
0x37: {  	[dreg:$0x0] =	wrdreg $0xFFFFFFFF;
	(pc) =	sbr.abs _section_cstart, $3  }
0x38: {  	[dreg:$0x1] =	wrdreg $0xFFFFFFFF  }
0x39: {  	_ =	task.clear_ibuf [dreg:s7], $0x2FFFF;
	_ =	strace $0x9FFFFFFF  }
0x3a: {  	(tm) =	ssettm $0x7FFFFFFF  }
0x3b: {  	_ =	shalt  }
tec
execute0_lowered:
.L_overlay_start_1:
0x0: {  	(tag) =	ssettag $0x1  }
0x1: {  	s0 =	srdreg.scid  }
0x2: {  	s1 =	sshll.u32 s0, $0x4  }
0x3: {  	s6 =	rddreg [dreg:$0x0];
	s0 =	stileid.u32;
	s1 =	sand.u32 $0x10, s1  }
0x4: {  	s3 =	rddreg [dreg:$0x1];
	s1 =	sor.u32 s0, s1  }
0x5: {  	s5 =	simm.s32 $0x1;
	s31 =	simm.s32 $0x2;
	s2 =	sshll.u32 s1, $0x7  }
0x6: {  	s14 =	simm.s32 $0x0;
	s8 =	simm.s32 $0x100000;
	s4 =	ssub.s32 $0x20000, s2  }
0x7: {  	s15 =	simm.s32 $0x0;
	s9 =	simm.s32 $0x0;
	s30 =	sand.u32 $0xF80, s4  }
0x8: {  	s10 =	simm.s32 $0x0;
	s12 =	simm.s32 $0x0;
	p0 =	sne.s32 s30, $0x0  }
.Ltmp0:
0x9: {  	s7 =	sshrl.u32 s4, $0xC;
	s5 =	simm.s32 @!p0 $0x0;
	(pc) =	sbr.rel .LBB1_1-.Ltmp0, $4  }
0xa: {  	s13 =	simm.s32 $0x0;
	s1 =	rddreg [dreg:$0x2];
	s5 =	sadd.s32 s5, s7  }
0xb: {  	_ =	strace $0x8000004A;
	s4 =	simm.s32 $0x1;
	s5 =	smul.u32 $0x3, s5  }
0xc: {  	s6 =	sadd.s32 $0x1600E00, s6;
	s11 =	smov.u32 s2;
	[sflag:s4] =	ssyncpa.u1 $0x0  }
0xd: {  	[sflag:s31] =	ssyncpa.u1 $0x0;
	p0 =	por $0x0, $0x0;
	s7 =	sadd.s32 $0x1, s5  }
.LBB1_4:
0xe: {  	s20 =	sshra.s32 s20, $0x2;
	s29 =	sshll.u32 s9, $0x3  }
0xf: {  	p1 =	sgt.s32 s10, $0x2;
	s22 =	smov.u32 s10;
	s23 =	sshra.s32 s10, $0x1F  }
0x10: {  	s25 =	sshra.s32 s9, $0x1F;
	s19 =	sadd.s32 s20, s19;
	s21 =	sshrl.u32 s29, $0x11  }
0x11: {  	v5 =	vld [tilespmem:s17+$0xFFFFFFD0];
	[tilespmem:s18+$0x2040 ss:$0x81] =	vst.msk $0xffff, v4;
	s22 =	simm.s32 @!p1 $0x2;
	s23 =	sand.u32 s23, s10;
	p1 =	sgt.s32 s9, $0x1FF80  }
0x12: {  	v58 =	vld [tilespmem:s17+$0xFFFFFFE0];
	[tilespmem:s18+$0x2850 ss:$0x81] =	vst.msk $0xffff, v3;
	s25 =	sand.u32 s25, s9;
	s20 =	sand.u32 $0x1FC00, s29;
	s29 =	sand.u32 $0x7, s9  }
0x13: {  	v59 =	vld [tilespmem:s17+$0xFFFFFFF0];
	[tilespmem:s18+$0x3060 ss:$0x81] =	vst.msk $0xffff, v2;
	s24 =	smul.u32 $0xE39, s21;
	s22 =	ssub.s32 s22, s23;
	s23 =	smov.u32 s9  }
0x14: {  	[tilespmem:s18+$0x0 ss:$0x81] =	vst.msk $0xffff, v1;
	v60 =	vld [tilespmem:s17+$0x0];
	s26 =	ssub.s32 $0x3, s22;
	s23 =	simm.s32 @!p1 $0x1FF80;
	s22 =	sadd.s32 $0xFFFFFFFE, s22  }
0x15: {  	v61 =	vld [tilespmem:s17+$0x10];
	[tilespmem:s19+$0x3870 ss:$0x81] =	vst.msk $0xffff, v0;
	s30 =	ssub.s32 s23, s25;
	s23 =	smul.u32 $0x48, s26;
	s24 =	sshrl.u32 s24, $0x12  }
0x16: {  	v62 =	vld [tilespmem:s17+$0x20];
	p1 =	sgt.s32 s22, $0x0;
	s25 =	sand.u32 $0x78, s9;
	s26 =	smul.u32 $0x120000, s10;
	[tilespmem:s19+$0x810 ss:$0x81] =	vst.msk $0xffff, v5  }
0x17: {  	v63 =	vld [tilespmem:s17+$0xFFFFFFC0];
	s31 =	sadd.s32 $0xFFFE0080, s30;
	s24 =	smul.u32 $0x48, s24;
	[tilespmem:s19+$0x1020 ss:$0x81] =	vst.msk $0xffff, v58;
	s18 =	ssub.s32 $0x20000, s30  }
0x18: {  	[tilespmem:s19+$0x1830 ss:$0x81] =	vst.msk $0xffff, v59;
	s17 =	sor.u32 s25, s20;
	p2 =	sgt.s32 s31, $0x7F;
	s23 =	simm.s32 @p1 $0x0  }
0x19: {  	[tilespmem:s19+$0x2040 ss:$0x81] =	vst.msk $0xffff, v60;
	s17 =	sshrl.u32 s17, $0x3;
	s21 =	ssub.s32 s21, s24;
	s18 =	simm.s32 @p2 $0x0  }
0x1a: {  	[tilespmem:s19+$0x2850 ss:$0x81] =	vst.msk $0xffff, v61;
	s28 =	sadd.s32 s3, s26;
	s27 =	sand.u32 $0xFFFF, s21;
	s18 =	smul.u32 s18, s23  }
0x1b: {  	[tilespmem:s19+$0x3060 ss:$0x81] =	vst.msk $0xffff, v62;
	s30 =	sshll.u32 s29, $0x12;
	s17 =	sadd.s32 s17, s28;
	s20 =	sshll.u32 s27, $0xE  }
0x1c: {  	[tilespmem:s19+$0x0 ss:$0x81] =	vst.msk $0xffff, v63;
	s31 =	sor.u32 $0x400, s30;
	s18 =	sand.u32 $0x3FFFFFF8, s18;
	s17 =	sadd.s32 s20, s17  }
0x1d: {  	[hbm4b:s17+s31] =	stream.strided.scatter [tilespmem:s16], [sflag:$0x2], s18, s8, s31, $0x20;
	[tilespmem:$0x10100] =	vst v63  }
.LBB1_5:
0x1e: {  	p1 =	slt.u32 s13, $0x2  }
0x1f: {  	s17 =	smov.u32 s15;
	p2 =	sgt.s32 @!p1 s15, $0x2;
	s16 =	sshra.s32 @!p1 s15, $0x1F  }
0x20: {  	p3 =	sgt.s32 @!p1 s14, $0x1FF80;
	s18 =	sshra.s32 @!p1 s14, $0x1F;
	p2 =	por !p2, p1  }
0x21: {  	s15 =	sand.u32 @!p1 s16, s15;
	p3 =	por !p3, p1;
	s16 =	smov.u32 s14  }
0x22: {  	s14 =	sand.u32 @!p1 s18, s14;
	s17 =	simm.s32 @p2 $0x2;
	s16 =	simm.s32 @p3 $0x1FF80  }
0x23: {  	s15 =	ssub.s32 @!p1 s17, s15;
	s14 =	ssub.s32 @!p1 s16, s14  }
0x24: {  	s16 =	sadd.s32 @!p1 $0xFFFFFFFE, s15;
	s15 =	ssub.s32 @!p1 $0x3, s15;
	s17 =	sadd.s32 @!p1 $0xFFFE0080, s14  }
0x25: {  	p2 =	sgt.s32 @!p1 s16, $0x0;
	s15 =	smul.u32 @!p1 $0x48, s15;
	p3 =	sgt.s32 @!p1 s17, $0x7F  }
0x26: {  	s14 =	ssub.s32 @!p1 $0x20000, s14;
	p2 =	por !p2, p1;
	p3 =	por !p3, p1  }
0x27: {  	s16 =	sadd.s32 $0x1000, s11;
	s15 =	simm.s32 @!p2 $0x0;
	s14 =	simm.s32 @!p3 $0x0  }
0x28: {  	p2 =	sgt.s32 s16, $0x1FFFF;
	s14 =	smul.u32 @!p1 s14, s15;
	s15 =	simm.s32 $0x1  }
0x29: {  	s15 =	simm.s32 @!p2 $0x0  }
0x2a: {  	s19 =	sadd.s32 s15, s12  }
0x2b: {  	s16 =	smov.u32 @p2 s2;
	p2 =	sgt.s32 s19, $0x2  }
0x2c: {  	s19 =	simm.s32 @p2 $0x0;
	p2 =	sne.s32 s13, s7  }
.Ltmp1:
0x2d: {  	p0 =	por !p0, !p0;
	s17 =	simm.s32 @!p1 $0x2;
	(pc) =	sbr.rel @!p2 .LBB1_6-.Ltmp1, $4  }
0x2e: {  	s14 =	sand.u32 @!p1 $0x3FFFFFF8, s14;
	s15 =	smov.u32 s10;
	s10 =	smov.u32 s12  }
0x2f: {  	_ =	swait.ge @!p1 [sflag:s17], s14;
	s18 =	ssub.s32 @!p1 $0x0, s14;
	s14 =	smov.u32 s9  }
0x30: {  	s9 =	smov.u32 s11;
	s11 =	smov.u32 s16;
	[sflag:s17] =	ssyncset.done @!p1 $0x0  }
0x31: {  	s13 =	sadd.s32 $0x1, s13;
	[sflag:s17] =	ssyncadd.s32 @!p1 s18;
	s12 =	smov.u32 s19  }
.LBB1_1:
0x32: {  	p1 =	sge.u32 s13, s5;
	s31 =	sadd.s32 $0xFFFFFFFF, s13  }
0x33: {  	s16 =	sxor.u32 @!p1 $0xFFFFFFFF, s13;
	s17 =	sshll.u32 @!p1 s12, $0x15;
	s18 =	sshll.u32 @!p1 s11, $0x4  }
0x34: {  	s16 =	sshll.u32 @!p1 s16, $0xE;
	s18 =	sand.u32 @!p1 $0x1FFFF0, s18;
	s17 =	sadd.s32 @!p1 s6, s17  }
0x35: {  	s16 =	sand.u32 @!p1 $0x4000, s16;
	s17 =	sadd.s32 @!p1 s18, s17;
	s18 =	simm.s32 @!p1 $0x0  }
0x36: {  	[tilespmem:s16], [sflag:$0x1] =	stream.linear.gather @!p1 [hbm4b:s17+s18], $0x4000, $0x38;
	[tilespmem:$0x10100] =	vst v63  }
0x37: {  	p1 =	sge.u32 s31, s5  }
.Ltmp2:
0x38: {  	_ = 	snop;
	(pc) =	sbr.rel @p1 .LBB1_5-.Ltmp2, $1  }
0x39: {  	_ =	sdelay $0x3  }
0x3a: {  	s16 =	simm.s32 $0x1  }
0x3b: {  	_ =	swait.ge [sflag:s4], $0x4000;
	s16 =	simm.s32 @!p0 $0x0  }
0x3c: {  	[sflag:s4] =	ssyncset.done $0x0;
	s17 =	sshll.u32 s16, $0xE  }
0x3d: {  	[sflag:s4] =	ssyncadd.s32 $0xFFFFC000;
	s17 =	sor.u32 $0x40, s17  }
0x3e: {  	s16 =	smul.u32 $0x10200, s16;
	v0 =	vld [tilespmem:s17+$0x30]  }
0x3f: {  	v1 =	vld [tilespmem:s17+$0xFFFFFFD0]  }
0x40: {  	s16 =	sshrl.u32 s16, $0x2;
	v5 =	vld [tilespmem:s17+$0xFFFFFFE0]  }
0x41: {  	v6 =	vld [tilespmem:s17+$0xFFFFFFF0];
	s19 =	sor.u32 $0x8000, s16  }
0x42: {  	s31 =	sand.u32 $0x1, s13;
	v4 =	vld [tilespmem:s17+$0x0];
	s18 =	sadd.s32 $0x0, s19  }
0x43: {  	v3 =	vld [tilespmem:s17+$0x10];
	s16 =	smul.u32 $0x10200, s31;
	[tilespmem:s18+$0x3870 ss:$0x81] =	vst.msk $0xffff, v0  }
0x44: {  	v2 =	vld [tilespmem:s17+$0x20];
	[tilespmem:s18+$0x810 ss:$0x81] =	vst.msk $0xffff, v1  }
0x45: {  	s16 =	sshrl.u32 s16, $0x2;
	v1 =	vld [tilespmem:s17+$0xFFFFFFC0];
	[tilespmem:s18+$0x1020 ss:$0x81] =	vst.msk $0xffff, v5;
	s17 =	sadd.s32 $0x80, s17  }
0x46: {  	s20 =	simm.s32 $0x4;
	s21 =	simm.s32 $0x8;
	s16 =	sor.u32 $0x8000, s16;
	[tilespmem:s18+$0x1830 ss:$0x81] =	vst.msk $0xffff, v6;
	v0 =	vld [tilespmem:s17+$0x30]  }
.LBB1_3:
0x47: {  	p1 =	sne.s32 s21, $0x1FC;
	v5 =	vld [tilespmem:s17+$0xFFFFFFD0];
	[tilespmem:s18+$0x2040 ss:$0x81] =	vst.msk $0xffff, v4  }
0x48: {  	v6 =	vld [tilespmem:s17+$0xFFFFFFE0];
	[tilespmem:s18+$0x2850 ss:$0x81] =	vst.msk $0xffff, v3  }
0x49: {  	s22 =	sshra.s32 s20, $0x2;
	s20 =	smov.u32 s21;
	v7 =	vld [tilespmem:s17+$0xFFFFFFF0];
	[tilespmem:s18+$0x3060 ss:$0x81] =	vst.msk $0xffff, v2  }
.Ltmp3:
0x4a: {  	v4 =	vld [tilespmem:s17+$0x0];
	[tilespmem:s18+$0x0 ss:$0x81] =	vst.msk $0xffff, v1;
	s18 =	sadd.s32 s22, s19;
	(pc) =	sbr.rel @p1 .LBB1_3-.Ltmp3, $4  }
0x4b: {  	v3 =	vld [tilespmem:s17+$0x10];
	[tilespmem:s18+$0x3870 ss:$0x81] =	vst.msk $0xffff, v0  }
0x4c: {  	[tilespmem:s18+$0x810 ss:$0x81] =	vst.msk $0xffff, v5;
	v2 =	vld [tilespmem:s17+$0x20]  }
0x4d: {  	v1 =	vld [tilespmem:s17+$0xFFFFFFC0];
	[tilespmem:s18+$0x1020 ss:$0x81] =	vst.msk $0xffff, v6;
	s17 =	sadd.s32 $0x80, s17  }
0x4e: {  	s21 =	sadd.s32 $0x4, s21;
	v0 =	vld [tilespmem:s17+$0x30];
	[tilespmem:s18+$0x1830 ss:$0x81] =	vst.msk $0xffff, v7  }
.Ltmp4:
0x4f: {  	_ = 	snop;
	(pc) =	sbr.rel .LBB1_4-.Ltmp4, $1  }
0x50: {  	_ =	sdelay $0x3  }
.LBB1_6:
0x51: {  	_ =	sfence.sel $0x180000  }
0x52: {  	s2 =	simm.s32 $0x1;
	[bflag:$0x0] =	sbarrier.arrive $0xFFFF  }
0x53: {  	s31 =	simm.s32 $0x2;
	[sflag:s2] =	ssyncpa.u1 $0x1  }
0x54: {  	[sflag:s31] =	ssyncpa.u1 $0x1  }
0x55: {  	p0 =	sne.s32 s0, $0x0;
	_ =	strace $0x9000004A  }
0x56: {  	s0 =	sadd.s32 @!p0 $0x100000, s1;
	[bflag:$0x2] =	sbarrier.arrive $0xFFFF  }
0x57: {  	[sflag:s0] =	ssyncadd.tile.s32 @!p0 $0x1;
	_ =	shalt  }
.Lfunc_end1:
_tile_overlayer_lowered:
.L_overlay_start_2:
0x58: {  	(tag) =	ssettag $0x2  }
0x59: {  	s0 =	rddreg [dreg:$0x0];
	s2 =	stileid.u32  }
0x5a: {  	s1 =	rddreg [dreg:$0x1];
	p0 =	sne.s32 s2, $0x0  }
0x5b: {  	s3 =	rddreg [dreg:$0x2];
	[bflag:$0x3] =	sbarrier.arrive $0xFFFF;
	s2 =	simm.s32 @!p0 $0x1C01  }
0x5c: {  	[timem:s3], [sflag:s2] =	dma.local @!p0 [hbm:s0], s1  }
0x5d: {  	s0 =	simm.s32 @!p0 $0x1  }
0x5e: {  	_ =	swait.ge @!p0 [sflag:s0], s1  }
0x5f: {  	s1 =	ssub.s32 @!p0 $0x0, s1;
	[sflag:s0] =	ssyncset.done @!p0 $0x0  }
0x60: {  	[sflag:s0] =	ssyncadd.s32 @!p0 s1  }
0x61: {  	[bflag:$0x3] =	sbarrier.arrive $0xFFFF  }
0x62: {  	_ =	shalt  }

</sc_bundles>
